<compile_context>
chip_gen: v7x
topology: tpu7x:2x2x1
jax: 0.10.2.dev20260603
libtpu: 0.0.44.dev20260713+nightly
codegen_flags: <defaults>
</compile_context>

<pallas_src>
import functools

import jax
import jax.numpy as jnp
from jax import lax
from jax.experimental import pallas as pl
from jax.experimental.pallas import tpu as pltpu
from jax.experimental.pallas import tpu_sc as plsc

N = 10000
E = 320000
D = 128
R = 8

NUM_TILES = 32
EPT = E // NUM_TILES
C = 80
NCH = EPT // C
BATCH = 16
NB = 8
LAST_BATCH = NCH - (NB - 1) * BATCH
NRING = 2
PACK = 16384
STRIPE = 640
LAST_STRIPE = N - 15 * STRIPE

BN = 400
GRID = N // BN


def _tc_tables(x_parts, w, wl, b, *, fuse_relu_add):

    def body(x_ref, w_ref, wl_ref, b_ref, t_ref, s_ref):
        if fuse_relu_add:
            x = jnp.maximum(x_ref[0] + x_ref[1], 0.0)
        else:
            x = x_ref[...]
        for r in range(R):
            t_ref[r] = jnp.dot(x, w_ref[r], preferred_element_type=jnp.float32)
        s_ref[...] = (jnp.dot(x, wl_ref[...],
                              preferred_element_type=jnp.float32)
                      + b_ref[...])

    if fuse_relu_add:
        x_spec = pl.BlockSpec((2, BN, D), lambda i: (0, i, 0))
    else:
        x_spec = pl.BlockSpec((BN, D), lambda i: (i, 0))
    return pl.pallas_call(
        body,
        grid=(GRID,),
        in_specs=[
            x_spec,
            pl.BlockSpec((R, D, D), lambda i: (0, 0, 0)),
            pl.BlockSpec((D, D), lambda i: (0, 0)),
            pl.BlockSpec((1, D), lambda i: (0, 0)),
        ],
        out_specs=[
            pl.BlockSpec((R, BN, D), lambda i: (0, i, 0)),
            pl.BlockSpec((BN, D), lambda i: (i, 0)),
        ],
        out_shape=[
            jax.ShapeDtypeStruct((R, N, D), jnp.float32),
            jax.ShapeDtypeStruct((N, D), jnp.float32),
        ],
    )(x_parts, w, wl, b)


def _tc_sum2(parts):

    def body(p_ref, o_ref):
        o_ref[...] = p_ref[0] + p_ref[1]

    return pl.pallas_call(
        body,
        grid=(GRID,),
        in_specs=[pl.BlockSpec((2, BN, D), lambda i: (0, i, 0))],
        out_specs=pl.BlockSpec((BN, D), lambda i: (i, 0)),
        out_shape=jax.ShapeDtypeStruct((N, D), jnp.float32),
    )(parts)


_SC_MESH = plsc.VectorSubcoreMesh(core_axis_name="c", subcore_axis_name="s")


@functools.partial(
    pl.kernel,
    out_type=jax.ShapeDtypeStruct((2, N, D), jnp.float32),
    mesh=_SC_MESH,
    scratch_types=[
        pltpu.VMEM((NRING * BATCH, C), jnp.int32),
        pltpu.VMEM((NRING * BATCH, C), jnp.int32),
        pltpu.VMEM((C, D), jnp.float32),
        pltpu.VMEM((C, D), jnp.float32),
        pltpu.VMEM((C, D), jnp.float32),
        pltpu.VMEM((C, D), jnp.float32),
        pltpu.VMEM_SHARED((N, D), jnp.float32),
        pltpu.SemaphoreType.DMA,
        pltpu.SemaphoreType.DMA,
        pltpu.SemaphoreType.DMA,
        pltpu.SemaphoreType.DMA,
        pltpu.SemaphoreType.DMA,
        pltpu.SemaphoreType.DMA,
        pltpu.SemaphoreType.DMA,
        pltpu.SemaphoreType.DMA,
        pltpu.SemaphoreType.DMA,
    ],
)
def _sc_aggregate(comb_hbm, dst_hbm, table_hbm, init_hbm, zeros_hbm,
                  out_hbm, fring, dring, rows0, rows1, rows2, rows3,
                  acc, semd, sg0, sg1, sg2, sg3, ss0, ss1, ss2, ss3):
    cid = lax.axis_index("c")
    sid = lax.axis_index("s")
    wid = cid * 16 + sid

    row0 = sid * STRIPE

    def seed(src_hbm_ref):
        @pl.when(sid < 15)
        def _():
            pltpu.sync_copy(src_hbm_ref.at[pl.ds(row0, STRIPE)],
                            acc.at[pl.ds(row0, STRIPE)])

        @pl.when(sid == 15)
        def _():
            pltpu.sync_copy(src_hbm_ref.at[pl.ds(15 * STRIPE, LAST_STRIPE)],
                            acc.at[pl.ds(15 * STRIPE, LAST_STRIPE)])

    def do_seed():
        @pl.when(cid == 0)
        def _():
            seed(init_hbm)

        @pl.when(cid != 0)
        def _():
            seed(zeros_hbm)

    rows_bufs = (rows0, rows1, rows2, rows3)
    sg = (sg0, sg1, sg2, sg3)
    ss = (ss0, ss1, ss2, ss3)
    DEPTH = 4

    def issue_batch(b, rows_n=BATCH):
        t = (b % NRING) * BATCH
        pltpu.async_copy(comb_hbm.at[wid, pl.ds(b * BATCH, rows_n)],
                         fring.at[pl.ds(t, rows_n)], semd)
        pltpu.async_copy(dst_hbm.at[wid, pl.ds(b * BATCH, rows_n)],
                         dring.at[pl.ds(t, rows_n)], semd)

    def drain_batch(b, rows_n=BATCH):
        t = (b % NRING) * BATCH
        pltpu.make_async_copy(comb_hbm.at[wid, pl.ds(b * BATCH, rows_n)],
                              fring.at[pl.ds(t, rows_n)], semd).wait()
        pltpu.make_async_copy(dst_hbm.at[wid, pl.ds(b * BATCH, rows_n)],
                              dring.at[pl.ds(t, rows_n)], semd).wait()

    def unpack_batch(t, count=BATCH):
        def flat_body(r, c2):
            for c in range(C // 16):
                sl = pl.ds(c * 16, 16)
                v = fring[t + r, sl]
                fring[t + r, sl] = (
                    lax.shift_right_logical(v, 14) * N
                    + lax.bitwise_and(v, PACK - 1))
            return c2

        lax.fori_loop(0, count, flat_body, 0)

    def pipe_chunks(t, count):
        dg = [None] * DEPTH
        ds = [None] * DEPTH
        for j in range(min(DEPTH, count)):
            dg[j] = pltpu.async_copy(table_hbm.at[fring.at[t + j]],
                                     rows_bufs[j], sg[j])
        for j in range(count):
            p = j % DEPTH
            dg[p].wait()
            ds[p] = pltpu.async_copy(rows_bufs[p], acc.at[dring.at[t + j]],
                                     ss[p], add=True)
            if j + DEPTH < count:
                ds[p].wait()
                dg[p] = pltpu.async_copy(table_hbm.at[fring.at[t + j + DEPTH]],
                                         rows_bufs[p], sg[p])
        for j in range(max(0, count - DEPTH), count):
            ds[j % DEPTH].wait()

    issue_batch(0)
    do_seed()
    plsc.subcore_barrier()

    def super_body(k, carry):
        t = (k % NRING) * BATCH
        drain_batch(k)
        unpack_batch(t)

        @pl.when(k < NB - 2)
        def _():
            issue_batch(k + 1)

        @pl.when(k == NB - 2)
        def _():
            issue_batch(NB - 1, LAST_BATCH)

        pipe_chunks(t, BATCH)
        return carry

    lax.fori_loop(0, NB - 1, super_body, 0)

    t_last = ((NB - 1) % NRING) * BATCH
    drain_batch(NB - 1, LAST_BATCH)
    unpack_batch(t_last, LAST_BATCH)
    pipe_chunks(t_last, LAST_BATCH)

    plsc.subcore_barrier()

    @pl.when(sid < 15)
    def _():
        pltpu.sync_copy(acc.at[pl.ds(row0, STRIPE)],
                        out_hbm.at[cid, pl.ds(row0, STRIPE)])

    @pl.when(sid == 15)
    def _():
        pltpu.sync_copy(acc.at[pl.ds(15 * STRIPE, LAST_STRIPE)],
                        out_hbm.at[cid, pl.ds(15 * STRIPE, LAST_STRIPE)])


def kernel(feat, edge_index, etypes, W1, Wl1, b1, W2, Wl2, b2):
    src = edge_index[0:1].reshape(E)
    comb = (etypes * PACK + src).reshape(NUM_TILES, NCH, C)
    dst = edge_index[1:2].reshape(NUM_TILES, NCH, C)
    zeros = jnp.zeros((N, D), jnp.float32)

    table1, self1 = _tc_tables(feat, W1, Wl1, b1.reshape(1, D),
                               fuse_relu_add=False)
    p1 = _sc_aggregate(comb, dst, table1.reshape(R * N, D), self1, zeros)
    table2, self2 = _tc_tables(p1, W2, Wl2, b2.reshape(1, D),
                               fuse_relu_add=True)
    p2 = _sc_aggregate(comb, dst, table2.reshape(R * N, D), self2, zeros)
    return _tc_sum2(p2)

# --- scband reference (transcript-rebuilt; emitter-appended) ---
"""Pipeline reference for scband-rgcn-62251255989021 (READ-ONLY COPY).

The authoritative reference and input builder live on the scoring server;
editing this copy changes nothing except your own understanding.
"""

import jax, jax.numpy as jnp
import numpy as np

N = 10000
E = 320000
D_IN = 128
D_HID = 128
D_OUT = 128
R = 8


def setup_inputs(seed: int = 0) -> dict:
    key = jax.random.key(seed)
    ks = jax.random.split(key, 10)
    feat = jax.random.normal(ks[0], (N, D_IN), dtype=jnp.float32)
    edge_index = jax.random.randint(ks[1], (2, E), 0, N, dtype=jnp.int32)
    etypes = jax.random.randint(ks[2], (E,), 0, R, dtype=jnp.int32)
    W1 = jax.random.normal(ks[3], (R, D_IN, D_HID), dtype=jnp.float32) * 0.05
    Wl1 = jax.random.normal(ks[4], (D_IN, D_HID), dtype=jnp.float32) * 0.05
    b1 = jnp.zeros((D_HID,), dtype=jnp.float32)
    W2 = jax.random.normal(ks[5], (R, D_HID, D_OUT), dtype=jnp.float32) * 0.05
    Wl2 = jax.random.normal(ks[6], (D_HID, D_OUT), dtype=jnp.float32) * 0.05
    b2 = jnp.zeros((D_OUT,), dtype=jnp.float32)
    return {"feat": feat, "edge_index": edge_index, "etypes": etypes,
            "W1": W1, "Wl1": Wl1, "b1": b1, "W2": W2, "Wl2": Wl2, "b2": b2}


def _rel_graph_conv(feat, edge_index, etypes, W, Wl, b):
    # DGL RelGraphConv with 'sum' aggregation, self_loop=True, bias=True
    src = edge_index[0]
    dst = edge_index[1]
    # transform node features under every relation, then gather per-edge
    h_all = jnp.einsum('nd,rdo->rno', feat, W)  # [R, N, D_out]
    m = h_all[etypes, src]                      # [E, D_out] per-edge messages
    agg = jax.ops.segment_sum(m, dst, num_segments=feat.shape[0])
    return agg + feat @ Wl + b


def reference(feat, edge_index, etypes, W1, Wl1, b1, W2, Wl2, b2):
    x = _rel_graph_conv(feat, edge_index, etypes, W1, Wl1, b1)
    x = jax.nn.relu(x)
    x = _rel_graph_conv(x, edge_index, etypes, W2, Wl2, b2)
    return x

if __name__ == "__main__":
    import jax
    _d = setup_inputs()
    print(jax.jit(kernel)(*tuple(_d.values())))

</pallas_src>

<mosaic_0001>
#map = affine_map<(d0, d1) -> (0, 0, 0)>
#map1 = affine_map<(d0, d1) -> (0, 0)>
module attributes {stable_mosaic.version = 14 : i64} {
  func.func @_sc_aggregate(%arg0: i32, %arg1: i32, %arg2: memref<32x125x80xi32, #tpu.memory_space<hbm>>, %arg3: memref<32x125x80xi32, #tpu.memory_space<hbm>>, %arg4: memref<80000x128xf32, #tpu.memory_space<hbm>>, %arg5: memref<10000x128xf32, #tpu.memory_space<hbm>>, %arg6: memref<10000x128xf32, #tpu.memory_space<hbm>>, %arg7: memref<2x10000x128xf32, #tpu.memory_space<hbm>>, %arg8: memref<32x80xi32, #tpu.memory_space<vmem>>, %arg9: memref<32x80xi32, #tpu.memory_space<vmem>>, %arg10: memref<80x128xf32, #tpu.memory_space<vmem>>, %arg11: memref<80x128xf32, #tpu.memory_space<vmem>>, %arg12: memref<80x128xf32, #tpu.memory_space<vmem>>, %arg13: memref<80x128xf32, #tpu.memory_space<vmem>>, %arg14: memref<10000x128xf32, #tpu.memory_space<vmem_shared>>, %arg15: memref<!tpu.dma_semaphore, #tpu.memory_space<semaphore_mem>>, %arg16: memref<!tpu.dma_semaphore, #tpu.memory_space<semaphore_mem>>, %arg17: memref<!tpu.dma_semaphore, #tpu.memory_space<semaphore_mem>>, %arg18: memref<!tpu.dma_semaphore, #tpu.memory_space<semaphore_mem>>, %arg19: memref<!tpu.dma_semaphore, #tpu.memory_space<semaphore_mem>>, %arg20: memref<!tpu.dma_semaphore, #tpu.memory_space<semaphore_mem>>, %arg21: memref<!tpu.dma_semaphore, #tpu.memory_space<semaphore_mem>>, %arg22: memref<!tpu.dma_semaphore, #tpu.memory_space<semaphore_mem>>, %arg23: memref<!tpu.dma_semaphore, #tpu.memory_space<semaphore_mem>>) attributes {dimension_semantics = [#tpu.dimension_semantics<core_parallel>, #tpu.dimension_semantics<subcore_parallel>], iteration_bounds = array<i64: 2, 16>, scalar_prefetch = 0 : i64, scratch_operands = 16 : i64, tpu.core_type = #tpu.core_type<sc_vector_subcore>, window_params = [{transform_indices = #map}, {transform_indices = #map}, {transform_indices = #map1}, {transform_indices = #map1}, {transform_indices = #map1}, {transform_indices = #map}]} {
    %mul3A = arith.constant 16 : i32
    %mul3A_0 = arith.muli %arg0, %mul3A : i32
    %add3A = arith.addi %mul3A_0, %arg1 : i32
    %mul3A_1 = arith.constant 640 : i32
    %mul3A_2 = arith.muli %arg1, %mul3A_1 : i32
    %dma_start3A = arith.constant 0 : i32
    %dma_start3A_3 = arith.constant 0 : i32
    %dma_start3A_4 = tpu.memref_slice %arg8[%dma_start3A, %dma_start3A_3] : memref<32x80xi32, #tpu.memory_space<vmem>> -> memref<16x80xi32, #tpu.memory_space<vmem>>
    %dma_start3A_5 = arith.constant 0 : i32
    %dma_start3A_6 = arith.constant 0 : i32
    %dma_start3A_7 = tpu.memref_slice %arg2[%add3A, %dma_start3A_5, %dma_start3A_6] : memref<32x125x80xi32, #tpu.memory_space<hbm>> -> memref<1x16x80xi32, #tpu.memory_space<hbm>>
    %dma_start3A_8 = tpu.memref_squeeze %dma_start3A_7 : memref<1x16x80xi32, #tpu.memory_space<hbm>> -> memref<16x80xi32, #tpu.memory_space<hbm>>
    %dma_start3A_9 = arith.constant 0 : i32
    %dma_start3A_10 = arith.constant 0 : i32
    %dma_start3A_11 = tpu.memref_slice %arg8[%dma_start3A_9, %dma_start3A_10] : memref<32x80xi32, #tpu.memory_space<vmem>> -> memref<16x80xi32, #tpu.memory_space<vmem>>
    %dma_start3A_12 = arith.constant 0 : i32
    %dma_start3A_13 = arith.constant 0 : i32
    %dma_start3A_14 = tpu.memref_slice %arg2[%add3A, %dma_start3A_12, %dma_start3A_13] : memref<32x125x80xi32, #tpu.memory_space<hbm>> -> memref<1x16x80xi32, #tpu.memory_space<hbm>>
    %dma_start3A_15 = tpu.memref_squeeze %dma_start3A_14 : memref<1x16x80xi32, #tpu.memory_space<hbm>> -> memref<16x80xi32, #tpu.memory_space<hbm>>
    tpu.enqueue_dma source(%dma_start3A_15 : memref<16x80xi32, #tpu.memory_space<hbm>>) target(%dma_start3A_11 : memref<16x80xi32, #tpu.memory_space<vmem>>) target_semaphore(%arg15 : memref<!tpu.dma_semaphore, #tpu.memory_space<semaphore_mem>>)
    %dma_start3A_16 = arith.constant 0 : i32
    %dma_start3A_17 = arith.constant 0 : i32
    %dma_start3A_18 = tpu.memref_slice %arg9[%dma_start3A_16, %dma_start3A_17] : memref<32x80xi32, #tpu.memory_space<vmem>> -> memref<16x80xi32, #tpu.memory_space<vmem>>
    %dma_start3A_19 = arith.constant 0 : i32
    %dma_start3A_20 = arith.constant 0 : i32
    %dma_start3A_21 = tpu.memref_slice %arg3[%add3A, %dma_start3A_19, %dma_start3A_20] : memref<32x125x80xi32, #tpu.memory_space<hbm>> -> memref<1x16x80xi32, #tpu.memory_space<hbm>>
    %dma_start3A_22 = tpu.memref_squeeze %dma_start3A_21 : memref<1x16x80xi32, #tpu.memory_space<hbm>> -> memref<16x80xi32, #tpu.memory_space<hbm>>
    %dma_start3A_23 = arith.constant 0 : i32
    %dma_start3A_24 = arith.constant 0 : i32
    %dma_start3A_25 = tpu.memref_slice %arg9[%dma_start3A_23, %dma_start3A_24] : memref<32x80xi32, #tpu.memory_space<vmem>> -> memref<16x80xi32, #tpu.memory_space<vmem>>
    %dma_start3A_26 = arith.constant 0 : i32
    %dma_start3A_27 = arith.constant 0 : i32
    %dma_start3A_28 = tpu.memref_slice %arg3[%add3A, %dma_start3A_26, %dma_start3A_27] : memref<32x125x80xi32, #tpu.memory_space<hbm>> -> memref<1x16x80xi32, #tpu.memory_space<hbm>>
    %dma_start3A_29 = tpu.memref_squeeze %dma_start3A_28 : memref<1x16x80xi32, #tpu.memory_space<hbm>> -> memref<16x80xi32, #tpu.memory_space<hbm>>
    tpu.enqueue_dma source(%dma_start3A_29 : memref<16x80xi32, #tpu.memory_space<hbm>>) target(%dma_start3A_25 : memref<16x80xi32, #tpu.memory_space<vmem>>) target_semaphore(%arg15 : memref<!tpu.dma_semaphore, #tpu.memory_space<semaphore_mem>>)
    %eq3A = arith.constant 0 : i32
    %eq3A_30 = arith.cmpi eq, %arg0, %eq3A : i32
    %convert_element_type3A = arith.extui %eq3A_30 : i1 to i32
    %cond3A = arith.constant 0 : i32
    %cond3A_31 = arith.cmpi ne, %convert_element_type3A, %cond3A : i32
    scf.if %cond3A_31 {
      %lt3A_448 = arith.constant 15 : i32
      %lt3A_449 = arith.cmpi slt, %arg1, %lt3A_448 : i32
      %convert_element_type3A_450 = arith.extui %lt3A_449 : i1 to i32
      %cond3A_451 = arith.constant 0 : i32
      %cond3A_452 = arith.cmpi ne, %convert_element_type3A_450, %cond3A_451 : i32
      scf.if %cond3A_452 {
        "tpu.region"() ({
          %run_scoped3A = tpu.sem_alloc : memref<!tpu.dma_semaphore, #tpu.memory_space<semaphore_mem>>
          %dma_start3A_458 = arith.constant 0 : i32
          %dma_start3A_459 = tpu.memref_slice %arg14[%mul3A_2, %dma_start3A_458] : memref<10000x128xf32, #tpu.memory_space<vmem_shared>> -> memref<640x128xf32, #tpu.memory_space<vmem_shared>>
          %dma_start3A_460 = arith.constant 0 : i32
          %dma_start3A_461 = tpu.memref_slice %arg5[%mul3A_2, %dma_start3A_460] : memref<10000x128xf32, #tpu.memory_space<hbm>> -> memref<640x128xf32, #tpu.memory_space<hbm>>
          tpu.enqueue_dma source(%dma_start3A_461 : memref<640x128xf32, #tpu.memory_space<hbm>>) target(%dma_start3A_459 : memref<640x128xf32, #tpu.memory_space<vmem_shared>>) target_semaphore(%run_scoped3A : memref<!tpu.dma_semaphore, #tpu.memory_space<semaphore_mem>>)
          %dma_wait3A_462 = arith.constant 0 : i32
          %dma_wait3A_463 = tpu.memref_slice %arg14[%mul3A_2, %dma_wait3A_462] : memref<10000x128xf32, #tpu.memory_space<vmem_shared>> -> memref<640x128xf32, #tpu.memory_space<vmem_shared>>
          %dma_wait3A_464 = arith.constant 0 : i32
          %dma_wait3A_465 = tpu.memref_slice %arg5[%mul3A_2, %dma_wait3A_464] : memref<10000x128xf32, #tpu.memory_space<hbm>> -> memref<640x128xf32, #tpu.memory_space<hbm>>
          tpu.wait_dma2 semaphore(%run_scoped3A : memref<!tpu.dma_semaphore, #tpu.memory_space<semaphore_mem>>) src(%dma_wait3A_465 : memref<640x128xf32, #tpu.memory_space<hbm>>) dst(%dma_wait3A_463 : memref<640x128xf32, #tpu.memory_space<vmem_shared>>)
          tpu.yield
        }) : () -> ()
      } else {
      }
      %eq3A_453 = arith.constant 15 : i32
      %eq3A_454 = arith.cmpi eq, %arg1, %eq3A_453 : i32
      %convert_element_type3A_455 = arith.extui %eq3A_454 : i1 to i32
      %cond3A_456 = arith.constant 0 : i32
      %cond3A_457 = arith.cmpi ne, %convert_element_type3A_455, %cond3A_456 : i32
      scf.if %cond3A_457 {
        "tpu.region"() ({
          %run_scoped3A = tpu.sem_alloc : memref<!tpu.dma_semaphore, #tpu.memory_space<semaphore_mem>>
          %dma_start3A_458 = arith.constant 9600 : i32
          %dma_start3A_459 = arith.constant 0 : i32
          %dma_start3A_460 = tpu.memref_slice %arg14[%dma_start3A_458, %dma_start3A_459] : memref<10000x128xf32, #tpu.memory_space<vmem_shared>> -> memref<400x128xf32, #tpu.memory_space<vmem_shared>>
          %dma_start3A_461 = arith.constant 9600 : i32
          %dma_start3A_462 = arith.constant 0 : i32
          %dma_start3A_463 = tpu.memref_slice %arg5[%dma_start3A_461, %dma_start3A_462] : memref<10000x128xf32, #tpu.memory_space<hbm>> -> memref<400x128xf32, #tpu.memory_space<hbm>>
          tpu.enqueue_dma source(%dma_start3A_463 : memref<400x128xf32, #tpu.memory_space<hbm>>) target(%dma_start3A_460 : memref<400x128xf32, #tpu.memory_space<vmem_shared>>) target_semaphore(%run_scoped3A : memref<!tpu.dma_semaphore, #tpu.memory_space<semaphore_mem>>)
          %dma_wait3A_464 = arith.constant 9600 : i32
          %dma_wait3A_465 = arith.constant 0 : i32
          %dma_wait3A_466 = tpu.memref_slice %arg14[%dma_wait3A_464, %dma_wait3A_465] : memref<10000x128xf32, #tpu.memory_space<vmem_shared>> -> memref<400x128xf32, #tpu.memory_space<vmem_shared>>
          %dma_wait3A_467 = arith.constant 9600 : i32
          %dma_wait3A_468 = arith.constant 0 : i32
          %dma_wait3A_469 = tpu.memref_slice %arg5[%dma_wait3A_467, %dma_wait3A_468] : memref<10000x128xf32, #tpu.memory_space<hbm>> -> memref<400x128xf32, #tpu.memory_space<hbm>>
          tpu.wait_dma2 semaphore(%run_scoped3A : memref<!tpu.dma_semaphore, #tpu.memory_space<semaphore_mem>>) src(%dma_wait3A_469 : memref<400x128xf32, #tpu.memory_space<hbm>>) dst(%dma_wait3A_466 : memref<400x128xf32, #tpu.memory_space<vmem_shared>>)
          tpu.yield
        }) : () -> ()
      } else {
      }
    } else {
    }
    %ne3A = arith.constant 0 : i32
    %ne3A_32 = arith.cmpi ne, %arg0, %ne3A : i32
    %convert_element_type3A_33 = arith.extui %ne3A_32 : i1 to i32
    %cond3A_34 = arith.constant 0 : i32
    %cond3A_35 = arith.cmpi ne, %convert_element_type3A_33, %cond3A_34 : i32
    scf.if %cond3A_35 {
      %lt3A_448 = arith.constant 15 : i32
      %lt3A_449 = arith.cmpi slt, %arg1, %lt3A_448 : i32
      %convert_element_type3A_450 = arith.extui %lt3A_449 : i1 to i32
      %cond3A_451 = arith.constant 0 : i32
      %cond3A_452 = arith.cmpi ne, %convert_element_type3A_450, %cond3A_451 : i32
      scf.if %cond3A_452 {
        "tpu.region"() ({
          %run_scoped3A = tpu.sem_alloc : memref<!tpu.dma_semaphore, #tpu.memory_space<semaphore_mem>>
          %dma_start3A_458 = arith.constant 0 : i32
          %dma_start3A_459 = tpu.memref_slice %arg14[%mul3A_2, %dma_start3A_458] : memref<10000x128xf32, #tpu.memory_space<vmem_shared>> -> memref<640x128xf32, #tpu.memory_space<vmem_shared>>
          %dma_start3A_460 = arith.constant 0 : i32
          %dma_start3A_461 = tpu.memref_slice %arg6[%mul3A_2, %dma_start3A_460] : memref<10000x128xf32, #tpu.memory_space<hbm>> -> memref<640x128xf32, #tpu.memory_space<hbm>>
          tpu.enqueue_dma source(%dma_start3A_461 : memref<640x128xf32, #tpu.memory_space<hbm>>) target(%dma_start3A_459 : memref<640x128xf32, #tpu.memory_space<vmem_shared>>) target_semaphore(%run_scoped3A : memref<!tpu.dma_semaphore, #tpu.memory_space<semaphore_mem>>)
          %dma_wait3A_462 = arith.constant 0 : i32
          %dma_wait3A_463 = tpu.memref_slice %arg14[%mul3A_2, %dma_wait3A_462] : memref<10000x128xf32, #tpu.memory_space<vmem_shared>> -> memref<640x128xf32, #tpu.memory_space<vmem_shared>>
          %dma_wait3A_464 = arith.constant 0 : i32
          %dma_wait3A_465 = tpu.memref_slice %arg6[%mul3A_2, %dma_wait3A_464] : memref<10000x128xf32, #tpu.memory_space<hbm>> -> memref<640x128xf32, #tpu.memory_space<hbm>>
          tpu.wait_dma2 semaphore(%run_scoped3A : memref<!tpu.dma_semaphore, #tpu.memory_space<semaphore_mem>>) src(%dma_wait3A_465 : memref<640x128xf32, #tpu.memory_space<hbm>>) dst(%dma_wait3A_463 : memref<640x128xf32, #tpu.memory_space<vmem_shared>>)
          tpu.yield
        }) : () -> ()
      } else {
      }
      %eq3A_453 = arith.constant 15 : i32
      %eq3A_454 = arith.cmpi eq, %arg1, %eq3A_453 : i32
      %convert_element_type3A_455 = arith.extui %eq3A_454 : i1 to i32
      %cond3A_456 = arith.constant 0 : i32
      %cond3A_457 = arith.cmpi ne, %convert_element_type3A_455, %cond3A_456 : i32
      scf.if %cond3A_457 {
        "tpu.region"() ({
          %run_scoped3A = tpu.sem_alloc : memref<!tpu.dma_semaphore, #tpu.memory_space<semaphore_mem>>
          %dma_start3A_458 = arith.constant 9600 : i32
          %dma_start3A_459 = arith.constant 0 : i32
          %dma_start3A_460 = tpu.memref_slice %arg14[%dma_start3A_458, %dma_start3A_459] : memref<10000x128xf32, #tpu.memory_space<vmem_shared>> -> memref<400x128xf32, #tpu.memory_space<vmem_shared>>
          %dma_start3A_461 = arith.constant 9600 : i32
          %dma_start3A_462 = arith.constant 0 : i32
          %dma_start3A_463 = tpu.memref_slice %arg6[%dma_start3A_461, %dma_start3A_462] : memref<10000x128xf32, #tpu.memory_space<hbm>> -> memref<400x128xf32, #tpu.memory_space<hbm>>
          tpu.enqueue_dma source(%dma_start3A_463 : memref<400x128xf32, #tpu.memory_space<hbm>>) target(%dma_start3A_460 : memref<400x128xf32, #tpu.memory_space<vmem_shared>>) target_semaphore(%run_scoped3A : memref<!tpu.dma_semaphore, #tpu.memory_space<semaphore_mem>>)
          %dma_wait3A_464 = arith.constant 9600 : i32
          %dma_wait3A_465 = arith.constant 0 : i32
          %dma_wait3A_466 = tpu.memref_slice %arg14[%dma_wait3A_464, %dma_wait3A_465] : memref<10000x128xf32, #tpu.memory_space<vmem_shared>> -> memref<400x128xf32, #tpu.memory_space<vmem_shared>>
          %dma_wait3A_467 = arith.constant 9600 : i32
          %dma_wait3A_468 = arith.constant 0 : i32
          %dma_wait3A_469 = tpu.memref_slice %arg6[%dma_wait3A_467, %dma_wait3A_468] : memref<10000x128xf32, #tpu.memory_space<hbm>> -> memref<400x128xf32, #tpu.memory_space<hbm>>
          tpu.wait_dma2 semaphore(%run_scoped3A : memref<!tpu.dma_semaphore, #tpu.memory_space<semaphore_mem>>) src(%dma_wait3A_469 : memref<400x128xf32, #tpu.memory_space<hbm>>) dst(%dma_wait3A_466 : memref<400x128xf32, #tpu.memory_space<vmem_shared>>)
          tpu.yield
        }) : () -> ()
      } else {
      }
    } else {
    }
    %barrier3A = arith.constant 0 : index
    tpu.barrier barrier_id(%barrier3A)
    %scan3A = arith.constant 0 : i32
    %scan3A_36 = arith.constant 0 : i32
    %scan3A_37 = arith.constant 7 : i32
    %scan3A_38 = arith.addi %scan3A_36, %scan3A_37 : i32
    %scan3A_39 = arith.constant 1 : i32
    scf.for %scan3A_448 = %scan3A_36 to %scan3A_38 step %scan3A_39  : i32 {
      %jit3A = arith.constant 2 : i32
      %eq3A_449 = arith.constant 0 : i32
      %eq3A_450 = arith.cmpi eq, %jit3A, %eq3A_449 : i32
      %jit3A_451 = arith.constant 1 : i32
      %select_n3A = arith.select %eq3A_450, %jit3A_451, %jit3A : i32
      %rem3A = arith.remsi %scan3A_448, %select_n3A : i32
      %ne3A_452 = arith.constant 0 : i32
      %ne3A_453 = arith.cmpi ne, %rem3A, %ne3A_452 : i32
      %lt3A_454 = arith.constant 0 : i32
      %lt3A_455 = arith.cmpi slt, %rem3A, %lt3A_454 : i32
      %lt3A_456 = arith.constant 0 : i32
      %lt3A_457 = arith.cmpi slt, %select_n3A, %lt3A_456 : i32
      %ne3A_458 = arith.xori %lt3A_455, %lt3A_457 : i1
      %and3A = arith.andi %ne3A_458, %ne3A_453 : i1
      %add3A_459 = arith.addi %rem3A, %select_n3A : i32
      %select_n3A_460 = arith.select %and3A, %add3A_459, %rem3A : i32
      %mul3A_461 = arith.constant 16 : i32
      %mul3A_462 = arith.muli %select_n3A_460, %mul3A_461 : i32
      %jit3A_463 = arith.constant 2 : i32
      %eq3A_464 = arith.constant 0 : i32
      %eq3A_465 = arith.cmpi eq, %jit3A_463, %eq3A_464 : i32
      %jit3A_466 = arith.constant 1 : i32
      %select_n3A_467 = arith.select %eq3A_465, %jit3A_466, %jit3A_463 : i32
      %rem3A_468 = arith.remsi %scan3A_448, %select_n3A_467 : i32
      %ne3A_469 = arith.constant 0 : i32
      %ne3A_470 = arith.cmpi ne, %rem3A_468, %ne3A_469 : i32
      %lt3A_471 = arith.constant 0 : i32
      %lt3A_472 = arith.cmpi slt, %rem3A_468, %lt3A_471 : i32
      %lt3A_473 = arith.constant 0 : i32
      %lt3A_474 = arith.cmpi slt, %select_n3A_467, %lt3A_473 : i32
      %ne3A_475 = arith.xori %lt3A_472, %lt3A_474 : i1
      %and3A_476 = arith.andi %ne3A_475, %ne3A_470 : i1
      %add3A_477 = arith.addi %rem3A_468, %select_n3A_467 : i32
      %select_n3A_478 = arith.select %and3A_476, %add3A_477, %rem3A_468 : i32
      %mul3A_479 = arith.constant 16 : i32
      %mul3A_480 = arith.muli %select_n3A_478, %mul3A_479 : i32
      %mul3A_481 = arith.constant 16 : i32
      %mul3A_482 = arith.muli %scan3A_448, %mul3A_481 : i32
      %dma_wait3A_483 = arith.constant 0 : i32
      %dma_wait3A_484 = tpu.memref_slice %arg8[%mul3A_480, %dma_wait3A_483] : memref<32x80xi32, #tpu.memory_space<vmem>> -> memref<16x80xi32, #tpu.memory_space<vmem>>
      %dma_wait3A_485 = arith.constant 0 : i32
      %dma_wait3A_486 = tpu.memref_slice %arg2[%add3A, %mul3A_482, %dma_wait3A_485] : memref<32x125x80xi32, #tpu.memory_space<hbm>> -> memref<1x16x80xi32, #tpu.memory_space<hbm>>
      %dma_wait3A_487 = tpu.memref_squeeze %dma_wait3A_486 : memref<1x16x80xi32, #tpu.memory_space<hbm>> -> memref<16x80xi32, #tpu.memory_space<hbm>>
      %dma_wait3A_488 = arith.constant 0 : i32
      %dma_wait3A_489 = tpu.memref_slice %arg8[%mul3A_480, %dma_wait3A_488] : memref<32x80xi32, #tpu.memory_space<vmem>> -> memref<16x80xi32, #tpu.memory_space<vmem>>
      %dma_wait3A_490 = arith.constant 0 : i32
      %dma_wait3A_491 = tpu.memref_slice %arg2[%add3A, %mul3A_482, %dma_wait3A_490] : memref<32x125x80xi32, #tpu.memory_space<hbm>> -> memref<1x16x80xi32, #tpu.memory_space<hbm>>
      %dma_wait3A_492 = tpu.memref_squeeze %dma_wait3A_491 : memref<1x16x80xi32, #tpu.memory_space<hbm>> -> memref<16x80xi32, #tpu.memory_space<hbm>>
      tpu.wait_dma2 semaphore(%arg15 : memref<!tpu.dma_semaphore, #tpu.memory_space<semaphore_mem>>) src(%dma_wait3A_492 : memref<16x80xi32, #tpu.memory_space<hbm>>) dst(%dma_wait3A_489 : memref<16x80xi32, #tpu.memory_space<vmem>>)
      %mul3A_493 = arith.constant 16 : i32
      %mul3A_494 = arith.muli %scan3A_448, %mul3A_493 : i32
      %dma_wait3A_495 = arith.constant 0 : i32
      %dma_wait3A_496 = tpu.memref_slice %arg9[%mul3A_480, %dma_wait3A_495] : memref<32x80xi32, #tpu.memory_space<vmem>> -> memref<16x80xi32, #tpu.memory_space<vmem>>
      %dma_wait3A_497 = arith.constant 0 : i32
      %dma_wait3A_498 = tpu.memref_slice %arg3[%add3A, %mul3A_494, %dma_wait3A_497] : memref<32x125x80xi32, #tpu.memory_space<hbm>> -> memref<1x16x80xi32, #tpu.memory_space<hbm>>
      %dma_wait3A_499 = tpu.memref_squeeze %dma_wait3A_498 : memref<1x16x80xi32, #tpu.memory_space<hbm>> -> memref<16x80xi32, #tpu.memory_space<hbm>>
      %dma_wait3A_500 = arith.constant 0 : i32
      %dma_wait3A_501 = tpu.memref_slice %arg9[%mul3A_480, %dma_wait3A_500] : memref<32x80xi32, #tpu.memory_space<vmem>> -> memref<16x80xi32, #tpu.memory_space<vmem>>
      %dma_wait3A_502 = arith.constant 0 : i32
      %dma_wait3A_503 = tpu.memref_slice %arg3[%add3A, %mul3A_494, %dma_wait3A_502] : memref<32x125x80xi32, #tpu.memory_space<hbm>> -> memref<1x16x80xi32, #tpu.memory_space<hbm>>
      %dma_wait3A_504 = tpu.memref_squeeze %dma_wait3A_503 : memref<1x16x80xi32, #tpu.memory_space<hbm>> -> memref<16x80xi32, #tpu.memory_space<hbm>>
      tpu.wait_dma2 semaphore(%arg15 : memref<!tpu.dma_semaphore, #tpu.memory_space<semaphore_mem>>) src(%dma_wait3A_504 : memref<16x80xi32, #tpu.memory_space<hbm>>) dst(%dma_wait3A_501 : memref<16x80xi32, #tpu.memory_space<vmem>>)
      %scan3A_505 = arith.constant 0 : i32
      %scan3A_506 = arith.constant 0 : i32
      %scan3A_507 = arith.constant 16 : i32
      %scan3A_508 = arith.addi %scan3A_506, %scan3A_507 : i32
      %scan3A_509 = arith.constant 1 : i32
      scf.for %scan3A_993 = %scan3A_506 to %scan3A_508 step %scan3A_509  : i32 {
        %add3A_994 = arith.addi %mul3A_462, %scan3A_993 : i32
        %get3A = arith.index_cast %add3A_994 : i32 to index
        %get3A_995 = arith.constant 0 : index
        %get3A_996 = tpu.vector_load %arg8[%get3A, %get3A_995] {strides = array<i32>} : memref<32x80xi32, #tpu.memory_space<vmem>>, vector<1x16xi32>,
        %get3A_997 = vector.shape_cast %get3A_996 : vector<1x16xi32> to vector<16xi32>
        %shift_right_logical3A = arith.constant 14 : i32
        %shift_right_logical3A_998 = vector.broadcast %shift_right_logical3A : i32 to vector<16xi32>
        %shift_right_logical3A_999 = arith.shrui %get3A_997, %shift_right_logical3A_998 : vector<16xi32>
        %mul3A_1000 = arith.constant 10000 : i32
        %mul3A_1001 = vector.broadcast %mul3A_1000 : i32 to vector<16xi32>
        %mul3A_1002 = arith.muli %shift_right_logical3A_999, %mul3A_1001 : vector<16xi32>
        %and3A_1003 = arith.constant 16383 : i32
        %and3A_1004 = vector.broadcast %and3A_1003 : i32 to vector<16xi32>
        %and3A_1005 = arith.andi %get3A_997, %and3A_1004 : vector<16xi32>
        %add3A_1006 = arith.addi %mul3A_1002, %and3A_1005 : vector<16xi32>
        %add3A_1007 = arith.addi %mul3A_462, %scan3A_993 : i32
        %swap3A = arith.index_cast %add3A_1007 : i32 to index
        %swap3A_1008 = arith.constant 0 : index
        %swap3A_1009 = tpu.vector_load %arg8[%swap3A, %swap3A_1008] {strides = array<i32>} : memref<32x80xi32, #tpu.memory_space<vmem>>, vector<1x16xi32>,
        %swap3A_1010 = vector.shape_cast %swap3A_1009 : vector<1x16xi32> to vector<16xi32>
        %swap3A_1011 = vector.shape_cast %add3A_1006 : vector<16xi32> to vector<1x16xi32>
        tpu.vector_store %arg8[%swap3A, %swap3A_1008], %swap3A_1011 {strides = array<i32>} : memref<32x80xi32, #tpu.memory_space<vmem>>, vector<1x16xi32>,
        %add3A_1012 = arith.addi %mul3A_462, %scan3A_993 : i32
        %get3A_1013 = arith.index_cast %add3A_1012 : i32 to index
        %get3A_1014 = arith.constant 16 : index
        %get3A_1015 = tpu.vector_load %arg8[%get3A_1013, %get3A_1014] {strides = array<i32>} : memref<32x80xi32, #tpu.memory_space<vmem>>, vector<1x16xi32>,
        %get3A_1016 = vector.shape_cast %get3A_1015 : vector<1x16xi32> to vector<16xi32>
        %shift_right_logical3A_1017 = arith.constant 14 : i32
        %shift_right_logical3A_1018 = vector.broadcast %shift_right_logical3A_1017 : i32 to vector<16xi32>
        %shift_right_logical3A_1019 = arith.shrui %get3A_1016, %shift_right_logical3A_1018 : vector<16xi32>
        %mul3A_1020 = arith.constant 10000 : i32
        %mul3A_1021 = vector.broadcast %mul3A_1020 : i32 to vector<16xi32>
        %mul3A_1022 = arith.muli %shift_right_logical3A_1019, %mul3A_1021 : vector<16xi32>
        %and3A_1023 = arith.constant 16383 : i32
        %and3A_1024 = vector.broadcast %and3A_1023 : i32 to vector<16xi32>
        %and3A_1025 = arith.andi %get3A_1016, %and3A_1024 : vector<16xi32>
        %add3A_1026 = arith.addi %mul3A_1022, %and3A_1025 : vector<16xi32>
        %add3A_1027 = arith.addi %mul3A_462, %scan3A_993 : i32
        %swap3A_1028 = arith.index_cast %add3A_1027 : i32 to index
        %swap3A_1029 = arith.constant 16 : index
        %swap3A_1030 = tpu.vector_load %arg8[%swap3A_1028, %swap3A_1029] {strides = array<i32>} : memref<32x80xi32, #tpu.memory_space<vmem>>, vector<1x16xi32>,
        %swap3A_1031 = vector.shape_cast %swap3A_1030 : vector<1x16xi32> to vector<16xi32>
        %swap3A_1032 = vector.shape_cast %add3A_1026 : vector<16xi32> to vector<1x16xi32>
        tpu.vector_store %arg8[%swap3A_1028, %swap3A_1029], %swap3A_1032 {strides = array<i32>} : memref<32x80xi32, #tpu.memory_space<vmem>>, vector<1x16xi32>,
        %add3A_1033 = arith.addi %mul3A_462, %scan3A_993 : i32
        %get3A_1034 = arith.index_cast %add3A_1033 : i32 to index
        %get3A_1035 = arith.constant 32 : index
        %get3A_1036 = tpu.vector_load %arg8[%get3A_1034, %get3A_1035] {strides = array<i32>} : memref<32x80xi32, #tpu.memory_space<vmem>>, vector<1x16xi32>,
        %get3A_1037 = vector.shape_cast %get3A_1036 : vector<1x16xi32> to vector<16xi32>
        %shift_right_logical3A_1038 = arith.constant 14 : i32
        %shift_right_logical3A_1039 = vector.broadcast %shift_right_logical3A_1038 : i32 to vector<16xi32>
        %shift_right_logical3A_1040 = arith.shrui %get3A_1037, %shift_right_logical3A_1039 : vector<16xi32>
        %mul3A_1041 = arith.constant 10000 : i32
        %mul3A_1042 = vector.broadcast %mul3A_1041 : i32 to vector<16xi32>
        %mul3A_1043 = arith.muli %shift_right_logical3A_1040, %mul3A_1042 : vector<16xi32>
        %and3A_1044 = arith.constant 16383 : i32
        %and3A_1045 = vector.broadcast %and3A_1044 : i32 to vector<16xi32>
        %and3A_1046 = arith.andi %get3A_1037, %and3A_1045 : vector<16xi32>
        %add3A_1047 = arith.addi %mul3A_1043, %and3A_1046 : vector<16xi32>
        %add3A_1048 = arith.addi %mul3A_462, %scan3A_993 : i32
        %swap3A_1049 = arith.index_cast %add3A_1048 : i32 to index
        %swap3A_1050 = arith.constant 32 : index
        %swap3A_1051 = tpu.vector_load %arg8[%swap3A_1049, %swap3A_1050] {strides = array<i32>} : memref<32x80xi32, #tpu.memory_space<vmem>>, vector<1x16xi32>,
        %swap3A_1052 = vector.shape_cast %swap3A_1051 : vector<1x16xi32> to vector<16xi32>
        %swap3A_1053 = vector.shape_cast %add3A_1047 : vector<16xi32> to vector<1x16xi32>
        tpu.vector_store %arg8[%swap3A_1049, %swap3A_1050], %swap3A_1053 {strides = array<i32>} : memref<32x80xi32, #tpu.memory_space<vmem>>, vector<1x16xi32>,
        %add3A_1054 = arith.addi %mul3A_462, %scan3A_993 : i32
        %get3A_1055 = arith.index_cast %add3A_1054 : i32 to index
        %get3A_1056 = arith.constant 48 : index
        %get3A_1057 = tpu.vector_load %arg8[%get3A_1055, %get3A_1056] {strides = array<i32>} : memref<32x80xi32, #tpu.memory_space<vmem>>, vector<1x16xi32>,
        %get3A_1058 = vector.shape_cast %get3A_1057 : vector<1x16xi32> to vector<16xi32>
        %shift_right_logical3A_1059 = arith.constant 14 : i32
        %shift_right_logical3A_1060 = vector.broadcast %shift_right_logical3A_1059 : i32 to vector<16xi32>
        %shift_right_logical3A_1061 = arith.shrui %get3A_1058, %shift_right_logical3A_1060 : vector<16xi32>
        %mul3A_1062 = arith.constant 10000 : i32
        %mul3A_1063 = vector.broadcast %mul3A_1062 : i32 to vector<16xi32>
        %mul3A_1064 = arith.muli %shift_right_logical3A_1061, %mul3A_1063 : vector<16xi32>
        %and3A_1065 = arith.constant 16383 : i32
        %and3A_1066 = vector.broadcast %and3A_1065 : i32 to vector<16xi32>
        %and3A_1067 = arith.andi %get3A_1058, %and3A_1066 : vector<16xi32>
        %add3A_1068 = arith.addi %mul3A_1064, %and3A_1067 : vector<16xi32>
        %add3A_1069 = arith.addi %mul3A_462, %scan3A_993 : i32
        %swap3A_1070 = arith.index_cast %add3A_1069 : i32 to index
        %swap3A_1071 = arith.constant 48 : index
        %swap3A_1072 = tpu.vector_load %arg8[%swap3A_1070, %swap3A_1071] {strides = array<i32>} : memref<32x80xi32, #tpu.memory_space<vmem>>, vector<1x16xi32>,
        %swap3A_1073 = vector.shape_cast %swap3A_1072 : vector<1x16xi32> to vector<16xi32>
        %swap3A_1074 = vector.shape_cast %add3A_1068 : vector<16xi32> to vector<1x16xi32>
        tpu.vector_store %arg8[%swap3A_1070, %swap3A_1071], %swap3A_1074 {strides = array<i32>} : memref<32x80xi32, #tpu.memory_space<vmem>>, vector<1x16xi32>,
        %add3A_1075 = arith.addi %mul3A_462, %scan3A_993 : i32
        %get3A_1076 = arith.index_cast %add3A_1075 : i32 to index
        %get3A_1077 = arith.constant 64 : index
        %get3A_1078 = tpu.vector_load %arg8[%get3A_1076, %get3A_1077] {strides = array<i32>} : memref<32x80xi32, #tpu.memory_space<vmem>>, vector<1x16xi32>,
        %get3A_1079 = vector.shape_cast %get3A_1078 : vector<1x16xi32> to vector<16xi32>
        %shift_right_logical3A_1080 = arith.constant 14 : i32
        %shift_right_logical3A_1081 = vector.broadcast %shift_right_logical3A_1080 : i32 to vector<16xi32>
        %shift_right_logical3A_1082 = arith.shrui %get3A_1079, %shift_right_logical3A_1081 : vector<16xi32>
        %mul3A_1083 = arith.constant 10000 : i32
        %mul3A_1084 = vector.broadcast %mul3A_1083 : i32 to vector<16xi32>
        %mul3A_1085 = arith.muli %shift_right_logical3A_1082, %mul3A_1084 : vector<16xi32>
        %and3A_1086 = arith.constant 16383 : i32
        %and3A_1087 = vector.broadcast %and3A_1086 : i32 to vector<16xi32>
        %and3A_1088 = arith.andi %get3A_1079, %and3A_1087 : vector<16xi32>
        %add3A_1089 = arith.addi %mul3A_1085, %and3A_1088 : vector<16xi32>
        %add3A_1090 = arith.addi %mul3A_462, %scan3A_993 : i32
        %swap3A_1091 = arith.index_cast %add3A_1090 : i32 to index
        %swap3A_1092 = arith.constant 64 : index
        %swap3A_1093 = tpu.vector_load %arg8[%swap3A_1091, %swap3A_1092] {strides = array<i32>} : memref<32x80xi32, #tpu.memory_space<vmem>>, vector<1x16xi32>,
        %swap3A_1094 = vector.shape_cast %swap3A_1093 : vector<1x16xi32> to vector<16xi32>
        %swap3A_1095 = vector.shape_cast %add3A_1089 : vector<16xi32> to vector<1x16xi32>
        tpu.vector_store %arg8[%swap3A_1091, %swap3A_1092], %swap3A_1095 {strides = array<i32>} : memref<32x80xi32, #tpu.memory_space<vmem>>, vector<1x16xi32>,
      }
      %scan3A_510 = arith.constant 16 : i32
      %lt3A_511 = arith.constant 6 : i32
      %lt3A_512 = arith.cmpi slt, %scan3A_448, %lt3A_511 : i32
      %convert_element_type3A_513 = arith.extui %lt3A_512 : i1 to i32
      %cond3A_514 = arith.constant 0 : i32
      %cond3A_515 = arith.cmpi ne, %convert_element_type3A_513, %cond3A_514 : i32
      scf.if %cond3A_515 {
        %add3A_993 = arith.constant 1 : i32
        %add3A_994 = arith.addi %scan3A_448, %add3A_993 : i32
        %jit3A_995 = arith.constant 2 : i32
        %eq3A_996 = arith.constant 0 : i32
        %eq3A_997 = arith.cmpi eq, %jit3A_995, %eq3A_996 : i32
        %jit3A_998 = arith.constant 1 : i32
        %select_n3A_999 = arith.select %eq3A_997, %jit3A_998, %jit3A_995 : i32
        %rem3A_1000 = arith.remsi %add3A_994, %select_n3A_999 : i32
        %ne3A_1001 = arith.constant 0 : i32
        %ne3A_1002 = arith.cmpi ne, %rem3A_1000, %ne3A_1001 : i32
        %lt3A_1003 = arith.constant 0 : i32
        %lt3A_1004 = arith.cmpi slt, %rem3A_1000, %lt3A_1003 : i32
        %lt3A_1005 = arith.constant 0 : i32
        %lt3A_1006 = arith.cmpi slt, %select_n3A_999, %lt3A_1005 : i32
        %ne3A_1007 = arith.xori %lt3A_1004, %lt3A_1006 : i1
        %and3A_1008 = arith.andi %ne3A_1007, %ne3A_1002 : i1
        %add3A_1009 = arith.addi %rem3A_1000, %select_n3A_999 : i32
        %select_n3A_1010 = arith.select %and3A_1008, %add3A_1009, %rem3A_1000 : i32
        %mul3A_1011 = arith.constant 16 : i32
        %mul3A_1012 = arith.muli %select_n3A_1010, %mul3A_1011 : i32
        %mul3A_1013 = arith.constant 16 : i32
        %mul3A_1014 = arith.muli %add3A_994, %mul3A_1013 : i32
        %dma_start3A_1015 = arith.constant 0 : i32
        %dma_start3A_1016 = tpu.memref_slice %arg8[%mul3A_1012, %dma_start3A_1015] : memref<32x80xi32, #tpu.memory_space<vmem>> -> memref<16x80xi32, #tpu.memory_space<vmem>>
        %dma_start3A_1017 = arith.constant 0 : i32
        %dma_start3A_1018 = tpu.memref_slice %arg2[%add3A, %mul3A_1014, %dma_start3A_1017] : memref<32x125x80xi32, #tpu.memory_space<hbm>> -> memref<1x16x80xi32, #tpu.memory_space<hbm>>
        %dma_start3A_1019 = tpu.memref_squeeze %dma_start3A_1018 : memref<1x16x80xi32, #tpu.memory_space<hbm>> -> memref<16x80xi32, #tpu.memory_space<hbm>>
        %dma_start3A_1020 = arith.constant 0 : i32
        %dma_start3A_1021 = tpu.memref_slice %arg8[%mul3A_1012, %dma_start3A_1020] : memref<32x80xi32, #tpu.memory_space<vmem>> -> memref<16x80xi32, #tpu.memory_space<vmem>>
        %dma_start3A_1022 = arith.constant 0 : i32
        %dma_start3A_1023 = tpu.memref_slice %arg2[%add3A, %mul3A_1014, %dma_start3A_1022] : memref<32x125x80xi32, #tpu.memory_space<hbm>> -> memref<1x16x80xi32, #tpu.memory_space<hbm>>
        %dma_start3A_1024 = tpu.memref_squeeze %dma_start3A_1023 : memref<1x16x80xi32, #tpu.memory_space<hbm>> -> memref<16x80xi32, #tpu.memory_space<hbm>>
        tpu.enqueue_dma source(%dma_start3A_1024 : memref<16x80xi32, #tpu.memory_space<hbm>>) target(%dma_start3A_1021 : memref<16x80xi32, #tpu.memory_space<vmem>>) target_semaphore(%arg15 : memref<!tpu.dma_semaphore, #tpu.memory_space<semaphore_mem>>)
        %mul3A_1025 = arith.constant 16 : i32
        %mul3A_1026 = arith.muli %add3A_994, %mul3A_1025 : i32
        %dma_start3A_1027 = arith.constant 0 : i32
        %dma_start3A_1028 = tpu.memref_slice %arg9[%mul3A_1012, %dma_start3A_1027] : memref<32x80xi32, #tpu.memory_space<vmem>> -> memref<16x80xi32, #tpu.memory_space<vmem>>
        %dma_start3A_1029 = arith.constant 0 : i32
        %dma_start3A_1030 = tpu.memref_slice %arg3[%add3A, %mul3A_1026, %dma_start3A_1029] : memref<32x125x80xi32, #tpu.memory_space<hbm>> -> memref<1x16x80xi32, #tpu.memory_space<hbm>>
        %dma_start3A_1031 = tpu.memref_squeeze %dma_start3A_1030 : memref<1x16x80xi32, #tpu.memory_space<hbm>> -> memref<16x80xi32, #tpu.memory_space<hbm>>
        %dma_start3A_1032 = arith.constant 0 : i32
        %dma_start3A_1033 = tpu.memref_slice %arg9[%mul3A_1012, %dma_start3A_1032] : memref<32x80xi32, #tpu.memory_space<vmem>> -> memref<16x80xi32, #tpu.memory_space<vmem>>
        %dma_start3A_1034 = arith.constant 0 : i32
        %dma_start3A_1035 = tpu.memref_slice %arg3[%add3A, %mul3A_1026, %dma_start3A_1034] : memref<32x125x80xi32, #tpu.memory_space<hbm>> -> memref<1x16x80xi32, #tpu.memory_space<hbm>>
        %dma_start3A_1036 = tpu.memref_squeeze %dma_start3A_1035 : memref<1x16x80xi32, #tpu.memory_space<hbm>> -> memref<16x80xi32, #tpu.memory_space<hbm>>
        tpu.enqueue_dma source(%dma_start3A_1036 : memref<16x80xi32, #tpu.memory_space<hbm>>) target(%dma_start3A_1033 : memref<16x80xi32, #tpu.memory_space<vmem>>) target_semaphore(%arg15 : memref<!tpu.dma_semaphore, #tpu.memory_space<semaphore_mem>>)
      } else {
      }
      %eq3A_516 = arith.constant 6 : i32
      %eq3A_517 = arith.cmpi eq, %scan3A_448, %eq3A_516 : i32
      %convert_element_type3A_518 = arith.extui %eq3A_517 : i1 to i32
      %cond3A_519 = arith.constant 0 : i32
      %cond3A_520 = arith.cmpi ne, %convert_element_type3A_518, %cond3A_519 : i32
      scf.if %cond3A_520 {
        %dma_start3A_993 = arith.constant 16 : i32
        %dma_start3A_994 = arith.constant 0 : i32
        %dma_start3A_995 = tpu.memref_slice %arg8[%dma_start3A_993, %dma_start3A_994] : memref<32x80xi32, #tpu.memory_space<vmem>> -> memref<13x80xi32, #tpu.memory_space<vmem>>
        %dma_start3A_996 = arith.constant 112 : i32
        %dma_start3A_997 = arith.constant 0 : i32
        %dma_start3A_998 = tpu.memref_slice %arg2[%add3A, %dma_start3A_996, %dma_start3A_997] : memref<32x125x80xi32, #tpu.memory_space<hbm>> -> memref<1x13x80xi32, #tpu.memory_space<hbm>>
        %dma_start3A_999 = tpu.memref_squeeze %dma_start3A_998 : memref<1x13x80xi32, #tpu.memory_space<hbm>> -> memref<13x80xi32, #tpu.memory_space<hbm>>
        %dma_start3A_1000 = arith.constant 16 : i32
        %dma_start3A_1001 = arith.constant 0 : i32
        %dma_start3A_1002 = tpu.memref_slice %arg8[%dma_start3A_1000, %dma_start3A_1001] : memref<32x80xi32, #tpu.memory_space<vmem>> -> memref<13x80xi32, #tpu.memory_space<vmem>>
        %dma_start3A_1003 = arith.constant 112 : i32
        %dma_start3A_1004 = arith.constant 0 : i32
        %dma_start3A_1005 = tpu.memref_slice %arg2[%add3A, %dma_start3A_1003, %dma_start3A_1004] : memref<32x125x80xi32, #tpu.memory_space<hbm>> -> memref<1x13x80xi32, #tpu.memory_space<hbm>>
        %dma_start3A_1006 = tpu.memref_squeeze %dma_start3A_1005 : memref<1x13x80xi32, #tpu.memory_space<hbm>> -> memref<13x80xi32, #tpu.memory_space<hbm>>
        tpu.enqueue_dma source(%dma_start3A_1006 : memref<13x80xi32, #tpu.memory_space<hbm>>) target(%dma_start3A_1002 : memref<13x80xi32, #tpu.memory_space<vmem>>) target_semaphore(%arg15 : memref<!tpu.dma_semaphore, #tpu.memory_space<semaphore_mem>>)
        %dma_start3A_1007 = arith.constant 16 : i32
        %dma_start3A_1008 = arith.constant 0 : i32
        %dma_start3A_1009 = tpu.memref_slice %arg9[%dma_start3A_1007, %dma_start3A_1008] : memref<32x80xi32, #tpu.memory_space<vmem>> -> memref<13x80xi32, #tpu.memory_space<vmem>>
        %dma_start3A_1010 = arith.constant 112 : i32
        %dma_start3A_1011 = arith.constant 0 : i32
        %dma_start3A_1012 = tpu.memref_slice %arg3[%add3A, %dma_start3A_1010, %dma_start3A_1011] : memref<32x125x80xi32, #tpu.memory_space<hbm>> -> memref<1x13x80xi32, #tpu.memory_space<hbm>>
        %dma_start3A_1013 = tpu.memref_squeeze %dma_start3A_1012 : memref<1x13x80xi32, #tpu.memory_space<hbm>> -> memref<13x80xi32, #tpu.memory_space<hbm>>
        %dma_start3A_1014 = arith.constant 16 : i32
        %dma_start3A_1015 = arith.constant 0 : i32
        %dma_start3A_1016 = tpu.memref_slice %arg9[%dma_start3A_1014, %dma_start3A_1015] : memref<32x80xi32, #tpu.memory_space<vmem>> -> memref<13x80xi32, #tpu.memory_space<vmem>>
        %dma_start3A_1017 = arith.constant 112 : i32
        %dma_start3A_1018 = arith.constant 0 : i32
        %dma_start3A_1019 = tpu.memref_slice %arg3[%add3A, %dma_start3A_1017, %dma_start3A_1018] : memref<32x125x80xi32, #tpu.memory_space<hbm>> -> memref<1x13x80xi32, #tpu.memory_space<hbm>>
        %dma_start3A_1020 = tpu.memref_squeeze %dma_start3A_1019 : memref<1x13x80xi32, #tpu.memory_space<hbm>> -> memref<13x80xi32, #tpu.memory_space<hbm>>
        tpu.enqueue_dma source(%dma_start3A_1020 : memref<13x80xi32, #tpu.memory_space<hbm>>) target(%dma_start3A_1016 : memref<13x80xi32, #tpu.memory_space<vmem>>) target_semaphore(%arg15 : memref<!tpu.dma_semaphore, #tpu.memory_space<semaphore_mem>>)
      } else {
      }
      %add3A_521 = arith.constant 0 : i32
      %add3A_522 = arith.addi %mul3A_462, %add3A_521 : i32
      %dma_start3A_523 = arith.constant 0 : i32
      %dma_start3A_524 = tpu.memref_slice %arg8[%add3A_522, %dma_start3A_523] : memref<32x80xi32, #tpu.memory_space<vmem>> -> memref<1x80xi32, #tpu.memory_space<vmem>>
      %dma_start3A_525 = tpu.memref_squeeze %dma_start3A_524 : memref<1x80xi32, #tpu.memory_space<vmem>> -> memref<80xi32, #tpu.memory_space<vmem>>
      %dma_start3A_526 = arith.constant 0 : i32
      %dma_start3A_527 = arith.constant 0 : i32
      %dma_start3A_528 = tpu.memref_slice %arg4[%dma_start3A_526, %dma_start3A_527] : memref<80000x128xf32, #tpu.memory_space<hbm>> -> memref<80000x128xf32, #tpu.memory_space<hbm>>
      tpu.enqueue_indirect_dma source(%dma_start3A_528 : memref<80000x128xf32, #tpu.memory_space<hbm>>) target(%arg10 : memref<80x128xf32, #tpu.memory_space<vmem>>) offsets(%dma_start3A_525 : memref<80xi32, #tpu.memory_space<vmem>>) semaphore(%arg16 : memref<!tpu.dma_semaphore, #tpu.memory_space<semaphore_mem>>)
      %add3A_529 = arith.constant 1 : i32
      %add3A_530 = arith.addi %mul3A_462, %add3A_529 : i32
      %dma_start3A_531 = arith.constant 0 : i32
      %dma_start3A_532 = tpu.memref_slice %arg8[%add3A_530, %dma_start3A_531] : memref<32x80xi32, #tpu.memory_space<vmem>> -> memref<1x80xi32, #tpu.memory_space<vmem>>
      %dma_start3A_533 = tpu.memref_squeeze %dma_start3A_532 : memref<1x80xi32, #tpu.memory_space<vmem>> -> memref<80xi32, #tpu.memory_space<vmem>>
      %dma_start3A_534 = arith.constant 0 : i32
      %dma_start3A_535 = arith.constant 0 : i32
      %dma_start3A_536 = tpu.memref_slice %arg4[%dma_start3A_534, %dma_start3A_535] : memref<80000x128xf32, #tpu.memory_space<hbm>> -> memref<80000x128xf32, #tpu.memory_space<hbm>>
      tpu.enqueue_indirect_dma source(%dma_start3A_536 : memref<80000x128xf32, #tpu.memory_space<hbm>>) target(%arg11 : memref<80x128xf32, #tpu.memory_space<vmem>>) offsets(%dma_start3A_533 : memref<80xi32, #tpu.memory_space<vmem>>) semaphore(%arg17 : memref<!tpu.dma_semaphore, #tpu.memory_space<semaphore_mem>>)
      %add3A_537 = arith.constant 2 : i32
      %add3A_538 = arith.addi %mul3A_462, %add3A_537 : i32
      %dma_start3A_539 = arith.constant 0 : i32
      %dma_start3A_540 = tpu.memref_slice %arg8[%add3A_538, %dma_start3A_539] : memref<32x80xi32, #tpu.memory_space<vmem>> -> memref<1x80xi32, #tpu.memory_space<vmem>>
      %dma_start3A_541 = tpu.memref_squeeze %dma_start3A_540 : memref<1x80xi32, #tpu.memory_space<vmem>> -> memref<80xi32, #tpu.memory_space<vmem>>
      %dma_start3A_542 = arith.constant 0 : i32
      %dma_start3A_543 = arith.constant 0 : i32
      %dma_start3A_544 = tpu.memref_slice %arg4[%dma_start3A_542, %dma_start3A_543] : memref<80000x128xf32, #tpu.memory_space<hbm>> -> memref<80000x128xf32, #tpu.memory_space<hbm>>
      tpu.enqueue_indirect_dma source(%dma_start3A_544 : memref<80000x128xf32, #tpu.memory_space<hbm>>) target(%arg12 : memref<80x128xf32, #tpu.memory_space<vmem>>) offsets(%dma_start3A_541 : memref<80xi32, #tpu.memory_space<vmem>>) semaphore(%arg18 : memref<!tpu.dma_semaphore, #tpu.memory_space<semaphore_mem>>)
      %add3A_545 = arith.constant 3 : i32
      %add3A_546 = arith.addi %mul3A_462, %add3A_545 : i32
      %dma_start3A_547 = arith.constant 0 : i32
      %dma_start3A_548 = tpu.memref_slice %arg8[%add3A_546, %dma_start3A_547] : memref<32x80xi32, #tpu.memory_space<vmem>> -> memref<1x80xi32, #tpu.memory_space<vmem>>
      %dma_start3A_549 = tpu.memref_squeeze %dma_start3A_548 : memref<1x80xi32, #tpu.memory_space<vmem>> -> memref<80xi32, #tpu.memory_space<vmem>>
      %dma_start3A_550 = arith.constant 0 : i32
      %dma_start3A_551 = arith.constant 0 : i32
      %dma_start3A_552 = tpu.memref_slice %arg4[%dma_start3A_550, %dma_start3A_551] : memref<80000x128xf32, #tpu.memory_space<hbm>> -> memref<80000x128xf32, #tpu.memory_space<hbm>>
      tpu.enqueue_indirect_dma source(%dma_start3A_552 : memref<80000x128xf32, #tpu.memory_space<hbm>>) target(%arg13 : memref<80x128xf32, #tpu.memory_space<vmem>>) offsets(%dma_start3A_549 : memref<80xi32, #tpu.memory_space<vmem>>) semaphore(%arg19 : memref<!tpu.dma_semaphore, #tpu.memory_space<semaphore_mem>>)
      %dma_wait3A_553 = arith.constant 0 : i32
      %dma_wait3A_554 = tpu.memref_slice %arg8[%add3A_522, %dma_wait3A_553] : memref<32x80xi32, #tpu.memory_space<vmem>> -> memref<1x80xi32, #tpu.memory_space<vmem>>
      %dma_wait3A_555 = tpu.memref_squeeze %dma_wait3A_554 : memref<1x80xi32, #tpu.memory_space<vmem>> -> memref<80xi32, #tpu.memory_space<vmem>>
      %dma_wait3A_556 = arith.constant 0 : i32
      %dma_wait3A_557 = arith.constant 0 : i32
      %dma_wait3A_558 = tpu.memref_slice %arg4[%dma_wait3A_556, %dma_wait3A_557] : memref<80000x128xf32, #tpu.memory_space<hbm>> -> memref<80000x128xf32, #tpu.memory_space<hbm>>
      tpu.wait_indirect_dma semaphore(%arg16 : memref<!tpu.dma_semaphore, #tpu.memory_space<semaphore_mem>>) src(%dma_wait3A_558 : memref<80000x128xf32, #tpu.memory_space<hbm>>) dst(%arg10 : memref<80x128xf32, #tpu.memory_space<vmem>>)
      %add3A_559 = arith.constant 0 : i32
      %add3A_560 = arith.addi %mul3A_462, %add3A_559 : i32
      %dma_start3A_561 = arith.constant 0 : i32
      %dma_start3A_562 = tpu.memref_slice %arg9[%add3A_560, %dma_start3A_561] : memref<32x80xi32, #tpu.memory_space<vmem>> -> memref<1x80xi32, #tpu.memory_space<vmem>>
      %dma_start3A_563 = tpu.memref_squeeze %dma_start3A_562 : memref<1x80xi32, #tpu.memory_space<vmem>> -> memref<80xi32, #tpu.memory_space<vmem>>
      %dma_start3A_564 = arith.constant 0 : i32
      %dma_start3A_565 = arith.constant 0 : i32
      %dma_start3A_566 = tpu.memref_slice %arg14[%dma_start3A_564, %dma_start3A_565] : memref<10000x128xf32, #tpu.memory_space<vmem_shared>> -> memref<10000x128xf32, #tpu.memory_space<vmem_shared>>
      tpu.enqueue_indirect_dma source(%arg10 : memref<80x128xf32, #tpu.memory_space<vmem>>) target(%dma_start3A_566 : memref<10000x128xf32, #tpu.memory_space<vmem_shared>>) offsets(%dma_start3A_563 : memref<80xi32, #tpu.memory_space<vmem>>) semaphore(%arg20 : memref<!tpu.dma_semaphore, #tpu.memory_space<semaphore_mem>>) {add = true}
      %dma_wait3A_567 = arith.constant 0 : i32
      %dma_wait3A_568 = tpu.memref_slice %arg9[%add3A_560, %dma_wait3A_567] : memref<32x80xi32, #tpu.memory_space<vmem>> -> memref<1x80xi32, #tpu.memory_space<vmem>>
      %dma_wait3A_569 = tpu.memref_squeeze %dma_wait3A_568 : memref<1x80xi32, #tpu.memory_space<vmem>> -> memref<80xi32, #tpu.memory_space<vmem>>
      %dma_wait3A_570 = arith.constant 0 : i32
      %dma_wait3A_571 = arith.constant 0 : i32
      %dma_wait3A_572 = tpu.memref_slice %arg14[%dma_wait3A_570, %dma_wait3A_571] : memref<10000x128xf32, #tpu.memory_space<vmem_shared>> -> memref<10000x128xf32, #tpu.memory_space<vmem_shared>>
      tpu.wait_indirect_dma semaphore(%arg20 : memref<!tpu.dma_semaphore, #tpu.memory_space<semaphore_mem>>) src(%arg10 : memref<80x128xf32, #tpu.memory_space<vmem>>) dst(%dma_wait3A_572 : memref<10000x128xf32, #tpu.memory_space<vmem_shared>>)
      %add3A_573 = arith.constant 0 : i32
      %add3A_574 = arith.addi %mul3A_462, %add3A_573 : i32
      %add3A_575 = arith.constant 4 : i32
      %add3A_576 = arith.addi %add3A_574, %add3A_575 : i32
      %dma_start3A_577 = arith.constant 0 : i32
      %dma_start3A_578 = tpu.memref_slice %arg8[%add3A_576, %dma_start3A_577] : memref<32x80xi32, #tpu.memory_space<vmem>> -> memref<1x80xi32, #tpu.memory_space<vmem>>
      %dma_start3A_579 = tpu.memref_squeeze %dma_start3A_578 : memref<1x80xi32, #tpu.memory_space<vmem>> -> memref<80xi32, #tpu.memory_space<vmem>>
      %dma_start3A_580 = arith.constant 0 : i32
      %dma_start3A_581 = arith.constant 0 : i32
      %dma_start3A_582 = tpu.memref_slice %arg4[%dma_start3A_580, %dma_start3A_581] : memref<80000x128xf32, #tpu.memory_space<hbm>> -> memref<80000x128xf32, #tpu.memory_space<hbm>>
      tpu.enqueue_indirect_dma source(%dma_start3A_582 : memref<80000x128xf32, #tpu.memory_space<hbm>>) target(%arg10 : memref<80x128xf32, #tpu.memory_space<vmem>>) offsets(%dma_start3A_579 : memref<80xi32, #tpu.memory_space<vmem>>) semaphore(%arg16 : memref<!tpu.dma_semaphore, #tpu.memory_space<semaphore_mem>>)
      %dma_wait3A_583 = arith.constant 0 : i32
      %dma_wait3A_584 = tpu.memref_slice %arg8[%add3A_530, %dma_wait3A_583] : memref<32x80xi32, #tpu.memory_space<vmem>> -> memref<1x80xi32, #tpu.memory_space<vmem>>
      %dma_wait3A_585 = tpu.memref_squeeze %dma_wait3A_584 : memref<1x80xi32, #tpu.memory_space<vmem>> -> memref<80xi32, #tpu.memory_space<vmem>>
      %dma_wait3A_586 = arith.constant 0 : i32
      %dma_wait3A_587 = arith.constant 0 : i32
      %dma_wait3A_588 = tpu.memref_slice %arg4[%dma_wait3A_586, %dma_wait3A_587] : memref<80000x128xf32, #tpu.memory_space<hbm>> -> memref<80000x128xf32, #tpu.memory_space<hbm>>
      tpu.wait_indirect_dma semaphore(%arg17 : memref<!tpu.dma_semaphore, #tpu.memory_space<semaphore_mem>>) src(%dma_wait3A_588 : memref<80000x128xf32, #tpu.memory_space<hbm>>) dst(%arg11 : memref<80x128xf32, #tpu.memory_space<vmem>>)
      %add3A_589 = arith.constant 1 : i32
      %add3A_590 = arith.addi %mul3A_462, %add3A_589 : i32
      %dma_start3A_591 = arith.constant 0 : i32
      %dma_start3A_592 = tpu.memref_slice %arg9[%add3A_590, %dma_start3A_591] : memref<32x80xi32, #tpu.memory_space<vmem>> -> memref<1x80xi32, #tpu.memory_space<vmem>>
      %dma_start3A_593 = tpu.memref_squeeze %dma_start3A_592 : memref<1x80xi32, #tpu.memory_space<vmem>> -> memref<80xi32, #tpu.memory_space<vmem>>
      %dma_start3A_594 = arith.constant 0 : i32
      %dma_start3A_595 = arith.constant 0 : i32
      %dma_start3A_596 = tpu.memref_slice %arg14[%dma_start3A_594, %dma_start3A_595] : memref<10000x128xf32, #tpu.memory_space<vmem_shared>> -> memref<10000x128xf32, #tpu.memory_space<vmem_shared>>
      tpu.enqueue_indirect_dma source(%arg11 : memref<80x128xf32, #tpu.memory_space<vmem>>) target(%dma_start3A_596 : memref<10000x128xf32, #tpu.memory_space<vmem_shared>>) offsets(%dma_start3A_593 : memref<80xi32, #tpu.memory_space<vmem>>) semaphore(%arg21 : memref<!tpu.dma_semaphore, #tpu.memory_space<semaphore_mem>>) {add = true}
      %dma_wait3A_597 = arith.constant 0 : i32
      %dma_wait3A_598 = tpu.memref_slice %arg9[%add3A_590, %dma_wait3A_597] : memref<32x80xi32, #tpu.memory_space<vmem>> -> memref<1x80xi32, #tpu.memory_space<vmem>>
      %dma_wait3A_599 = tpu.memref_squeeze %dma_wait3A_598 : memref<1x80xi32, #tpu.memory_space<vmem>> -> memref<80xi32, #tpu.memory_space<vmem>>
      %dma_wait3A_600 = arith.constant 0 : i32
      %dma_wait3A_601 = arith.constant 0 : i32
      %dma_wait3A_602 = tpu.memref_slice %arg14[%dma_wait3A_600, %dma_wait3A_601] : memref<10000x128xf32, #tpu.memory_space<vmem_shared>> -> memref<10000x128xf32, #tpu.memory_space<vmem_shared>>
      tpu.wait_indirect_dma semaphore(%arg21 : memref<!tpu.dma_semaphore, #tpu.memory_space<semaphore_mem>>) src(%arg11 : memref<80x128xf32, #tpu.memory_space<vmem>>) dst(%dma_wait3A_602 : memref<10000x128xf32, #tpu.memory_space<vmem_shared>>)
      %add3A_603 = arith.constant 1 : i32
      %add3A_604 = arith.addi %mul3A_462, %add3A_603 : i32
      %add3A_605 = arith.constant 4 : i32
      %add3A_606 = arith.addi %add3A_604, %add3A_605 : i32
      %dma_start3A_607 = arith.constant 0 : i32
      %dma_start3A_608 = tpu.memref_slice %arg8[%add3A_606, %dma_start3A_607] : memref<32x80xi32, #tpu.memory_space<vmem>> -> memref<1x80xi32, #tpu.memory_space<vmem>>
      %dma_start3A_609 = tpu.memref_squeeze %dma_start3A_608 : memref<1x80xi32, #tpu.memory_space<vmem>> -> memref<80xi32, #tpu.memory_space<vmem>>
      %dma_start3A_610 = arith.constant 0 : i32
      %dma_start3A_611 = arith.constant 0 : i32
      %dma_start3A_612 = tpu.memref_slice %arg4[%dma_start3A_610, %dma_start3A_611] : memref<80000x128xf32, #tpu.memory_space<hbm>> -> memref<80000x128xf32, #tpu.memory_space<hbm>>
      tpu.enqueue_indirect_dma source(%dma_start3A_612 : memref<80000x128xf32, #tpu.memory_space<hbm>>) target(%arg11 : memref<80x128xf32, #tpu.memory_space<vmem>>) offsets(%dma_start3A_609 : memref<80xi32, #tpu.memory_space<vmem>>) semaphore(%arg17 : memref<!tpu.dma_semaphore, #tpu.memory_space<semaphore_mem>>)
      %dma_wait3A_613 = arith.constant 0 : i32
      %dma_wait3A_614 = tpu.memref_slice %arg8[%add3A_538, %dma_wait3A_613] : memref<32x80xi32, #tpu.memory_space<vmem>> -> memref<1x80xi32, #tpu.memory_space<vmem>>
      %dma_wait3A_615 = tpu.memref_squeeze %dma_wait3A_614 : memref<1x80xi32, #tpu.memory_space<vmem>> -> memref<80xi32, #tpu.memory_space<vmem>>
      %dma_wait3A_616 = arith.constant 0 : i32
      %dma_wait3A_617 = arith.constant 0 : i32
      %dma_wait3A_618 = tpu.memref_slice %arg4[%dma_wait3A_616, %dma_wait3A_617] : memref<80000x128xf32, #tpu.memory_space<hbm>> -> memref<80000x128xf32, #tpu.memory_space<hbm>>
      tpu.wait_indirect_dma semaphore(%arg18 : memref<!tpu.dma_semaphore, #tpu.memory_space<semaphore_mem>>) src(%dma_wait3A_618 : memref<80000x128xf32, #tpu.memory_space<hbm>>) dst(%arg12 : memref<80x128xf32, #tpu.memory_space<vmem>>)
      %add3A_619 = arith.constant 2 : i32
      %add3A_620 = arith.addi %mul3A_462, %add3A_619 : i32
      %dma_start3A_621 = arith.constant 0 : i32
      %dma_start3A_622 = tpu.memref_slice %arg9[%add3A_620, %dma_start3A_621] : memref<32x80xi32, #tpu.memory_space<vmem>> -> memref<1x80xi32, #tpu.memory_space<vmem>>
      %dma_start3A_623 = tpu.memref_squeeze %dma_start3A_622 : memref<1x80xi32, #tpu.memory_space<vmem>> -> memref<80xi32, #tpu.memory_space<vmem>>
      %dma_start3A_624 = arith.constant 0 : i32
      %dma_start3A_625 = arith.constant 0 : i32
      %dma_start3A_626 = tpu.memref_slice %arg14[%dma_start3A_624, %dma_start3A_625] : memref<10000x128xf32, #tpu.memory_space<vmem_shared>> -> memref<10000x128xf32, #tpu.memory_space<vmem_shared>>
      tpu.enqueue_indirect_dma source(%arg12 : memref<80x128xf32, #tpu.memory_space<vmem>>) target(%dma_start3A_626 : memref<10000x128xf32, #tpu.memory_space<vmem_shared>>) offsets(%dma_start3A_623 : memref<80xi32, #tpu.memory_space<vmem>>) semaphore(%arg22 : memref<!tpu.dma_semaphore, #tpu.memory_space<semaphore_mem>>) {add = true}
      %dma_wait3A_627 = arith.constant 0 : i32
      %dma_wait3A_628 = tpu.memref_slice %arg9[%add3A_620, %dma_wait3A_627] : memref<32x80xi32, #tpu.memory_space<vmem>> -> memref<1x80xi32, #tpu.memory_space<vmem>>
      %dma_wait3A_629 = tpu.memref_squeeze %dma_wait3A_628 : memref<1x80xi32, #tpu.memory_space<vmem>> -> memref<80xi32, #tpu.memory_space<vmem>>
      %dma_wait3A_630 = arith.constant 0 : i32
      %dma_wait3A_631 = arith.constant 0 : i32
      %dma_wait3A_632 = tpu.memref_slice %arg14[%dma_wait3A_630, %dma_wait3A_631] : memref<10000x128xf32, #tpu.memory_space<vmem_shared>> -> memref<10000x128xf32, #tpu.memory_space<vmem_shared>>
      tpu.wait_indirect_dma semaphore(%arg22 : memref<!tpu.dma_semaphore, #tpu.memory_space<semaphore_mem>>) src(%arg12 : memref<80x128xf32, #tpu.memory_space<vmem>>) dst(%dma_wait3A_632 : memref<10000x128xf32, #tpu.memory_space<vmem_shared>>)
      %add3A_633 = arith.constant 2 : i32
      %add3A_634 = arith.addi %mul3A_462, %add3A_633 : i32
      %add3A_635 = arith.constant 4 : i32
      %add3A_636 = arith.addi %add3A_634, %add3A_635 : i32
      %dma_start3A_637 = arith.constant 0 : i32
      %dma_start3A_638 = tpu.memref_slice %arg8[%add3A_636, %dma_start3A_637] : memref<32x80xi32, #tpu.memory_space<vmem>> -> memref<1x80xi32, #tpu.memory_space<vmem>>
      %dma_start3A_639 = tpu.memref_squeeze %dma_start3A_638 : memref<1x80xi32, #tpu.memory_space<vmem>> -> memref<80xi32, #tpu.memory_space<vmem>>
      %dma_start3A_640 = arith.constant 0 : i32
      %dma_start3A_641 = arith.constant 0 : i32
      %dma_start3A_642 = tpu.memref_slice %arg4[%dma_start3A_640, %dma_start3A_641] : memref<80000x128xf32, #tpu.memory_space<hbm>> -> memref<80000x128xf32, #tpu.memory_space<hbm>>
      tpu.enqueue_indirect_dma source(%dma_start3A_642 : memref<80000x128xf32, #tpu.memory_space<hbm>>) target(%arg12 : memref<80x128xf32, #tpu.memory_space<vmem>>) offsets(%dma_start3A_639 : memref<80xi32, #tpu.memory_space<vmem>>) semaphore(%arg18 : memref<!tpu.dma_semaphore, #tpu.memory_space<semaphore_mem>>)
      %dma_wait3A_643 = arith.constant 0 : i32
      %dma_wait3A_644 = tpu.memref_slice %arg8[%add3A_546, %dma_wait3A_643] : memref<32x80xi32, #tpu.memory_space<vmem>> -> memref<1x80xi32, #tpu.memory_space<vmem>>
      %dma_wait3A_645 = tpu.memref_squeeze %dma_wait3A_644 : memref<1x80xi32, #tpu.memory_space<vmem>> -> memref<80xi32, #tpu.memory_space<vmem>>
      %dma_wait3A_646 = arith.constant 0 : i32
      %dma_wait3A_647 = arith.constant 0 : i32
      %dma_wait3A_648 = tpu.memref_slice %arg4[%dma_wait3A_646, %dma_wait3A_647] : memref<80000x128xf32, #tpu.memory_space<hbm>> -> memref<80000x128xf32, #tpu.memory_space<hbm>>
      tpu.wait_indirect_dma semaphore(%arg19 : memref<!tpu.dma_semaphore, #tpu.memory_space<semaphore_mem>>) src(%dma_wait3A_648 : memref<80000x128xf32, #tpu.memory_space<hbm>>) dst(%arg13 : memref<80x128xf32, #tpu.memory_space<vmem>>)
      %add3A_649 = arith.constant 3 : i32
      %add3A_650 = arith.addi %mul3A_462, %add3A_649 : i32
      %dma_start3A_651 = arith.constant 0 : i32
      %dma_start3A_652 = tpu.memref_slice %arg9[%add3A_650, %dma_start3A_651] : memref<32x80xi32, #tpu.memory_space<vmem>> -> memref<1x80xi32, #tpu.memory_space<vmem>>
      %dma_start3A_653 = tpu.memref_squeeze %dma_start3A_652 : memref<1x80xi32, #tpu.memory_space<vmem>> -> memref<80xi32, #tpu.memory_space<vmem>>
      %dma_start3A_654 = arith.constant 0 : i32
      %dma_start3A_655 = arith.constant 0 : i32
      %dma_start3A_656 = tpu.memref_slice %arg14[%dma_start3A_654, %dma_start3A_655] : memref<10000x128xf32, #tpu.memory_space<vmem_shared>> -> memref<10000x128xf32, #tpu.memory_space<vmem_shared>>
      tpu.enqueue_indirect_dma source(%arg13 : memref<80x128xf32, #tpu.memory_space<vmem>>) target(%dma_start3A_656 : memref<10000x128xf32, #tpu.memory_space<vmem_shared>>) offsets(%dma_start3A_653 : memref<80xi32, #tpu.memory_space<vmem>>) semaphore(%arg23 : memref<!tpu.dma_semaphore, #tpu.memory_space<semaphore_mem>>) {add = true}
      %dma_wait3A_657 = arith.constant 0 : i32
      %dma_wait3A_658 = tpu.memref_slice %arg9[%add3A_650, %dma_wait3A_657] : memref<32x80xi32, #tpu.memory_space<vmem>> -> memref<1x80xi32, #tpu.memory_space<vmem>>
      %dma_wait3A_659 = tpu.memref_squeeze %dma_wait3A_658 : memref<1x80xi32, #tpu.memory_space<vmem>> -> memref<80xi32, #tpu.memory_space<vmem>>
      %dma_wait3A_660 = arith.constant 0 : i32
      %dma_wait3A_661 = arith.constant 0 : i32
      %dma_wait3A_662 = tpu.memref_slice %arg14[%dma_wait3A_660, %dma_wait3A_661] : memref<10000x128xf32, #tpu.memory_space<vmem_shared>> -> memref<10000x128xf32, #tpu.memory_space<vmem_shared>>
      tpu.wait_indirect_dma semaphore(%arg23 : memref<!tpu.dma_semaphore, #tpu.memory_space<semaphore_mem>>) src(%arg13 : memref<80x128xf32, #tpu.memory_space<vmem>>) dst(%dma_wait3A_662 : memref<10000x128xf32, #tpu.memory_space<vmem_shared>>)
      %add3A_663 = arith.constant 3 : i32
      %add3A_664 = arith.addi %mul3A_462, %add3A_663 : i32
      %add3A_665 = arith.constant 4 : i32
      %add3A_666 = arith.addi %add3A_664, %add3A_665 : i32
      %dma_start3A_667 = arith.constant 0 : i32
      %dma_start3A_668 = tpu.memref_slice %arg8[%add3A_666, %dma_start3A_667] : memref<32x80xi32, #tpu.memory_space<vmem>> -> memref<1x80xi32, #tpu.memory_space<vmem>>
      %dma_start3A_669 = tpu.memref_squeeze %dma_start3A_668 : memref<1x80xi32, #tpu.memory_space<vmem>> -> memref<80xi32, #tpu.memory_space<vmem>>
      %dma_start3A_670 = arith.constant 0 : i32
      %dma_start3A_671 = arith.constant 0 : i32
      %dma_start3A_672 = tpu.memref_slice %arg4[%dma_start3A_670, %dma_start3A_671] : memref<80000x128xf32, #tpu.memory_space<hbm>> -> memref<80000x128xf32, #tpu.memory_space<hbm>>
      tpu.enqueue_indirect_dma source(%dma_start3A_672 : memref<80000x128xf32, #tpu.memory_space<hbm>>) target(%arg13 : memref<80x128xf32, #tpu.memory_space<vmem>>) offsets(%dma_start3A_669 : memref<80xi32, #tpu.memory_space<vmem>>) semaphore(%arg19 : memref<!tpu.dma_semaphore, #tpu.memory_space<semaphore_mem>>)
      %dma_wait3A_673 = arith.constant 0 : i32
      %dma_wait3A_674 = tpu.memref_slice %arg8[%add3A_576, %dma_wait3A_673] : memref<32x80xi32, #tpu.memory_space<vmem>> -> memref<1x80xi32, #tpu.memory_space<vmem>>
      %dma_wait3A_675 = tpu.memref_squeeze %dma_wait3A_674 : memref<1x80xi32, #tpu.memory_space<vmem>> -> memref<80xi32, #tpu.memory_space<vmem>>
      %dma_wait3A_676 = arith.constant 0 : i32
      %dma_wait3A_677 = arith.constant 0 : i32
      %dma_wait3A_678 = tpu.memref_slice %arg4[%dma_wait3A_676, %dma_wait3A_677] : memref<80000x128xf32, #tpu.memory_space<hbm>> -> memref<80000x128xf32, #tpu.memory_space<hbm>>
      tpu.wait_indirect_dma semaphore(%arg16 : memref<!tpu.dma_semaphore, #tpu.memory_space<semaphore_mem>>) src(%dma_wait3A_678 : memref<80000x128xf32, #tpu.memory_space<hbm>>) dst(%arg10 : memref<80x128xf32, #tpu.memory_space<vmem>>)
      %add3A_679 = arith.constant 4 : i32
      %add3A_680 = arith.addi %mul3A_462, %add3A_679 : i32
      %dma_start3A_681 = arith.constant 0 : i32
      %dma_start3A_682 = tpu.memref_slice %arg9[%add3A_680, %dma_start3A_681] : memref<32x80xi32, #tpu.memory_space<vmem>> -> memref<1x80xi32, #tpu.memory_space<vmem>>
      %dma_start3A_683 = tpu.memref_squeeze %dma_start3A_682 : memref<1x80xi32, #tpu.memory_space<vmem>> -> memref<80xi32, #tpu.memory_space<vmem>>
      %dma_start3A_684 = arith.constant 0 : i32
      %dma_start3A_685 = arith.constant 0 : i32
      %dma_start3A_686 = tpu.memref_slice %arg14[%dma_start3A_684, %dma_start3A_685] : memref<10000x128xf32, #tpu.memory_space<vmem_shared>> -> memref<10000x128xf32, #tpu.memory_space<vmem_shared>>
      tpu.enqueue_indirect_dma source(%arg10 : memref<80x128xf32, #tpu.memory_space<vmem>>) target(%dma_start3A_686 : memref<10000x128xf32, #tpu.memory_space<vmem_shared>>) offsets(%dma_start3A_683 : memref<80xi32, #tpu.memory_space<vmem>>) semaphore(%arg20 : memref<!tpu.dma_semaphore, #tpu.memory_space<semaphore_mem>>) {add = true}
      %dma_wait3A_687 = arith.constant 0 : i32
      %dma_wait3A_688 = tpu.memref_slice %arg9[%add3A_680, %dma_wait3A_687] : memref<32x80xi32, #tpu.memory_space<vmem>> -> memref<1x80xi32, #tpu.memory_space<vmem>>
      %dma_wait3A_689 = tpu.memref_squeeze %dma_wait3A_688 : memref<1x80xi32, #tpu.memory_space<vmem>> -> memref<80xi32, #tpu.memory_space<vmem>>
      %dma_wait3A_690 = arith.constant 0 : i32
      %dma_wait3A_691 = arith.constant 0 : i32
      %dma_wait3A_692 = tpu.memref_slice %arg14[%dma_wait3A_690, %dma_wait3A_691] : memref<10000x128xf32, #tpu.memory_space<vmem_shared>> -> memref<10000x128xf32, #tpu.memory_space<vmem_shared>>
      tpu.wait_indirect_dma semaphore(%arg20 : memref<!tpu.dma_semaphore, #tpu.memory_space<semaphore_mem>>) src(%arg10 : memref<80x128xf32, #tpu.memory_space<vmem>>) dst(%dma_wait3A_692 : memref<10000x128xf32, #tpu.memory_space<vmem_shared>>)
      %add3A_693 = arith.constant 4 : i32
      %add3A_694 = arith.addi %mul3A_462, %add3A_693 : i32
      %add3A_695 = arith.constant 4 : i32
      %add3A_696 = arith.addi %add3A_694, %add3A_695 : i32
      %dma_start3A_697 = arith.constant 0 : i32
      %dma_start3A_698 = tpu.memref_slice %arg8[%add3A_696, %dma_start3A_697] : memref<32x80xi32, #tpu.memory_space<vmem>> -> memref<1x80xi32, #tpu.memory_space<vmem>>
      %dma_start3A_699 = tpu.memref_squeeze %dma_start3A_698 : memref<1x80xi32, #tpu.memory_space<vmem>> -> memref<80xi32, #tpu.memory_space<vmem>>
      %dma_start3A_700 = arith.constant 0 : i32
      %dma_start3A_701 = arith.constant 0 : i32
      %dma_start3A_702 = tpu.memref_slice %arg4[%dma_start3A_700, %dma_start3A_701] : memref<80000x128xf32, #tpu.memory_space<hbm>> -> memref<80000x128xf32, #tpu.memory_space<hbm>>
      tpu.enqueue_indirect_dma source(%dma_start3A_702 : memref<80000x128xf32, #tpu.memory_space<hbm>>) target(%arg10 : memref<80x128xf32, #tpu.memory_space<vmem>>) offsets(%dma_start3A_699 : memref<80xi32, #tpu.memory_space<vmem>>) semaphore(%arg16 : memref<!tpu.dma_semaphore, #tpu.memory_space<semaphore_mem>>)
      %dma_wait3A_703 = arith.constant 0 : i32
      %dma_wait3A_704 = tpu.memref_slice %arg8[%add3A_606, %dma_wait3A_703] : memref<32x80xi32, #tpu.memory_space<vmem>> -> memref<1x80xi32, #tpu.memory_space<vmem>>
      %dma_wait3A_705 = tpu.memref_squeeze %dma_wait3A_704 : memref<1x80xi32, #tpu.memory_space<vmem>> -> memref<80xi32, #tpu.memory_space<vmem>>
      %dma_wait3A_706 = arith.constant 0 : i32
      %dma_wait3A_707 = arith.constant 0 : i32
      %dma_wait3A_708 = tpu.memref_slice %arg4[%dma_wait3A_706, %dma_wait3A_707] : memref<80000x128xf32, #tpu.memory_space<hbm>> -> memref<80000x128xf32, #tpu.memory_space<hbm>>
      tpu.wait_indirect_dma semaphore(%arg17 : memref<!tpu.dma_semaphore, #tpu.memory_space<semaphore_mem>>) src(%dma_wait3A_708 : memref<80000x128xf32, #tpu.memory_space<hbm>>) dst(%arg11 : memref<80x128xf32, #tpu.memory_space<vmem>>)
      %add3A_709 = arith.constant 5 : i32
      %add3A_710 = arith.addi %mul3A_462, %add3A_709 : i32
      %dma_start3A_711 = arith.constant 0 : i32
      %dma_start3A_712 = tpu.memref_slice %arg9[%add3A_710, %dma_start3A_711] : memref<32x80xi32, #tpu.memory_space<vmem>> -> memref<1x80xi32, #tpu.memory_space<vmem>>
      %dma_start3A_713 = tpu.memref_squeeze %dma_start3A_712 : memref<1x80xi32, #tpu.memory_space<vmem>> -> memref<80xi32, #tpu.memory_space<vmem>>
      %dma_start3A_714 = arith.constant 0 : i32
      %dma_start3A_715 = arith.constant 0 : i32
      %dma_start3A_716 = tpu.memref_slice %arg14[%dma_start3A_714, %dma_start3A_715] : memref<10000x128xf32, #tpu.memory_space<vmem_shared>> -> memref<10000x128xf32, #tpu.memory_space<vmem_shared>>
      tpu.enqueue_indirect_dma source(%arg11 : memref<80x128xf32, #tpu.memory_space<vmem>>) target(%dma_start3A_716 : memref<10000x128xf32, #tpu.memory_space<vmem_shared>>) offsets(%dma_start3A_713 : memref<80xi32, #tpu.memory_space<vmem>>) semaphore(%arg21 : memref<!tpu.dma_semaphore, #tpu.memory_space<semaphore_mem>>) {add = true}
      %dma_wait3A_717 = arith.constant 0 : i32
      %dma_wait3A_718 = tpu.memref_slice %arg9[%add3A_710, %dma_wait3A_717] : memref<32x80xi32, #tpu.memory_space<vmem>> -> memref<1x80xi32, #tpu.memory_space<vmem>>
      %dma_wait3A_719 = tpu.memref_squeeze %dma_wait3A_718 : memref<1x80xi32, #tpu.memory_space<vmem>> -> memref<80xi32, #tpu.memory_space<vmem>>
      %dma_wait3A_720 = arith.constant 0 : i32
      %dma_wait3A_721 = arith.constant 0 : i32
      %dma_wait3A_722 = tpu.memref_slice %arg14[%dma_wait3A_720, %dma_wait3A_721] : memref<10000x128xf32, #tpu.memory_space<vmem_shared>> -> memref<10000x128xf32, #tpu.memory_space<vmem_shared>>
      tpu.wait_indirect_dma semaphore(%arg21 : memref<!tpu.dma_semaphore, #tpu.memory_space<semaphore_mem>>) src(%arg11 : memref<80x128xf32, #tpu.memory_space<vmem>>) dst(%dma_wait3A_722 : memref<10000x128xf32, #tpu.memory_space<vmem_shared>>)
      %add3A_723 = arith.constant 5 : i32
      %add3A_724 = arith.addi %mul3A_462, %add3A_723 : i32
      %add3A_725 = arith.constant 4 : i32
      %add3A_726 = arith.addi %add3A_724, %add3A_725 : i32
      %dma_start3A_727 = arith.constant 0 : i32
      %dma_start3A_728 = tpu.memref_slice %arg8[%add3A_726, %dma_start3A_727] : memref<32x80xi32, #tpu.memory_space<vmem>> -> memref<1x80xi32, #tpu.memory_space<vmem>>
      %dma_start3A_729 = tpu.memref_squeeze %dma_start3A_728 : memref<1x80xi32, #tpu.memory_space<vmem>> -> memref<80xi32, #tpu.memory_space<vmem>>
      %dma_start3A_730 = arith.constant 0 : i32
      %dma_start3A_731 = arith.constant 0 : i32
      %dma_start3A_732 = tpu.memref_slice %arg4[%dma_start3A_730, %dma_start3A_731] : memref<80000x128xf32, #tpu.memory_space<hbm>> -> memref<80000x128xf32, #tpu.memory_space<hbm>>
      tpu.enqueue_indirect_dma source(%dma_start3A_732 : memref<80000x128xf32, #tpu.memory_space<hbm>>) target(%arg11 : memref<80x128xf32, #tpu.memory_space<vmem>>) offsets(%dma_start3A_729 : memref<80xi32, #tpu.memory_space<vmem>>) semaphore(%arg17 : memref<!tpu.dma_semaphore, #tpu.memory_space<semaphore_mem>>)
      %dma_wait3A_733 = arith.constant 0 : i32
      %dma_wait3A_734 = tpu.memref_slice %arg8[%add3A_636, %dma_wait3A_733] : memref<32x80xi32, #tpu.memory_space<vmem>> -> memref<1x80xi32, #tpu.memory_space<vmem>>
      %dma_wait3A_735 = tpu.memref_squeeze %dma_wait3A_734 : memref<1x80xi32, #tpu.memory_space<vmem>> -> memref<80xi32, #tpu.memory_space<vmem>>
      %dma_wait3A_736 = arith.constant 0 : i32
      %dma_wait3A_737 = arith.constant 0 : i32
      %dma_wait3A_738 = tpu.memref_slice %arg4[%dma_wait3A_736, %dma_wait3A_737] : memref<80000x128xf32, #tpu.memory_space<hbm>> -> memref<80000x128xf32, #tpu.memory_space<hbm>>
      tpu.wait_indirect_dma semaphore(%arg18 : memref<!tpu.dma_semaphore, #tpu.memory_space<semaphore_mem>>) src(%dma_wait3A_738 : memref<80000x128xf32, #tpu.memory_space<hbm>>) dst(%arg12 : memref<80x128xf32, #tpu.memory_space<vmem>>)
      %add3A_739 = arith.constant 6 : i32
      %add3A_740 = arith.addi %mul3A_462, %add3A_739 : i32
      %dma_start3A_741 = arith.constant 0 : i32
      %dma_start3A_742 = tpu.memref_slice %arg9[%add3A_740, %dma_start3A_741] : memref<32x80xi32, #tpu.memory_space<vmem>> -> memref<1x80xi32, #tpu.memory_space<vmem>>
      %dma_start3A_743 = tpu.memref_squeeze %dma_start3A_742 : memref<1x80xi32, #tpu.memory_space<vmem>> -> memref<80xi32, #tpu.memory_space<vmem>>
      %dma_start3A_744 = arith.constant 0 : i32
      %dma_start3A_745 = arith.constant 0 : i32
      %dma_start3A_746 = tpu.memref_slice %arg14[%dma_start3A_744, %dma_start3A_745] : memref<10000x128xf32, #tpu.memory_space<vmem_shared>> -> memref<10000x128xf32, #tpu.memory_space<vmem_shared>>
      tpu.enqueue_indirect_dma source(%arg12 : memref<80x128xf32, #tpu.memory_space<vmem>>) target(%dma_start3A_746 : memref<10000x128xf32, #tpu.memory_space<vmem_shared>>) offsets(%dma_start3A_743 : memref<80xi32, #tpu.memory_space<vmem>>) semaphore(%arg22 : memref<!tpu.dma_semaphore, #tpu.memory_space<semaphore_mem>>) {add = true}
      %dma_wait3A_747 = arith.constant 0 : i32
      %dma_wait3A_748 = tpu.memref_slice %arg9[%add3A_740, %dma_wait3A_747] : memref<32x80xi32, #tpu.memory_space<vmem>> -> memref<1x80xi32, #tpu.memory_space<vmem>>
      %dma_wait3A_749 = tpu.memref_squeeze %dma_wait3A_748 : memref<1x80xi32, #tpu.memory_space<vmem>> -> memref<80xi32, #tpu.memory_space<vmem>>
      %dma_wait3A_750 = arith.constant 0 : i32
      %dma_wait3A_751 = arith.constant 0 : i32
      %dma_wait3A_752 = tpu.memref_slice %arg14[%dma_wait3A_750, %dma_wait3A_751] : memref<10000x128xf32, #tpu.memory_space<vmem_shared>> -> memref<10000x128xf32, #tpu.memory_space<vmem_shared>>
      tpu.wait_indirect_dma semaphore(%arg22 : memref<!tpu.dma_semaphore, #tpu.memory_space<semaphore_mem>>) src(%arg12 : memref<80x128xf32, #tpu.memory_space<vmem>>) dst(%dma_wait3A_752 : memref<10000x128xf32, #tpu.memory_space<vmem_shared>>)
      %add3A_753 = arith.constant 6 : i32
      %add3A_754 = arith.addi %mul3A_462, %add3A_753 : i32
      %add3A_755 = arith.constant 4 : i32
      %add3A_756 = arith.addi %add3A_754, %add3A_755 : i32
      %dma_start3A_757 = arith.constant 0 : i32
      %dma_start3A_758 = tpu.memref_slice %arg8[%add3A_756, %dma_start3A_757] : memref<32x80xi32, #tpu.memory_space<vmem>> -> memref<1x80xi32, #tpu.memory_space<vmem>>
      %dma_start3A_759 = tpu.memref_squeeze %dma_start3A_758 : memref<1x80xi32, #tpu.memory_space<vmem>> -> memref<80xi32, #tpu.memory_space<vmem>>
      %dma_start3A_760 = arith.constant 0 : i32
      %dma_start3A_761 = arith.constant 0 : i32
      %dma_start3A_762 = tpu.memref_slice %arg4[%dma_start3A_760, %dma_start3A_761] : memref<80000x128xf32, #tpu.memory_space<hbm>> -> memref<80000x128xf32, #tpu.memory_space<hbm>>
      tpu.enqueue_indirect_dma source(%dma_start3A_762 : memref<80000x128xf32, #tpu.memory_space<hbm>>) target(%arg12 : memref<80x128xf32, #tpu.memory_space<vmem>>) offsets(%dma_start3A_759 : memref<80xi32, #tpu.memory_space<vmem>>) semaphore(%arg18 : memref<!tpu.dma_semaphore, #tpu.memory_space<semaphore_mem>>)
      %dma_wait3A_763 = arith.constant 0 : i32
      %dma_wait3A_764 = tpu.memref_slice %arg8[%add3A_666, %dma_wait3A_763] : memref<32x80xi32, #tpu.memory_space<vmem>> -> memref<1x80xi32, #tpu.memory_space<vmem>>
      %dma_wait3A_765 = tpu.memref_squeeze %dma_wait3A_764 : memref<1x80xi32, #tpu.memory_space<vmem>> -> memref<80xi32, #tpu.memory_space<vmem>>
      %dma_wait3A_766 = arith.constant 0 : i32
      %dma_wait3A_767 = arith.constant 0 : i32
      %dma_wait3A_768 = tpu.memref_slice %arg4[%dma_wait3A_766, %dma_wait3A_767] : memref<80000x128xf32, #tpu.memory_space<hbm>> -> memref<80000x128xf32, #tpu.memory_space<hbm>>
      tpu.wait_indirect_dma semaphore(%arg19 : memref<!tpu.dma_semaphore, #tpu.memory_space<semaphore_mem>>) src(%dma_wait3A_768 : memref<80000x128xf32, #tpu.memory_space<hbm>>) dst(%arg13 : memref<80x128xf32, #tpu.memory_space<vmem>>)
      %add3A_769 = arith.constant 7 : i32
      %add3A_770 = arith.addi %mul3A_462, %add3A_769 : i32
      %dma_start3A_771 = arith.constant 0 : i32
      %dma_start3A_772 = tpu.memref_slice %arg9[%add3A_770, %dma_start3A_771] : memref<32x80xi32, #tpu.memory_space<vmem>> -> memref<1x80xi32, #tpu.memory_space<vmem>>
      %dma_start3A_773 = tpu.memref_squeeze %dma_start3A_772 : memref<1x80xi32, #tpu.memory_space<vmem>> -> memref<80xi32, #tpu.memory_space<vmem>>
      %dma_start3A_774 = arith.constant 0 : i32
      %dma_start3A_775 = arith.constant 0 : i32
      %dma_start3A_776 = tpu.memref_slice %arg14[%dma_start3A_774, %dma_start3A_775] : memref<10000x128xf32, #tpu.memory_space<vmem_shared>> -> memref<10000x128xf32, #tpu.memory_space<vmem_shared>>
      tpu.enqueue_indirect_dma source(%arg13 : memref<80x128xf32, #tpu.memory_space<vmem>>) target(%dma_start3A_776 : memref<10000x128xf32, #tpu.memory_space<vmem_shared>>) offsets(%dma_start3A_773 : memref<80xi32, #tpu.memory_space<vmem>>) semaphore(%arg23 : memref<!tpu.dma_semaphore, #tpu.memory_space<semaphore_mem>>) {add = true}
      %dma_wait3A_777 = arith.constant 0 : i32
      %dma_wait3A_778 = tpu.memref_slice %arg9[%add3A_770, %dma_wait3A_777] : memref<32x80xi32, #tpu.memory_space<vmem>> -> memref<1x80xi32, #tpu.memory_space<vmem>>
      %dma_wait3A_779 = tpu.memref_squeeze %dma_wait3A_778 : memref<1x80xi32, #tpu.memory_space<vmem>> -> memref<80xi32, #tpu.memory_space<vmem>>
      %dma_wait3A_780 = arith.constant 0 : i32
      %dma_wait3A_781 = arith.constant 0 : i32
      %dma_wait3A_782 = tpu.memref_slice %arg14[%dma_wait3A_780, %dma_wait3A_781] : memref<10000x128xf32, #tpu.memory_space<vmem_shared>> -> memref<10000x128xf32, #tpu.memory_space<vmem_shared>>
      tpu.wait_indirect_dma semaphore(%arg23 : memref<!tpu.dma_semaphore, #tpu.memory_space<semaphore_mem>>) src(%arg13 : memref<80x128xf32, #tpu.memory_space<vmem>>) dst(%dma_wait3A_782 : memref<10000x128xf32, #tpu.memory_space<vmem_shared>>)
      %add3A_783 = arith.constant 7 : i32
      %add3A_784 = arith.addi %mul3A_462, %add3A_783 : i32
      %add3A_785 = arith.constant 4 : i32
      %add3A_786 = arith.addi %add3A_784, %add3A_785 : i32
      %dma_start3A_787 = arith.constant 0 : i32
      %dma_start3A_788 = tpu.memref_slice %arg8[%add3A_786, %dma_start3A_787] : memref<32x80xi32, #tpu.memory_space<vmem>> -> memref<1x80xi32, #tpu.memory_space<vmem>>
      %dma_start3A_789 = tpu.memref_squeeze %dma_start3A_788 : memref<1x80xi32, #tpu.memory_space<vmem>> -> memref<80xi32, #tpu.memory_space<vmem>>
      %dma_start3A_790 = arith.constant 0 : i32
      %dma_start3A_791 = arith.constant 0 : i32
      %dma_start3A_792 = tpu.memref_slice %arg4[%dma_start3A_790, %dma_start3A_791] : memref<80000x128xf32, #tpu.memory_space<hbm>> -> memref<80000x128xf32, #tpu.memory_space<hbm>>
      tpu.enqueue_indirect_dma source(%dma_start3A_792 : memref<80000x128xf32, #tpu.memory_space<hbm>>) target(%arg13 : memref<80x128xf32, #tpu.memory_space<vmem>>) offsets(%dma_start3A_789 : memref<80xi32, #tpu.memory_space<vmem>>) semaphore(%arg19 : memref<!tpu.dma_semaphore, #tpu.memory_space<semaphore_mem>>)
      %dma_wait3A_793 = arith.constant 0 : i32
      %dma_wait3A_794 = tpu.memref_slice %arg8[%add3A_696, %dma_wait3A_793] : memref<32x80xi32, #tpu.memory_space<vmem>> -> memref<1x80xi32, #tpu.memory_space<vmem>>
      %dma_wait3A_795 = tpu.memref_squeeze %dma_wait3A_794 : memref<1x80xi32, #tpu.memory_space<vmem>> -> memref<80xi32, #tpu.memory_space<vmem>>
      %dma_wait3A_796 = arith.constant 0 : i32
      %dma_wait3A_797 = arith.constant 0 : i32
      %dma_wait3A_798 = tpu.memref_slice %arg4[%dma_wait3A_796, %dma_wait3A_797] : memref<80000x128xf32, #tpu.memory_space<hbm>> -> memref<80000x128xf32, #tpu.memory_space<hbm>>
      tpu.wait_indirect_dma semaphore(%arg16 : memref<!tpu.dma_semaphore, #tpu.memory_space<semaphore_mem>>) src(%dma_wait3A_798 : memref<80000x128xf32, #tpu.memory_space<hbm>>) dst(%arg10 : memref<80x128xf32, #tpu.memory_space<vmem>>)
      %add3A_799 = arith.constant 8 : i32
      %add3A_800 = arith.addi %mul3A_462, %add3A_799 : i32
      %dma_start3A_801 = arith.constant 0 : i32
      %dma_start3A_802 = tpu.memref_slice %arg9[%add3A_800, %dma_start3A_801] : memref<32x80xi32, #tpu.memory_space<vmem>> -> memref<1x80xi32, #tpu.memory_space<vmem>>
      %dma_start3A_803 = tpu.memref_squeeze %dma_start3A_802 : memref<1x80xi32, #tpu.memory_space<vmem>> -> memref<80xi32, #tpu.memory_space<vmem>>
      %dma_start3A_804 = arith.constant 0 : i32
      %dma_start3A_805 = arith.constant 0 : i32
      %dma_start3A_806 = tpu.memref_slice %arg14[%dma_start3A_804, %dma_start3A_805] : memref<10000x128xf32, #tpu.memory_space<vmem_shared>> -> memref<10000x128xf32, #tpu.memory_space<vmem_shared>>
      tpu.enqueue_indirect_dma source(%arg10 : memref<80x128xf32, #tpu.memory_space<vmem>>) target(%dma_start3A_806 : memref<10000x128xf32, #tpu.memory_space<vmem_shared>>) offsets(%dma_start3A_803 : memref<80xi32, #tpu.memory_space<vmem>>) semaphore(%arg20 : memref<!tpu.dma_semaphore, #tpu.memory_space<semaphore_mem>>) {add = true}
      %dma_wait3A_807 = arith.constant 0 : i32
      %dma_wait3A_808 = tpu.memref_slice %arg9[%add3A_800, %dma_wait3A_807] : memref<32x80xi32, #tpu.memory_space<vmem>> -> memref<1x80xi32, #tpu.memory_space<vmem>>
      %dma_wait3A_809 = tpu.memref_squeeze %dma_wait3A_808 : memref<1x80xi32, #tpu.memory_space<vmem>> -> memref<80xi32, #tpu.memory_space<vmem>>
      %dma_wait3A_810 = arith.constant 0 : i32
      %dma_wait3A_811 = arith.constant 0 : i32
      %dma_wait3A_812 = tpu.memref_slice %arg14[%dma_wait3A_810, %dma_wait3A_811] : memref<10000x128xf32, #tpu.memory_space<vmem_shared>> -> memref<10000x128xf32, #tpu.memory_space<vmem_shared>>
      tpu.wait_indirect_dma semaphore(%arg20 : memref<!tpu.dma_semaphore, #tpu.memory_space<semaphore_mem>>) src(%arg10 : memref<80x128xf32, #tpu.memory_space<vmem>>) dst(%dma_wait3A_812 : memref<10000x128xf32, #tpu.memory_space<vmem_shared>>)
      %add3A_813 = arith.constant 8 : i32
      %add3A_814 = arith.addi %mul3A_462, %add3A_813 : i32
      %add3A_815 = arith.constant 4 : i32
      %add3A_816 = arith.addi %add3A_814, %add3A_815 : i32
      %dma_start3A_817 = arith.constant 0 : i32
      %dma_start3A_818 = tpu.memref_slice %arg8[%add3A_816, %dma_start3A_817] : memref<32x80xi32, #tpu.memory_space<vmem>> -> memref<1x80xi32, #tpu.memory_space<vmem>>
      %dma_start3A_819 = tpu.memref_squeeze %dma_start3A_818 : memref<1x80xi32, #tpu.memory_space<vmem>> -> memref<80xi32, #tpu.memory_space<vmem>>
      %dma_start3A_820 = arith.constant 0 : i32
      %dma_start3A_821 = arith.constant 0 : i32
      %dma_start3A_822 = tpu.memref_slice %arg4[%dma_start3A_820, %dma_start3A_821] : memref<80000x128xf32, #tpu.memory_space<hbm>> -> memref<80000x128xf32, #tpu.memory_space<hbm>>
      tpu.enqueue_indirect_dma source(%dma_start3A_822 : memref<80000x128xf32, #tpu.memory_space<hbm>>) target(%arg10 : memref<80x128xf32, #tpu.memory_space<vmem>>) offsets(%dma_start3A_819 : memref<80xi32, #tpu.memory_space<vmem>>) semaphore(%arg16 : memref<!tpu.dma_semaphore, #tpu.memory_space<semaphore_mem>>)
      %dma_wait3A_823 = arith.constant 0 : i32
      %dma_wait3A_824 = tpu.memref_slice %arg8[%add3A_726, %dma_wait3A_823] : memref<32x80xi32, #tpu.memory_space<vmem>> -> memref<1x80xi32, #tpu.memory_space<vmem>>
      %dma_wait3A_825 = tpu.memref_squeeze %dma_wait3A_824 : memref<1x80xi32, #tpu.memory_space<vmem>> -> memref<80xi32, #tpu.memory_space<vmem>>
      %dma_wait3A_826 = arith.constant 0 : i32
      %dma_wait3A_827 = arith.constant 0 : i32
      %dma_wait3A_828 = tpu.memref_slice %arg4[%dma_wait3A_826, %dma_wait3A_827] : memref<80000x128xf32, #tpu.memory_space<hbm>> -> memref<80000x128xf32, #tpu.memory_space<hbm>>
      tpu.wait_indirect_dma semaphore(%arg17 : memref<!tpu.dma_semaphore, #tpu.memory_space<semaphore_mem>>) src(%dma_wait3A_828 : memref<80000x128xf32, #tpu.memory_space<hbm>>) dst(%arg11 : memref<80x128xf32, #tpu.memory_space<vmem>>)
      %add3A_829 = arith.constant 9 : i32
      %add3A_830 = arith.addi %mul3A_462, %add3A_829 : i32
      %dma_start3A_831 = arith.constant 0 : i32
      %dma_start3A_832 = tpu.memref_slice %arg9[%add3A_830, %dma_start3A_831] : memref<32x80xi32, #tpu.memory_space<vmem>> -> memref<1x80xi32, #tpu.memory_space<vmem>>
      %dma_start3A_833 = tpu.memref_squeeze %dma_start3A_832 : memref<1x80xi32, #tpu.memory_space<vmem>> -> memref<80xi32, #tpu.memory_space<vmem>>
      %dma_start3A_834 = arith.constant 0 : i32
      %dma_start3A_835 = arith.constant 0 : i32
      %dma_start3A_836 = tpu.memref_slice %arg14[%dma_start3A_834, %dma_start3A_835] : memref<10000x128xf32, #tpu.memory_space<vmem_shared>> -> memref<10000x128xf32, #tpu.memory_space<vmem_shared>>
      tpu.enqueue_indirect_dma source(%arg11 : memref<80x128xf32, #tpu.memory_space<vmem>>) target(%dma_start3A_836 : memref<10000x128xf32, #tpu.memory_space<vmem_shared>>) offsets(%dma_start3A_833 : memref<80xi32, #tpu.memory_space<vmem>>) semaphore(%arg21 : memref<!tpu.dma_semaphore, #tpu.memory_space<semaphore_mem>>) {add = true}
      %dma_wait3A_837 = arith.constant 0 : i32
      %dma_wait3A_838 = tpu.memref_slice %arg9[%add3A_830, %dma_wait3A_837] : memref<32x80xi32, #tpu.memory_space<vmem>> -> memref<1x80xi32, #tpu.memory_space<vmem>>
      %dma_wait3A_839 = tpu.memref_squeeze %dma_wait3A_838 : memref<1x80xi32, #tpu.memory_space<vmem>> -> memref<80xi32, #tpu.memory_space<vmem>>
      %dma_wait3A_840 = arith.constant 0 : i32
      %dma_wait3A_841 = arith.constant 0 : i32
      %dma_wait3A_842 = tpu.memref_slice %arg14[%dma_wait3A_840, %dma_wait3A_841] : memref<10000x128xf32, #tpu.memory_space<vmem_shared>> -> memref<10000x128xf32, #tpu.memory_space<vmem_shared>>
      tpu.wait_indirect_dma semaphore(%arg21 : memref<!tpu.dma_semaphore, #tpu.memory_space<semaphore_mem>>) src(%arg11 : memref<80x128xf32, #tpu.memory_space<vmem>>) dst(%dma_wait3A_842 : memref<10000x128xf32, #tpu.memory_space<vmem_shared>>)
      %add3A_843 = arith.constant 9 : i32
      %add3A_844 = arith.addi %mul3A_462, %add3A_843 : i32
      %add3A_845 = arith.constant 4 : i32
      %add3A_846 = arith.addi %add3A_844, %add3A_845 : i32
      %dma_start3A_847 = arith.constant 0 : i32
      %dma_start3A_848 = tpu.memref_slice %arg8[%add3A_846, %dma_start3A_847] : memref<32x80xi32, #tpu.memory_space<vmem>> -> memref<1x80xi32, #tpu.memory_space<vmem>>
      %dma_start3A_849 = tpu.memref_squeeze %dma_start3A_848 : memref<1x80xi32, #tpu.memory_space<vmem>> -> memref<80xi32, #tpu.memory_space<vmem>>
      %dma_start3A_850 = arith.constant 0 : i32
      %dma_start3A_851 = arith.constant 0 : i32
      %dma_start3A_852 = tpu.memref_slice %arg4[%dma_start3A_850, %dma_start3A_851] : memref<80000x128xf32, #tpu.memory_space<hbm>> -> memref<80000x128xf32, #tpu.memory_space<hbm>>
      tpu.enqueue_indirect_dma source(%dma_start3A_852 : memref<80000x128xf32, #tpu.memory_space<hbm>>) target(%arg11 : memref<80x128xf32, #tpu.memory_space<vmem>>) offsets(%dma_start3A_849 : memref<80xi32, #tpu.memory_space<vmem>>) semaphore(%arg17 : memref<!tpu.dma_semaphore, #tpu.memory_space<semaphore_mem>>)
      %dma_wait3A_853 = arith.constant 0 : i32
      %dma_wait3A_854 = tpu.memref_slice %arg8[%add3A_756, %dma_wait3A_853] : memref<32x80xi32, #tpu.memory_space<vmem>> -> memref<1x80xi32, #tpu.memory_space<vmem>>
      %dma_wait3A_855 = tpu.memref_squeeze %dma_wait3A_854 : memref<1x80xi32, #tpu.memory_space<vmem>> -> memref<80xi32, #tpu.memory_space<vmem>>
      %dma_wait3A_856 = arith.constant 0 : i32
      %dma_wait3A_857 = arith.constant 0 : i32
      %dma_wait3A_858 = tpu.memref_slice %arg4[%dma_wait3A_856, %dma_wait3A_857] : memref<80000x128xf32, #tpu.memory_space<hbm>> -> memref<80000x128xf32, #tpu.memory_space<hbm>>
      tpu.wait_indirect_dma semaphore(%arg18 : memref<!tpu.dma_semaphore, #tpu.memory_space<semaphore_mem>>) src(%dma_wait3A_858 : memref<80000x128xf32, #tpu.memory_space<hbm>>) dst(%arg12 : memref<80x128xf32, #tpu.memory_space<vmem>>)
      %add3A_859 = arith.constant 10 : i32
      %add3A_860 = arith.addi %mul3A_462, %add3A_859 : i32
      %dma_start3A_861 = arith.constant 0 : i32
      %dma_start3A_862 = tpu.memref_slice %arg9[%add3A_860, %dma_start3A_861] : memref<32x80xi32, #tpu.memory_space<vmem>> -> memref<1x80xi32, #tpu.memory_space<vmem>>
      %dma_start3A_863 = tpu.memref_squeeze %dma_start3A_862 : memref<1x80xi32, #tpu.memory_space<vmem>> -> memref<80xi32, #tpu.memory_space<vmem>>
      %dma_start3A_864 = arith.constant 0 : i32
      %dma_start3A_865 = arith.constant 0 : i32
      %dma_start3A_866 = tpu.memref_slice %arg14[%dma_start3A_864, %dma_start3A_865] : memref<10000x128xf32, #tpu.memory_space<vmem_shared>> -> memref<10000x128xf32, #tpu.memory_space<vmem_shared>>
      tpu.enqueue_indirect_dma source(%arg12 : memref<80x128xf32, #tpu.memory_space<vmem>>) target(%dma_start3A_866 : memref<10000x128xf32, #tpu.memory_space<vmem_shared>>) offsets(%dma_start3A_863 : memref<80xi32, #tpu.memory_space<vmem>>) semaphore(%arg22 : memref<!tpu.dma_semaphore, #tpu.memory_space<semaphore_mem>>) {add = true}
      %dma_wait3A_867 = arith.constant 0 : i32
      %dma_wait3A_868 = tpu.memref_slice %arg9[%add3A_860, %dma_wait3A_867] : memref<32x80xi32, #tpu.memory_space<vmem>> -> memref<1x80xi32, #tpu.memory_space<vmem>>
      %dma_wait3A_869 = tpu.memref_squeeze %dma_wait3A_868 : memref<1x80xi32, #tpu.memory_space<vmem>> -> memref<80xi32, #tpu.memory_space<vmem>>
      %dma_wait3A_870 = arith.constant 0 : i32
      %dma_wait3A_871 = arith.constant 0 : i32
      %dma_wait3A_872 = tpu.memref_slice %arg14[%dma_wait3A_870, %dma_wait3A_871] : memref<10000x128xf32, #tpu.memory_space<vmem_shared>> -> memref<10000x128xf32, #tpu.memory_space<vmem_shared>>
      tpu.wait_indirect_dma semaphore(%arg22 : memref<!tpu.dma_semaphore, #tpu.memory_space<semaphore_mem>>) src(%arg12 : memref<80x128xf32, #tpu.memory_space<vmem>>) dst(%dma_wait3A_872 : memref<10000x128xf32, #tpu.memory_space<vmem_shared>>)
      %add3A_873 = arith.constant 10 : i32
      %add3A_874 = arith.addi %mul3A_462, %add3A_873 : i32
      %add3A_875 = arith.constant 4 : i32
      %add3A_876 = arith.addi %add3A_874, %add3A_875 : i32
      %dma_start3A_877 = arith.constant 0 : i32
      %dma_start3A_878 = tpu.memref_slice %arg8[%add3A_876, %dma_start3A_877] : memref<32x80xi32, #tpu.memory_space<vmem>> -> memref<1x80xi32, #tpu.memory_space<vmem>>
      %dma_start3A_879 = tpu.memref_squeeze %dma_start3A_878 : memref<1x80xi32, #tpu.memory_space<vmem>> -> memref<80xi32, #tpu.memory_space<vmem>>
      %dma_start3A_880 = arith.constant 0 : i32
      %dma_start3A_881 = arith.constant 0 : i32
      %dma_start3A_882 = tpu.memref_slice %arg4[%dma_start3A_880, %dma_start3A_881] : memref<80000x128xf32, #tpu.memory_space<hbm>> -> memref<80000x128xf32, #tpu.memory_space<hbm>>
      tpu.enqueue_indirect_dma source(%dma_start3A_882 : memref<80000x128xf32, #tpu.memory_space<hbm>>) target(%arg12 : memref<80x128xf32, #tpu.memory_space<vmem>>) offsets(%dma_start3A_879 : memref<80xi32, #tpu.memory_space<vmem>>) semaphore(%arg18 : memref<!tpu.dma_semaphore, #tpu.memory_space<semaphore_mem>>)
      %dma_wait3A_883 = arith.constant 0 : i32
      %dma_wait3A_884 = tpu.memref_slice %arg8[%add3A_786, %dma_wait3A_883] : memref<32x80xi32, #tpu.memory_space<vmem>> -> memref<1x80xi32, #tpu.memory_space<vmem>>
      %dma_wait3A_885 = tpu.memref_squeeze %dma_wait3A_884 : memref<1x80xi32, #tpu.memory_space<vmem>> -> memref<80xi32, #tpu.memory_space<vmem>>
      %dma_wait3A_886 = arith.constant 0 : i32
      %dma_wait3A_887 = arith.constant 0 : i32
      %dma_wait3A_888 = tpu.memref_slice %arg4[%dma_wait3A_886, %dma_wait3A_887] : memref<80000x128xf32, #tpu.memory_space<hbm>> -> memref<80000x128xf32, #tpu.memory_space<hbm>>
      tpu.wait_indirect_dma semaphore(%arg19 : memref<!tpu.dma_semaphore, #tpu.memory_space<semaphore_mem>>) src(%dma_wait3A_888 : memref<80000x128xf32, #tpu.memory_space<hbm>>) dst(%arg13 : memref<80x128xf32, #tpu.memory_space<vmem>>)
      %add3A_889 = arith.constant 11 : i32
      %add3A_890 = arith.addi %mul3A_462, %add3A_889 : i32
      %dma_start3A_891 = arith.constant 0 : i32
      %dma_start3A_892 = tpu.memref_slice %arg9[%add3A_890, %dma_start3A_891] : memref<32x80xi32, #tpu.memory_space<vmem>> -> memref<1x80xi32, #tpu.memory_space<vmem>>
      %dma_start3A_893 = tpu.memref_squeeze %dma_start3A_892 : memref<1x80xi32, #tpu.memory_space<vmem>> -> memref<80xi32, #tpu.memory_space<vmem>>
      %dma_start3A_894 = arith.constant 0 : i32
      %dma_start3A_895 = arith.constant 0 : i32
      %dma_start3A_896 = tpu.memref_slice %arg14[%dma_start3A_894, %dma_start3A_895] : memref<10000x128xf32, #tpu.memory_space<vmem_shared>> -> memref<10000x128xf32, #tpu.memory_space<vmem_shared>>
      tpu.enqueue_indirect_dma source(%arg13 : memref<80x128xf32, #tpu.memory_space<vmem>>) target(%dma_start3A_896 : memref<10000x128xf32, #tpu.memory_space<vmem_shared>>) offsets(%dma_start3A_893 : memref<80xi32, #tpu.memory_space<vmem>>) semaphore(%arg23 : memref<!tpu.dma_semaphore, #tpu.memory_space<semaphore_mem>>) {add = true}
      %dma_wait3A_897 = arith.constant 0 : i32
      %dma_wait3A_898 = tpu.memref_slice %arg9[%add3A_890, %dma_wait3A_897] : memref<32x80xi32, #tpu.memory_space<vmem>> -> memref<1x80xi32, #tpu.memory_space<vmem>>
      %dma_wait3A_899 = tpu.memref_squeeze %dma_wait3A_898 : memref<1x80xi32, #tpu.memory_space<vmem>> -> memref<80xi32, #tpu.memory_space<vmem>>
      %dma_wait3A_900 = arith.constant 0 : i32
      %dma_wait3A_901 = arith.constant 0 : i32
      %dma_wait3A_902 = tpu.memref_slice %arg14[%dma_wait3A_900, %dma_wait3A_901] : memref<10000x128xf32, #tpu.memory_space<vmem_shared>> -> memref<10000x128xf32, #tpu.memory_space<vmem_shared>>
      tpu.wait_indirect_dma semaphore(%arg23 : memref<!tpu.dma_semaphore, #tpu.memory_space<semaphore_mem>>) src(%arg13 : memref<80x128xf32, #tpu.memory_space<vmem>>) dst(%dma_wait3A_902 : memref<10000x128xf32, #tpu.memory_space<vmem_shared>>)
      %add3A_903 = arith.constant 11 : i32
      %add3A_904 = arith.addi %mul3A_462, %add3A_903 : i32
      %add3A_905 = arith.constant 4 : i32
      %add3A_906 = arith.addi %add3A_904, %add3A_905 : i32
      %dma_start3A_907 = arith.constant 0 : i32
      %dma_start3A_908 = tpu.memref_slice %arg8[%add3A_906, %dma_start3A_907] : memref<32x80xi32, #tpu.memory_space<vmem>> -> memref<1x80xi32, #tpu.memory_space<vmem>>
      %dma_start3A_909 = tpu.memref_squeeze %dma_start3A_908 : memref<1x80xi32, #tpu.memory_space<vmem>> -> memref<80xi32, #tpu.memory_space<vmem>>
      %dma_start3A_910 = arith.constant 0 : i32
      %dma_start3A_911 = arith.constant 0 : i32
      %dma_start3A_912 = tpu.memref_slice %arg4[%dma_start3A_910, %dma_start3A_911] : memref<80000x128xf32, #tpu.memory_space<hbm>> -> memref<80000x128xf32, #tpu.memory_space<hbm>>
      tpu.enqueue_indirect_dma source(%dma_start3A_912 : memref<80000x128xf32, #tpu.memory_space<hbm>>) target(%arg13 : memref<80x128xf32, #tpu.memory_space<vmem>>) offsets(%dma_start3A_909 : memref<80xi32, #tpu.memory_space<vmem>>) semaphore(%arg19 : memref<!tpu.dma_semaphore, #tpu.memory_space<semaphore_mem>>)
      %dma_wait3A_913 = arith.constant 0 : i32
      %dma_wait3A_914 = tpu.memref_slice %arg8[%add3A_816, %dma_wait3A_913] : memref<32x80xi32, #tpu.memory_space<vmem>> -> memref<1x80xi32, #tpu.memory_space<vmem>>
      %dma_wait3A_915 = tpu.memref_squeeze %dma_wait3A_914 : memref<1x80xi32, #tpu.memory_space<vmem>> -> memref<80xi32, #tpu.memory_space<vmem>>
      %dma_wait3A_916 = arith.constant 0 : i32
      %dma_wait3A_917 = arith.constant 0 : i32
      %dma_wait3A_918 = tpu.memref_slice %arg4[%dma_wait3A_916, %dma_wait3A_917] : memref<80000x128xf32, #tpu.memory_space<hbm>> -> memref<80000x128xf32, #tpu.memory_space<hbm>>
      tpu.wait_indirect_dma semaphore(%arg16 : memref<!tpu.dma_semaphore, #tpu.memory_space<semaphore_mem>>) src(%dma_wait3A_918 : memref<80000x128xf32, #tpu.memory_space<hbm>>) dst(%arg10 : memref<80x128xf32, #tpu.memory_space<vmem>>)
      %add3A_919 = arith.constant 12 : i32
      %add3A_920 = arith.addi %mul3A_462, %add3A_919 : i32
      %dma_start3A_921 = arith.constant 0 : i32
      %dma_start3A_922 = tpu.memref_slice %arg9[%add3A_920, %dma_start3A_921] : memref<32x80xi32, #tpu.memory_space<vmem>> -> memref<1x80xi32, #tpu.memory_space<vmem>>
      %dma_start3A_923 = tpu.memref_squeeze %dma_start3A_922 : memref<1x80xi32, #tpu.memory_space<vmem>> -> memref<80xi32, #tpu.memory_space<vmem>>
      %dma_start3A_924 = arith.constant 0 : i32
      %dma_start3A_925 = arith.constant 0 : i32
      %dma_start3A_926 = tpu.memref_slice %arg14[%dma_start3A_924, %dma_start3A_925] : memref<10000x128xf32, #tpu.memory_space<vmem_shared>> -> memref<10000x128xf32, #tpu.memory_space<vmem_shared>>
      tpu.enqueue_indirect_dma source(%arg10 : memref<80x128xf32, #tpu.memory_space<vmem>>) target(%dma_start3A_926 : memref<10000x128xf32, #tpu.memory_space<vmem_shared>>) offsets(%dma_start3A_923 : memref<80xi32, #tpu.memory_space<vmem>>) semaphore(%arg20 : memref<!tpu.dma_semaphore, #tpu.memory_space<semaphore_mem>>) {add = true}
      %dma_wait3A_927 = arith.constant 0 : i32
      %dma_wait3A_928 = tpu.memref_slice %arg8[%add3A_846, %dma_wait3A_927] : memref<32x80xi32, #tpu.memory_space<vmem>> -> memref<1x80xi32, #tpu.memory_space<vmem>>
      %dma_wait3A_929 = tpu.memref_squeeze %dma_wait3A_928 : memref<1x80xi32, #tpu.memory_space<vmem>> -> memref<80xi32, #tpu.memory_space<vmem>>
      %dma_wait3A_930 = arith.constant 0 : i32
      %dma_wait3A_931 = arith.constant 0 : i32
      %dma_wait3A_932 = tpu.memref_slice %arg4[%dma_wait3A_930, %dma_wait3A_931] : memref<80000x128xf32, #tpu.memory_space<hbm>> -> memref<80000x128xf32, #tpu.memory_space<hbm>>
      tpu.wait_indirect_dma semaphore(%arg17 : memref<!tpu.dma_semaphore, #tpu.memory_space<semaphore_mem>>) src(%dma_wait3A_932 : memref<80000x128xf32, #tpu.memory_space<hbm>>) dst(%arg11 : memref<80x128xf32, #tpu.memory_space<vmem>>)
      %add3A_933 = arith.constant 13 : i32
      %add3A_934 = arith.addi %mul3A_462, %add3A_933 : i32
      %dma_start3A_935 = arith.constant 0 : i32
      %dma_start3A_936 = tpu.memref_slice %arg9[%add3A_934, %dma_start3A_935] : memref<32x80xi32, #tpu.memory_space<vmem>> -> memref<1x80xi32, #tpu.memory_space<vmem>>
      %dma_start3A_937 = tpu.memref_squeeze %dma_start3A_936 : memref<1x80xi32, #tpu.memory_space<vmem>> -> memref<80xi32, #tpu.memory_space<vmem>>
      %dma_start3A_938 = arith.constant 0 : i32
      %dma_start3A_939 = arith.constant 0 : i32
      %dma_start3A_940 = tpu.memref_slice %arg14[%dma_start3A_938, %dma_start3A_939] : memref<10000x128xf32, #tpu.memory_space<vmem_shared>> -> memref<10000x128xf32, #tpu.memory_space<vmem_shared>>
      tpu.enqueue_indirect_dma source(%arg11 : memref<80x128xf32, #tpu.memory_space<vmem>>) target(%dma_start3A_940 : memref<10000x128xf32, #tpu.memory_space<vmem_shared>>) offsets(%dma_start3A_937 : memref<80xi32, #tpu.memory_space<vmem>>) semaphore(%arg21 : memref<!tpu.dma_semaphore, #tpu.memory_space<semaphore_mem>>) {add = true}
      %dma_wait3A_941 = arith.constant 0 : i32
      %dma_wait3A_942 = tpu.memref_slice %arg8[%add3A_876, %dma_wait3A_941] : memref<32x80xi32, #tpu.memory_space<vmem>> -> memref<1x80xi32, #tpu.memory_space<vmem>>
      %dma_wait3A_943 = tpu.memref_squeeze %dma_wait3A_942 : memref<1x80xi32, #tpu.memory_space<vmem>> -> memref<80xi32, #tpu.memory_space<vmem>>
      %dma_wait3A_944 = arith.constant 0 : i32
      %dma_wait3A_945 = arith.constant 0 : i32
      %dma_wait3A_946 = tpu.memref_slice %arg4[%dma_wait3A_944, %dma_wait3A_945] : memref<80000x128xf32, #tpu.memory_space<hbm>> -> memref<80000x128xf32, #tpu.memory_space<hbm>>
      tpu.wait_indirect_dma semaphore(%arg18 : memref<!tpu.dma_semaphore, #tpu.memory_space<semaphore_mem>>) src(%dma_wait3A_946 : memref<80000x128xf32, #tpu.memory_space<hbm>>) dst(%arg12 : memref<80x128xf32, #tpu.memory_space<vmem>>)
      %add3A_947 = arith.constant 14 : i32
      %add3A_948 = arith.addi %mul3A_462, %add3A_947 : i32
      %dma_start3A_949 = arith.constant 0 : i32
      %dma_start3A_950 = tpu.memref_slice %arg9[%add3A_948, %dma_start3A_949] : memref<32x80xi32, #tpu.memory_space<vmem>> -> memref<1x80xi32, #tpu.memory_space<vmem>>
      %dma_start3A_951 = tpu.memref_squeeze %dma_start3A_950 : memref<1x80xi32, #tpu.memory_space<vmem>> -> memref<80xi32, #tpu.memory_space<vmem>>
      %dma_start3A_952 = arith.constant 0 : i32
      %dma_start3A_953 = arith.constant 0 : i32
      %dma_start3A_954 = tpu.memref_slice %arg14[%dma_start3A_952, %dma_start3A_953] : memref<10000x128xf32, #tpu.memory_space<vmem_shared>> -> memref<10000x128xf32, #tpu.memory_space<vmem_shared>>
      tpu.enqueue_indirect_dma source(%arg12 : memref<80x128xf32, #tpu.memory_space<vmem>>) target(%dma_start3A_954 : memref<10000x128xf32, #tpu.memory_space<vmem_shared>>) offsets(%dma_start3A_951 : memref<80xi32, #tpu.memory_space<vmem>>) semaphore(%arg22 : memref<!tpu.dma_semaphore, #tpu.memory_space<semaphore_mem>>) {add = true}
      %dma_wait3A_955 = arith.constant 0 : i32
      %dma_wait3A_956 = tpu.memref_slice %arg8[%add3A_906, %dma_wait3A_955] : memref<32x80xi32, #tpu.memory_space<vmem>> -> memref<1x80xi32, #tpu.memory_space<vmem>>
      %dma_wait3A_957 = tpu.memref_squeeze %dma_wait3A_956 : memref<1x80xi32, #tpu.memory_space<vmem>> -> memref<80xi32, #tpu.memory_space<vmem>>
      %dma_wait3A_958 = arith.constant 0 : i32
      %dma_wait3A_959 = arith.constant 0 : i32
      %dma_wait3A_960 = tpu.memref_slice %arg4[%dma_wait3A_958, %dma_wait3A_959] : memref<80000x128xf32, #tpu.memory_space<hbm>> -> memref<80000x128xf32, #tpu.memory_space<hbm>>
      tpu.wait_indirect_dma semaphore(%arg19 : memref<!tpu.dma_semaphore, #tpu.memory_space<semaphore_mem>>) src(%dma_wait3A_960 : memref<80000x128xf32, #tpu.memory_space<hbm>>) dst(%arg13 : memref<80x128xf32, #tpu.memory_space<vmem>>)
      %add3A_961 = arith.constant 15 : i32
      %add3A_962 = arith.addi %mul3A_462, %add3A_961 : i32
      %dma_start3A_963 = arith.constant 0 : i32
      %dma_start3A_964 = tpu.memref_slice %arg9[%add3A_962, %dma_start3A_963] : memref<32x80xi32, #tpu.memory_space<vmem>> -> memref<1x80xi32, #tpu.memory_space<vmem>>
      %dma_start3A_965 = tpu.memref_squeeze %dma_start3A_964 : memref<1x80xi32, #tpu.memory_space<vmem>> -> memref<80xi32, #tpu.memory_space<vmem>>
      %dma_start3A_966 = arith.constant 0 : i32
      %dma_start3A_967 = arith.constant 0 : i32
      %dma_start3A_968 = tpu.memref_slice %arg14[%dma_start3A_966, %dma_start3A_967] : memref<10000x128xf32, #tpu.memory_space<vmem_shared>> -> memref<10000x128xf32, #tpu.memory_space<vmem_shared>>
      tpu.enqueue_indirect_dma source(%arg13 : memref<80x128xf32, #tpu.memory_space<vmem>>) target(%dma_start3A_968 : memref<10000x128xf32, #tpu.memory_space<vmem_shared>>) offsets(%dma_start3A_965 : memref<80xi32, #tpu.memory_space<vmem>>) semaphore(%arg23 : memref<!tpu.dma_semaphore, #tpu.memory_space<semaphore_mem>>) {add = true}
      %dma_wait3A_969 = arith.constant 0 : i32
      %dma_wait3A_970 = tpu.memref_slice %arg9[%add3A_920, %dma_wait3A_969] : memref<32x80xi32, #tpu.memory_space<vmem>> -> memref<1x80xi32, #tpu.memory_space<vmem>>
      %dma_wait3A_971 = tpu.memref_squeeze %dma_wait3A_970 : memref<1x80xi32, #tpu.memory_space<vmem>> -> memref<80xi32, #tpu.memory_space<vmem>>
      %dma_wait3A_972 = arith.constant 0 : i32
      %dma_wait3A_973 = arith.constant 0 : i32
      %dma_wait3A_974 = tpu.memref_slice %arg14[%dma_wait3A_972, %dma_wait3A_973] : memref<10000x128xf32, #tpu.memory_space<vmem_shared>> -> memref<10000x128xf32, #tpu.memory_space<vmem_shared>>
      tpu.wait_indirect_dma semaphore(%arg20 : memref<!tpu.dma_semaphore, #tpu.memory_space<semaphore_mem>>) src(%arg10 : memref<80x128xf32, #tpu.memory_space<vmem>>) dst(%dma_wait3A_974 : memref<10000x128xf32, #tpu.memory_space<vmem_shared>>)
      %dma_wait3A_975 = arith.constant 0 : i32
      %dma_wait3A_976 = tpu.memref_slice %arg9[%add3A_934, %dma_wait3A_975] : memref<32x80xi32, #tpu.memory_space<vmem>> -> memref<1x80xi32, #tpu.memory_space<vmem>>
      %dma_wait3A_977 = tpu.memref_squeeze %dma_wait3A_976 : memref<1x80xi32, #tpu.memory_space<vmem>> -> memref<80xi32, #tpu.memory_space<vmem>>
      %dma_wait3A_978 = arith.constant 0 : i32
      %dma_wait3A_979 = arith.constant 0 : i32
      %dma_wait3A_980 = tpu.memref_slice %arg14[%dma_wait3A_978, %dma_wait3A_979] : memref<10000x128xf32, #tpu.memory_space<vmem_shared>> -> memref<10000x128xf32, #tpu.memory_space<vmem_shared>>
      tpu.wait_indirect_dma semaphore(%arg21 : memref<!tpu.dma_semaphore, #tpu.memory_space<semaphore_mem>>) src(%arg11 : memref<80x128xf32, #tpu.memory_space<vmem>>) dst(%dma_wait3A_980 : memref<10000x128xf32, #tpu.memory_space<vmem_shared>>)
      %dma_wait3A_981 = arith.constant 0 : i32
      %dma_wait3A_982 = tpu.memref_slice %arg9[%add3A_948, %dma_wait3A_981] : memref<32x80xi32, #tpu.memory_space<vmem>> -> memref<1x80xi32, #tpu.memory_space<vmem>>
      %dma_wait3A_983 = tpu.memref_squeeze %dma_wait3A_982 : memref<1x80xi32, #tpu.memory_space<vmem>> -> memref<80xi32, #tpu.memory_space<vmem>>
      %dma_wait3A_984 = arith.constant 0 : i32
      %dma_wait3A_985 = arith.constant 0 : i32
      %dma_wait3A_986 = tpu.memref_slice %arg14[%dma_wait3A_984, %dma_wait3A_985] : memref<10000x128xf32, #tpu.memory_space<vmem_shared>> -> memref<10000x128xf32, #tpu.memory_space<vmem_shared>>
      tpu.wait_indirect_dma semaphore(%arg22 : memref<!tpu.dma_semaphore, #tpu.memory_space<semaphore_mem>>) src(%arg12 : memref<80x128xf32, #tpu.memory_space<vmem>>) dst(%dma_wait3A_986 : memref<10000x128xf32, #tpu.memory_space<vmem_shared>>)
      %dma_wait3A_987 = arith.constant 0 : i32
      %dma_wait3A_988 = tpu.memref_slice %arg9[%add3A_962, %dma_wait3A_987] : memref<32x80xi32, #tpu.memory_space<vmem>> -> memref<1x80xi32, #tpu.memory_space<vmem>>
      %dma_wait3A_989 = tpu.memref_squeeze %dma_wait3A_988 : memref<1x80xi32, #tpu.memory_space<vmem>> -> memref<80xi32, #tpu.memory_space<vmem>>
      %dma_wait3A_990 = arith.constant 0 : i32
      %dma_wait3A_991 = arith.constant 0 : i32
      %dma_wait3A_992 = tpu.memref_slice %arg14[%dma_wait3A_990, %dma_wait3A_991] : memref<10000x128xf32, #tpu.memory_space<vmem_shared>> -> memref<10000x128xf32, #tpu.memory_space<vmem_shared>>
      tpu.wait_indirect_dma semaphore(%arg23 : memref<!tpu.dma_semaphore, #tpu.memory_space<semaphore_mem>>) src(%arg13 : memref<80x128xf32, #tpu.memory_space<vmem>>) dst(%dma_wait3A_992 : memref<10000x128xf32, #tpu.memory_space<vmem_shared>>)
    }
    %scan3A_40 = arith.constant 7 : i32
    %dma_wait3A = arith.constant 16 : i32
    %dma_wait3A_41 = arith.constant 0 : i32
    %dma_wait3A_42 = tpu.memref_slice %arg8[%dma_wait3A, %dma_wait3A_41] : memref<32x80xi32, #tpu.memory_space<vmem>> -> memref<13x80xi32, #tpu.memory_space<vmem>>
    %dma_wait3A_43 = arith.constant 112 : i32
    %dma_wait3A_44 = arith.constant 0 : i32
    %dma_wait3A_45 = tpu.memref_slice %arg2[%add3A, %dma_wait3A_43, %dma_wait3A_44] : memref<32x125x80xi32, #tpu.memory_space<hbm>> -> memref<1x13x80xi32, #tpu.memory_space<hbm>>
    %dma_wait3A_46 = tpu.memref_squeeze %dma_wait3A_45 : memref<1x13x80xi32, #tpu.memory_space<hbm>> -> memref<13x80xi32, #tpu.memory_space<hbm>>
    %dma_wait3A_47 = arith.constant 16 : i32
    %dma_wait3A_48 = arith.constant 0 : i32
    %dma_wait3A_49 = tpu.memref_slice %arg8[%dma_wait3A_47, %dma_wait3A_48] : memref<32x80xi32, #tpu.memory_space<vmem>> -> memref<13x80xi32, #tpu.memory_space<vmem>>
    %dma_wait3A_50 = arith.constant 112 : i32
    %dma_wait3A_51 = arith.constant 0 : i32
    %dma_wait3A_52 = tpu.memref_slice %arg2[%add3A, %dma_wait3A_50, %dma_wait3A_51] : memref<32x125x80xi32, #tpu.memory_space<hbm>> -> memref<1x13x80xi32, #tpu.memory_space<hbm>>
    %dma_wait3A_53 = tpu.memref_squeeze %dma_wait3A_52 : memref<1x13x80xi32, #tpu.memory_space<hbm>> -> memref<13x80xi32, #tpu.memory_space<hbm>>
    tpu.wait_dma2 semaphore(%arg15 : memref<!tpu.dma_semaphore, #tpu.memory_space<semaphore_mem>>) src(%dma_wait3A_53 : memref<13x80xi32, #tpu.memory_space<hbm>>) dst(%dma_wait3A_49 : memref<13x80xi32, #tpu.memory_space<vmem>>)
    %dma_wait3A_54 = arith.constant 16 : i32
    %dma_wait3A_55 = arith.constant 0 : i32
    %dma_wait3A_56 = tpu.memref_slice %arg9[%dma_wait3A_54, %dma_wait3A_55] : memref<32x80xi32, #tpu.memory_space<vmem>> -> memref<13x80xi32, #tpu.memory_space<vmem>>
    %dma_wait3A_57 = arith.constant 112 : i32
    %dma_wait3A_58 = arith.constant 0 : i32
    %dma_wait3A_59 = tpu.memref_slice %arg3[%add3A, %dma_wait3A_57, %dma_wait3A_58] : memref<32x125x80xi32, #tpu.memory_space<hbm>> -> memref<1x13x80xi32, #tpu.memory_space<hbm>>
    %dma_wait3A_60 = tpu.memref_squeeze %dma_wait3A_59 : memref<1x13x80xi32, #tpu.memory_space<hbm>> -> memref<13x80xi32, #tpu.memory_space<hbm>>
    %dma_wait3A_61 = arith.constant 16 : i32
    %dma_wait3A_62 = arith.constant 0 : i32
    %dma_wait3A_63 = tpu.memref_slice %arg9[%dma_wait3A_61, %dma_wait3A_62] : memref<32x80xi32, #tpu.memory_space<vmem>> -> memref<13x80xi32, #tpu.memory_space<vmem>>
    %dma_wait3A_64 = arith.constant 112 : i32
    %dma_wait3A_65 = arith.constant 0 : i32
    %dma_wait3A_66 = tpu.memref_slice %arg3[%add3A, %dma_wait3A_64, %dma_wait3A_65] : memref<32x125x80xi32, #tpu.memory_space<hbm>> -> memref<1x13x80xi32, #tpu.memory_space<hbm>>
    %dma_wait3A_67 = tpu.memref_squeeze %dma_wait3A_66 : memref<1x13x80xi32, #tpu.memory_space<hbm>> -> memref<13x80xi32, #tpu.memory_space<hbm>>
    tpu.wait_dma2 semaphore(%arg15 : memref<!tpu.dma_semaphore, #tpu.memory_space<semaphore_mem>>) src(%dma_wait3A_67 : memref<13x80xi32, #tpu.memory_space<hbm>>) dst(%dma_wait3A_63 : memref<13x80xi32, #tpu.memory_space<vmem>>)
    %scan3A_68 = arith.constant 0 : i32
    %scan3A_69 = arith.constant 0 : i32
    %scan3A_70 = arith.constant 13 : i32
    %scan3A_71 = arith.addi %scan3A_69, %scan3A_70 : i32
    %scan3A_72 = arith.constant 1 : i32
    scf.for %scan3A_448 = %scan3A_69 to %scan3A_71 step %scan3A_72  : i32 {
      %add3A_449 = arith.constant 16 : i32
      %add3A_450 = arith.addi %add3A_449, %scan3A_448 : i32
      %get3A = arith.index_cast %add3A_450 : i32 to index
      %get3A_451 = arith.constant 0 : index
      %get3A_452 = tpu.vector_load %arg8[%get3A, %get3A_451] {strides = array<i32>} : memref<32x80xi32, #tpu.memory_space<vmem>>, vector<1x16xi32>,
      %get3A_453 = vector.shape_cast %get3A_452 : vector<1x16xi32> to vector<16xi32>
      %shift_right_logical3A = arith.constant 14 : i32
      %shift_right_logical3A_454 = vector.broadcast %shift_right_logical3A : i32 to vector<16xi32>
      %shift_right_logical3A_455 = arith.shrui %get3A_453, %shift_right_logical3A_454 : vector<16xi32>
      %mul3A_456 = arith.constant 10000 : i32
      %mul3A_457 = vector.broadcast %mul3A_456 : i32 to vector<16xi32>
      %mul3A_458 = arith.muli %shift_right_logical3A_455, %mul3A_457 : vector<16xi32>
      %and3A = arith.constant 16383 : i32
      %and3A_459 = vector.broadcast %and3A : i32 to vector<16xi32>
      %and3A_460 = arith.andi %get3A_453, %and3A_459 : vector<16xi32>
      %add3A_461 = arith.addi %mul3A_458, %and3A_460 : vector<16xi32>
      %add3A_462 = arith.constant 16 : i32
      %add3A_463 = arith.addi %add3A_462, %scan3A_448 : i32
      %swap3A = arith.index_cast %add3A_463 : i32 to index
      %swap3A_464 = arith.constant 0 : index
      %swap3A_465 = tpu.vector_load %arg8[%swap3A, %swap3A_464] {strides = array<i32>} : memref<32x80xi32, #tpu.memory_space<vmem>>, vector<1x16xi32>,
      %swap3A_466 = vector.shape_cast %swap3A_465 : vector<1x16xi32> to vector<16xi32>
      %swap3A_467 = vector.shape_cast %add3A_461 : vector<16xi32> to vector<1x16xi32>
      tpu.vector_store %arg8[%swap3A, %swap3A_464], %swap3A_467 {strides = array<i32>} : memref<32x80xi32, #tpu.memory_space<vmem>>, vector<1x16xi32>,
      %add3A_468 = arith.constant 16 : i32
      %add3A_469 = arith.addi %add3A_468, %scan3A_448 : i32
      %get3A_470 = arith.index_cast %add3A_469 : i32 to index
      %get3A_471 = arith.constant 16 : index
      %get3A_472 = tpu.vector_load %arg8[%get3A_470, %get3A_471] {strides = array<i32>} : memref<32x80xi32, #tpu.memory_space<vmem>>, vector<1x16xi32>,
      %get3A_473 = vector.shape_cast %get3A_472 : vector<1x16xi32> to vector<16xi32>
      %shift_right_logical3A_474 = arith.constant 14 : i32
      %shift_right_logical3A_475 = vector.broadcast %shift_right_logical3A_474 : i32 to vector<16xi32>
      %shift_right_logical3A_476 = arith.shrui %get3A_473, %shift_right_logical3A_475 : vector<16xi32>
      %mul3A_477 = arith.constant 10000 : i32
      %mul3A_478 = vector.broadcast %mul3A_477 : i32 to vector<16xi32>
      %mul3A_479 = arith.muli %shift_right_logical3A_476, %mul3A_478 : vector<16xi32>
      %and3A_480 = arith.constant 16383 : i32
      %and3A_481 = vector.broadcast %and3A_480 : i32 to vector<16xi32>
      %and3A_482 = arith.andi %get3A_473, %and3A_481 : vector<16xi32>
      %add3A_483 = arith.addi %mul3A_479, %and3A_482 : vector<16xi32>
      %add3A_484 = arith.constant 16 : i32
      %add3A_485 = arith.addi %add3A_484, %scan3A_448 : i32
      %swap3A_486 = arith.index_cast %add3A_485 : i32 to index
      %swap3A_487 = arith.constant 16 : index
      %swap3A_488 = tpu.vector_load %arg8[%swap3A_486, %swap3A_487] {strides = array<i32>} : memref<32x80xi32, #tpu.memory_space<vmem>>, vector<1x16xi32>,
      %swap3A_489 = vector.shape_cast %swap3A_488 : vector<1x16xi32> to vector<16xi32>
      %swap3A_490 = vector.shape_cast %add3A_483 : vector<16xi32> to vector<1x16xi32>
      tpu.vector_store %arg8[%swap3A_486, %swap3A_487], %swap3A_490 {strides = array<i32>} : memref<32x80xi32, #tpu.memory_space<vmem>>, vector<1x16xi32>,
      %add3A_491 = arith.constant 16 : i32
      %add3A_492 = arith.addi %add3A_491, %scan3A_448 : i32
      %get3A_493 = arith.index_cast %add3A_492 : i32 to index
      %get3A_494 = arith.constant 32 : index
      %get3A_495 = tpu.vector_load %arg8[%get3A_493, %get3A_494] {strides = array<i32>} : memref<32x80xi32, #tpu.memory_space<vmem>>, vector<1x16xi32>,
      %get3A_496 = vector.shape_cast %get3A_495 : vector<1x16xi32> to vector<16xi32>
      %shift_right_logical3A_497 = arith.constant 14 : i32
      %shift_right_logical3A_498 = vector.broadcast %shift_right_logical3A_497 : i32 to vector<16xi32>
      %shift_right_logical3A_499 = arith.shrui %get3A_496, %shift_right_logical3A_498 : vector<16xi32>
      %mul3A_500 = arith.constant 10000 : i32
      %mul3A_501 = vector.broadcast %mul3A_500 : i32 to vector<16xi32>
      %mul3A_502 = arith.muli %shift_right_logical3A_499, %mul3A_501 : vector<16xi32>
      %and3A_503 = arith.constant 16383 : i32
      %and3A_504 = vector.broadcast %and3A_503 : i32 to vector<16xi32>
      %and3A_505 = arith.andi %get3A_496, %and3A_504 : vector<16xi32>
      %add3A_506 = arith.addi %mul3A_502, %and3A_505 : vector<16xi32>
      %add3A_507 = arith.constant 16 : i32
      %add3A_508 = arith.addi %add3A_507, %scan3A_448 : i32
      %swap3A_509 = arith.index_cast %add3A_508 : i32 to index
      %swap3A_510 = arith.constant 32 : index
      %swap3A_511 = tpu.vector_load %arg8[%swap3A_509, %swap3A_510] {strides = array<i32>} : memref<32x80xi32, #tpu.memory_space<vmem>>, vector<1x16xi32>,
      %swap3A_512 = vector.shape_cast %swap3A_511 : vector<1x16xi32> to vector<16xi32>
      %swap3A_513 = vector.shape_cast %add3A_506 : vector<16xi32> to vector<1x16xi32>
      tpu.vector_store %arg8[%swap3A_509, %swap3A_510], %swap3A_513 {strides = array<i32>} : memref<32x80xi32, #tpu.memory_space<vmem>>, vector<1x16xi32>,
      %add3A_514 = arith.constant 16 : i32
      %add3A_515 = arith.addi %add3A_514, %scan3A_448 : i32
      %get3A_516 = arith.index_cast %add3A_515 : i32 to index
      %get3A_517 = arith.constant 48 : index
      %get3A_518 = tpu.vector_load %arg8[%get3A_516, %get3A_517] {strides = array<i32>} : memref<32x80xi32, #tpu.memory_space<vmem>>, vector<1x16xi32>,
      %get3A_519 = vector.shape_cast %get3A_518 : vector<1x16xi32> to vector<16xi32>
      %shift_right_logical3A_520 = arith.constant 14 : i32
      %shift_right_logical3A_521 = vector.broadcast %shift_right_logical3A_520 : i32 to vector<16xi32>
      %shift_right_logical3A_522 = arith.shrui %get3A_519, %shift_right_logical3A_521 : vector<16xi32>
      %mul3A_523 = arith.constant 10000 : i32
      %mul3A_524 = vector.broadcast %mul3A_523 : i32 to vector<16xi32>
      %mul3A_525 = arith.muli %shift_right_logical3A_522, %mul3A_524 : vector<16xi32>
      %and3A_526 = arith.constant 16383 : i32
      %and3A_527 = vector.broadcast %and3A_526 : i32 to vector<16xi32>
      %and3A_528 = arith.andi %get3A_519, %and3A_527 : vector<16xi32>
      %add3A_529 = arith.addi %mul3A_525, %and3A_528 : vector<16xi32>
      %add3A_530 = arith.constant 16 : i32
      %add3A_531 = arith.addi %add3A_530, %scan3A_448 : i32
      %swap3A_532 = arith.index_cast %add3A_531 : i32 to index
      %swap3A_533 = arith.constant 48 : index
      %swap3A_534 = tpu.vector_load %arg8[%swap3A_532, %swap3A_533] {strides = array<i32>} : memref<32x80xi32, #tpu.memory_space<vmem>>, vector<1x16xi32>,
      %swap3A_535 = vector.shape_cast %swap3A_534 : vector<1x16xi32> to vector<16xi32>
      %swap3A_536 = vector.shape_cast %add3A_529 : vector<16xi32> to vector<1x16xi32>
      tpu.vector_store %arg8[%swap3A_532, %swap3A_533], %swap3A_536 {strides = array<i32>} : memref<32x80xi32, #tpu.memory_space<vmem>>, vector<1x16xi32>,
      %add3A_537 = arith.constant 16 : i32
      %add3A_538 = arith.addi %add3A_537, %scan3A_448 : i32
      %get3A_539 = arith.index_cast %add3A_538 : i32 to index
      %get3A_540 = arith.constant 64 : index
      %get3A_541 = tpu.vector_load %arg8[%get3A_539, %get3A_540] {strides = array<i32>} : memref<32x80xi32, #tpu.memory_space<vmem>>, vector<1x16xi32>,
      %get3A_542 = vector.shape_cast %get3A_541 : vector<1x16xi32> to vector<16xi32>
      %shift_right_logical3A_543 = arith.constant 14 : i32
      %shift_right_logical3A_544 = vector.broadcast %shift_right_logical3A_543 : i32 to vector<16xi32>
      %shift_right_logical3A_545 = arith.shrui %get3A_542, %shift_right_logical3A_544 : vector<16xi32>
      %mul3A_546 = arith.constant 10000 : i32
      %mul3A_547 = vector.broadcast %mul3A_546 : i32 to vector<16xi32>
      %mul3A_548 = arith.muli %shift_right_logical3A_545, %mul3A_547 : vector<16xi32>
      %and3A_549 = arith.constant 16383 : i32
      %and3A_550 = vector.broadcast %and3A_549 : i32 to vector<16xi32>
      %and3A_551 = arith.andi %get3A_542, %and3A_550 : vector<16xi32>
      %add3A_552 = arith.addi %mul3A_548, %and3A_551 : vector<16xi32>
      %add3A_553 = arith.constant 16 : i32
      %add3A_554 = arith.addi %add3A_553, %scan3A_448 : i32
      %swap3A_555 = arith.index_cast %add3A_554 : i32 to index
      %swap3A_556 = arith.constant 64 : index
      %swap3A_557 = tpu.vector_load %arg8[%swap3A_555, %swap3A_556] {strides = array<i32>} : memref<32x80xi32, #tpu.memory_space<vmem>>, vector<1x16xi32>,
      %swap3A_558 = vector.shape_cast %swap3A_557 : vector<1x16xi32> to vector<16xi32>
      %swap3A_559 = vector.shape_cast %add3A_552 : vector<16xi32> to vector<1x16xi32>
      tpu.vector_store %arg8[%swap3A_555, %swap3A_556], %swap3A_559 {strides = array<i32>} : memref<32x80xi32, #tpu.memory_space<vmem>>, vector<1x16xi32>,
    }
    %scan3A_73 = arith.constant 13 : i32
    %dma_start3A_74 = arith.constant 16 : i32
    %dma_start3A_75 = arith.constant 0 : i32
    %dma_start3A_76 = tpu.memref_slice %arg8[%dma_start3A_74, %dma_start3A_75] : memref<32x80xi32, #tpu.memory_space<vmem>> -> memref<1x80xi32, #tpu.memory_space<vmem>>
    %dma_start3A_77 = tpu.memref_squeeze %dma_start3A_76 : memref<1x80xi32, #tpu.memory_space<vmem>> -> memref<80xi32, #tpu.memory_space<vmem>>
    %dma_start3A_78 = arith.constant 0 : i32
    %dma_start3A_79 = arith.constant 0 : i32
    %dma_start3A_80 = tpu.memref_slice %arg4[%dma_start3A_78, %dma_start3A_79] : memref<80000x128xf32, #tpu.memory_space<hbm>> -> memref<80000x128xf32, #tpu.memory_space<hbm>>
    tpu.enqueue_indirect_dma source(%dma_start3A_80 : memref<80000x128xf32, #tpu.memory_space<hbm>>) target(%arg10 : memref<80x128xf32, #tpu.memory_space<vmem>>) offsets(%dma_start3A_77 : memref<80xi32, #tpu.memory_space<vmem>>) semaphore(%arg16 : memref<!tpu.dma_semaphore, #tpu.memory_space<semaphore_mem>>)
    %dma_start3A_81 = arith.constant 17 : i32
    %dma_start3A_82 = arith.constant 0 : i32
    %dma_start3A_83 = tpu.memref_slice %arg8[%dma_start3A_81, %dma_start3A_82] : memref<32x80xi32, #tpu.memory_space<vmem>> -> memref<1x80xi32, #tpu.memory_space<vmem>>
    %dma_start3A_84 = tpu.memref_squeeze %dma_start3A_83 : memref<1x80xi32, #tpu.memory_space<vmem>> -> memref<80xi32, #tpu.memory_space<vmem>>
    %dma_start3A_85 = arith.constant 0 : i32
    %dma_start3A_86 = arith.constant 0 : i32
    %dma_start3A_87 = tpu.memref_slice %arg4[%dma_start3A_85, %dma_start3A_86] : memref<80000x128xf32, #tpu.memory_space<hbm>> -> memref<80000x128xf32, #tpu.memory_space<hbm>>
    tpu.enqueue_indirect_dma source(%dma_start3A_87 : memref<80000x128xf32, #tpu.memory_space<hbm>>) target(%arg11 : memref<80x128xf32, #tpu.memory_space<vmem>>) offsets(%dma_start3A_84 : memref<80xi32, #tpu.memory_space<vmem>>) semaphore(%arg17 : memref<!tpu.dma_semaphore, #tpu.memory_space<semaphore_mem>>)
    %dma_start3A_88 = arith.constant 18 : i32
    %dma_start3A_89 = arith.constant 0 : i32
    %dma_start3A_90 = tpu.memref_slice %arg8[%dma_start3A_88, %dma_start3A_89] : memref<32x80xi32, #tpu.memory_space<vmem>> -> memref<1x80xi32, #tpu.memory_space<vmem>>
    %dma_start3A_91 = tpu.memref_squeeze %dma_start3A_90 : memref<1x80xi32, #tpu.memory_space<vmem>> -> memref<80xi32, #tpu.memory_space<vmem>>
    %dma_start3A_92 = arith.constant 0 : i32
    %dma_start3A_93 = arith.constant 0 : i32
    %dma_start3A_94 = tpu.memref_slice %arg4[%dma_start3A_92, %dma_start3A_93] : memref<80000x128xf32, #tpu.memory_space<hbm>> -> memref<80000x128xf32, #tpu.memory_space<hbm>>
    tpu.enqueue_indirect_dma source(%dma_start3A_94 : memref<80000x128xf32, #tpu.memory_space<hbm>>) target(%arg12 : memref<80x128xf32, #tpu.memory_space<vmem>>) offsets(%dma_start3A_91 : memref<80xi32, #tpu.memory_space<vmem>>) semaphore(%arg18 : memref<!tpu.dma_semaphore, #tpu.memory_space<semaphore_mem>>)
    %dma_start3A_95 = arith.constant 19 : i32
    %dma_start3A_96 = arith.constant 0 : i32
    %dma_start3A_97 = tpu.memref_slice %arg8[%dma_start3A_95, %dma_start3A_96] : memref<32x80xi32, #tpu.memory_space<vmem>> -> memref<1x80xi32, #tpu.memory_space<vmem>>
    %dma_start3A_98 = tpu.memref_squeeze %dma_start3A_97 : memref<1x80xi32, #tpu.memory_space<vmem>> -> memref<80xi32, #tpu.memory_space<vmem>>
    %dma_start3A_99 = arith.constant 0 : i32
    %dma_start3A_100 = arith.constant 0 : i32
    %dma_start3A_101 = tpu.memref_slice %arg4[%dma_start3A_99, %dma_start3A_100] : memref<80000x128xf32, #tpu.memory_space<hbm>> -> memref<80000x128xf32, #tpu.memory_space<hbm>>
    tpu.enqueue_indirect_dma source(%dma_start3A_101 : memref<80000x128xf32, #tpu.memory_space<hbm>>) target(%arg13 : memref<80x128xf32, #tpu.memory_space<vmem>>) offsets(%dma_start3A_98 : memref<80xi32, #tpu.memory_space<vmem>>) semaphore(%arg19 : memref<!tpu.dma_semaphore, #tpu.memory_space<semaphore_mem>>)
    %dma_wait3A_102 = arith.constant 16 : i32
    %dma_wait3A_103 = arith.constant 0 : i32
    %dma_wait3A_104 = tpu.memref_slice %arg8[%dma_wait3A_102, %dma_wait3A_103] : memref<32x80xi32, #tpu.memory_space<vmem>> -> memref<1x80xi32, #tpu.memory_space<vmem>>
    %dma_wait3A_105 = tpu.memref_squeeze %dma_wait3A_104 : memref<1x80xi32, #tpu.memory_space<vmem>> -> memref<80xi32, #tpu.memory_space<vmem>>
    %dma_wait3A_106 = arith.constant 0 : i32
    %dma_wait3A_107 = arith.constant 0 : i32
    %dma_wait3A_108 = tpu.memref_slice %arg4[%dma_wait3A_106, %dma_wait3A_107] : memref<80000x128xf32, #tpu.memory_space<hbm>> -> memref<80000x128xf32, #tpu.memory_space<hbm>>
    tpu.wait_indirect_dma semaphore(%arg16 : memref<!tpu.dma_semaphore, #tpu.memory_space<semaphore_mem>>) src(%dma_wait3A_108 : memref<80000x128xf32, #tpu.memory_space<hbm>>) dst(%arg10 : memref<80x128xf32, #tpu.memory_space<vmem>>)
    %dma_start3A_109 = arith.constant 16 : i32
    %dma_start3A_110 = arith.constant 0 : i32
    %dma_start3A_111 = tpu.memref_slice %arg9[%dma_start3A_109, %dma_start3A_110] : memref<32x80xi32, #tpu.memory_space<vmem>> -> memref<1x80xi32, #tpu.memory_space<vmem>>
    %dma_start3A_112 = tpu.memref_squeeze %dma_start3A_111 : memref<1x80xi32, #tpu.memory_space<vmem>> -> memref<80xi32, #tpu.memory_space<vmem>>
    %dma_start3A_113 = arith.constant 0 : i32
    %dma_start3A_114 = arith.constant 0 : i32
    %dma_start3A_115 = tpu.memref_slice %arg14[%dma_start3A_113, %dma_start3A_114] : memref<10000x128xf32, #tpu.memory_space<vmem_shared>> -> memref<10000x128xf32, #tpu.memory_space<vmem_shared>>
    tpu.enqueue_indirect_dma source(%arg10 : memref<80x128xf32, #tpu.memory_space<vmem>>) target(%dma_start3A_115 : memref<10000x128xf32, #tpu.memory_space<vmem_shared>>) offsets(%dma_start3A_112 : memref<80xi32, #tpu.memory_space<vmem>>) semaphore(%arg20 : memref<!tpu.dma_semaphore, #tpu.memory_space<semaphore_mem>>) {add = true}
    %dma_wait3A_116 = arith.constant 16 : i32
    %dma_wait3A_117 = arith.constant 0 : i32
    %dma_wait3A_118 = tpu.memref_slice %arg9[%dma_wait3A_116, %dma_wait3A_117] : memref<32x80xi32, #tpu.memory_space<vmem>> -> memref<1x80xi32, #tpu.memory_space<vmem>>
    %dma_wait3A_119 = tpu.memref_squeeze %dma_wait3A_118 : memref<1x80xi32, #tpu.memory_space<vmem>> -> memref<80xi32, #tpu.memory_space<vmem>>
    %dma_wait3A_120 = arith.constant 0 : i32
    %dma_wait3A_121 = arith.constant 0 : i32
    %dma_wait3A_122 = tpu.memref_slice %arg14[%dma_wait3A_120, %dma_wait3A_121] : memref<10000x128xf32, #tpu.memory_space<vmem_shared>> -> memref<10000x128xf32, #tpu.memory_space<vmem_shared>>
    tpu.wait_indirect_dma semaphore(%arg20 : memref<!tpu.dma_semaphore, #tpu.memory_space<semaphore_mem>>) src(%arg10 : memref<80x128xf32, #tpu.memory_space<vmem>>) dst(%dma_wait3A_122 : memref<10000x128xf32, #tpu.memory_space<vmem_shared>>)
    %dma_start3A_123 = arith.constant 20 : i32
    %dma_start3A_124 = arith.constant 0 : i32
    %dma_start3A_125 = tpu.memref_slice %arg8[%dma_start3A_123, %dma_start3A_124] : memref<32x80xi32, #tpu.memory_space<vmem>> -> memref<1x80xi32, #tpu.memory_space<vmem>>
    %dma_start3A_126 = tpu.memref_squeeze %dma_start3A_125 : memref<1x80xi32, #tpu.memory_space<vmem>> -> memref<80xi32, #tpu.memory_space<vmem>>
    %dma_start3A_127 = arith.constant 0 : i32
    %dma_start3A_128 = arith.constant 0 : i32
    %dma_start3A_129 = tpu.memref_slice %arg4[%dma_start3A_127, %dma_start3A_128] : memref<80000x128xf32, #tpu.memory_space<hbm>> -> memref<80000x128xf32, #tpu.memory_space<hbm>>
    tpu.enqueue_indirect_dma source(%dma_start3A_129 : memref<80000x128xf32, #tpu.memory_space<hbm>>) target(%arg10 : memref<80x128xf32, #tpu.memory_space<vmem>>) offsets(%dma_start3A_126 : memref<80xi32, #tpu.memory_space<vmem>>) semaphore(%arg16 : memref<!tpu.dma_semaphore, #tpu.memory_space<semaphore_mem>>)
    %dma_wait3A_130 = arith.constant 17 : i32
    %dma_wait3A_131 = arith.constant 0 : i32
    %dma_wait3A_132 = tpu.memref_slice %arg8[%dma_wait3A_130, %dma_wait3A_131] : memref<32x80xi32, #tpu.memory_space<vmem>> -> memref<1x80xi32, #tpu.memory_space<vmem>>
    %dma_wait3A_133 = tpu.memref_squeeze %dma_wait3A_132 : memref<1x80xi32, #tpu.memory_space<vmem>> -> memref<80xi32, #tpu.memory_space<vmem>>
    %dma_wait3A_134 = arith.constant 0 : i32
    %dma_wait3A_135 = arith.constant 0 : i32
    %dma_wait3A_136 = tpu.memref_slice %arg4[%dma_wait3A_134, %dma_wait3A_135] : memref<80000x128xf32, #tpu.memory_space<hbm>> -> memref<80000x128xf32, #tpu.memory_space<hbm>>
    tpu.wait_indirect_dma semaphore(%arg17 : memref<!tpu.dma_semaphore, #tpu.memory_space<semaphore_mem>>) src(%dma_wait3A_136 : memref<80000x128xf32, #tpu.memory_space<hbm>>) dst(%arg11 : memref<80x128xf32, #tpu.memory_space<vmem>>)
    %dma_start3A_137 = arith.constant 17 : i32
    %dma_start3A_138 = arith.constant 0 : i32
    %dma_start3A_139 = tpu.memref_slice %arg9[%dma_start3A_137, %dma_start3A_138] : memref<32x80xi32, #tpu.memory_space<vmem>> -> memref<1x80xi32, #tpu.memory_space<vmem>>
    %dma_start3A_140 = tpu.memref_squeeze %dma_start3A_139 : memref<1x80xi32, #tpu.memory_space<vmem>> -> memref<80xi32, #tpu.memory_space<vmem>>
    %dma_start3A_141 = arith.constant 0 : i32
    %dma_start3A_142 = arith.constant 0 : i32
    %dma_start3A_143 = tpu.memref_slice %arg14[%dma_start3A_141, %dma_start3A_142] : memref<10000x128xf32, #tpu.memory_space<vmem_shared>> -> memref<10000x128xf32, #tpu.memory_space<vmem_shared>>
    tpu.enqueue_indirect_dma source(%arg11 : memref<80x128xf32, #tpu.memory_space<vmem>>) target(%dma_start3A_143 : memref<10000x128xf32, #tpu.memory_space<vmem_shared>>) offsets(%dma_start3A_140 : memref<80xi32, #tpu.memory_space<vmem>>) semaphore(%arg21 : memref<!tpu.dma_semaphore, #tpu.memory_space<semaphore_mem>>) {add = true}
    %dma_wait3A_144 = arith.constant 17 : i32
    %dma_wait3A_145 = arith.constant 0 : i32
    %dma_wait3A_146 = tpu.memref_slice %arg9[%dma_wait3A_144, %dma_wait3A_145] : memref<32x80xi32, #tpu.memory_space<vmem>> -> memref<1x80xi32, #tpu.memory_space<vmem>>
    %dma_wait3A_147 = tpu.memref_squeeze %dma_wait3A_146 : memref<1x80xi32, #tpu.memory_space<vmem>> -> memref<80xi32, #tpu.memory_space<vmem>>
    %dma_wait3A_148 = arith.constant 0 : i32
    %dma_wait3A_149 = arith.constant 0 : i32
    %dma_wait3A_150 = tpu.memref_slice %arg14[%dma_wait3A_148, %dma_wait3A_149] : memref<10000x128xf32, #tpu.memory_space<vmem_shared>> -> memref<10000x128xf32, #tpu.memory_space<vmem_shared>>
    tpu.wait_indirect_dma semaphore(%arg21 : memref<!tpu.dma_semaphore, #tpu.memory_space<semaphore_mem>>) src(%arg11 : memref<80x128xf32, #tpu.memory_space<vmem>>) dst(%dma_wait3A_150 : memref<10000x128xf32, #tpu.memory_space<vmem_shared>>)
    %dma_start3A_151 = arith.constant 21 : i32
    %dma_start3A_152 = arith.constant 0 : i32
    %dma_start3A_153 = tpu.memref_slice %arg8[%dma_start3A_151, %dma_start3A_152] : memref<32x80xi32, #tpu.memory_space<vmem>> -> memref<1x80xi32, #tpu.memory_space<vmem>>
    %dma_start3A_154 = tpu.memref_squeeze %dma_start3A_153 : memref<1x80xi32, #tpu.memory_space<vmem>> -> memref<80xi32, #tpu.memory_space<vmem>>
    %dma_start3A_155 = arith.constant 0 : i32
    %dma_start3A_156 = arith.constant 0 : i32
    %dma_start3A_157 = tpu.memref_slice %arg4[%dma_start3A_155, %dma_start3A_156] : memref<80000x128xf32, #tpu.memory_space<hbm>> -> memref<80000x128xf32, #tpu.memory_space<hbm>>
    tpu.enqueue_indirect_dma source(%dma_start3A_157 : memref<80000x128xf32, #tpu.memory_space<hbm>>) target(%arg11 : memref<80x128xf32, #tpu.memory_space<vmem>>) offsets(%dma_start3A_154 : memref<80xi32, #tpu.memory_space<vmem>>) semaphore(%arg17 : memref<!tpu.dma_semaphore, #tpu.memory_space<semaphore_mem>>)
    %dma_wait3A_158 = arith.constant 18 : i32
    %dma_wait3A_159 = arith.constant 0 : i32
    %dma_wait3A_160 = tpu.memref_slice %arg8[%dma_wait3A_158, %dma_wait3A_159] : memref<32x80xi32, #tpu.memory_space<vmem>> -> memref<1x80xi32, #tpu.memory_space<vmem>>
    %dma_wait3A_161 = tpu.memref_squeeze %dma_wait3A_160 : memref<1x80xi32, #tpu.memory_space<vmem>> -> memref<80xi32, #tpu.memory_space<vmem>>
    %dma_wait3A_162 = arith.constant 0 : i32
    %dma_wait3A_163 = arith.constant 0 : i32
    %dma_wait3A_164 = tpu.memref_slice %arg4[%dma_wait3A_162, %dma_wait3A_163] : memref<80000x128xf32, #tpu.memory_space<hbm>> -> memref<80000x128xf32, #tpu.memory_space<hbm>>
    tpu.wait_indirect_dma semaphore(%arg18 : memref<!tpu.dma_semaphore, #tpu.memory_space<semaphore_mem>>) src(%dma_wait3A_164 : memref<80000x128xf32, #tpu.memory_space<hbm>>) dst(%arg12 : memref<80x128xf32, #tpu.memory_space<vmem>>)
    %dma_start3A_165 = arith.constant 18 : i32
    %dma_start3A_166 = arith.constant 0 : i32
    %dma_start3A_167 = tpu.memref_slice %arg9[%dma_start3A_165, %dma_start3A_166] : memref<32x80xi32, #tpu.memory_space<vmem>> -> memref<1x80xi32, #tpu.memory_space<vmem>>
    %dma_start3A_168 = tpu.memref_squeeze %dma_start3A_167 : memref<1x80xi32, #tpu.memory_space<vmem>> -> memref<80xi32, #tpu.memory_space<vmem>>
    %dma_start3A_169 = arith.constant 0 : i32
    %dma_start3A_170 = arith.constant 0 : i32
    %dma_start3A_171 = tpu.memref_slice %arg14[%dma_start3A_169, %dma_start3A_170] : memref<10000x128xf32, #tpu.memory_space<vmem_shared>> -> memref<10000x128xf32, #tpu.memory_space<vmem_shared>>
    tpu.enqueue_indirect_dma source(%arg12 : memref<80x128xf32, #tpu.memory_space<vmem>>) target(%dma_start3A_171 : memref<10000x128xf32, #tpu.memory_space<vmem_shared>>) offsets(%dma_start3A_168 : memref<80xi32, #tpu.memory_space<vmem>>) semaphore(%arg22 : memref<!tpu.dma_semaphore, #tpu.memory_space<semaphore_mem>>) {add = true}
    %dma_wait3A_172 = arith.constant 18 : i32
    %dma_wait3A_173 = arith.constant 0 : i32
    %dma_wait3A_174 = tpu.memref_slice %arg9[%dma_wait3A_172, %dma_wait3A_173] : memref<32x80xi32, #tpu.memory_space<vmem>> -> memref<1x80xi32, #tpu.memory_space<vmem>>
    %dma_wait3A_175 = tpu.memref_squeeze %dma_wait3A_174 : memref<1x80xi32, #tpu.memory_space<vmem>> -> memref<80xi32, #tpu.memory_space<vmem>>
    %dma_wait3A_176 = arith.constant 0 : i32
    %dma_wait3A_177 = arith.constant 0 : i32
    %dma_wait3A_178 = tpu.memref_slice %arg14[%dma_wait3A_176, %dma_wait3A_177] : memref<10000x128xf32, #tpu.memory_space<vmem_shared>> -> memref<10000x128xf32, #tpu.memory_space<vmem_shared>>
    tpu.wait_indirect_dma semaphore(%arg22 : memref<!tpu.dma_semaphore, #tpu.memory_space<semaphore_mem>>) src(%arg12 : memref<80x128xf32, #tpu.memory_space<vmem>>) dst(%dma_wait3A_178 : memref<10000x128xf32, #tpu.memory_space<vmem_shared>>)
    %dma_start3A_179 = arith.constant 22 : i32
    %dma_start3A_180 = arith.constant 0 : i32
    %dma_start3A_181 = tpu.memref_slice %arg8[%dma_start3A_179, %dma_start3A_180] : memref<32x80xi32, #tpu.memory_space<vmem>> -> memref<1x80xi32, #tpu.memory_space<vmem>>
    %dma_start3A_182 = tpu.memref_squeeze %dma_start3A_181 : memref<1x80xi32, #tpu.memory_space<vmem>> -> memref<80xi32, #tpu.memory_space<vmem>>
    %dma_start3A_183 = arith.constant 0 : i32
    %dma_start3A_184 = arith.constant 0 : i32
    %dma_start3A_185 = tpu.memref_slice %arg4[%dma_start3A_183, %dma_start3A_184] : memref<80000x128xf32, #tpu.memory_space<hbm>> -> memref<80000x128xf32, #tpu.memory_space<hbm>>
    tpu.enqueue_indirect_dma source(%dma_start3A_185 : memref<80000x128xf32, #tpu.memory_space<hbm>>) target(%arg12 : memref<80x128xf32, #tpu.memory_space<vmem>>) offsets(%dma_start3A_182 : memref<80xi32, #tpu.memory_space<vmem>>) semaphore(%arg18 : memref<!tpu.dma_semaphore, #tpu.memory_space<semaphore_mem>>)
    %dma_wait3A_186 = arith.constant 19 : i32
    %dma_wait3A_187 = arith.constant 0 : i32
    %dma_wait3A_188 = tpu.memref_slice %arg8[%dma_wait3A_186, %dma_wait3A_187] : memref<32x80xi32, #tpu.memory_space<vmem>> -> memref<1x80xi32, #tpu.memory_space<vmem>>
    %dma_wait3A_189 = tpu.memref_squeeze %dma_wait3A_188 : memref<1x80xi32, #tpu.memory_space<vmem>> -> memref<80xi32, #tpu.memory_space<vmem>>
    %dma_wait3A_190 = arith.constant 0 : i32
    %dma_wait3A_191 = arith.constant 0 : i32
    %dma_wait3A_192 = tpu.memref_slice %arg4[%dma_wait3A_190, %dma_wait3A_191] : memref<80000x128xf32, #tpu.memory_space<hbm>> -> memref<80000x128xf32, #tpu.memory_space<hbm>>
    tpu.wait_indirect_dma semaphore(%arg19 : memref<!tpu.dma_semaphore, #tpu.memory_space<semaphore_mem>>) src(%dma_wait3A_192 : memref<80000x128xf32, #tpu.memory_space<hbm>>) dst(%arg13 : memref<80x128xf32, #tpu.memory_space<vmem>>)
    %dma_start3A_193 = arith.constant 19 : i32
    %dma_start3A_194 = arith.constant 0 : i32
    %dma_start3A_195 = tpu.memref_slice %arg9[%dma_start3A_193, %dma_start3A_194] : memref<32x80xi32, #tpu.memory_space<vmem>> -> memref<1x80xi32, #tpu.memory_space<vmem>>
    %dma_start3A_196 = tpu.memref_squeeze %dma_start3A_195 : memref<1x80xi32, #tpu.memory_space<vmem>> -> memref<80xi32, #tpu.memory_space<vmem>>
    %dma_start3A_197 = arith.constant 0 : i32
    %dma_start3A_198 = arith.constant 0 : i32
    %dma_start3A_199 = tpu.memref_slice %arg14[%dma_start3A_197, %dma_start3A_198] : memref<10000x128xf32, #tpu.memory_space<vmem_shared>> -> memref<10000x128xf32, #tpu.memory_space<vmem_shared>>
    tpu.enqueue_indirect_dma source(%arg13 : memref<80x128xf32, #tpu.memory_space<vmem>>) target(%dma_start3A_199 : memref<10000x128xf32, #tpu.memory_space<vmem_shared>>) offsets(%dma_start3A_196 : memref<80xi32, #tpu.memory_space<vmem>>) semaphore(%arg23 : memref<!tpu.dma_semaphore, #tpu.memory_space<semaphore_mem>>) {add = true}
    %dma_wait3A_200 = arith.constant 19 : i32
    %dma_wait3A_201 = arith.constant 0 : i32
    %dma_wait3A_202 = tpu.memref_slice %arg9[%dma_wait3A_200, %dma_wait3A_201] : memref<32x80xi32, #tpu.memory_space<vmem>> -> memref<1x80xi32, #tpu.memory_space<vmem>>
    %dma_wait3A_203 = tpu.memref_squeeze %dma_wait3A_202 : memref<1x80xi32, #tpu.memory_space<vmem>> -> memref<80xi32, #tpu.memory_space<vmem>>
    %dma_wait3A_204 = arith.constant 0 : i32
    %dma_wait3A_205 = arith.constant 0 : i32
    %dma_wait3A_206 = tpu.memref_slice %arg14[%dma_wait3A_204, %dma_wait3A_205] : memref<10000x128xf32, #tpu.memory_space<vmem_shared>> -> memref<10000x128xf32, #tpu.memory_space<vmem_shared>>
    tpu.wait_indirect_dma semaphore(%arg23 : memref<!tpu.dma_semaphore, #tpu.memory_space<semaphore_mem>>) src(%arg13 : memref<80x128xf32, #tpu.memory_space<vmem>>) dst(%dma_wait3A_206 : memref<10000x128xf32, #tpu.memory_space<vmem_shared>>)
    %dma_start3A_207 = arith.constant 23 : i32
    %dma_start3A_208 = arith.constant 0 : i32
    %dma_start3A_209 = tpu.memref_slice %arg8[%dma_start3A_207, %dma_start3A_208] : memref<32x80xi32, #tpu.memory_space<vmem>> -> memref<1x80xi32, #tpu.memory_space<vmem>>
    %dma_start3A_210 = tpu.memref_squeeze %dma_start3A_209 : memref<1x80xi32, #tpu.memory_space<vmem>> -> memref<80xi32, #tpu.memory_space<vmem>>
    %dma_start3A_211 = arith.constant 0 : i32
    %dma_start3A_212 = arith.constant 0 : i32
    %dma_start3A_213 = tpu.memref_slice %arg4[%dma_start3A_211, %dma_start3A_212] : memref<80000x128xf32, #tpu.memory_space<hbm>> -> memref<80000x128xf32, #tpu.memory_space<hbm>>
    tpu.enqueue_indirect_dma source(%dma_start3A_213 : memref<80000x128xf32, #tpu.memory_space<hbm>>) target(%arg13 : memref<80x128xf32, #tpu.memory_space<vmem>>) offsets(%dma_start3A_210 : memref<80xi32, #tpu.memory_space<vmem>>) semaphore(%arg19 : memref<!tpu.dma_semaphore, #tpu.memory_space<semaphore_mem>>)
    %dma_wait3A_214 = arith.constant 20 : i32
    %dma_wait3A_215 = arith.constant 0 : i32
    %dma_wait3A_216 = tpu.memref_slice %arg8[%dma_wait3A_214, %dma_wait3A_215] : memref<32x80xi32, #tpu.memory_space<vmem>> -> memref<1x80xi32, #tpu.memory_space<vmem>>
    %dma_wait3A_217 = tpu.memref_squeeze %dma_wait3A_216 : memref<1x80xi32, #tpu.memory_space<vmem>> -> memref<80xi32, #tpu.memory_space<vmem>>
    %dma_wait3A_218 = arith.constant 0 : i32
    %dma_wait3A_219 = arith.constant 0 : i32
    %dma_wait3A_220 = tpu.memref_slice %arg4[%dma_wait3A_218, %dma_wait3A_219] : memref<80000x128xf32, #tpu.memory_space<hbm>> -> memref<80000x128xf32, #tpu.memory_space<hbm>>
    tpu.wait_indirect_dma semaphore(%arg16 : memref<!tpu.dma_semaphore, #tpu.memory_space<semaphore_mem>>) src(%dma_wait3A_220 : memref<80000x128xf32, #tpu.memory_space<hbm>>) dst(%arg10 : memref<80x128xf32, #tpu.memory_space<vmem>>)
    %dma_start3A_221 = arith.constant 20 : i32
    %dma_start3A_222 = arith.constant 0 : i32
    %dma_start3A_223 = tpu.memref_slice %arg9[%dma_start3A_221, %dma_start3A_222] : memref<32x80xi32, #tpu.memory_space<vmem>> -> memref<1x80xi32, #tpu.memory_space<vmem>>
    %dma_start3A_224 = tpu.memref_squeeze %dma_start3A_223 : memref<1x80xi32, #tpu.memory_space<vmem>> -> memref<80xi32, #tpu.memory_space<vmem>>
    %dma_start3A_225 = arith.constant 0 : i32
    %dma_start3A_226 = arith.constant 0 : i32
    %dma_start3A_227 = tpu.memref_slice %arg14[%dma_start3A_225, %dma_start3A_226] : memref<10000x128xf32, #tpu.memory_space<vmem_shared>> -> memref<10000x128xf32, #tpu.memory_space<vmem_shared>>
    tpu.enqueue_indirect_dma source(%arg10 : memref<80x128xf32, #tpu.memory_space<vmem>>) target(%dma_start3A_227 : memref<10000x128xf32, #tpu.memory_space<vmem_shared>>) offsets(%dma_start3A_224 : memref<80xi32, #tpu.memory_space<vmem>>) semaphore(%arg20 : memref<!tpu.dma_semaphore, #tpu.memory_space<semaphore_mem>>) {add = true}
    %dma_wait3A_228 = arith.constant 20 : i32
    %dma_wait3A_229 = arith.constant 0 : i32
    %dma_wait3A_230 = tpu.memref_slice %arg9[%dma_wait3A_228, %dma_wait3A_229] : memref<32x80xi32, #tpu.memory_space<vmem>> -> memref<1x80xi32, #tpu.memory_space<vmem>>
    %dma_wait3A_231 = tpu.memref_squeeze %dma_wait3A_230 : memref<1x80xi32, #tpu.memory_space<vmem>> -> memref<80xi32, #tpu.memory_space<vmem>>
    %dma_wait3A_232 = arith.constant 0 : i32
    %dma_wait3A_233 = arith.constant 0 : i32
    %dma_wait3A_234 = tpu.memref_slice %arg14[%dma_wait3A_232, %dma_wait3A_233] : memref<10000x128xf32, #tpu.memory_space<vmem_shared>> -> memref<10000x128xf32, #tpu.memory_space<vmem_shared>>
    tpu.wait_indirect_dma semaphore(%arg20 : memref<!tpu.dma_semaphore, #tpu.memory_space<semaphore_mem>>) src(%arg10 : memref<80x128xf32, #tpu.memory_space<vmem>>) dst(%dma_wait3A_234 : memref<10000x128xf32, #tpu.memory_space<vmem_shared>>)
    %dma_start3A_235 = arith.constant 24 : i32
    %dma_start3A_236 = arith.constant 0 : i32
    %dma_start3A_237 = tpu.memref_slice %arg8[%dma_start3A_235, %dma_start3A_236] : memref<32x80xi32, #tpu.memory_space<vmem>> -> memref<1x80xi32, #tpu.memory_space<vmem>>
    %dma_start3A_238 = tpu.memref_squeeze %dma_start3A_237 : memref<1x80xi32, #tpu.memory_space<vmem>> -> memref<80xi32, #tpu.memory_space<vmem>>
    %dma_start3A_239 = arith.constant 0 : i32
    %dma_start3A_240 = arith.constant 0 : i32
    %dma_start3A_241 = tpu.memref_slice %arg4[%dma_start3A_239, %dma_start3A_240] : memref<80000x128xf32, #tpu.memory_space<hbm>> -> memref<80000x128xf32, #tpu.memory_space<hbm>>
    tpu.enqueue_indirect_dma source(%dma_start3A_241 : memref<80000x128xf32, #tpu.memory_space<hbm>>) target(%arg10 : memref<80x128xf32, #tpu.memory_space<vmem>>) offsets(%dma_start3A_238 : memref<80xi32, #tpu.memory_space<vmem>>) semaphore(%arg16 : memref<!tpu.dma_semaphore, #tpu.memory_space<semaphore_mem>>)
    %dma_wait3A_242 = arith.constant 21 : i32
    %dma_wait3A_243 = arith.constant 0 : i32
    %dma_wait3A_244 = tpu.memref_slice %arg8[%dma_wait3A_242, %dma_wait3A_243] : memref<32x80xi32, #tpu.memory_space<vmem>> -> memref<1x80xi32, #tpu.memory_space<vmem>>
    %dma_wait3A_245 = tpu.memref_squeeze %dma_wait3A_244 : memref<1x80xi32, #tpu.memory_space<vmem>> -> memref<80xi32, #tpu.memory_space<vmem>>
    %dma_wait3A_246 = arith.constant 0 : i32
    %dma_wait3A_247 = arith.constant 0 : i32
    %dma_wait3A_248 = tpu.memref_slice %arg4[%dma_wait3A_246, %dma_wait3A_247] : memref<80000x128xf32, #tpu.memory_space<hbm>> -> memref<80000x128xf32, #tpu.memory_space<hbm>>
    tpu.wait_indirect_dma semaphore(%arg17 : memref<!tpu.dma_semaphore, #tpu.memory_space<semaphore_mem>>) src(%dma_wait3A_248 : memref<80000x128xf32, #tpu.memory_space<hbm>>) dst(%arg11 : memref<80x128xf32, #tpu.memory_space<vmem>>)
    %dma_start3A_249 = arith.constant 21 : i32
    %dma_start3A_250 = arith.constant 0 : i32
    %dma_start3A_251 = tpu.memref_slice %arg9[%dma_start3A_249, %dma_start3A_250] : memref<32x80xi32, #tpu.memory_space<vmem>> -> memref<1x80xi32, #tpu.memory_space<vmem>>
    %dma_start3A_252 = tpu.memref_squeeze %dma_start3A_251 : memref<1x80xi32, #tpu.memory_space<vmem>> -> memref<80xi32, #tpu.memory_space<vmem>>
    %dma_start3A_253 = arith.constant 0 : i32
    %dma_start3A_254 = arith.constant 0 : i32
    %dma_start3A_255 = tpu.memref_slice %arg14[%dma_start3A_253, %dma_start3A_254] : memref<10000x128xf32, #tpu.memory_space<vmem_shared>> -> memref<10000x128xf32, #tpu.memory_space<vmem_shared>>
    tpu.enqueue_indirect_dma source(%arg11 : memref<80x128xf32, #tpu.memory_space<vmem>>) target(%dma_start3A_255 : memref<10000x128xf32, #tpu.memory_space<vmem_shared>>) offsets(%dma_start3A_252 : memref<80xi32, #tpu.memory_space<vmem>>) semaphore(%arg21 : memref<!tpu.dma_semaphore, #tpu.memory_space<semaphore_mem>>) {add = true}
    %dma_wait3A_256 = arith.constant 21 : i32
    %dma_wait3A_257 = arith.constant 0 : i32
    %dma_wait3A_258 = tpu.memref_slice %arg9[%dma_wait3A_256, %dma_wait3A_257] : memref<32x80xi32, #tpu.memory_space<vmem>> -> memref<1x80xi32, #tpu.memory_space<vmem>>
    %dma_wait3A_259 = tpu.memref_squeeze %dma_wait3A_258 : memref<1x80xi32, #tpu.memory_space<vmem>> -> memref<80xi32, #tpu.memory_space<vmem>>
    %dma_wait3A_260 = arith.constant 0 : i32
    %dma_wait3A_261 = arith.constant 0 : i32
    %dma_wait3A_262 = tpu.memref_slice %arg14[%dma_wait3A_260, %dma_wait3A_261] : memref<10000x128xf32, #tpu.memory_space<vmem_shared>> -> memref<10000x128xf32, #tpu.memory_space<vmem_shared>>
    tpu.wait_indirect_dma semaphore(%arg21 : memref<!tpu.dma_semaphore, #tpu.memory_space<semaphore_mem>>) src(%arg11 : memref<80x128xf32, #tpu.memory_space<vmem>>) dst(%dma_wait3A_262 : memref<10000x128xf32, #tpu.memory_space<vmem_shared>>)
    %dma_start3A_263 = arith.constant 25 : i32
    %dma_start3A_264 = arith.constant 0 : i32
    %dma_start3A_265 = tpu.memref_slice %arg8[%dma_start3A_263, %dma_start3A_264] : memref<32x80xi32, #tpu.memory_space<vmem>> -> memref<1x80xi32, #tpu.memory_space<vmem>>
    %dma_start3A_266 = tpu.memref_squeeze %dma_start3A_265 : memref<1x80xi32, #tpu.memory_space<vmem>> -> memref<80xi32, #tpu.memory_space<vmem>>
    %dma_start3A_267 = arith.constant 0 : i32
    %dma_start3A_268 = arith.constant 0 : i32
    %dma_start3A_269 = tpu.memref_slice %arg4[%dma_start3A_267, %dma_start3A_268] : memref<80000x128xf32, #tpu.memory_space<hbm>> -> memref<80000x128xf32, #tpu.memory_space<hbm>>
    tpu.enqueue_indirect_dma source(%dma_start3A_269 : memref<80000x128xf32, #tpu.memory_space<hbm>>) target(%arg11 : memref<80x128xf32, #tpu.memory_space<vmem>>) offsets(%dma_start3A_266 : memref<80xi32, #tpu.memory_space<vmem>>) semaphore(%arg17 : memref<!tpu.dma_semaphore, #tpu.memory_space<semaphore_mem>>)
    %dma_wait3A_270 = arith.constant 22 : i32
    %dma_wait3A_271 = arith.constant 0 : i32
    %dma_wait3A_272 = tpu.memref_slice %arg8[%dma_wait3A_270, %dma_wait3A_271] : memref<32x80xi32, #tpu.memory_space<vmem>> -> memref<1x80xi32, #tpu.memory_space<vmem>>
    %dma_wait3A_273 = tpu.memref_squeeze %dma_wait3A_272 : memref<1x80xi32, #tpu.memory_space<vmem>> -> memref<80xi32, #tpu.memory_space<vmem>>
    %dma_wait3A_274 = arith.constant 0 : i32
    %dma_wait3A_275 = arith.constant 0 : i32
    %dma_wait3A_276 = tpu.memref_slice %arg4[%dma_wait3A_274, %dma_wait3A_275] : memref<80000x128xf32, #tpu.memory_space<hbm>> -> memref<80000x128xf32, #tpu.memory_space<hbm>>
    tpu.wait_indirect_dma semaphore(%arg18 : memref<!tpu.dma_semaphore, #tpu.memory_space<semaphore_mem>>) src(%dma_wait3A_276 : memref<80000x128xf32, #tpu.memory_space<hbm>>) dst(%arg12 : memref<80x128xf32, #tpu.memory_space<vmem>>)
    %dma_start3A_277 = arith.constant 22 : i32
    %dma_start3A_278 = arith.constant 0 : i32
    %dma_start3A_279 = tpu.memref_slice %arg9[%dma_start3A_277, %dma_start3A_278] : memref<32x80xi32, #tpu.memory_space<vmem>> -> memref<1x80xi32, #tpu.memory_space<vmem>>
    %dma_start3A_280 = tpu.memref_squeeze %dma_start3A_279 : memref<1x80xi32, #tpu.memory_space<vmem>> -> memref<80xi32, #tpu.memory_space<vmem>>
    %dma_start3A_281 = arith.constant 0 : i32
    %dma_start3A_282 = arith.constant 0 : i32
    %dma_start3A_283 = tpu.memref_slice %arg14[%dma_start3A_281, %dma_start3A_282] : memref<10000x128xf32, #tpu.memory_space<vmem_shared>> -> memref<10000x128xf32, #tpu.memory_space<vmem_shared>>
    tpu.enqueue_indirect_dma source(%arg12 : memref<80x128xf32, #tpu.memory_space<vmem>>) target(%dma_start3A_283 : memref<10000x128xf32, #tpu.memory_space<vmem_shared>>) offsets(%dma_start3A_280 : memref<80xi32, #tpu.memory_space<vmem>>) semaphore(%arg22 : memref<!tpu.dma_semaphore, #tpu.memory_space<semaphore_mem>>) {add = true}
    %dma_wait3A_284 = arith.constant 22 : i32
    %dma_wait3A_285 = arith.constant 0 : i32
    %dma_wait3A_286 = tpu.memref_slice %arg9[%dma_wait3A_284, %dma_wait3A_285] : memref<32x80xi32, #tpu.memory_space<vmem>> -> memref<1x80xi32, #tpu.memory_space<vmem>>
    %dma_wait3A_287 = tpu.memref_squeeze %dma_wait3A_286 : memref<1x80xi32, #tpu.memory_space<vmem>> -> memref<80xi32, #tpu.memory_space<vmem>>
    %dma_wait3A_288 = arith.constant 0 : i32
    %dma_wait3A_289 = arith.constant 0 : i32
    %dma_wait3A_290 = tpu.memref_slice %arg14[%dma_wait3A_288, %dma_wait3A_289] : memref<10000x128xf32, #tpu.memory_space<vmem_shared>> -> memref<10000x128xf32, #tpu.memory_space<vmem_shared>>
    tpu.wait_indirect_dma semaphore(%arg22 : memref<!tpu.dma_semaphore, #tpu.memory_space<semaphore_mem>>) src(%arg12 : memref<80x128xf32, #tpu.memory_space<vmem>>) dst(%dma_wait3A_290 : memref<10000x128xf32, #tpu.memory_space<vmem_shared>>)
    %dma_start3A_291 = arith.constant 26 : i32
    %dma_start3A_292 = arith.constant 0 : i32
    %dma_start3A_293 = tpu.memref_slice %arg8[%dma_start3A_291, %dma_start3A_292] : memref<32x80xi32, #tpu.memory_space<vmem>> -> memref<1x80xi32, #tpu.memory_space<vmem>>
    %dma_start3A_294 = tpu.memref_squeeze %dma_start3A_293 : memref<1x80xi32, #tpu.memory_space<vmem>> -> memref<80xi32, #tpu.memory_space<vmem>>
    %dma_start3A_295 = arith.constant 0 : i32
    %dma_start3A_296 = arith.constant 0 : i32
    %dma_start3A_297 = tpu.memref_slice %arg4[%dma_start3A_295, %dma_start3A_296] : memref<80000x128xf32, #tpu.memory_space<hbm>> -> memref<80000x128xf32, #tpu.memory_space<hbm>>
    tpu.enqueue_indirect_dma source(%dma_start3A_297 : memref<80000x128xf32, #tpu.memory_space<hbm>>) target(%arg12 : memref<80x128xf32, #tpu.memory_space<vmem>>) offsets(%dma_start3A_294 : memref<80xi32, #tpu.memory_space<vmem>>) semaphore(%arg18 : memref<!tpu.dma_semaphore, #tpu.memory_space<semaphore_mem>>)
    %dma_wait3A_298 = arith.constant 23 : i32
    %dma_wait3A_299 = arith.constant 0 : i32
    %dma_wait3A_300 = tpu.memref_slice %arg8[%dma_wait3A_298, %dma_wait3A_299] : memref<32x80xi32, #tpu.memory_space<vmem>> -> memref<1x80xi32, #tpu.memory_space<vmem>>
    %dma_wait3A_301 = tpu.memref_squeeze %dma_wait3A_300 : memref<1x80xi32, #tpu.memory_space<vmem>> -> memref<80xi32, #tpu.memory_space<vmem>>
    %dma_wait3A_302 = arith.constant 0 : i32
    %dma_wait3A_303 = arith.constant 0 : i32
    %dma_wait3A_304 = tpu.memref_slice %arg4[%dma_wait3A_302, %dma_wait3A_303] : memref<80000x128xf32, #tpu.memory_space<hbm>> -> memref<80000x128xf32, #tpu.memory_space<hbm>>
    tpu.wait_indirect_dma semaphore(%arg19 : memref<!tpu.dma_semaphore, #tpu.memory_space<semaphore_mem>>) src(%dma_wait3A_304 : memref<80000x128xf32, #tpu.memory_space<hbm>>) dst(%arg13 : memref<80x128xf32, #tpu.memory_space<vmem>>)
    %dma_start3A_305 = arith.constant 23 : i32
    %dma_start3A_306 = arith.constant 0 : i32
    %dma_start3A_307 = tpu.memref_slice %arg9[%dma_start3A_305, %dma_start3A_306] : memref<32x80xi32, #tpu.memory_space<vmem>> -> memref<1x80xi32, #tpu.memory_space<vmem>>
    %dma_start3A_308 = tpu.memref_squeeze %dma_start3A_307 : memref<1x80xi32, #tpu.memory_space<vmem>> -> memref<80xi32, #tpu.memory_space<vmem>>
    %dma_start3A_309 = arith.constant 0 : i32
    %dma_start3A_310 = arith.constant 0 : i32
    %dma_start3A_311 = tpu.memref_slice %arg14[%dma_start3A_309, %dma_start3A_310] : memref<10000x128xf32, #tpu.memory_space<vmem_shared>> -> memref<10000x128xf32, #tpu.memory_space<vmem_shared>>
    tpu.enqueue_indirect_dma source(%arg13 : memref<80x128xf32, #tpu.memory_space<vmem>>) target(%dma_start3A_311 : memref<10000x128xf32, #tpu.memory_space<vmem_shared>>) offsets(%dma_start3A_308 : memref<80xi32, #tpu.memory_space<vmem>>) semaphore(%arg23 : memref<!tpu.dma_semaphore, #tpu.memory_space<semaphore_mem>>) {add = true}
    %dma_wait3A_312 = arith.constant 23 : i32
    %dma_wait3A_313 = arith.constant 0 : i32
    %dma_wait3A_314 = tpu.memref_slice %arg9[%dma_wait3A_312, %dma_wait3A_313] : memref<32x80xi32, #tpu.memory_space<vmem>> -> memref<1x80xi32, #tpu.memory_space<vmem>>
    %dma_wait3A_315 = tpu.memref_squeeze %dma_wait3A_314 : memref<1x80xi32, #tpu.memory_space<vmem>> -> memref<80xi32, #tpu.memory_space<vmem>>
    %dma_wait3A_316 = arith.constant 0 : i32
    %dma_wait3A_317 = arith.constant 0 : i32
    %dma_wait3A_318 = tpu.memref_slice %arg14[%dma_wait3A_316, %dma_wait3A_317] : memref<10000x128xf32, #tpu.memory_space<vmem_shared>> -> memref<10000x128xf32, #tpu.memory_space<vmem_shared>>
    tpu.wait_indirect_dma semaphore(%arg23 : memref<!tpu.dma_semaphore, #tpu.memory_space<semaphore_mem>>) src(%arg13 : memref<80x128xf32, #tpu.memory_space<vmem>>) dst(%dma_wait3A_318 : memref<10000x128xf32, #tpu.memory_space<vmem_shared>>)
    %dma_start3A_319 = arith.constant 27 : i32
    %dma_start3A_320 = arith.constant 0 : i32
    %dma_start3A_321 = tpu.memref_slice %arg8[%dma_start3A_319, %dma_start3A_320] : memref<32x80xi32, #tpu.memory_space<vmem>> -> memref<1x80xi32, #tpu.memory_space<vmem>>
    %dma_start3A_322 = tpu.memref_squeeze %dma_start3A_321 : memref<1x80xi32, #tpu.memory_space<vmem>> -> memref<80xi32, #tpu.memory_space<vmem>>
    %dma_start3A_323 = arith.constant 0 : i32
    %dma_start3A_324 = arith.constant 0 : i32
    %dma_start3A_325 = tpu.memref_slice %arg4[%dma_start3A_323, %dma_start3A_324] : memref<80000x128xf32, #tpu.memory_space<hbm>> -> memref<80000x128xf32, #tpu.memory_space<hbm>>
    tpu.enqueue_indirect_dma source(%dma_start3A_325 : memref<80000x128xf32, #tpu.memory_space<hbm>>) target(%arg13 : memref<80x128xf32, #tpu.memory_space<vmem>>) offsets(%dma_start3A_322 : memref<80xi32, #tpu.memory_space<vmem>>) semaphore(%arg19 : memref<!tpu.dma_semaphore, #tpu.memory_space<semaphore_mem>>)
    %dma_wait3A_326 = arith.constant 24 : i32
    %dma_wait3A_327 = arith.constant 0 : i32
    %dma_wait3A_328 = tpu.memref_slice %arg8[%dma_wait3A_326, %dma_wait3A_327] : memref<32x80xi32, #tpu.memory_space<vmem>> -> memref<1x80xi32, #tpu.memory_space<vmem>>
    %dma_wait3A_329 = tpu.memref_squeeze %dma_wait3A_328 : memref<1x80xi32, #tpu.memory_space<vmem>> -> memref<80xi32, #tpu.memory_space<vmem>>
    %dma_wait3A_330 = arith.constant 0 : i32
    %dma_wait3A_331 = arith.constant 0 : i32
    %dma_wait3A_332 = tpu.memref_slice %arg4[%dma_wait3A_330, %dma_wait3A_331] : memref<80000x128xf32, #tpu.memory_space<hbm>> -> memref<80000x128xf32, #tpu.memory_space<hbm>>
    tpu.wait_indirect_dma semaphore(%arg16 : memref<!tpu.dma_semaphore, #tpu.memory_space<semaphore_mem>>) src(%dma_wait3A_332 : memref<80000x128xf32, #tpu.memory_space<hbm>>) dst(%arg10 : memref<80x128xf32, #tpu.memory_space<vmem>>)
    %dma_start3A_333 = arith.constant 24 : i32
    %dma_start3A_334 = arith.constant 0 : i32
    %dma_start3A_335 = tpu.memref_slice %arg9[%dma_start3A_333, %dma_start3A_334] : memref<32x80xi32, #tpu.memory_space<vmem>> -> memref<1x80xi32, #tpu.memory_space<vmem>>
    %dma_start3A_336 = tpu.memref_squeeze %dma_start3A_335 : memref<1x80xi32, #tpu.memory_space<vmem>> -> memref<80xi32, #tpu.memory_space<vmem>>
    %dma_start3A_337 = arith.constant 0 : i32
    %dma_start3A_338 = arith.constant 0 : i32
    %dma_start3A_339 = tpu.memref_slice %arg14[%dma_start3A_337, %dma_start3A_338] : memref<10000x128xf32, #tpu.memory_space<vmem_shared>> -> memref<10000x128xf32, #tpu.memory_space<vmem_shared>>
    tpu.enqueue_indirect_dma source(%arg10 : memref<80x128xf32, #tpu.memory_space<vmem>>) target(%dma_start3A_339 : memref<10000x128xf32, #tpu.memory_space<vmem_shared>>) offsets(%dma_start3A_336 : memref<80xi32, #tpu.memory_space<vmem>>) semaphore(%arg20 : memref<!tpu.dma_semaphore, #tpu.memory_space<semaphore_mem>>) {add = true}
    %dma_wait3A_340 = arith.constant 24 : i32
    %dma_wait3A_341 = arith.constant 0 : i32
    %dma_wait3A_342 = tpu.memref_slice %arg9[%dma_wait3A_340, %dma_wait3A_341] : memref<32x80xi32, #tpu.memory_space<vmem>> -> memref<1x80xi32, #tpu.memory_space<vmem>>
    %dma_wait3A_343 = tpu.memref_squeeze %dma_wait3A_342 : memref<1x80xi32, #tpu.memory_space<vmem>> -> memref<80xi32, #tpu.memory_space<vmem>>
    %dma_wait3A_344 = arith.constant 0 : i32
    %dma_wait3A_345 = arith.constant 0 : i32
    %dma_wait3A_346 = tpu.memref_slice %arg14[%dma_wait3A_344, %dma_wait3A_345] : memref<10000x128xf32, #tpu.memory_space<vmem_shared>> -> memref<10000x128xf32, #tpu.memory_space<vmem_shared>>
    tpu.wait_indirect_dma semaphore(%arg20 : memref<!tpu.dma_semaphore, #tpu.memory_space<semaphore_mem>>) src(%arg10 : memref<80x128xf32, #tpu.memory_space<vmem>>) dst(%dma_wait3A_346 : memref<10000x128xf32, #tpu.memory_space<vmem_shared>>)
    %dma_start3A_347 = arith.constant 28 : i32
    %dma_start3A_348 = arith.constant 0 : i32
    %dma_start3A_349 = tpu.memref_slice %arg8[%dma_start3A_347, %dma_start3A_348] : memref<32x80xi32, #tpu.memory_space<vmem>> -> memref<1x80xi32, #tpu.memory_space<vmem>>
    %dma_start3A_350 = tpu.memref_squeeze %dma_start3A_349 : memref<1x80xi32, #tpu.memory_space<vmem>> -> memref<80xi32, #tpu.memory_space<vmem>>
    %dma_start3A_351 = arith.constant 0 : i32
    %dma_start3A_352 = arith.constant 0 : i32
    %dma_start3A_353 = tpu.memref_slice %arg4[%dma_start3A_351, %dma_start3A_352] : memref<80000x128xf32, #tpu.memory_space<hbm>> -> memref<80000x128xf32, #tpu.memory_space<hbm>>
    tpu.enqueue_indirect_dma source(%dma_start3A_353 : memref<80000x128xf32, #tpu.memory_space<hbm>>) target(%arg10 : memref<80x128xf32, #tpu.memory_space<vmem>>) offsets(%dma_start3A_350 : memref<80xi32, #tpu.memory_space<vmem>>) semaphore(%arg16 : memref<!tpu.dma_semaphore, #tpu.memory_space<semaphore_mem>>)
    %dma_wait3A_354 = arith.constant 25 : i32
    %dma_wait3A_355 = arith.constant 0 : i32
    %dma_wait3A_356 = tpu.memref_slice %arg8[%dma_wait3A_354, %dma_wait3A_355] : memref<32x80xi32, #tpu.memory_space<vmem>> -> memref<1x80xi32, #tpu.memory_space<vmem>>
    %dma_wait3A_357 = tpu.memref_squeeze %dma_wait3A_356 : memref<1x80xi32, #tpu.memory_space<vmem>> -> memref<80xi32, #tpu.memory_space<vmem>>
    %dma_wait3A_358 = arith.constant 0 : i32
    %dma_wait3A_359 = arith.constant 0 : i32
    %dma_wait3A_360 = tpu.memref_slice %arg4[%dma_wait3A_358, %dma_wait3A_359] : memref<80000x128xf32, #tpu.memory_space<hbm>> -> memref<80000x128xf32, #tpu.memory_space<hbm>>
    tpu.wait_indirect_dma semaphore(%arg17 : memref<!tpu.dma_semaphore, #tpu.memory_space<semaphore_mem>>) src(%dma_wait3A_360 : memref<80000x128xf32, #tpu.memory_space<hbm>>) dst(%arg11 : memref<80x128xf32, #tpu.memory_space<vmem>>)
    %dma_start3A_361 = arith.constant 25 : i32
    %dma_start3A_362 = arith.constant 0 : i32
    %dma_start3A_363 = tpu.memref_slice %arg9[%dma_start3A_361, %dma_start3A_362] : memref<32x80xi32, #tpu.memory_space<vmem>> -> memref<1x80xi32, #tpu.memory_space<vmem>>
    %dma_start3A_364 = tpu.memref_squeeze %dma_start3A_363 : memref<1x80xi32, #tpu.memory_space<vmem>> -> memref<80xi32, #tpu.memory_space<vmem>>
    %dma_start3A_365 = arith.constant 0 : i32
    %dma_start3A_366 = arith.constant 0 : i32
    %dma_start3A_367 = tpu.memref_slice %arg14[%dma_start3A_365, %dma_start3A_366] : memref<10000x128xf32, #tpu.memory_space<vmem_shared>> -> memref<10000x128xf32, #tpu.memory_space<vmem_shared>>
    tpu.enqueue_indirect_dma source(%arg11 : memref<80x128xf32, #tpu.memory_space<vmem>>) target(%dma_start3A_367 : memref<10000x128xf32, #tpu.memory_space<vmem_shared>>) offsets(%dma_start3A_364 : memref<80xi32, #tpu.memory_space<vmem>>) semaphore(%arg21 : memref<!tpu.dma_semaphore, #tpu.memory_space<semaphore_mem>>) {add = true}
    %dma_wait3A_368 = arith.constant 26 : i32
    %dma_wait3A_369 = arith.constant 0 : i32
    %dma_wait3A_370 = tpu.memref_slice %arg8[%dma_wait3A_368, %dma_wait3A_369] : memref<32x80xi32, #tpu.memory_space<vmem>> -> memref<1x80xi32, #tpu.memory_space<vmem>>
    %dma_wait3A_371 = tpu.memref_squeeze %dma_wait3A_370 : memref<1x80xi32, #tpu.memory_space<vmem>> -> memref<80xi32, #tpu.memory_space<vmem>>
    %dma_wait3A_372 = arith.constant 0 : i32
    %dma_wait3A_373 = arith.constant 0 : i32
    %dma_wait3A_374 = tpu.memref_slice %arg4[%dma_wait3A_372, %dma_wait3A_373] : memref<80000x128xf32, #tpu.memory_space<hbm>> -> memref<80000x128xf32, #tpu.memory_space<hbm>>
    tpu.wait_indirect_dma semaphore(%arg18 : memref<!tpu.dma_semaphore, #tpu.memory_space<semaphore_mem>>) src(%dma_wait3A_374 : memref<80000x128xf32, #tpu.memory_space<hbm>>) dst(%arg12 : memref<80x128xf32, #tpu.memory_space<vmem>>)
    %dma_start3A_375 = arith.constant 26 : i32
    %dma_start3A_376 = arith.constant 0 : i32
    %dma_start3A_377 = tpu.memref_slice %arg9[%dma_start3A_375, %dma_start3A_376] : memref<32x80xi32, #tpu.memory_space<vmem>> -> memref<1x80xi32, #tpu.memory_space<vmem>>
    %dma_start3A_378 = tpu.memref_squeeze %dma_start3A_377 : memref<1x80xi32, #tpu.memory_space<vmem>> -> memref<80xi32, #tpu.memory_space<vmem>>
    %dma_start3A_379 = arith.constant 0 : i32
    %dma_start3A_380 = arith.constant 0 : i32
    %dma_start3A_381 = tpu.memref_slice %arg14[%dma_start3A_379, %dma_start3A_380] : memref<10000x128xf32, #tpu.memory_space<vmem_shared>> -> memref<10000x128xf32, #tpu.memory_space<vmem_shared>>
    tpu.enqueue_indirect_dma source(%arg12 : memref<80x128xf32, #tpu.memory_space<vmem>>) target(%dma_start3A_381 : memref<10000x128xf32, #tpu.memory_space<vmem_shared>>) offsets(%dma_start3A_378 : memref<80xi32, #tpu.memory_space<vmem>>) semaphore(%arg22 : memref<!tpu.dma_semaphore, #tpu.memory_space<semaphore_mem>>) {add = true}
    %dma_wait3A_382 = arith.constant 27 : i32
    %dma_wait3A_383 = arith.constant 0 : i32
    %dma_wait3A_384 = tpu.memref_slice %arg8[%dma_wait3A_382, %dma_wait3A_383] : memref<32x80xi32, #tpu.memory_space<vmem>> -> memref<1x80xi32, #tpu.memory_space<vmem>>
    %dma_wait3A_385 = tpu.memref_squeeze %dma_wait3A_384 : memref<1x80xi32, #tpu.memory_space<vmem>> -> memref<80xi32, #tpu.memory_space<vmem>>
    %dma_wait3A_386 = arith.constant 0 : i32
    %dma_wait3A_387 = arith.constant 0 : i32
    %dma_wait3A_388 = tpu.memref_slice %arg4[%dma_wait3A_386, %dma_wait3A_387] : memref<80000x128xf32, #tpu.memory_space<hbm>> -> memref<80000x128xf32, #tpu.memory_space<hbm>>
    tpu.wait_indirect_dma semaphore(%arg19 : memref<!tpu.dma_semaphore, #tpu.memory_space<semaphore_mem>>) src(%dma_wait3A_388 : memref<80000x128xf32, #tpu.memory_space<hbm>>) dst(%arg13 : memref<80x128xf32, #tpu.memory_space<vmem>>)
    %dma_start3A_389 = arith.constant 27 : i32
    %dma_start3A_390 = arith.constant 0 : i32
    %dma_start3A_391 = tpu.memref_slice %arg9[%dma_start3A_389, %dma_start3A_390] : memref<32x80xi32, #tpu.memory_space<vmem>> -> memref<1x80xi32, #tpu.memory_space<vmem>>
    %dma_start3A_392 = tpu.memref_squeeze %dma_start3A_391 : memref<1x80xi32, #tpu.memory_space<vmem>> -> memref<80xi32, #tpu.memory_space<vmem>>
    %dma_start3A_393 = arith.constant 0 : i32
    %dma_start3A_394 = arith.constant 0 : i32
    %dma_start3A_395 = tpu.memref_slice %arg14[%dma_start3A_393, %dma_start3A_394] : memref<10000x128xf32, #tpu.memory_space<vmem_shared>> -> memref<10000x128xf32, #tpu.memory_space<vmem_shared>>
    tpu.enqueue_indirect_dma source(%arg13 : memref<80x128xf32, #tpu.memory_space<vmem>>) target(%dma_start3A_395 : memref<10000x128xf32, #tpu.memory_space<vmem_shared>>) offsets(%dma_start3A_392 : memref<80xi32, #tpu.memory_space<vmem>>) semaphore(%arg23 : memref<!tpu.dma_semaphore, #tpu.memory_space<semaphore_mem>>) {add = true}
    %dma_wait3A_396 = arith.constant 28 : i32
    %dma_wait3A_397 = arith.constant 0 : i32
    %dma_wait3A_398 = tpu.memref_slice %arg8[%dma_wait3A_396, %dma_wait3A_397] : memref<32x80xi32, #tpu.memory_space<vmem>> -> memref<1x80xi32, #tpu.memory_space<vmem>>
    %dma_wait3A_399 = tpu.memref_squeeze %dma_wait3A_398 : memref<1x80xi32, #tpu.memory_space<vmem>> -> memref<80xi32, #tpu.memory_space<vmem>>
    %dma_wait3A_400 = arith.constant 0 : i32
    %dma_wait3A_401 = arith.constant 0 : i32
    %dma_wait3A_402 = tpu.memref_slice %arg4[%dma_wait3A_400, %dma_wait3A_401] : memref<80000x128xf32, #tpu.memory_space<hbm>> -> memref<80000x128xf32, #tpu.memory_space<hbm>>
    tpu.wait_indirect_dma semaphore(%arg16 : memref<!tpu.dma_semaphore, #tpu.memory_space<semaphore_mem>>) src(%dma_wait3A_402 : memref<80000x128xf32, #tpu.memory_space<hbm>>) dst(%arg10 : memref<80x128xf32, #tpu.memory_space<vmem>>)
    %dma_start3A_403 = arith.constant 28 : i32
    %dma_start3A_404 = arith.constant 0 : i32
    %dma_start3A_405 = tpu.memref_slice %arg9[%dma_start3A_403, %dma_start3A_404] : memref<32x80xi32, #tpu.memory_space<vmem>> -> memref<1x80xi32, #tpu.memory_space<vmem>>
    %dma_start3A_406 = tpu.memref_squeeze %dma_start3A_405 : memref<1x80xi32, #tpu.memory_space<vmem>> -> memref<80xi32, #tpu.memory_space<vmem>>
    %dma_start3A_407 = arith.constant 0 : i32
    %dma_start3A_408 = arith.constant 0 : i32
    %dma_start3A_409 = tpu.memref_slice %arg14[%dma_start3A_407, %dma_start3A_408] : memref<10000x128xf32, #tpu.memory_space<vmem_shared>> -> memref<10000x128xf32, #tpu.memory_space<vmem_shared>>
    tpu.enqueue_indirect_dma source(%arg10 : memref<80x128xf32, #tpu.memory_space<vmem>>) target(%dma_start3A_409 : memref<10000x128xf32, #tpu.memory_space<vmem_shared>>) offsets(%dma_start3A_406 : memref<80xi32, #tpu.memory_space<vmem>>) semaphore(%arg20 : memref<!tpu.dma_semaphore, #tpu.memory_space<semaphore_mem>>) {add = true}
    %dma_wait3A_410 = arith.constant 25 : i32
    %dma_wait3A_411 = arith.constant 0 : i32
    %dma_wait3A_412 = tpu.memref_slice %arg9[%dma_wait3A_410, %dma_wait3A_411] : memref<32x80xi32, #tpu.memory_space<vmem>> -> memref<1x80xi32, #tpu.memory_space<vmem>>
    %dma_wait3A_413 = tpu.memref_squeeze %dma_wait3A_412 : memref<1x80xi32, #tpu.memory_space<vmem>> -> memref<80xi32, #tpu.memory_space<vmem>>
    %dma_wait3A_414 = arith.constant 0 : i32
    %dma_wait3A_415 = arith.constant 0 : i32
    %dma_wait3A_416 = tpu.memref_slice %arg14[%dma_wait3A_414, %dma_wait3A_415] : memref<10000x128xf32, #tpu.memory_space<vmem_shared>> -> memref<10000x128xf32, #tpu.memory_space<vmem_shared>>
    tpu.wait_indirect_dma semaphore(%arg21 : memref<!tpu.dma_semaphore, #tpu.memory_space<semaphore_mem>>) src(%arg11 : memref<80x128xf32, #tpu.memory_space<vmem>>) dst(%dma_wait3A_416 : memref<10000x128xf32, #tpu.memory_space<vmem_shared>>)
    %dma_wait3A_417 = arith.constant 26 : i32
    %dma_wait3A_418 = arith.constant 0 : i32
    %dma_wait3A_419 = tpu.memref_slice %arg9[%dma_wait3A_417, %dma_wait3A_418] : memref<32x80xi32, #tpu.memory_space<vmem>> -> memref<1x80xi32, #tpu.memory_space<vmem>>
    %dma_wait3A_420 = tpu.memref_squeeze %dma_wait3A_419 : memref<1x80xi32, #tpu.memory_space<vmem>> -> memref<80xi32, #tpu.memory_space<vmem>>
    %dma_wait3A_421 = arith.constant 0 : i32
    %dma_wait3A_422 = arith.constant 0 : i32
    %dma_wait3A_423 = tpu.memref_slice %arg14[%dma_wait3A_421, %dma_wait3A_422] : memref<10000x128xf32, #tpu.memory_space<vmem_shared>> -> memref<10000x128xf32, #tpu.memory_space<vmem_shared>>
    tpu.wait_indirect_dma semaphore(%arg22 : memref<!tpu.dma_semaphore, #tpu.memory_space<semaphore_mem>>) src(%arg12 : memref<80x128xf32, #tpu.memory_space<vmem>>) dst(%dma_wait3A_423 : memref<10000x128xf32, #tpu.memory_space<vmem_shared>>)
    %dma_wait3A_424 = arith.constant 27 : i32
    %dma_wait3A_425 = arith.constant 0 : i32
    %dma_wait3A_426 = tpu.memref_slice %arg9[%dma_wait3A_424, %dma_wait3A_425] : memref<32x80xi32, #tpu.memory_space<vmem>> -> memref<1x80xi32, #tpu.memory_space<vmem>>
    %dma_wait3A_427 = tpu.memref_squeeze %dma_wait3A_426 : memref<1x80xi32, #tpu.memory_space<vmem>> -> memref<80xi32, #tpu.memory_space<vmem>>
    %dma_wait3A_428 = arith.constant 0 : i32
    %dma_wait3A_429 = arith.constant 0 : i32
    %dma_wait3A_430 = tpu.memref_slice %arg14[%dma_wait3A_428, %dma_wait3A_429] : memref<10000x128xf32, #tpu.memory_space<vmem_shared>> -> memref<10000x128xf32, #tpu.memory_space<vmem_shared>>
    tpu.wait_indirect_dma semaphore(%arg23 : memref<!tpu.dma_semaphore, #tpu.memory_space<semaphore_mem>>) src(%arg13 : memref<80x128xf32, #tpu.memory_space<vmem>>) dst(%dma_wait3A_430 : memref<10000x128xf32, #tpu.memory_space<vmem_shared>>)
    %dma_wait3A_431 = arith.constant 28 : i32
    %dma_wait3A_432 = arith.constant 0 : i32
    %dma_wait3A_433 = tpu.memref_slice %arg9[%dma_wait3A_431, %dma_wait3A_432] : memref<32x80xi32, #tpu.memory_space<vmem>> -> memref<1x80xi32, #tpu.memory_space<vmem>>
    %dma_wait3A_434 = tpu.memref_squeeze %dma_wait3A_433 : memref<1x80xi32, #tpu.memory_space<vmem>> -> memref<80xi32, #tpu.memory_space<vmem>>
    %dma_wait3A_435 = arith.constant 0 : i32
    %dma_wait3A_436 = arith.constant 0 : i32
    %dma_wait3A_437 = tpu.memref_slice %arg14[%dma_wait3A_435, %dma_wait3A_436] : memref<10000x128xf32, #tpu.memory_space<vmem_shared>> -> memref<10000x128xf32, #tpu.memory_space<vmem_shared>>
    tpu.wait_indirect_dma semaphore(%arg20 : memref<!tpu.dma_semaphore, #tpu.memory_space<semaphore_mem>>) src(%arg10 : memref<80x128xf32, #tpu.memory_space<vmem>>) dst(%dma_wait3A_437 : memref<10000x128xf32, #tpu.memory_space<vmem_shared>>)
    %barrier3A_438 = arith.constant 0 : index
    tpu.barrier barrier_id(%barrier3A_438)
    %lt3A = arith.constant 15 : i32
    %lt3A_439 = arith.cmpi slt, %arg1, %lt3A : i32
    %convert_element_type3A_440 = arith.extui %lt3A_439 : i1 to i32
    %cond3A_441 = arith.constant 0 : i32
    %cond3A_442 = arith.cmpi ne, %convert_element_type3A_440, %cond3A_441 : i32
    scf.if %cond3A_442 {
      "tpu.region"() ({
        %run_scoped3A = tpu.sem_alloc : memref<!tpu.dma_semaphore, #tpu.memory_space<semaphore_mem>>
        %dma_start3A_448 = arith.constant 0 : i32
        %dma_start3A_449 = tpu.memref_slice %arg7[%arg0, %mul3A_2, %dma_start3A_448] : memref<2x10000x128xf32, #tpu.memory_space<hbm>> -> memref<1x640x128xf32, #tpu.memory_space<hbm>>
        %dma_start3A_450 = tpu.memref_squeeze %dma_start3A_449 : memref<1x640x128xf32, #tpu.memory_space<hbm>> -> memref<640x128xf32, #tpu.memory_space<hbm>>
        %dma_start3A_451 = arith.constant 0 : i32
        %dma_start3A_452 = tpu.memref_slice %arg14[%mul3A_2, %dma_start3A_451] : memref<10000x128xf32, #tpu.memory_space<vmem_shared>> -> memref<640x128xf32, #tpu.memory_space<vmem_shared>>
        tpu.enqueue_dma source(%dma_start3A_452 : memref<640x128xf32, #tpu.memory_space<vmem_shared>>) target(%dma_start3A_450 : memref<640x128xf32, #tpu.memory_space<hbm>>) target_semaphore(%run_scoped3A : memref<!tpu.dma_semaphore, #tpu.memory_space<semaphore_mem>>)
        %dma_wait3A_453 = arith.constant 0 : i32
        %dma_wait3A_454 = tpu.memref_slice %arg7[%arg0, %mul3A_2, %dma_wait3A_453] : memref<2x10000x128xf32, #tpu.memory_space<hbm>> -> memref<1x640x128xf32, #tpu.memory_space<hbm>>
        %dma_wait3A_455 = tpu.memref_squeeze %dma_wait3A_454 : memref<1x640x128xf32, #tpu.memory_space<hbm>> -> memref<640x128xf32, #tpu.memory_space<hbm>>
        %dma_wait3A_456 = arith.constant 0 : i32
        %dma_wait3A_457 = tpu.memref_slice %arg14[%mul3A_2, %dma_wait3A_456] : memref<10000x128xf32, #tpu.memory_space<vmem_shared>> -> memref<640x128xf32, #tpu.memory_space<vmem_shared>>
        tpu.wait_dma2 semaphore(%run_scoped3A : memref<!tpu.dma_semaphore, #tpu.memory_space<semaphore_mem>>) src(%dma_wait3A_457 : memref<640x128xf32, #tpu.memory_space<vmem_shared>>) dst(%dma_wait3A_455 : memref<640x128xf32, #tpu.memory_space<hbm>>)
        tpu.yield
      }) : () -> ()
    } else {
    }
    %eq3A_443 = arith.constant 15 : i32
    %eq3A_444 = arith.cmpi eq, %arg1, %eq3A_443 : i32
    %convert_element_type3A_445 = arith.extui %eq3A_444 : i1 to i32
    %cond3A_446 = arith.constant 0 : i32
    %cond3A_447 = arith.cmpi ne, %convert_element_type3A_445, %cond3A_446 : i32
    scf.if %cond3A_447 {
      "tpu.region"() ({
        %run_scoped3A = tpu.sem_alloc : memref<!tpu.dma_semaphore, #tpu.memory_space<semaphore_mem>>
        %dma_start3A_448 = arith.constant 9600 : i32
        %dma_start3A_449 = arith.constant 0 : i32
        %dma_start3A_450 = tpu.memref_slice %arg7[%arg0, %dma_start3A_448, %dma_start3A_449] : memref<2x10000x128xf32, #tpu.memory_space<hbm>> -> memref<1x400x128xf32, #tpu.memory_space<hbm>>
        %dma_start3A_451 = tpu.memref_squeeze %dma_start3A_450 : memref<1x400x128xf32, #tpu.memory_space<hbm>> -> memref<400x128xf32, #tpu.memory_space<hbm>>
        %dma_start3A_452 = arith.constant 9600 : i32
        %dma_start3A_453 = arith.constant 0 : i32
        %dma_start3A_454 = tpu.memref_slice %arg14[%dma_start3A_452, %dma_start3A_453] : memref<10000x128xf32, #tpu.memory_space<vmem_shared>> -> memref<400x128xf32, #tpu.memory_space<vmem_shared>>
        tpu.enqueue_dma source(%dma_start3A_454 : memref<400x128xf32, #tpu.memory_space<vmem_shared>>) target(%dma_start3A_451 : memref<400x128xf32, #tpu.memory_space<hbm>>) target_semaphore(%run_scoped3A : memref<!tpu.dma_semaphore, #tpu.memory_space<semaphore_mem>>)
        %dma_wait3A_455 = arith.constant 9600 : i32
        %dma_wait3A_456 = arith.constant 0 : i32
        %dma_wait3A_457 = tpu.memref_slice %arg7[%arg0, %dma_wait3A_455, %dma_wait3A_456] : memref<2x10000x128xf32, #tpu.memory_space<hbm>> -> memref<1x400x128xf32, #tpu.memory_space<hbm>>
        %dma_wait3A_458 = tpu.memref_squeeze %dma_wait3A_457 : memref<1x400x128xf32, #tpu.memory_space<hbm>> -> memref<400x128xf32, #tpu.memory_space<hbm>>
        %dma_wait3A_459 = arith.constant 9600 : i32
        %dma_wait3A_460 = arith.constant 0 : i32
        %dma_wait3A_461 = tpu.memref_slice %arg14[%dma_wait3A_459, %dma_wait3A_460] : memref<10000x128xf32, #tpu.memory_space<vmem_shared>> -> memref<400x128xf32, #tpu.memory_space<vmem_shared>>
        tpu.wait_dma2 semaphore(%run_scoped3A : memref<!tpu.dma_semaphore, #tpu.memory_space<semaphore_mem>>) src(%dma_wait3A_461 : memref<400x128xf32, #tpu.memory_space<vmem_shared>>) dst(%dma_wait3A_458 : memref<400x128xf32, #tpu.memory_space<hbm>>)
        tpu.yield
      }) : () -> ()
    } else {
    }
    return
  }
}

#map = affine_map<(d0, d1) -> (0, 0, 0)>
#map1 = affine_map<(d0, d1) -> (0, 0)>
module attributes {stable_mosaic.version = 14 : i64} {
  func.func @_sc_aggregate(%arg0: i32, %arg1: i32, %arg2: memref<32x125x80xi32, #tpu.memory_space<hbm>>, %arg3: memref<32x125x80xi32, #tpu.memory_space<hbm>>, %arg4: memref<80000x128xf32, #tpu.memory_space<hbm>>, %arg5: memref<10000x128xf32, #tpu.memory_space<hbm>>, %arg6: memref<10000x128xf32, #tpu.memory_space<hbm>>, %arg7: memref<2x10000x128xf32, #tpu.memory_space<hbm>>, %arg8: memref<32x80xi32, #tpu.memory_space<vmem>>, %arg9: memref<32x80xi32, #tpu.memory_space<vmem>>, %arg10: memref<80x128xf32, #tpu.memory_space<vmem>>, %arg11: memref<80x128xf32, #tpu.memory_space<vmem>>, %arg12: memref<80x128xf32, #tpu.memory_space<vmem>>, %arg13: memref<80x128xf32, #tpu.memory_space<vmem>>, %arg14: memref<10000x128xf32, #tpu.memory_space<vmem_shared>>, %arg15: memref<!tpu.dma_semaphore, #tpu.memory_space<semaphore_mem>>, %arg16: memref<!tpu.dma_semaphore, #tpu.memory_space<semaphore_mem>>, %arg17: memref<!tpu.dma_semaphore, #tpu.memory_space<semaphore_mem>>, %arg18: memref<!tpu.dma_semaphore, #tpu.memory_space<semaphore_mem>>, %arg19: memref<!tpu.dma_semaphore, #tpu.memory_space<semaphore_mem>>, %arg20: memref<!tpu.dma_semaphore, #tpu.memory_space<semaphore_mem>>, %arg21: memref<!tpu.dma_semaphore, #tpu.memory_space<semaphore_mem>>, %arg22: memref<!tpu.dma_semaphore, #tpu.memory_space<semaphore_mem>>, %arg23: memref<!tpu.dma_semaphore, #tpu.memory_space<semaphore_mem>>) attributes {dimension_semantics = [#tpu.dimension_semantics<core_parallel>, #tpu.dimension_semantics<subcore_parallel>], iteration_bounds = array<i64: 2, 16>, scalar_prefetch = 0 : i64, scratch_operands = 16 : i64, tpu.core_type = #tpu.core_type<sc_vector_subcore>, window_params = [{transform_indices = #map}, {transform_indices = #map}, {transform_indices = #map1}, {transform_indices = #map1}, {transform_indices = #map1}, {transform_indices = #map}]} {
    %mul3A = arith.constant 16 : i32
    %mul3A_0 = arith.muli %arg0, %mul3A : i32
    %add3A = arith.addi %mul3A_0, %arg1 : i32
    %mul3A_1 = arith.constant 640 : i32
    %mul3A_2 = arith.muli %arg1, %mul3A_1 : i32
    %dma_start3A = arith.constant 0 : i32
    %dma_start3A_3 = arith.constant 0 : i32
    %dma_start3A_4 = tpu.memref_slice %arg8[%dma_start3A, %dma_start3A_3] : memref<32x80xi32, #tpu.memory_space<vmem>> -> memref<16x80xi32, #tpu.memory_space<vmem>>
    %dma_start3A_5 = arith.constant 0 : i32
    %dma_start3A_6 = arith.constant 0 : i32
    %dma_start3A_7 = tpu.memref_slice %arg2[%add3A, %dma_start3A_5, %dma_start3A_6] : memref<32x125x80xi32, #tpu.memory_space<hbm>> -> memref<1x16x80xi32, #tpu.memory_space<hbm>>
    %dma_start3A_8 = tpu.memref_squeeze %dma_start3A_7 : memref<1x16x80xi32, #tpu.memory_space<hbm>> -> memref<16x80xi32, #tpu.memory_space<hbm>>
    %dma_start3A_9 = arith.constant 0 : i32
    %dma_start3A_10 = arith.constant 0 : i32
    %dma_start3A_11 = tpu.memref_slice %arg8[%dma_start3A_9, %dma_start3A_10] : memref<32x80xi32, #tpu.memory_space<vmem>> -> memref<16x80xi32, #tpu.memory_space<vmem>>
    %dma_start3A_12 = arith.constant 0 : i32
    %dma_start3A_13 = arith.constant 0 : i32
    %dma_start3A_14 = tpu.memref_slice %arg2[%add3A, %dma_start3A_12, %dma_start3A_13] : memref<32x125x80xi32, #tpu.memory_space<hbm>> -> memref<1x16x80xi32, #tpu.memory_space<hbm>>
    %dma_start3A_15 = tpu.memref_squeeze %dma_start3A_14 : memref<1x16x80xi32, #tpu.memory_space<hbm>> -> memref<16x80xi32, #tpu.memory_space<hbm>>
    tpu.enqueue_dma source(%dma_start3A_15 : memref<16x80xi32, #tpu.memory_space<hbm>>) target(%dma_start3A_11 : memref<16x80xi32, #tpu.memory_space<vmem>>) target_semaphore(%arg15 : memref<!tpu.dma_semaphore, #tpu.memory_space<semaphore_mem>>)
    %dma_start3A_16 = arith.constant 0 : i32
    %dma_start3A_17 = arith.constant 0 : i32
    %dma_start3A_18 = tpu.memref_slice %arg9[%dma_start3A_16, %dma_start3A_17] : memref<32x80xi32, #tpu.memory_space<vmem>> -> memref<16x80xi32, #tpu.memory_space<vmem>>
    %dma_start3A_19 = arith.constant 0 : i32
    %dma_start3A_20 = arith.constant 0 : i32
    %dma_start3A_21 = tpu.memref_slice %arg3[%add3A, %dma_start3A_19, %dma_start3A_20] : memref<32x125x80xi32, #tpu.memory_space<hbm>> -> memref<1x16x80xi32, #tpu.memory_space<hbm>>
    %dma_start3A_22 = tpu.memref_squeeze %dma_start3A_21 : memref<1x16x80xi32, #tpu.memory_space<hbm>> -> memref<16x80xi32, #tpu.memory_space<hbm>>
    %dma_start3A_23 = arith.constant 0 : i32
    %dma_start3A_24 = arith.constant 0 : i32
    %dma_start3A_25 = tpu.memref_slice %arg9[%dma_start3A_23, %dma_start3A_24] : memref<32x80xi32, #tpu.memory_space<vmem>> -> memref<16x80xi32, #tpu.memory_space<vmem>>
    %dma_start3A_26 = arith.constant 0 : i32
    %dma_start3A_27 = arith.constant 0 : i32
    %dma_start3A_28 = tpu.memref_slice %arg3[%add3A, %dma_start3A_26, %dma_start3A_27] : memref<32x125x80xi32, #tpu.memory_space<hbm>> -> memref<1x16x80xi32, #tpu.memory_space<hbm>>
    %dma_start3A_29 = tpu.memref_squeeze %dma_start3A_28 : memref<1x16x80xi32, #tpu.memory_space<hbm>> -> memref<16x80xi32, #tpu.memory_space<hbm>>
    tpu.enqueue_dma source(%dma_start3A_29 : memref<16x80xi32, #tpu.memory_space<hbm>>) target(%dma_start3A_25 : memref<16x80xi32, #tpu.memory_space<vmem>>) target_semaphore(%arg15 : memref<!tpu.dma_semaphore, #tpu.memory_space<semaphore_mem>>)
    %eq3A = arith.constant 0 : i32
    %eq3A_30 = arith.cmpi eq, %arg0, %eq3A : i32
    %convert_element_type3A = arith.extui %eq3A_30 : i1 to i32
    %cond3A = arith.constant 0 : i32
    %cond3A_31 = arith.cmpi ne, %convert_element_type3A, %cond3A : i32
    scf.if %cond3A_31 {
      %lt3A_448 = arith.constant 15 : i32
      %lt3A_449 = arith.cmpi slt, %arg1, %lt3A_448 : i32
      %convert_element_type3A_450 = arith.extui %lt3A_449 : i1 to i32
      %cond3A_451 = arith.constant 0 : i32
      %cond3A_452 = arith.cmpi ne, %convert_element_type3A_450, %cond3A_451 : i32
      scf.if %cond3A_452 {
        "tpu.region"() ({
          %run_scoped3A = tpu.sem_alloc : memref<!tpu.dma_semaphore, #tpu.memory_space<semaphore_mem>>
          %dma_start3A_458 = arith.constant 0 : i32
          %dma_start3A_459 = tpu.memref_slice %arg14[%mul3A_2, %dma_start3A_458] : memref<10000x128xf32, #tpu.memory_space<vmem_shared>> -> memref<640x128xf32, #tpu.memory_space<vmem_shared>>
          %dma_start3A_460 = arith.constant 0 : i32
          %dma_start3A_461 = tpu.memref_slice %arg5[%mul3A_2, %dma_start3A_460] : memref<10000x128xf32, #tpu.memory_space<hbm>> -> memref<640x128xf32, #tpu.memory_space<hbm>>
          tpu.enqueue_dma source(%dma_start3A_461 : memref<640x128xf32, #tpu.memory_space<hbm>>) target(%dma_start3A_459 : memref<640x128xf32, #tpu.memory_space<vmem_shared>>) target_semaphore(%run_scoped3A : memref<!tpu.dma_semaphore, #tpu.memory_space<semaphore_mem>>)
          %dma_wait3A_462 = arith.constant 0 : i32
          %dma_wait3A_463 = tpu.memref_slice %arg14[%mul3A_2, %dma_wait3A_462] : memref<10000x128xf32, #tpu.memory_space<vmem_shared>> -> memref<640x128xf32, #tpu.memory_space<vmem_shared>>
          %dma_wait3A_464 = arith.constant 0 : i32
          %dma_wait3A_465 = tpu.memref_slice %arg5[%mul3A_2, %dma_wait3A_464] : memref<10000x128xf32, #tpu.memory_space<hbm>> -> memref<640x128xf32, #tpu.memory_space<hbm>>
          tpu.wait_dma2 semaphore(%run_scoped3A : memref<!tpu.dma_semaphore, #tpu.memory_space<semaphore_mem>>) src(%dma_wait3A_465 : memref<640x128xf32, #tpu.memory_space<hbm>>) dst(%dma_wait3A_463 : memref<640x128xf32, #tpu.memory_space<vmem_shared>>)
          tpu.yield
        }) : () -> ()
      } else {
      }
      %eq3A_453 = arith.constant 15 : i32
      %eq3A_454 = arith.cmpi eq, %arg1, %eq3A_453 : i32
      %convert_element_type3A_455 = arith.extui %eq3A_454 : i1 to i32
      %cond3A_456 = arith.constant 0 : i32
      %cond3A_457 = arith.cmpi ne, %convert_element_type3A_455, %cond3A_456 : i32
      scf.if %cond3A_457 {
        "tpu.region"() ({
          %run_scoped3A = tpu.sem_alloc : memref<!tpu.dma_semaphore, #tpu.memory_space<semaphore_mem>>
          %dma_start3A_458 = arith.constant 9600 : i32
          %dma_start3A_459 = arith.constant 0 : i32
          %dma_start3A_460 = tpu.memref_slice %arg14[%dma_start3A_458, %dma_start3A_459] : memref<10000x128xf32, #tpu.memory_space<vmem_shared>> -> memref<400x128xf32, #tpu.memory_space<vmem_shared>>
          %dma_start3A_461 = arith.constant 9600 : i32
          %dma_start3A_462 = arith.constant 0 : i32
          %dma_start3A_463 = tpu.memref_slice %arg5[%dma_start3A_461, %dma_start3A_462] : memref<10000x128xf32, #tpu.memory_space<hbm>> -> memref<400x128xf32, #tpu.memory_space<hbm>>
          tpu.enqueue_dma source(%dma_start3A_463 : memref<400x128xf32, #tpu.memory_space<hbm>>) target(%dma_start3A_460 : memref<400x128xf32, #tpu.memory_space<vmem_shared>>) target_semaphore(%run_scoped3A : memref<!tpu.dma_semaphore, #tpu.memory_space<semaphore_mem>>)
          %dma_wait3A_464 = arith.constant 9600 : i32
          %dma_wait3A_465 = arith.constant 0 : i32
          %dma_wait3A_466 = tpu.memref_slice %arg14[%dma_wait3A_464, %dma_wait3A_465] : memref<10000x128xf32, #tpu.memory_space<vmem_shared>> -> memref<400x128xf32, #tpu.memory_space<vmem_shared>>
          %dma_wait3A_467 = arith.constant 9600 : i32
          %dma_wait3A_468 = arith.constant 0 : i32
          %dma_wait3A_469 = tpu.memref_slice %arg5[%dma_wait3A_467, %dma_wait3A_468] : memref<10000x128xf32, #tpu.memory_space<hbm>> -> memref<400x128xf32, #tpu.memory_space<hbm>>
          tpu.wait_dma2 semaphore(%run_scoped3A : memref<!tpu.dma_semaphore, #tpu.memory_space<semaphore_mem>>) src(%dma_wait3A_469 : memref<400x128xf32, #tpu.memory_space<hbm>>) dst(%dma_wait3A_466 : memref<400x128xf32, #tpu.memory_space<vmem_shared>>)
          tpu.yield
        }) : () -> ()
      } else {
      }
    } else {
    }
    %ne3A = arith.constant 0 : i32
    %ne3A_32 = arith.cmpi ne, %arg0, %ne3A : i32
    %convert_element_type3A_33 = arith.extui %ne3A_32 : i1 to i32
    %cond3A_34 = arith.constant 0 : i32
    %cond3A_35 = arith.cmpi ne, %convert_element_type3A_33, %cond3A_34 : i32
    scf.if %cond3A_35 {
      %lt3A_448 = arith.constant 15 : i32
      %lt3A_449 = arith.cmpi slt, %arg1, %lt3A_448 : i32
      %convert_element_type3A_450 = arith.extui %lt3A_449 : i1 to i32
      %cond3A_451 = arith.constant 0 : i32
      %cond3A_452 = arith.cmpi ne, %convert_element_type3A_450, %cond3A_451 : i32
      scf.if %cond3A_452 {
        "tpu.region"() ({
          %run_scoped3A = tpu.sem_alloc : memref<!tpu.dma_semaphore, #tpu.memory_space<semaphore_mem>>
          %dma_start3A_458 = arith.constant 0 : i32
          %dma_start3A_459 = tpu.memref_slice %arg14[%mul3A_2, %dma_start3A_458] : memref<10000x128xf32, #tpu.memory_space<vmem_shared>> -> memref<640x128xf32, #tpu.memory_space<vmem_shared>>
          %dma_start3A_460 = arith.constant 0 : i32
          %dma_start3A_461 = tpu.memref_slice %arg6[%mul3A_2, %dma_start3A_460] : memref<10000x128xf32, #tpu.memory_space<hbm>> -> memref<640x128xf32, #tpu.memory_space<hbm>>
          tpu.enqueue_dma source(%dma_start3A_461 : memref<640x128xf32, #tpu.memory_space<hbm>>) target(%dma_start3A_459 : memref<640x128xf32, #tpu.memory_space<vmem_shared>>) target_semaphore(%run_scoped3A : memref<!tpu.dma_semaphore, #tpu.memory_space<semaphore_mem>>)
          %dma_wait3A_462 = arith.constant 0 : i32
          %dma_wait3A_463 = tpu.memref_slice %arg14[%mul3A_2, %dma_wait3A_462] : memref<10000x128xf32, #tpu.memory_space<vmem_shared>> -> memref<640x128xf32, #tpu.memory_space<vmem_shared>>
          %dma_wait3A_464 = arith.constant 0 : i32
          %dma_wait3A_465 = tpu.memref_slice %arg6[%mul3A_2, %dma_wait3A_464] : memref<10000x128xf32, #tpu.memory_space<hbm>> -> memref<640x128xf32, #tpu.memory_space<hbm>>
          tpu.wait_dma2 semaphore(%run_scoped3A : memref<!tpu.dma_semaphore, #tpu.memory_space<semaphore_mem>>) src(%dma_wait3A_465 : memref<640x128xf32, #tpu.memory_space<hbm>>) dst(%dma_wait3A_463 : memref<640x128xf32, #tpu.memory_space<vmem_shared>>)
          tpu.yield
        }) : () -> ()
      } else {
      }
      %eq3A_453 = arith.constant 15 : i32
      %eq3A_454 = arith.cmpi eq, %arg1, %eq3A_453 : i32
      %convert_element_type3A_455 = arith.extui %eq3A_454 : i1 to i32
      %cond3A_456 = arith.constant 0 : i32
      %cond3A_457 = arith.cmpi ne, %convert_element_type3A_455, %cond3A_456 : i32
      scf.if %cond3A_457 {
        "tpu.region"() ({
          %run_scoped3A = tpu.sem_alloc : memref<!tpu.dma_semaphore, #tpu.memory_space<semaphore_mem>>
          %dma_start3A_458 = arith.constant 9600 : i32
          %dma_start3A_459 = arith.constant 0 : i32
          %dma_start3A_460 = tpu.memref_slice %arg14[%dma_start3A_458, %dma_start3A_459] : memref<10000x128xf32, #tpu.memory_space<vmem_shared>> -> memref<400x128xf32, #tpu.memory_space<vmem_shared>>
          %dma_start3A_461 = arith.constant 9600 : i32
          %dma_start3A_462 = arith.constant 0 : i32
          %dma_start3A_463 = tpu.memref_slice %arg6[%dma_start3A_461, %dma_start3A_462] : memref<10000x128xf32, #tpu.memory_space<hbm>> -> memref<400x128xf32, #tpu.memory_space<hbm>>
          tpu.enqueue_dma source(%dma_start3A_463 : memref<400x128xf32, #tpu.memory_space<hbm>>) target(%dma_start3A_460 : memref<400x128xf32, #tpu.memory_space<vmem_shared>>) target_semaphore(%run_scoped3A : memref<!tpu.dma_semaphore, #tpu.memory_space<semaphore_mem>>)
          %dma_wait3A_464 = arith.constant 9600 : i32
          %dma_wait3A_465 = arith.constant 0 : i32
          %dma_wait3A_466 = tpu.memref_slice %arg14[%dma_wait3A_464, %dma_wait3A_465] : memref<10000x128xf32, #tpu.memory_space<vmem_shared>> -> memref<400x128xf32, #tpu.memory_space<vmem_shared>>
          %dma_wait3A_467 = arith.constant 9600 : i32
          %dma_wait3A_468 = arith.constant 0 : i32
          %dma_wait3A_469 = tpu.memref_slice %arg6[%dma_wait3A_467, %dma_wait3A_468] : memref<10000x128xf32, #tpu.memory_space<hbm>> -> memref<400x128xf32, #tpu.memory_space<hbm>>
          tpu.wait_dma2 semaphore(%run_scoped3A : memref<!tpu.dma_semaphore, #tpu.memory_space<semaphore_mem>>) src(%dma_wait3A_469 : memref<400x128xf32, #tpu.memory_space<hbm>>) dst(%dma_wait3A_466 : memref<400x128xf32, #tpu.memory_space<vmem_shared>>)
          tpu.yield
        }) : () -> ()
      } else {
      }
    } else {
    }
    %barrier3A = arith.constant 0 : index
    tpu.barrier barrier_id(%barrier3A)
    %scan3A = arith.constant 0 : i32
    %scan3A_36 = arith.constant 0 : i32
    %scan3A_37 = arith.constant 7 : i32
    %scan3A_38 = arith.addi %scan3A_36, %scan3A_37 : i32
    %scan3A_39 = arith.constant 1 : i32
    scf.for %scan3A_448 = %scan3A_36 to %scan3A_38 step %scan3A_39  : i32 {
      %jit3A = arith.constant 2 : i32
      %eq3A_449 = arith.constant 0 : i32
      %eq3A_450 = arith.cmpi eq, %jit3A, %eq3A_449 : i32
      %jit3A_451 = arith.constant 1 : i32
      %select_n3A = arith.select %eq3A_450, %jit3A_451, %jit3A : i32
      %rem3A = arith.remsi %scan3A_448, %select_n3A : i32
      %ne3A_452 = arith.constant 0 : i32
      %ne3A_453 = arith.cmpi ne, %rem3A, %ne3A_452 : i32
      %lt3A_454 = arith.constant 0 : i32
      %lt3A_455 = arith.cmpi slt, %rem3A, %lt3A_454 : i32
      %lt3A_456 = arith.constant 0 : i32
      %lt3A_457 = arith.cmpi slt, %select_n3A, %lt3A_456 : i32
      %ne3A_458 = arith.xori %lt3A_455, %lt3A_457 : i1
      %and3A = arith.andi %ne3A_458, %ne3A_453 : i1
      %add3A_459 = arith.addi %rem3A, %select_n3A : i32
      %select_n3A_460 = arith.select %and3A, %add3A_459, %rem3A : i32
      %mul3A_461 = arith.constant 16 : i32
      %mul3A_462 = arith.muli %select_n3A_460, %mul3A_461 : i32
      %jit3A_463 = arith.constant 2 : i32
      %eq3A_464 = arith.constant 0 : i32
      %eq3A_465 = arith.cmpi eq, %jit3A_463, %eq3A_464 : i32
      %jit3A_466 = arith.constant 1 : i32
      %select_n3A_467 = arith.select %eq3A_465, %jit3A_466, %jit3A_463 : i32
      %rem3A_468 = arith.remsi %scan3A_448, %select_n3A_467 : i32
      %ne3A_469 = arith.constant 0 : i32
      %ne3A_470 = arith.cmpi ne, %rem3A_468, %ne3A_469 : i32
      %lt3A_471 = arith.constant 0 : i32
      %lt3A_472 = arith.cmpi slt, %rem3A_468, %lt3A_471 : i32
      %lt3A_473 = arith.constant 0 : i32
      %lt3A_474 = arith.cmpi slt, %select_n3A_467, %lt3A_473 : i32
      %ne3A_475 = arith.xori %lt3A_472, %lt3A_474 : i1
      %and3A_476 = arith.andi %ne3A_475, %ne3A_470 : i1
      %add3A_477 = arith.addi %rem3A_468, %select_n3A_467 : i32
      %select_n3A_478 = arith.select %and3A_476, %add3A_477, %rem3A_468 : i32
      %mul3A_479 = arith.constant 16 : i32
      %mul3A_480 = arith.muli %select_n3A_478, %mul3A_479 : i32
      %mul3A_481 = arith.constant 16 : i32
      %mul3A_482 = arith.muli %scan3A_448, %mul3A_481 : i32
      %dma_wait3A_483 = arith.constant 0 : i32
      %dma_wait3A_484 = tpu.memref_slice %arg8[%mul3A_480, %dma_wait3A_483] : memref<32x80xi32, #tpu.memory_space<vmem>> -> memref<16x80xi32, #tpu.memory_space<vmem>>
      %dma_wait3A_485 = arith.constant 0 : i32
      %dma_wait3A_486 = tpu.memref_slice %arg2[%add3A, %mul3A_482, %dma_wait3A_485] : memref<32x125x80xi32, #tpu.memory_space<hbm>> -> memref<1x16x80xi32, #tpu.memory_space<hbm>>
      %dma_wait3A_487 = tpu.memref_squeeze %dma_wait3A_486 : memref<1x16x80xi32, #tpu.memory_space<hbm>> -> memref<16x80xi32, #tpu.memory_space<hbm>>
      %dma_wait3A_488 = arith.constant 0 : i32
      %dma_wait3A_489 = tpu.memref_slice %arg8[%mul3A_480, %dma_wait3A_488] : memref<32x80xi32, #tpu.memory_space<vmem>> -> memref<16x80xi32, #tpu.memory_space<vmem>>
      %dma_wait3A_490 = arith.constant 0 : i32
      %dma_wait3A_491 = tpu.memref_slice %arg2[%add3A, %mul3A_482, %dma_wait3A_490] : memref<32x125x80xi32, #tpu.memory_space<hbm>> -> memref<1x16x80xi32, #tpu.memory_space<hbm>>
      %dma_wait3A_492 = tpu.memref_squeeze %dma_wait3A_491 : memref<1x16x80xi32, #tpu.memory_space<hbm>> -> memref<16x80xi32, #tpu.memory_space<hbm>>
      tpu.wait_dma2 semaphore(%arg15 : memref<!tpu.dma_semaphore, #tpu.memory_space<semaphore_mem>>) src(%dma_wait3A_492 : memref<16x80xi32, #tpu.memory_space<hbm>>) dst(%dma_wait3A_489 : memref<16x80xi32, #tpu.memory_space<vmem>>)
      %mul3A_493 = arith.constant 16 : i32
      %mul3A_494 = arith.muli %scan3A_448, %mul3A_493 : i32
      %dma_wait3A_495 = arith.constant 0 : i32
      %dma_wait3A_496 = tpu.memref_slice %arg9[%mul3A_480, %dma_wait3A_495] : memref<32x80xi32, #tpu.memory_space<vmem>> -> memref<16x80xi32, #tpu.memory_space<vmem>>
      %dma_wait3A_497 = arith.constant 0 : i32
      %dma_wait3A_498 = tpu.memref_slice %arg3[%add3A, %mul3A_494, %dma_wait3A_497] : memref<32x125x80xi32, #tpu.memory_space<hbm>> -> memref<1x16x80xi32, #tpu.memory_space<hbm>>
      %dma_wait3A_499 = tpu.memref_squeeze %dma_wait3A_498 : memref<1x16x80xi32, #tpu.memory_space<hbm>> -> memref<16x80xi32, #tpu.memory_space<hbm>>
      %dma_wait3A_500 = arith.constant 0 : i32
      %dma_wait3A_501 = tpu.memref_slice %arg9[%mul3A_480, %dma_wait3A_500] : memref<32x80xi32, #tpu.memory_space<vmem>> -> memref<16x80xi32, #tpu.memory_space<vmem>>
      %dma_wait3A_502 = arith.constant 0 : i32
      %dma_wait3A_503 = tpu.memref_slice %arg3[%add3A, %mul3A_494, %dma_wait3A_502] : memref<32x125x80xi32, #tpu.memory_space<hbm>> -> memref<1x16x80xi32, #tpu.memory_space<hbm>>
      %dma_wait3A_504 = tpu.memref_squeeze %dma_wait3A_503 : memref<1x16x80xi32, #tpu.memory_space<hbm>> -> memref<16x80xi32, #tpu.memory_space<hbm>>
      tpu.wait_dma2 semaphore(%arg15 : memref<!tpu.dma_semaphore, #tpu.memory_space<semaphore_mem>>) src(%dma_wait3A_504 : memref<16x80xi32, #tpu.memory_space<hbm>>) dst(%dma_wait3A_501 : memref<16x80xi32, #tpu.memory_space<vmem>>)
      %scan3A_505 = arith.constant 0 : i32
      %scan3A_506 = arith.constant 0 : i32
      %scan3A_507 = arith.constant 16 : i32
      %scan3A_508 = arith.addi %scan3A_506, %scan3A_507 : i32
      %scan3A_509 = arith.constant 1 : i32
      scf.for %scan3A_993 = %scan3A_506 to %scan3A_508 step %scan3A_509  : i32 {
        %add3A_994 = arith.addi %mul3A_462, %scan3A_993 : i32
        %get3A = arith.index_cast %add3A_994 : i32 to index
        %get3A_995 = arith.constant 0 : index
        %get3A_996 = tpu.vector_load %arg8[%get3A, %get3A_995] {strides = array<i32>} : memref<32x80xi32, #tpu.memory_space<vmem>>, vector<1x16xi32>,
        %get3A_997 = vector.shape_cast %get3A_996 : vector<1x16xi32> to vector<16xi32>
        %shift_right_logical3A = arith.constant 14 : i32
        %shift_right_logical3A_998 = vector.broadcast %shift_right_logical3A : i32 to vector<16xi32>
        %shift_right_logical3A_999 = arith.shrui %get3A_997, %shift_right_logical3A_998 : vector<16xi32>
        %mul3A_1000 = arith.constant 10000 : i32
        %mul3A_1001 = vector.broadcast %mul3A_1000 : i32 to vector<16xi32>
        %mul3A_1002 = arith.muli %shift_right_logical3A_999, %mul3A_1001 : vector<16xi32>
        %and3A_1003 = arith.constant 16383 : i32
        %and3A_1004 = vector.broadcast %and3A_1003 : i32 to vector<16xi32>
        %and3A_1005 = arith.andi %get3A_997, %and3A_1004 : vector<16xi32>
        %add3A_1006 = arith.addi %mul3A_1002, %and3A_1005 : vector<16xi32>
        %add3A_1007 = arith.addi %mul3A_462, %scan3A_993 : i32
        %swap3A = arith.index_cast %add3A_1007 : i32 to index
        %swap3A_1008 = arith.constant 0 : index
        %swap3A_1009 = tpu.vector_load %arg8[%swap3A, %swap3A_1008] {strides = array<i32>} : memref<32x80xi32, #tpu.memory_space<vmem>>, vector<1x16xi32>,
        %swap3A_1010 = vector.shape_cast %swap3A_1009 : vector<1x16xi32> to vector<16xi32>
        %swap3A_1011 = vector.shape_cast %add3A_1006 : vector<16xi32> to vector<1x16xi32>
        tpu.vector_store %arg8[%swap3A, %swap3A_1008], %swap3A_1011 {strides = array<i32>} : memref<32x80xi32, #tpu.memory_space<vmem>>, vector<1x16xi32>,
        %add3A_1012 = arith.addi %mul3A_462, %scan3A_993 : i32
        %get3A_1013 = arith.index_cast %add3A_1012 : i32 to index
        %get3A_1014 = arith.constant 16 : index
        %get3A_1015 = tpu.vector_load %arg8[%get3A_1013, %get3A_1014] {strides = array<i32>} : memref<32x80xi32, #tpu.memory_space<vmem>>, vector<1x16xi32>,
        %get3A_1016 = vector.shape_cast %get3A_1015 : vector<1x16xi32> to vector<16xi32>
        %shift_right_logical3A_1017 = arith.constant 14 : i32
        %shift_right_logical3A_1018 = vector.broadcast %shift_right_logical3A_1017 : i32 to vector<16xi32>
        %shift_right_logical3A_1019 = arith.shrui %get3A_1016, %shift_right_logical3A_1018 : vector<16xi32>
        %mul3A_1020 = arith.constant 10000 : i32
        %mul3A_1021 = vector.broadcast %mul3A_1020 : i32 to vector<16xi32>
        %mul3A_1022 = arith.muli %shift_right_logical3A_1019, %mul3A_1021 : vector<16xi32>
        %and3A_1023 = arith.constant 16383 : i32
        %and3A_1024 = vector.broadcast %and3A_1023 : i32 to vector<16xi32>
        %and3A_1025 = arith.andi %get3A_1016, %and3A_1024 : vector<16xi32>
        %add3A_1026 = arith.addi %mul3A_1022, %and3A_1025 : vector<16xi32>
        %add3A_1027 = arith.addi %mul3A_462, %scan3A_993 : i32
        %swap3A_1028 = arith.index_cast %add3A_1027 : i32 to index
        %swap3A_1029 = arith.constant 16 : index
        %swap3A_1030 = tpu.vector_load %arg8[%swap3A_1028, %swap3A_1029] {strides = array<i32>} : memref<32x80xi32, #tpu.memory_space<vmem>>, vector<1x16xi32>,
        %swap3A_1031 = vector.shape_cast %swap3A_1030 : vector<1x16xi32> to vector<16xi32>
        %swap3A_1032 = vector.shape_cast %add3A_1026 : vector<16xi32> to vector<1x16xi32>
        tpu.vector_store %arg8[%swap3A_1028, %swap3A_1029], %swap3A_1032 {strides = array<i32>} : memref<32x80xi32, #tpu.memory_space<vmem>>, vector<1x16xi32>,
        %add3A_1033 = arith.addi %mul3A_462, %scan3A_993 : i32
        %get3A_1034 = arith.index_cast %add3A_1033 : i32 to index
        %get3A_1035 = arith.constant 32 : index
        %get3A_1036 = tpu.vector_load %arg8[%get3A_1034, %get3A_1035] {strides = array<i32>} : memref<32x80xi32, #tpu.memory_space<vmem>>, vector<1x16xi32>,
        %get3A_1037 = vector.shape_cast %get3A_1036 : vector<1x16xi32> to vector<16xi32>
        %shift_right_logical3A_1038 = arith.constant 14 : i32
        %shift_right_logical3A_1039 = vector.broadcast %shift_right_logical3A_1038 : i32 to vector<16xi32>
        %shift_right_logical3A_1040 = arith.shrui %get3A_1037, %shift_right_logical3A_1039 : vector<16xi32>
        %mul3A_1041 = arith.constant 10000 : i32
        %mul3A_1042 = vector.broadcast %mul3A_1041 : i32 to vector<16xi32>
        %mul3A_1043 = arith.muli %shift_right_logical3A_1040, %mul3A_1042 : vector<16xi32>
        %and3A_1044 = arith.constant 16383 : i32
        %and3A_1045 = vector.broadcast %and3A_1044 : i32 to vector<16xi32>
        %and3A_1046 = arith.andi %get3A_1037, %and3A_1045 : vector<16xi32>
        %add3A_1047 = arith.addi %mul3A_1043, %and3A_1046 : vector<16xi32>
        %add3A_1048 = arith.addi %mul3A_462, %scan3A_993 : i32
        %swap3A_1049 = arith.index_cast %add3A_1048 : i32 to index
        %swap3A_1050 = arith.constant 32 : index
        %swap3A_1051 = tpu.vector_load %arg8[%swap3A_1049, %swap3A_1050] {strides = array<i32>} : memref<32x80xi32, #tpu.memory_space<vmem>>, vector<1x16xi32>,
        %swap3A_1052 = vector.shape_cast %swap3A_1051 : vector<1x16xi32> to vector<16xi32>
        %swap3A_1053 = vector.shape_cast %add3A_1047 : vector<16xi32> to vector<1x16xi32>
        tpu.vector_store %arg8[%swap3A_1049, %swap3A_1050], %swap3A_1053 {strides = array<i32>} : memref<32x80xi32, #tpu.memory_space<vmem>>, vector<1x16xi32>,
        %add3A_1054 = arith.addi %mul3A_462, %scan3A_993 : i32
        %get3A_1055 = arith.index_cast %add3A_1054 : i32 to index
        %get3A_1056 = arith.constant 48 : index
        %get3A_1057 = tpu.vector_load %arg8[%get3A_1055, %get3A_1056] {strides = array<i32>} : memref<32x80xi32, #tpu.memory_space<vmem>>, vector<1x16xi32>,
        %get3A_1058 = vector.shape_cast %get3A_1057 : vector<1x16xi32> to vector<16xi32>
        %shift_right_logical3A_1059 = arith.constant 14 : i32
        %shift_right_logical3A_1060 = vector.broadcast %shift_right_logical3A_1059 : i32 to vector<16xi32>
        %shift_right_logical3A_1061 = arith.shrui %get3A_1058, %shift_right_logical3A_1060 : vector<16xi32>
        %mul3A_1062 = arith.constant 10000 : i32
        %mul3A_1063 = vector.broadcast %mul3A_1062 : i32 to vector<16xi32>
        %mul3A_1064 = arith.muli %shift_right_logical3A_1061, %mul3A_1063 : vector<16xi32>
        %and3A_1065 = arith.constant 16383 : i32
        %and3A_1066 = vector.broadcast %and3A_1065 : i32 to vector<16xi32>
        %and3A_1067 = arith.andi %get3A_1058, %and3A_1066 : vector<16xi32>
        %add3A_1068 = arith.addi %mul3A_1064, %and3A_1067 : vector<16xi32>
        %add3A_1069 = arith.addi %mul3A_462, %scan3A_993 : i32
        %swap3A_1070 = arith.index_cast %add3A_1069 : i32 to index
        %swap3A_1071 = arith.constant 48 : index
        %swap3A_1072 = tpu.vector_load %arg8[%swap3A_1070, %swap3A_1071] {strides = array<i32>} : memref<32x80xi32, #tpu.memory_space<vmem>>, vector<1x16xi32>,
        %swap3A_1073 = vector.shape_cast %swap3A_1072 : vector<1x16xi32> to vector<16xi32>
        %swap3A_1074 = vector.shape_cast %add3A_1068 : vector<16xi32> to vector<1x16xi32>
        tpu.vector_store %arg8[%swap3A_1070, %swap3A_1071], %swap3A_1074 {strides = array<i32>} : memref<32x80xi32, #tpu.memory_space<vmem>>, vector<1x16xi32>,
        %add3A_1075 = arith.addi %mul3A_462, %scan3A_993 : i32
        %get3A_1076 = arith.index_cast %add3A_1075 : i32 to index
        %get3A_1077 = arith.constant 64 : index
        %get3A_1078 = tpu.vector_load %arg8[%get3A_1076, %get3A_1077] {strides = array<i32>} : memref<32x80xi32, #tpu.memory_space<vmem>>, vector<1x16xi32>,
        %get3A_1079 = vector.shape_cast %get3A_1078 : vector<1x16xi32> to vector<16xi32>
        %shift_right_logical3A_1080 = arith.constant 14 : i32
        %shift_right_logical3A_1081 = vector.broadcast %shift_right_logical3A_1080 : i32 to vector<16xi32>
        %shift_right_logical3A_1082 = arith.shrui %get3A_1079, %shift_right_logical3A_1081 : vector<16xi32>
        %mul3A_1083 = arith.constant 10000 : i32
        %mul3A_1084 = vector.broadcast %mul3A_1083 : i32 to vector<16xi32>
        %mul3A_1085 = arith.muli %shift_right_logical3A_1082, %mul3A_1084 : vector<16xi32>
        %and3A_1086 = arith.constant 16383 : i32
        %and3A_1087 = vector.broadcast %and3A_1086 : i32 to vector<16xi32>
        %and3A_1088 = arith.andi %get3A_1079, %and3A_1087 : vector<16xi32>
        %add3A_1089 = arith.addi %mul3A_1085, %and3A_1088 : vector<16xi32>
        %add3A_1090 = arith.addi %mul3A_462, %scan3A_993 : i32
        %swap3A_1091 = arith.index_cast %add3A_1090 : i32 to index
        %swap3A_1092 = arith.constant 64 : index
        %swap3A_1093 = tpu.vector_load %arg8[%swap3A_1091, %swap3A_1092] {strides = array<i32>} : memref<32x80xi32, #tpu.memory_space<vmem>>, vector<1x16xi32>,
        %swap3A_1094 = vector.shape_cast %swap3A_1093 : vector<1x16xi32> to vector<16xi32>
        %swap3A_1095 = vector.shape_cast %add3A_1089 : vector<16xi32> to vector<1x16xi32>
        tpu.vector_store %arg8[%swap3A_1091, %swap3A_1092], %swap3A_1095 {strides = array<i32>} : memref<32x80xi32, #tpu.memory_space<vmem>>, vector<1x16xi32>,
      }
      %scan3A_510 = arith.constant 16 : i32
      %lt3A_511 = arith.constant 6 : i32
      %lt3A_512 = arith.cmpi slt, %scan3A_448, %lt3A_511 : i32
      %convert_element_type3A_513 = arith.extui %lt3A_512 : i1 to i32
      %cond3A_514 = arith.constant 0 : i32
      %cond3A_515 = arith.cmpi ne, %convert_element_type3A_513, %cond3A_514 : i32
      scf.if %cond3A_515 {
        %add3A_993 = arith.constant 1 : i32
        %add3A_994 = arith.addi %scan3A_448, %add3A_993 : i32
        %jit3A_995 = arith.constant 2 : i32
        %eq3A_996 = arith.constant 0 : i32
        %eq3A_997 = arith.cmpi eq, %jit3A_995, %eq3A_996 : i32
        %jit3A_998 = arith.constant 1 : i32
        %select_n3A_999 = arith.select %eq3A_997, %jit3A_998, %jit3A_995 : i32
        %rem3A_1000 = arith.remsi %add3A_994, %select_n3A_999 : i32
        %ne3A_1001 = arith.constant 0 : i32
        %ne3A_1002 = arith.cmpi ne, %rem3A_1000, %ne3A_1001 : i32
        %lt3A_1003 = arith.constant 0 : i32
        %lt3A_1004 = arith.cmpi slt, %rem3A_1000, %lt3A_1003 : i32
        %lt3A_1005 = arith.constant 0 : i32
        %lt3A_1006 = arith.cmpi slt, %select_n3A_999, %lt3A_1005 : i32
        %ne3A_1007 = arith.xori %lt3A_1004, %lt3A_1006 : i1
        %and3A_1008 = arith.andi %ne3A_1007, %ne3A_1002 : i1
        %add3A_1009 = arith.addi %rem3A_1000, %select_n3A_999 : i32
        %select_n3A_1010 = arith.select %and3A_1008, %add3A_1009, %rem3A_1000 : i32
        %mul3A_1011 = arith.constant 16 : i32
        %mul3A_1012 = arith.muli %select_n3A_1010, %mul3A_1011 : i32
        %mul3A_1013 = arith.constant 16 : i32
        %mul3A_1014 = arith.muli %add3A_994, %mul3A_1013 : i32
        %dma_start3A_1015 = arith.constant 0 : i32
        %dma_start3A_1016 = tpu.memref_slice %arg8[%mul3A_1012, %dma_start3A_1015] : memref<32x80xi32, #tpu.memory_space<vmem>> -> memref<16x80xi32, #tpu.memory_space<vmem>>
        %dma_start3A_1017 = arith.constant 0 : i32
        %dma_start3A_1018 = tpu.memref_slice %arg2[%add3A, %mul3A_1014, %dma_start3A_1017] : memref<32x125x80xi32, #tpu.memory_space<hbm>> -> memref<1x16x80xi32, #tpu.memory_space<hbm>>
        %dma_start3A_1019 = tpu.memref_squeeze %dma_start3A_1018 : memref<1x16x80xi32, #tpu.memory_space<hbm>> -> memref<16x80xi32, #tpu.memory_space<hbm>>
        %dma_start3A_1020 = arith.constant 0 : i32
        %dma_start3A_1021 = tpu.memref_slice %arg8[%mul3A_1012, %dma_start3A_1020] : memref<32x80xi32, #tpu.memory_space<vmem>> -> memref<16x80xi32, #tpu.memory_space<vmem>>
        %dma_start3A_1022 = arith.constant 0 : i32
        %dma_start3A_1023 = tpu.memref_slice %arg2[%add3A, %mul3A_1014, %dma_start3A_1022] : memref<32x125x80xi32, #tpu.memory_space<hbm>> -> memref<1x16x80xi32, #tpu.memory_space<hbm>>
        %dma_start3A_1024 = tpu.memref_squeeze %dma_start3A_1023 : memref<1x16x80xi32, #tpu.memory_space<hbm>> -> memref<16x80xi32, #tpu.memory_space<hbm>>
        tpu.enqueue_dma source(%dma_start3A_1024 : memref<16x80xi32, #tpu.memory_space<hbm>>) target(%dma_start3A_1021 : memref<16x80xi32, #tpu.memory_space<vmem>>) target_semaphore(%arg15 : memref<!tpu.dma_semaphore, #tpu.memory_space<semaphore_mem>>)
        %mul3A_1025 = arith.constant 16 : i32
        %mul3A_1026 = arith.muli %add3A_994, %mul3A_1025 : i32
        %dma_start3A_1027 = arith.constant 0 : i32
        %dma_start3A_1028 = tpu.memref_slice %arg9[%mul3A_1012, %dma_start3A_1027] : memref<32x80xi32, #tpu.memory_space<vmem>> -> memref<16x80xi32, #tpu.memory_space<vmem>>
        %dma_start3A_1029 = arith.constant 0 : i32
        %dma_start3A_1030 = tpu.memref_slice %arg3[%add3A, %mul3A_1026, %dma_start3A_1029] : memref<32x125x80xi32, #tpu.memory_space<hbm>> -> memref<1x16x80xi32, #tpu.memory_space<hbm>>
        %dma_start3A_1031 = tpu.memref_squeeze %dma_start3A_1030 : memref<1x16x80xi32, #tpu.memory_space<hbm>> -> memref<16x80xi32, #tpu.memory_space<hbm>>
        %dma_start3A_1032 = arith.constant 0 : i32
        %dma_start3A_1033 = tpu.memref_slice %arg9[%mul3A_1012, %dma_start3A_1032] : memref<32x80xi32, #tpu.memory_space<vmem>> -> memref<16x80xi32, #tpu.memory_space<vmem>>
        %dma_start3A_1034 = arith.constant 0 : i32
        %dma_start3A_1035 = tpu.memref_slice %arg3[%add3A, %mul3A_1026, %dma_start3A_1034] : memref<32x125x80xi32, #tpu.memory_space<hbm>> -> memref<1x16x80xi32, #tpu.memory_space<hbm>>
        %dma_start3A_1036 = tpu.memref_squeeze %dma_start3A_1035 : memref<1x16x80xi32, #tpu.memory_space<hbm>> -> memref<16x80xi32, #tpu.memory_space<hbm>>
        tpu.enqueue_dma source(%dma_start3A_1036 : memref<16x80xi32, #tpu.memory_space<hbm>>) target(%dma_start3A_1033 : memref<16x80xi32, #tpu.memory_space<vmem>>) target_semaphore(%arg15 : memref<!tpu.dma_semaphore, #tpu.memory_space<semaphore_mem>>)
      } else {
      }
      %eq3A_516 = arith.constant 6 : i32
      %eq3A_517 = arith.cmpi eq, %scan3A_448, %eq3A_516 : i32
      %convert_element_type3A_518 = arith.extui %eq3A_517 : i1 to i32
      %cond3A_519 = arith.constant 0 : i32
      %cond3A_520 = arith.cmpi ne, %convert_element_type3A_518, %cond3A_519 : i32
      scf.if %cond3A_520 {
        %dma_start3A_993 = arith.constant 16 : i32
        %dma_start3A_994 = arith.constant 0 : i32
        %dma_start3A_995 = tpu.memref_slice %arg8[%dma_start3A_993, %dma_start3A_994] : memref<32x80xi32, #tpu.memory_space<vmem>> -> memref<13x80xi32, #tpu.memory_space<vmem>>
        %dma_start3A_996 = arith.constant 112 : i32
        %dma_start3A_997 = arith.constant 0 : i32
        %dma_start3A_998 = tpu.memref_slice %arg2[%add3A, %dma_start3A_996, %dma_start3A_997] : memref<32x125x80xi32, #tpu.memory_space<hbm>> -> memref<1x13x80xi32, #tpu.memory_space<hbm>>
        %dma_start3A_999 = tpu.memref_squeeze %dma_start3A_998 : memref<1x13x80xi32, #tpu.memory_space<hbm>> -> memref<13x80xi32, #tpu.memory_space<hbm>>
        %dma_start3A_1000 = arith.constant 16 : i32
        %dma_start3A_1001 = arith.constant 0 : i32
        %dma_start3A_1002 = tpu.memref_slice %arg8[%dma_start3A_1000, %dma_start3A_1001] : memref<32x80xi32, #tpu.memory_space<vmem>> -> memref<13x80xi32, #tpu.memory_space<vmem>>
        %dma_start3A_1003 = arith.constant 112 : i32
        %dma_start3A_1004 = arith.constant 0 : i32
        %dma_start3A_1005 = tpu.memref_slice %arg2[%add3A, %dma_start3A_1003, %dma_start3A_1004] : memref<32x125x80xi32, #tpu.memory_space<hbm>> -> memref<1x13x80xi32, #tpu.memory_space<hbm>>
        %dma_start3A_1006 = tpu.memref_squeeze %dma_start3A_1005 : memref<1x13x80xi32, #tpu.memory_space<hbm>> -> memref<13x80xi32, #tpu.memory_space<hbm>>
        tpu.enqueue_dma source(%dma_start3A_1006 : memref<13x80xi32, #tpu.memory_space<hbm>>) target(%dma_start3A_1002 : memref<13x80xi32, #tpu.memory_space<vmem>>) target_semaphore(%arg15 : memref<!tpu.dma_semaphore, #tpu.memory_space<semaphore_mem>>)
        %dma_start3A_1007 = arith.constant 16 : i32
        %dma_start3A_1008 = arith.constant 0 : i32
        %dma_start3A_1009 = tpu.memref_slice %arg9[%dma_start3A_1007, %dma_start3A_1008] : memref<32x80xi32, #tpu.memory_space<vmem>> -> memref<13x80xi32, #tpu.memory_space<vmem>>
        %dma_start3A_1010 = arith.constant 112 : i32
        %dma_start3A_1011 = arith.constant 0 : i32
        %dma_start3A_1012 = tpu.memref_slice %arg3[%add3A, %dma_start3A_1010, %dma_start3A_1011] : memref<32x125x80xi32, #tpu.memory_space<hbm>> -> memref<1x13x80xi32, #tpu.memory_space<hbm>>
        %dma_start3A_1013 = tpu.memref_squeeze %dma_start3A_1012 : memref<1x13x80xi32, #tpu.memory_space<hbm>> -> memref<13x80xi32, #tpu.memory_space<hbm>>
        %dma_start3A_1014 = arith.constant 16 : i32
        %dma_start3A_1015 = arith.constant 0 : i32
        %dma_start3A_1016 = tpu.memref_slice %arg9[%dma_start3A_1014, %dma_start3A_1015] : memref<32x80xi32, #tpu.memory_space<vmem>> -> memref<13x80xi32, #tpu.memory_space<vmem>>
        %dma_start3A_1017 = arith.constant 112 : i32
        %dma_start3A_1018 = arith.constant 0 : i32
        %dma_start3A_1019 = tpu.memref_slice %arg3[%add3A, %dma_start3A_1017, %dma_start3A_1018] : memref<32x125x80xi32, #tpu.memory_space<hbm>> -> memref<1x13x80xi32, #tpu.memory_space<hbm>>
        %dma_start3A_1020 = tpu.memref_squeeze %dma_start3A_1019 : memref<1x13x80xi32, #tpu.memory_space<hbm>> -> memref<13x80xi32, #tpu.memory_space<hbm>>
        tpu.enqueue_dma source(%dma_start3A_1020 : memref<13x80xi32, #tpu.memory_space<hbm>>) target(%dma_start3A_1016 : memref<13x80xi32, #tpu.memory_space<vmem>>) target_semaphore(%arg15 : memref<!tpu.dma_semaphore, #tpu.memory_space<semaphore_mem>>)
      } else {
      }
      %add3A_521 = arith.constant 0 : i32
      %add3A_522 = arith.addi %mul3A_462, %add3A_521 : i32
      %dma_start3A_523 = arith.constant 0 : i32
      %dma_start3A_524 = tpu.memref_slice %arg8[%add3A_522, %dma_start3A_523] : memref<32x80xi32, #tpu.memory_space<vmem>> -> memref<1x80xi32, #tpu.memory_space<vmem>>
      %dma_start3A_525 = tpu.memref_squeeze %dma_start3A_524 : memref<1x80xi32, #tpu.memory_space<vmem>> -> memref<80xi32, #tpu.memory_space<vmem>>
      %dma_start3A_526 = arith.constant 0 : i32
      %dma_start3A_527 = arith.constant 0 : i32
      %dma_start3A_528 = tpu.memref_slice %arg4[%dma_start3A_526, %dma_start3A_527] : memref<80000x128xf32, #tpu.memory_space<hbm>> -> memref<80000x128xf32, #tpu.memory_space<hbm>>
      tpu.enqueue_indirect_dma source(%dma_start3A_528 : memref<80000x128xf32, #tpu.memory_space<hbm>>) target(%arg10 : memref<80x128xf32, #tpu.memory_space<vmem>>) offsets(%dma_start3A_525 : memref<80xi32, #tpu.memory_space<vmem>>) semaphore(%arg16 : memref<!tpu.dma_semaphore, #tpu.memory_space<semaphore_mem>>)
      %add3A_529 = arith.constant 1 : i32
      %add3A_530 = arith.addi %mul3A_462, %add3A_529 : i32
      %dma_start3A_531 = arith.constant 0 : i32
      %dma_start3A_532 = tpu.memref_slice %arg8[%add3A_530, %dma_start3A_531] : memref<32x80xi32, #tpu.memory_space<vmem>> -> memref<1x80xi32, #tpu.memory_space<vmem>>
      %dma_start3A_533 = tpu.memref_squeeze %dma_start3A_532 : memref<1x80xi32, #tpu.memory_space<vmem>> -> memref<80xi32, #tpu.memory_space<vmem>>
      %dma_start3A_534 = arith.constant 0 : i32
      %dma_start3A_535 = arith.constant 0 : i32
      %dma_start3A_536 = tpu.memref_slice %arg4[%dma_start3A_534, %dma_start3A_535] : memref<80000x128xf32, #tpu.memory_space<hbm>> -> memref<80000x128xf32, #tpu.memory_space<hbm>>
      tpu.enqueue_indirect_dma source(%dma_start3A_536 : memref<80000x128xf32, #tpu.memory_space<hbm>>) target(%arg11 : memref<80x128xf32, #tpu.memory_space<vmem>>) offsets(%dma_start3A_533 : memref<80xi32, #tpu.memory_space<vmem>>) semaphore(%arg17 : memref<!tpu.dma_semaphore, #tpu.memory_space<semaphore_mem>>)
      %add3A_537 = arith.constant 2 : i32
      %add3A_538 = arith.addi %mul3A_462, %add3A_537 : i32
      %dma_start3A_539 = arith.constant 0 : i32
      %dma_start3A_540 = tpu.memref_slice %arg8[%add3A_538, %dma_start3A_539] : memref<32x80xi32, #tpu.memory_space<vmem>> -> memref<1x80xi32, #tpu.memory_space<vmem>>
      %dma_start3A_541 = tpu.memref_squeeze %dma_start3A_540 : memref<1x80xi32, #tpu.memory_space<vmem>> -> memref<80xi32, #tpu.memory_space<vmem>>
      %dma_start3A_542 = arith.constant 0 : i32
      %dma_start3A_543 = arith.constant 0 : i32
      %dma_start3A_544 = tpu.memref_slice %arg4[%dma_start3A_542, %dma_start3A_543] : memref<80000x128xf32, #tpu.memory_space<hbm>> -> memref<80000x128xf32, #tpu.memory_space<hbm>>
      tpu.enqueue_indirect_dma source(%dma_start3A_544 : memref<80000x128xf32, #tpu.memory_space<hbm>>) target(%arg12 : memref<80x128xf32, #tpu.memory_space<vmem>>) offsets(%dma_start3A_541 : memref<80xi32, #tpu.memory_space<vmem>>) semaphore(%arg18 : memref<!tpu.dma_semaphore, #tpu.memory_space<semaphore_mem>>)
      %add3A_545 = arith.constant 3 : i32
      %add3A_546 = arith.addi %mul3A_462, %add3A_545 : i32
      %dma_start3A_547 = arith.constant 0 : i32
      %dma_start3A_548 = tpu.memref_slice %arg8[%add3A_546, %dma_start3A_547] : memref<32x80xi32, #tpu.memory_space<vmem>> -> memref<1x80xi32, #tpu.memory_space<vmem>>
      %dma_start3A_549 = tpu.memref_squeeze %dma_start3A_548 : memref<1x80xi32, #tpu.memory_space<vmem>> -> memref<80xi32, #tpu.memory_space<vmem>>
      %dma_start3A_550 = arith.constant 0 : i32
      %dma_start3A_551 = arith.constant 0 : i32
      %dma_start3A_552 = tpu.memref_slice %arg4[%dma_start3A_550, %dma_start3A_551] : memref<80000x128xf32, #tpu.memory_space<hbm>> -> memref<80000x128xf32, #tpu.memory_space<hbm>>
      tpu.enqueue_indirect_dma source(%dma_start3A_552 : memref<80000x128xf32, #tpu.memory_space<hbm>>) target(%arg13 : memref<80x128xf32, #tpu.memory_space<vmem>>) offsets(%dma_start3A_549 : memref<80xi32, #tpu.memory_space<vmem>>) semaphore(%arg19 : memref<!tpu.dma_semaphore, #tpu.memory_space<semaphore_mem>>)
      %dma_wait3A_553 = arith.constant 0 : i32
      %dma_wait3A_554 = tpu.memref_slice %arg8[%add3A_522, %dma_wait3A_553] : memref<32x80xi32, #tpu.memory_space<vmem>> -> memref<1x80xi32, #tpu.memory_space<vmem>>
      %dma_wait3A_555 = tpu.memref_squeeze %dma_wait3A_554 : memref<1x80xi32, #tpu.memory_space<vmem>> -> memref<80xi32, #tpu.memory_space<vmem>>
      %dma_wait3A_556 = arith.constant 0 : i32
      %dma_wait3A_557 = arith.constant 0 : i32
      %dma_wait3A_558 = tpu.memref_slice %arg4[%dma_wait3A_556, %dma_wait3A_557] : memref<80000x128xf32, #tpu.memory_space<hbm>> -> memref<80000x128xf32, #tpu.memory_space<hbm>>
      tpu.wait_indirect_dma semaphore(%arg16 : memref<!tpu.dma_semaphore, #tpu.memory_space<semaphore_mem>>) src(%dma_wait3A_558 : memref<80000x128xf32, #tpu.memory_space<hbm>>) dst(%arg10 : memref<80x128xf32, #tpu.memory_space<vmem>>)
      %add3A_559 = arith.constant 0 : i32
      %add3A_560 = arith.addi %mul3A_462, %add3A_559 : i32
      %dma_start3A_561 = arith.constant 0 : i32
      %dma_start3A_562 = tpu.memref_slice %arg9[%add3A_560, %dma_start3A_561] : memref<32x80xi32, #tpu.memory_space<vmem>> -> memref<1x80xi32, #tpu.memory_space<vmem>>
      %dma_start3A_563 = tpu.memref_squeeze %dma_start3A_562 : memref<1x80xi32, #tpu.memory_space<vmem>> -> memref<80xi32, #tpu.memory_space<vmem>>
      %dma_start3A_564 = arith.constant 0 : i32
      %dma_start3A_565 = arith.constant 0 : i32
      %dma_start3A_566 = tpu.memref_slice %arg14[%dma_start3A_564, %dma_start3A_565] : memref<10000x128xf32, #tpu.memory_space<vmem_shared>> -> memref<10000x128xf32, #tpu.memory_space<vmem_shared>>
      tpu.enqueue_indirect_dma source(%arg10 : memref<80x128xf32, #tpu.memory_space<vmem>>) target(%dma_start3A_566 : memref<10000x128xf32, #tpu.memory_space<vmem_shared>>) offsets(%dma_start3A_563 : memref<80xi32, #tpu.memory_space<vmem>>) semaphore(%arg20 : memref<!tpu.dma_semaphore, #tpu.memory_space<semaphore_mem>>) {add = true}
      %dma_wait3A_567 = arith.constant 0 : i32
      %dma_wait3A_568 = tpu.memref_slice %arg9[%add3A_560, %dma_wait3A_567] : memref<32x80xi32, #tpu.memory_space<vmem>> -> memref<1x80xi32, #tpu.memory_space<vmem>>
      %dma_wait3A_569 = tpu.memref_squeeze %dma_wait3A_568 : memref<1x80xi32, #tpu.memory_space<vmem>> -> memref<80xi32, #tpu.memory_space<vmem>>
      %dma_wait3A_570 = arith.constant 0 : i32
      %dma_wait3A_571 = arith.constant 0 : i32
      %dma_wait3A_572 = tpu.memref_slice %arg14[%dma_wait3A_570, %dma_wait3A_571] : memref<10000x128xf32, #tpu.memory_space<vmem_shared>> -> memref<10000x128xf32, #tpu.memory_space<vmem_shared>>
      tpu.wait_indirect_dma semaphore(%arg20 : memref<!tpu.dma_semaphore, #tpu.memory_space<semaphore_mem>>) src(%arg10 : memref<80x128xf32, #tpu.memory_space<vmem>>) dst(%dma_wait3A_572 : memref<10000x128xf32, #tpu.memory_space<vmem_shared>>)
      %add3A_573 = arith.constant 0 : i32
      %add3A_574 = arith.addi %mul3A_462, %add3A_573 : i32
      %add3A_575 = arith.constant 4 : i32
      %add3A_576 = arith.addi %add3A_574, %add3A_575 : i32
      %dma_start3A_577 = arith.constant 0 : i32
      %dma_start3A_578 = tpu.memref_slice %arg8[%add3A_576, %dma_start3A_577] : memref<32x80xi32, #tpu.memory_space<vmem>> -> memref<1x80xi32, #tpu.memory_space<vmem>>
      %dma_start3A_579 = tpu.memref_squeeze %dma_start3A_578 : memref<1x80xi32, #tpu.memory_space<vmem>> -> memref<80xi32, #tpu.memory_space<vmem>>
      %dma_start3A_580 = arith.constant 0 : i32
      %dma_start3A_581 = arith.constant 0 : i32
      %dma_start3A_582 = tpu.memref_slice %arg4[%dma_start3A_580, %dma_start3A_581] : memref<80000x128xf32, #tpu.memory_space<hbm>> -> memref<80000x128xf32, #tpu.memory_space<hbm>>
      tpu.enqueue_indirect_dma source(%dma_start3A_582 : memref<80000x128xf32, #tpu.memory_space<hbm>>) target(%arg10 : memref<80x128xf32, #tpu.memory_space<vmem>>) offsets(%dma_start3A_579 : memref<80xi32, #tpu.memory_space<vmem>>) semaphore(%arg16 : memref<!tpu.dma_semaphore, #tpu.memory_space<semaphore_mem>>)
      %dma_wait3A_583 = arith.constant 0 : i32
      %dma_wait3A_584 = tpu.memref_slice %arg8[%add3A_530, %dma_wait3A_583] : memref<32x80xi32, #tpu.memory_space<vmem>> -> memref<1x80xi32, #tpu.memory_space<vmem>>
      %dma_wait3A_585 = tpu.memref_squeeze %dma_wait3A_584 : memref<1x80xi32, #tpu.memory_space<vmem>> -> memref<80xi32, #tpu.memory_space<vmem>>
      %dma_wait3A_586 = arith.constant 0 : i32
      %dma_wait3A_587 = arith.constant 0 : i32
      %dma_wait3A_588 = tpu.memref_slice %arg4[%dma_wait3A_586, %dma_wait3A_587] : memref<80000x128xf32, #tpu.memory_space<hbm>> -> memref<80000x128xf32, #tpu.memory_space<hbm>>
      tpu.wait_indirect_dma semaphore(%arg17 : memref<!tpu.dma_semaphore, #tpu.memory_space<semaphore_mem>>) src(%dma_wait3A_588 : memref<80000x128xf32, #tpu.memory_space<hbm>>) dst(%arg11 : memref<80x128xf32, #tpu.memory_space<vmem>>)
      %add3A_589 = arith.constant 1 : i32
      %add3A_590 = arith.addi %mul3A_462, %add3A_589 : i32
      %dma_start3A_591 = arith.constant 0 : i32
      %dma_start3A_592 = tpu.memref_slice %arg9[%add3A_590, %dma_start3A_591] : memref<32x80xi32, #tpu.memory_space<vmem>> -> memref<1x80xi32, #tpu.memory_space<vmem>>
      %dma_start3A_593 = tpu.memref_squeeze %dma_start3A_592 : memref<1x80xi32, #tpu.memory_space<vmem>> -> memref<80xi32, #tpu.memory_space<vmem>>
      %dma_start3A_594 = arith.constant 0 : i32
      %dma_start3A_595 = arith.constant 0 : i32
      %dma_start3A_596 = tpu.memref_slice %arg14[%dma_start3A_594, %dma_start3A_595] : memref<10000x128xf32, #tpu.memory_space<vmem_shared>> -> memref<10000x128xf32, #tpu.memory_space<vmem_shared>>
      tpu.enqueue_indirect_dma source(%arg11 : memref<80x128xf32, #tpu.memory_space<vmem>>) target(%dma_start3A_596 : memref<10000x128xf32, #tpu.memory_space<vmem_shared>>) offsets(%dma_start3A_593 : memref<80xi32, #tpu.memory_space<vmem>>) semaphore(%arg21 : memref<!tpu.dma_semaphore, #tpu.memory_space<semaphore_mem>>) {add = true}
      %dma_wait3A_597 = arith.constant 0 : i32
      %dma_wait3A_598 = tpu.memref_slice %arg9[%add3A_590, %dma_wait3A_597] : memref<32x80xi32, #tpu.memory_space<vmem>> -> memref<1x80xi32, #tpu.memory_space<vmem>>
      %dma_wait3A_599 = tpu.memref_squeeze %dma_wait3A_598 : memref<1x80xi32, #tpu.memory_space<vmem>> -> memref<80xi32, #tpu.memory_space<vmem>>
      %dma_wait3A_600 = arith.constant 0 : i32
      %dma_wait3A_601 = arith.constant 0 : i32
      %dma_wait3A_602 = tpu.memref_slice %arg14[%dma_wait3A_600, %dma_wait3A_601] : memref<10000x128xf32, #tpu.memory_space<vmem_shared>> -> memref<10000x128xf32, #tpu.memory_space<vmem_shared>>
      tpu.wait_indirect_dma semaphore(%arg21 : memref<!tpu.dma_semaphore, #tpu.memory_space<semaphore_mem>>) src(%arg11 : memref<80x128xf32, #tpu.memory_space<vmem>>) dst(%dma_wait3A_602 : memref<10000x128xf32, #tpu.memory_space<vmem_shared>>)
      %add3A_603 = arith.constant 1 : i32
      %add3A_604 = arith.addi %mul3A_462, %add3A_603 : i32
      %add3A_605 = arith.constant 4 : i32
      %add3A_606 = arith.addi %add3A_604, %add3A_605 : i32
      %dma_start3A_607 = arith.constant 0 : i32
      %dma_start3A_608 = tpu.memref_slice %arg8[%add3A_606, %dma_start3A_607] : memref<32x80xi32, #tpu.memory_space<vmem>> -> memref<1x80xi32, #tpu.memory_space<vmem>>
      %dma_start3A_609 = tpu.memref_squeeze %dma_start3A_608 : memref<1x80xi32, #tpu.memory_space<vmem>> -> memref<80xi32, #tpu.memory_space<vmem>>
      %dma_start3A_610 = arith.constant 0 : i32
      %dma_start3A_611 = arith.constant 0 : i32
      %dma_start3A_612 = tpu.memref_slice %arg4[%dma_start3A_610, %dma_start3A_611] : memref<80000x128xf32, #tpu.memory_space<hbm>> -> memref<80000x128xf32, #tpu.memory_space<hbm>>
      tpu.enqueue_indirect_dma source(%dma_start3A_612 : memref<80000x128xf32, #tpu.memory_space<hbm>>) target(%arg11 : memref<80x128xf32, #tpu.memory_space<vmem>>) offsets(%dma_start3A_609 : memref<80xi32, #tpu.memory_space<vmem>>) semaphore(%arg17 : memref<!tpu.dma_semaphore, #tpu.memory_space<semaphore_mem>>)
      %dma_wait3A_613 = arith.constant 0 : i32
      %dma_wait3A_614 = tpu.memref_slice %arg8[%add3A_538, %dma_wait3A_613] : memref<32x80xi32, #tpu.memory_space<vmem>> -> memref<1x80xi32, #tpu.memory_space<vmem>>
      %dma_wait3A_615 = tpu.memref_squeeze %dma_wait3A_614 : memref<1x80xi32, #tpu.memory_space<vmem>> -> memref<80xi32, #tpu.memory_space<vmem>>
      %dma_wait3A_616 = arith.constant 0 : i32
      %dma_wait3A_617 = arith.constant 0 : i32
      %dma_wait3A_618 = tpu.memref_slice %arg4[%dma_wait3A_616, %dma_wait3A_617] : memref<80000x128xf32, #tpu.memory_space<hbm>> -> memref<80000x128xf32, #tpu.memory_space<hbm>>
      tpu.wait_indirect_dma semaphore(%arg18 : memref<!tpu.dma_semaphore, #tpu.memory_space<semaphore_mem>>) src(%dma_wait3A_618 : memref<80000x128xf32, #tpu.memory_space<hbm>>) dst(%arg12 : memref<80x128xf32, #tpu.memory_space<vmem>>)
      %add3A_619 = arith.constant 2 : i32
      %add3A_620 = arith.addi %mul3A_462, %add3A_619 : i32
      %dma_start3A_621 = arith.constant 0 : i32
      %dma_start3A_622 = tpu.memref_slice %arg9[%add3A_620, %dma_start3A_621] : memref<32x80xi32, #tpu.memory_space<vmem>> -> memref<1x80xi32, #tpu.memory_space<vmem>>
      %dma_start3A_623 = tpu.memref_squeeze %dma_start3A_622 : memref<1x80xi32, #tpu.memory_space<vmem>> -> memref<80xi32, #tpu.memory_space<vmem>>
      %dma_start3A_624 = arith.constant 0 : i32
      %dma_start3A_625 = arith.constant 0 : i32
      %dma_start3A_626 = tpu.memref_slice %arg14[%dma_start3A_624, %dma_start3A_625] : memref<10000x128xf32, #tpu.memory_space<vmem_shared>> -> memref<10000x128xf32, #tpu.memory_space<vmem_shared>>
      tpu.enqueue_indirect_dma source(%arg12 : memref<80x128xf32, #tpu.memory_space<vmem>>) target(%dma_start3A_626 : memref<10000x128xf32, #tpu.memory_space<vmem_shared>>) offsets(%dma_start3A_623 : memref<80xi32, #tpu.memory_space<vmem>>) semaphore(%arg22 : memref<!tpu.dma_semaphore, #tpu.memory_space<semaphore_mem>>) {add = true}
      %dma_wait3A_627 = arith.constant 0 : i32
      %dma_wait3A_628 = tpu.memref_slice %arg9[%add3A_620, %dma_wait3A_627] : memref<32x80xi32, #tpu.memory_space<vmem>> -> memref<1x80xi32, #tpu.memory_space<vmem>>
      %dma_wait3A_629 = tpu.memref_squeeze %dma_wait3A_628 : memref<1x80xi32, #tpu.memory_space<vmem>> -> memref<80xi32, #tpu.memory_space<vmem>>
      %dma_wait3A_630 = arith.constant 0 : i32
      %dma_wait3A_631 = arith.constant 0 : i32
      %dma_wait3A_632 = tpu.memref_slice %arg14[%dma_wait3A_630, %dma_wait3A_631] : memref<10000x128xf32, #tpu.memory_space<vmem_shared>> -> memref<10000x128xf32, #tpu.memory_space<vmem_shared>>
      tpu.wait_indirect_dma semaphore(%arg22 : memref<!tpu.dma_semaphore, #tpu.memory_space<semaphore_mem>>) src(%arg12 : memref<80x128xf32, #tpu.memory_space<vmem>>) dst(%dma_wait3A_632 : memref<10000x128xf32, #tpu.memory_space<vmem_shared>>)
      %add3A_633 = arith.constant 2 : i32
      %add3A_634 = arith.addi %mul3A_462, %add3A_633 : i32
      %add3A_635 = arith.constant 4 : i32
      %add3A_636 = arith.addi %add3A_634, %add3A_635 : i32
      %dma_start3A_637 = arith.constant 0 : i32
      %dma_start3A_638 = tpu.memref_slice %arg8[%add3A_636, %dma_start3A_637] : memref<32x80xi32, #tpu.memory_space<vmem>> -> memref<1x80xi32, #tpu.memory_space<vmem>>
      %dma_start3A_639 = tpu.memref_squeeze %dma_start3A_638 : memref<1x80xi32, #tpu.memory_space<vmem>> -> memref<80xi32, #tpu.memory_space<vmem>>
      %dma_start3A_640 = arith.constant 0 : i32
      %dma_start3A_641 = arith.constant 0 : i32
      %dma_start3A_642 = tpu.memref_slice %arg4[%dma_start3A_640, %dma_start3A_641] : memref<80000x128xf32, #tpu.memory_space<hbm>> -> memref<80000x128xf32, #tpu.memory_space<hbm>>
      tpu.enqueue_indirect_dma source(%dma_start3A_642 : memref<80000x128xf32, #tpu.memory_space<hbm>>) target(%arg12 : memref<80x128xf32, #tpu.memory_space<vmem>>) offsets(%dma_start3A_639 : memref<80xi32, #tpu.memory_space<vmem>>) semaphore(%arg18 : memref<!tpu.dma_semaphore, #tpu.memory_space<semaphore_mem>>)
      %dma_wait3A_643 = arith.constant 0 : i32
      %dma_wait3A_644 = tpu.memref_slice %arg8[%add3A_546, %dma_wait3A_643] : memref<32x80xi32, #tpu.memory_space<vmem>> -> memref<1x80xi32, #tpu.memory_space<vmem>>
      %dma_wait3A_645 = tpu.memref_squeeze %dma_wait3A_644 : memref<1x80xi32, #tpu.memory_space<vmem>> -> memref<80xi32, #tpu.memory_space<vmem>>
      %dma_wait3A_646 = arith.constant 0 : i32
      %dma_wait3A_647 = arith.constant 0 : i32
      %dma_wait3A_648 = tpu.memref_slice %arg4[%dma_wait3A_646, %dma_wait3A_647] : memref<80000x128xf32, #tpu.memory_space<hbm>> -> memref<80000x128xf32, #tpu.memory_space<hbm>>
      tpu.wait_indirect_dma semaphore(%arg19 : memref<!tpu.dma_semaphore, #tpu.memory_space<semaphore_mem>>) src(%dma_wait3A_648 : memref<80000x128xf32, #tpu.memory_space<hbm>>) dst(%arg13 : memref<80x128xf32, #tpu.memory_space<vmem>>)
      %add3A_649 = arith.constant 3 : i32
      %add3A_650 = arith.addi %mul3A_462, %add3A_649 : i32
      %dma_start3A_651 = arith.constant 0 : i32
      %dma_start3A_652 = tpu.memref_slice %arg9[%add3A_650, %dma_start3A_651] : memref<32x80xi32, #tpu.memory_space<vmem>> -> memref<1x80xi32, #tpu.memory_space<vmem>>
      %dma_start3A_653 = tpu.memref_squeeze %dma_start3A_652 : memref<1x80xi32, #tpu.memory_space<vmem>> -> memref<80xi32, #tpu.memory_space<vmem>>
      %dma_start3A_654 = arith.constant 0 : i32
      %dma_start3A_655 = arith.constant 0 : i32
      %dma_start3A_656 = tpu.memref_slice %arg14[%dma_start3A_654, %dma_start3A_655] : memref<10000x128xf32, #tpu.memory_space<vmem_shared>> -> memref<10000x128xf32, #tpu.memory_space<vmem_shared>>
      tpu.enqueue_indirect_dma source(%arg13 : memref<80x128xf32, #tpu.memory_space<vmem>>) target(%dma_start3A_656 : memref<10000x128xf32, #tpu.memory_space<vmem_shared>>) offsets(%dma_start3A_653 : memref<80xi32, #tpu.memory_space<vmem>>) semaphore(%arg23 : memref<!tpu.dma_semaphore, #tpu.memory_space<semaphore_mem>>) {add = true}
      %dma_wait3A_657 = arith.constant 0 : i32
      %dma_wait3A_658 = tpu.memref_slice %arg9[%add3A_650, %dma_wait3A_657] : memref<32x80xi32, #tpu.memory_space<vmem>> -> memref<1x80xi32, #tpu.memory_space<vmem>>
      %dma_wait3A_659 = tpu.memref_squeeze %dma_wait3A_658 : memref<1x80xi32, #tpu.memory_space<vmem>> -> memref<80xi32, #tpu.memory_space<vmem>>
      %dma_wait3A_660 = arith.constant 0 : i32
      %dma_wait3A_661 = arith.constant 0 : i32
      %dma_wait3A_662 = tpu.memref_slice %arg14[%dma_wait3A_660, %dma_wait3A_661] : memref<10000x128xf32, #tpu.memory_space<vmem_shared>> -> memref<10000x128xf32, #tpu.memory_space<vmem_shared>>
      tpu.wait_indirect_dma semaphore(%arg23 : memref<!tpu.dma_semaphore, #tpu.memory_space<semaphore_mem>>) src(%arg13 : memref<80x128xf32, #tpu.memory_space<vmem>>) dst(%dma_wait3A_662 : memref<10000x128xf32, #tpu.memory_space<vmem_shared>>)
      %add3A_663 = arith.constant 3 : i32
      %add3A_664 = arith.addi %mul3A_462, %add3A_663 : i32
      %add3A_665 = arith.constant 4 : i32
      %add3A_666 = arith.addi %add3A_664, %add3A_665 : i32
      %dma_start3A_667 = arith.constant 0 : i32
      %dma_start3A_668 = tpu.memref_slice %arg8[%add3A_666, %dma_start3A_667] : memref<32x80xi32, #tpu.memory_space<vmem>> -> memref<1x80xi32, #tpu.memory_space<vmem>>
      %dma_start3A_669 = tpu.memref_squeeze %dma_start3A_668 : memref<1x80xi32, #tpu.memory_space<vmem>> -> memref<80xi32, #tpu.memory_space<vmem>>
      %dma_start3A_670 = arith.constant 0 : i32
      %dma_start3A_671 = arith.constant 0 : i32
      %dma_start3A_672 = tpu.memref_slice %arg4[%dma_start3A_670, %dma_start3A_671] : memref<80000x128xf32, #tpu.memory_space<hbm>> -> memref<80000x128xf32, #tpu.memory_space<hbm>>
      tpu.enqueue_indirect_dma source(%dma_start3A_672 : memref<80000x128xf32, #tpu.memory_space<hbm>>) target(%arg13 : memref<80x128xf32, #tpu.memory_space<vmem>>) offsets(%dma_start3A_669 : memref<80xi32, #tpu.memory_space<vmem>>) semaphore(%arg19 : memref<!tpu.dma_semaphore, #tpu.memory_space<semaphore_mem>>)
      %dma_wait3A_673 = arith.constant 0 : i32
      %dma_wait3A_674 = tpu.memref_slice %arg8[%add3A_576, %dma_wait3A_673] : memref<32x80xi32, #tpu.memory_space<vmem>> -> memref<1x80xi32, #tpu.memory_space<vmem>>
      %dma_wait3A_675 = tpu.memref_squeeze %dma_wait3A_674 : memref<1x80xi32, #tpu.memory_space<vmem>> -> memref<80xi32, #tpu.memory_space<vmem>>
      %dma_wait3A_676 = arith.constant 0 : i32
      %dma_wait3A_677 = arith.constant 0 : i32
      %dma_wait3A_678 = tpu.memref_slice %arg4[%dma_wait3A_676, %dma_wait3A_677] : memref<80000x128xf32, #tpu.memory_space<hbm>> -> memref<80000x128xf32, #tpu.memory_space<hbm>>
      tpu.wait_indirect_dma semaphore(%arg16 : memref<!tpu.dma_semaphore, #tpu.memory_space<semaphore_mem>>) src(%dma_wait3A_678 : memref<80000x128xf32, #tpu.memory_space<hbm>>) dst(%arg10 : memref<80x128xf32, #tpu.memory_space<vmem>>)
      %add3A_679 = arith.constant 4 : i32
      %add3A_680 = arith.addi %mul3A_462, %add3A_679 : i32
      %dma_start3A_681 = arith.constant 0 : i32
      %dma_start3A_682 = tpu.memref_slice %arg9[%add3A_680, %dma_start3A_681] : memref<32x80xi32, #tpu.memory_space<vmem>> -> memref<1x80xi32, #tpu.memory_space<vmem>>
      %dma_start3A_683 = tpu.memref_squeeze %dma_start3A_682 : memref<1x80xi32, #tpu.memory_space<vmem>> -> memref<80xi32, #tpu.memory_space<vmem>>
      %dma_start3A_684 = arith.constant 0 : i32
      %dma_start3A_685 = arith.constant 0 : i32
      %dma_start3A_686 = tpu.memref_slice %arg14[%dma_start3A_684, %dma_start3A_685] : memref<10000x128xf32, #tpu.memory_space<vmem_shared>> -> memref<10000x128xf32, #tpu.memory_space<vmem_shared>>
      tpu.enqueue_indirect_dma source(%arg10 : memref<80x128xf32, #tpu.memory_space<vmem>>) target(%dma_start3A_686 : memref<10000x128xf32, #tpu.memory_space<vmem_shared>>) offsets(%dma_start3A_683 : memref<80xi32, #tpu.memory_space<vmem>>) semaphore(%arg20 : memref<!tpu.dma_semaphore, #tpu.memory_space<semaphore_mem>>) {add = true}
      %dma_wait3A_687 = arith.constant 0 : i32
      %dma_wait3A_688 = tpu.memref_slice %arg9[%add3A_680, %dma_wait3A_687] : memref<32x80xi32, #tpu.memory_space<vmem>> -> memref<1x80xi32, #tpu.memory_space<vmem>>
      %dma_wait3A_689 = tpu.memref_squeeze %dma_wait3A_688 : memref<1x80xi32, #tpu.memory_space<vmem>> -> memref<80xi32, #tpu.memory_space<vmem>>
      %dma_wait3A_690 = arith.constant 0 : i32
      %dma_wait3A_691 = arith.constant 0 : i32
      %dma_wait3A_692 = tpu.memref_slice %arg14[%dma_wait3A_690, %dma_wait3A_691] : memref<10000x128xf32, #tpu.memory_space<vmem_shared>> -> memref<10000x128xf32, #tpu.memory_space<vmem_shared>>
      tpu.wait_indirect_dma semaphore(%arg20 : memref<!tpu.dma_semaphore, #tpu.memory_space<semaphore_mem>>) src(%arg10 : memref<80x128xf32, #tpu.memory_space<vmem>>) dst(%dma_wait3A_692 : memref<10000x128xf32, #tpu.memory_space<vmem_shared>>)
      %add3A_693 = arith.constant 4 : i32
      %add3A_694 = arith.addi %mul3A_462, %add3A_693 : i32
      %add3A_695 = arith.constant 4 : i32
      %add3A_696 = arith.addi %add3A_694, %add3A_695 : i32
      %dma_start3A_697 = arith.constant 0 : i32
      %dma_start3A_698 = tpu.memref_slice %arg8[%add3A_696, %dma_start3A_697] : memref<32x80xi32, #tpu.memory_space<vmem>> -> memref<1x80xi32, #tpu.memory_space<vmem>>
      %dma_start3A_699 = tpu.memref_squeeze %dma_start3A_698 : memref<1x80xi32, #tpu.memory_space<vmem>> -> memref<80xi32, #tpu.memory_space<vmem>>
      %dma_start3A_700 = arith.constant 0 : i32
      %dma_start3A_701 = arith.constant 0 : i32
      %dma_start3A_702 = tpu.memref_slice %arg4[%dma_start3A_700, %dma_start3A_701] : memref<80000x128xf32, #tpu.memory_space<hbm>> -> memref<80000x128xf32, #tpu.memory_space<hbm>>
      tpu.enqueue_indirect_dma source(%dma_start3A_702 : memref<80000x128xf32, #tpu.memory_space<hbm>>) target(%arg10 : memref<80x128xf32, #tpu.memory_space<vmem>>) offsets(%dma_start3A_699 : memref<80xi32, #tpu.memory_space<vmem>>) semaphore(%arg16 : memref<!tpu.dma_semaphore, #tpu.memory_space<semaphore_mem>>)
      %dma_wait3A_703 = arith.constant 0 : i32
      %dma_wait3A_704 = tpu.memref_slice %arg8[%add3A_606, %dma_wait3A_703] : memref<32x80xi32, #tpu.memory_space<vmem>> -> memref<1x80xi32, #tpu.memory_space<vmem>>
      %dma_wait3A_705 = tpu.memref_squeeze %dma_wait3A_704 : memref<1x80xi32, #tpu.memory_space<vmem>> -> memref<80xi32, #tpu.memory_space<vmem>>
      %dma_wait3A_706 = arith.constant 0 : i32
      %dma_wait3A_707 = arith.constant 0 : i32
      %dma_wait3A_708 = tpu.memref_slice %arg4[%dma_wait3A_706, %dma_wait3A_707] : memref<80000x128xf32, #tpu.memory_space<hbm>> -> memref<80000x128xf32, #tpu.memory_space<hbm>>
      tpu.wait_indirect_dma semaphore(%arg17 : memref<!tpu.dma_semaphore, #tpu.memory_space<semaphore_mem>>) src(%dma_wait3A_708 : memref<80000x128xf32, #tpu.memory_space<hbm>>) dst(%arg11 : memref<80x128xf32, #tpu.memory_space<vmem>>)
      %add3A_709 = arith.constant 5 : i32
      %add3A_710 = arith.addi %mul3A_462, %add3A_709 : i32
      %dma_start3A_711 = arith.constant 0 : i32
      %dma_start3A_712 = tpu.memref_slice %arg9[%add3A_710, %dma_start3A_711] : memref<32x80xi32, #tpu.memory_space<vmem>> -> memref<1x80xi32, #tpu.memory_space<vmem>>
      %dma_start3A_713 = tpu.memref_squeeze %dma_start3A_712 : memref<1x80xi32, #tpu.memory_space<vmem>> -> memref<80xi32, #tpu.memory_space<vmem>>
      %dma_start3A_714 = arith.constant 0 : i32
      %dma_start3A_715 = arith.constant 0 : i32
      %dma_start3A_716 = tpu.memref_slice %arg14[%dma_start3A_714, %dma_start3A_715] : memref<10000x128xf32, #tpu.memory_space<vmem_shared>> -> memref<10000x128xf32, #tpu.memory_space<vmem_shared>>
      tpu.enqueue_indirect_dma source(%arg11 : memref<80x128xf32, #tpu.memory_space<vmem>>) target(%dma_start3A_716 : memref<10000x128xf32, #tpu.memory_space<vmem_shared>>) offsets(%dma_start3A_713 : memref<80xi32, #tpu.memory_space<vmem>>) semaphore(%arg21 : memref<!tpu.dma_semaphore, #tpu.memory_space<semaphore_mem>>) {add = true}
      %dma_wait3A_717 = arith.constant 0 : i32
      %dma_wait3A_718 = tpu.memref_slice %arg9[%add3A_710, %dma_wait3A_717] : memref<32x80xi32, #tpu.memory_space<vmem>> -> memref<1x80xi32, #tpu.memory_space<vmem>>
      %dma_wait3A_719 = tpu.memref_squeeze %dma_wait3A_718 : memref<1x80xi32, #tpu.memory_space<vmem>> -> memref<80xi32, #tpu.memory_space<vmem>>
      %dma_wait3A_720 = arith.constant 0 : i32
      %dma_wait3A_721 = arith.constant 0 : i32
      %dma_wait3A_722 = tpu.memref_slice %arg14[%dma_wait3A_720, %dma_wait3A_721] : memref<10000x128xf32, #tpu.memory_space<vmem_shared>> -> memref<10000x128xf32, #tpu.memory_space<vmem_shared>>
      tpu.wait_indirect_dma semaphore(%arg21 : memref<!tpu.dma_semaphore, #tpu.memory_space<semaphore_mem>>) src(%arg11 : memref<80x128xf32, #tpu.memory_space<vmem>>) dst(%dma_wait3A_722 : memref<10000x128xf32, #tpu.memory_space<vmem_shared>>)
      %add3A_723 = arith.constant 5 : i32
      %add3A_724 = arith.addi %mul3A_462, %add3A_723 : i32
      %add3A_725 = arith.constant 4 : i32
      %add3A_726 = arith.addi %add3A_724, %add3A_725 : i32
      %dma_start3A_727 = arith.constant 0 : i32
      %dma_start3A_728 = tpu.memref_slice %arg8[%add3A_726, %dma_start3A_727] : memref<32x80xi32, #tpu.memory_space<vmem>> -> memref<1x80xi32, #tpu.memory_space<vmem>>
      %dma_start3A_729 = tpu.memref_squeeze %dma_start3A_728 : memref<1x80xi32, #tpu.memory_space<vmem>> -> memref<80xi32, #tpu.memory_space<vmem>>
      %dma_start3A_730 = arith.constant 0 : i32
      %dma_start3A_731 = arith.constant 0 : i32
      %dma_start3A_732 = tpu.memref_slice %arg4[%dma_start3A_730, %dma_start3A_731] : memref<80000x128xf32, #tpu.memory_space<hbm>> -> memref<80000x128xf32, #tpu.memory_space<hbm>>
      tpu.enqueue_indirect_dma source(%dma_start3A_732 : memref<80000x128xf32, #tpu.memory_space<hbm>>) target(%arg11 : memref<80x128xf32, #tpu.memory_space<vmem>>) offsets(%dma_start3A_729 : memref<80xi32, #tpu.memory_space<vmem>>) semaphore(%arg17 : memref<!tpu.dma_semaphore, #tpu.memory_space<semaphore_mem>>)
      %dma_wait3A_733 = arith.constant 0 : i32
      %dma_wait3A_734 = tpu.memref_slice %arg8[%add3A_636, %dma_wait3A_733] : memref<32x80xi32, #tpu.memory_space<vmem>> -> memref<1x80xi32, #tpu.memory_space<vmem>>
      %dma_wait3A_735 = tpu.memref_squeeze %dma_wait3A_734 : memref<1x80xi32, #tpu.memory_space<vmem>> -> memref<80xi32, #tpu.memory_space<vmem>>
      %dma_wait3A_736 = arith.constant 0 : i32
      %dma_wait3A_737 = arith.constant 0 : i32
      %dma_wait3A_738 = tpu.memref_slice %arg4[%dma_wait3A_736, %dma_wait3A_737] : memref<80000x128xf32, #tpu.memory_space<hbm>> -> memref<80000x128xf32, #tpu.memory_space<hbm>>
      tpu.wait_indirect_dma semaphore(%arg18 : memref<!tpu.dma_semaphore, #tpu.memory_space<semaphore_mem>>) src(%dma_wait3A_738 : memref<80000x128xf32, #tpu.memory_space<hbm>>) dst(%arg12 : memref<80x128xf32, #tpu.memory_space<vmem>>)
      %add3A_739 = arith.constant 6 : i32
      %add3A_740 = arith.addi %mul3A_462, %add3A_739 : i32
      %dma_start3A_741 = arith.constant 0 : i32
      %dma_start3A_742 = tpu.memref_slice %arg9[%add3A_740, %dma_start3A_741] : memref<32x80xi32, #tpu.memory_space<vmem>> -> memref<1x80xi32, #tpu.memory_space<vmem>>
      %dma_start3A_743 = tpu.memref_squeeze %dma_start3A_742 : memref<1x80xi32, #tpu.memory_space<vmem>> -> memref<80xi32, #tpu.memory_space<vmem>>
      %dma_start3A_744 = arith.constant 0 : i32
      %dma_start3A_745 = arith.constant 0 : i32
      %dma_start3A_746 = tpu.memref_slice %arg14[%dma_start3A_744, %dma_start3A_745] : memref<10000x128xf32, #tpu.memory_space<vmem_shared>> -> memref<10000x128xf32, #tpu.memory_space<vmem_shared>>
      tpu.enqueue_indirect_dma source(%arg12 : memref<80x128xf32, #tpu.memory_space<vmem>>) target(%dma_start3A_746 : memref<10000x128xf32, #tpu.memory_space<vmem_shared>>) offsets(%dma_start3A_743 : memref<80xi32, #tpu.memory_space<vmem>>) semaphore(%arg22 : memref<!tpu.dma_semaphore, #tpu.memory_space<semaphore_mem>>) {add = true}
      %dma_wait3A_747 = arith.constant 0 : i32
      %dma_wait3A_748 = tpu.memref_slice %arg9[%add3A_740, %dma_wait3A_747] : memref<32x80xi32, #tpu.memory_space<vmem>> -> memref<1x80xi32, #tpu.memory_space<vmem>>
      %dma_wait3A_749 = tpu.memref_squeeze %dma_wait3A_748 : memref<1x80xi32, #tpu.memory_space<vmem>> -> memref<80xi32, #tpu.memory_space<vmem>>
      %dma_wait3A_750 = arith.constant 0 : i32
      %dma_wait3A_751 = arith.constant 0 : i32
      %dma_wait3A_752 = tpu.memref_slice %arg14[%dma_wait3A_750, %dma_wait3A_751] : memref<10000x128xf32, #tpu.memory_space<vmem_shared>> -> memref<10000x128xf32, #tpu.memory_space<vmem_shared>>
      tpu.wait_indirect_dma semaphore(%arg22 : memref<!tpu.dma_semaphore, #tpu.memory_space<semaphore_mem>>) src(%arg12 : memref<80x128xf32, #tpu.memory_space<vmem>>) dst(%dma_wait3A_752 : memref<10000x128xf32, #tpu.memory_space<vmem_shared>>)
      %add3A_753 = arith.constant 6 : i32
      %add3A_754 = arith.addi %mul3A_462, %add3A_753 : i32
      %add3A_755 = arith.constant 4 : i32
      %add3A_756 = arith.addi %add3A_754, %add3A_755 : i32
      %dma_start3A_757 = arith.constant 0 : i32
      %dma_start3A_758 = tpu.memref_slice %arg8[%add3A_756, %dma_start3A_757] : memref<32x80xi32, #tpu.memory_space<vmem>> -> memref<1x80xi32, #tpu.memory_space<vmem>>
      %dma_start3A_759 = tpu.memref_squeeze %dma_start3A_758 : memref<1x80xi32, #tpu.memory_space<vmem>> -> memref<80xi32, #tpu.memory_space<vmem>>
      %dma_start3A_760 = arith.constant 0 : i32
      %dma_start3A_761 = arith.constant 0 : i32
      %dma_start3A_762 = tpu.memref_slice %arg4[%dma_start3A_760, %dma_start3A_761] : memref<80000x128xf32, #tpu.memory_space<hbm>> -> memref<80000x128xf32, #tpu.memory_space<hbm>>
      tpu.enqueue_indirect_dma source(%dma_start3A_762 : memref<80000x128xf32, #tpu.memory_space<hbm>>) target(%arg12 : memref<80x128xf32, #tpu.memory_space<vmem>>) offsets(%dma_start3A_759 : memref<80xi32, #tpu.memory_space<vmem>>) semaphore(%arg18 : memref<!tpu.dma_semaphore, #tpu.memory_space<semaphore_mem>>)
      %dma_wait3A_763 = arith.constant 0 : i32
      %dma_wait3A_764 = tpu.memref_slice %arg8[%add3A_666, %dma_wait3A_763] : memref<32x80xi32, #tpu.memory_space<vmem>> -> memref<1x80xi32, #tpu.memory_space<vmem>>
      %dma_wait3A_765 = tpu.memref_squeeze %dma_wait3A_764 : memref<1x80xi32, #tpu.memory_space<vmem>> -> memref<80xi32, #tpu.memory_space<vmem>>
      %dma_wait3A_766 = arith.constant 0 : i32
      %dma_wait3A_767 = arith.constant 0 : i32
      %dma_wait3A_768 = tpu.memref_slice %arg4[%dma_wait3A_766, %dma_wait3A_767] : memref<80000x128xf32, #tpu.memory_space<hbm>> -> memref<80000x128xf32, #tpu.memory_space<hbm>>
      tpu.wait_indirect_dma semaphore(%arg19 : memref<!tpu.dma_semaphore, #tpu.memory_space<semaphore_mem>>) src(%dma_wait3A_768 : memref<80000x128xf32, #tpu.memory_space<hbm>>) dst(%arg13 : memref<80x128xf32, #tpu.memory_space<vmem>>)
      %add3A_769 = arith.constant 7 : i32
      %add3A_770 = arith.addi %mul3A_462, %add3A_769 : i32
      %dma_start3A_771 = arith.constant 0 : i32
      %dma_start3A_772 = tpu.memref_slice %arg9[%add3A_770, %dma_start3A_771] : memref<32x80xi32, #tpu.memory_space<vmem>> -> memref<1x80xi32, #tpu.memory_space<vmem>>
      %dma_start3A_773 = tpu.memref_squeeze %dma_start3A_772 : memref<1x80xi32, #tpu.memory_space<vmem>> -> memref<80xi32, #tpu.memory_space<vmem>>
      %dma_start3A_774 = arith.constant 0 : i32
      %dma_start3A_775 = arith.constant 0 : i32
      %dma_start3A_776 = tpu.memref_slice %arg14[%dma_start3A_774, %dma_start3A_775] : memref<10000x128xf32, #tpu.memory_space<vmem_shared>> -> memref<10000x128xf32, #tpu.memory_space<vmem_shared>>
      tpu.enqueue_indirect_dma source(%arg13 : memref<80x128xf32, #tpu.memory_space<vmem>>) target(%dma_start3A_776 : memref<10000x128xf32, #tpu.memory_space<vmem_shared>>) offsets(%dma_start3A_773 : memref<80xi32, #tpu.memory_space<vmem>>) semaphore(%arg23 : memref<!tpu.dma_semaphore, #tpu.memory_space<semaphore_mem>>) {add = true}
      %dma_wait3A_777 = arith.constant 0 : i32
      %dma_wait3A_778 = tpu.memref_slice %arg9[%add3A_770, %dma_wait3A_777] : memref<32x80xi32, #tpu.memory_space<vmem>> -> memref<1x80xi32, #tpu.memory_space<vmem>>
      %dma_wait3A_779 = tpu.memref_squeeze %dma_wait3A_778 : memref<1x80xi32, #tpu.memory_space<vmem>> -> memref<80xi32, #tpu.memory_space<vmem>>
      %dma_wait3A_780 = arith.constant 0 : i32
      %dma_wait3A_781 = arith.constant 0 : i32
      %dma_wait3A_782 = tpu.memref_slice %arg14[%dma_wait3A_780, %dma_wait3A_781] : memref<10000x128xf32, #tpu.memory_space<vmem_shared>> -> memref<10000x128xf32, #tpu.memory_space<vmem_shared>>
      tpu.wait_indirect_dma semaphore(%arg23 : memref<!tpu.dma_semaphore, #tpu.memory_space<semaphore_mem>>) src(%arg13 : memref<80x128xf32, #tpu.memory_space<vmem>>) dst(%dma_wait3A_782 : memref<10000x128xf32, #tpu.memory_space<vmem_shared>>)
      %add3A_783 = arith.constant 7 : i32
      %add3A_784 = arith.addi %mul3A_462, %add3A_783 : i32
      %add3A_785 = arith.constant 4 : i32
      %add3A_786 = arith.addi %add3A_784, %add3A_785 : i32
      %dma_start3A_787 = arith.constant 0 : i32
      %dma_start3A_788 = tpu.memref_slice %arg8[%add3A_786, %dma_start3A_787] : memref<32x80xi32, #tpu.memory_space<vmem>> -> memref<1x80xi32, #tpu.memory_space<vmem>>
      %dma_start3A_789 = tpu.memref_squeeze %dma_start3A_788 : memref<1x80xi32, #tpu.memory_space<vmem>> -> memref<80xi32, #tpu.memory_space<vmem>>
      %dma_start3A_790 = arith.constant 0 : i32
      %dma_start3A_791 = arith.constant 0 : i32
      %dma_start3A_792 = tpu.memref_slice %arg4[%dma_start3A_790, %dma_start3A_791] : memref<80000x128xf32, #tpu.memory_space<hbm>> -> memref<80000x128xf32, #tpu.memory_space<hbm>>
      tpu.enqueue_indirect_dma source(%dma_start3A_792 : memref<80000x128xf32, #tpu.memory_space<hbm>>) target(%arg13 : memref<80x128xf32, #tpu.memory_space<vmem>>) offsets(%dma_start3A_789 : memref<80xi32, #tpu.memory_space<vmem>>) semaphore(%arg19 : memref<!tpu.dma_semaphore, #tpu.memory_space<semaphore_mem>>)
      %dma_wait3A_793 = arith.constant 0 : i32
      %dma_wait3A_794 = tpu.memref_slice %arg8[%add3A_696, %dma_wait3A_793] : memref<32x80xi32, #tpu.memory_space<vmem>> -> memref<1x80xi32, #tpu.memory_space<vmem>>
      %dma_wait3A_795 = tpu.memref_squeeze %dma_wait3A_794 : memref<1x80xi32, #tpu.memory_space<vmem>> -> memref<80xi32, #tpu.memory_space<vmem>>
      %dma_wait3A_796 = arith.constant 0 : i32
      %dma_wait3A_797 = arith.constant 0 : i32
      %dma_wait3A_798 = tpu.memref_slice %arg4[%dma_wait3A_796, %dma_wait3A_797] : memref<80000x128xf32, #tpu.memory_space<hbm>> -> memref<80000x128xf32, #tpu.memory_space<hbm>>
      tpu.wait_indirect_dma semaphore(%arg16 : memref<!tpu.dma_semaphore, #tpu.memory_space<semaphore_mem>>) src(%dma_wait3A_798 : memref<80000x128xf32, #tpu.memory_space<hbm>>) dst(%arg10 : memref<80x128xf32, #tpu.memory_space<vmem>>)
      %add3A_799 = arith.constant 8 : i32
      %add3A_800 = arith.addi %mul3A_462, %add3A_799 : i32
      %dma_start3A_801 = arith.constant 0 : i32
      %dma_start3A_802 = tpu.memref_slice %arg9[%add3A_800, %dma_start3A_801] : memref<32x80xi32, #tpu.memory_space<vmem>> -> memref<1x80xi32, #tpu.memory_space<vmem>>
      %dma_start3A_803 = tpu.memref_squeeze %dma_start3A_802 : memref<1x80xi32, #tpu.memory_space<vmem>> -> memref<80xi32, #tpu.memory_space<vmem>>
      %dma_start3A_804 = arith.constant 0 : i32
      %dma_start3A_805 = arith.constant 0 : i32
      %dma_start3A_806 = tpu.memref_slice %arg14[%dma_start3A_804, %dma_start3A_805] : memref<10000x128xf32, #tpu.memory_space<vmem_shared>> -> memref<10000x128xf32, #tpu.memory_space<vmem_shared>>
      tpu.enqueue_indirect_dma source(%arg10 : memref<80x128xf32, #tpu.memory_space<vmem>>) target(%dma_start3A_806 : memref<10000x128xf32, #tpu.memory_space<vmem_shared>>) offsets(%dma_start3A_803 : memref<80xi32, #tpu.memory_space<vmem>>) semaphore(%arg20 : memref<!tpu.dma_semaphore, #tpu.memory_space<semaphore_mem>>) {add = true}
      %dma_wait3A_807 = arith.constant 0 : i32
      %dma_wait3A_808 = tpu.memref_slice %arg9[%add3A_800, %dma_wait3A_807] : memref<32x80xi32, #tpu.memory_space<vmem>> -> memref<1x80xi32, #tpu.memory_space<vmem>>
      %dma_wait3A_809 = tpu.memref_squeeze %dma_wait3A_808 : memref<1x80xi32, #tpu.memory_space<vmem>> -> memref<80xi32, #tpu.memory_space<vmem>>
      %dma_wait3A_810 = arith.constant 0 : i32
      %dma_wait3A_811 = arith.constant 0 : i32
      %dma_wait3A_812 = tpu.memref_slice %arg14[%dma_wait3A_810, %dma_wait3A_811] : memref<10000x128xf32, #tpu.memory_space<vmem_shared>> -> memref<10000x128xf32, #tpu.memory_space<vmem_shared>>
      tpu.wait_indirect_dma semaphore(%arg20 : memref<!tpu.dma_semaphore, #tpu.memory_space<semaphore_mem>>) src(%arg10 : memref<80x128xf32, #tpu.memory_space<vmem>>) dst(%dma_wait3A_812 : memref<10000x128xf32, #tpu.memory_space<vmem_shared>>)
      %add3A_813 = arith.constant 8 : i32
      %add3A_814 = arith.addi %mul3A_462, %add3A_813 : i32
      %add3A_815 = arith.constant 4 : i32
      %add3A_816 = arith.addi %add3A_814, %add3A_815 : i32
      %dma_start3A_817 = arith.constant 0 : i32
      %dma_start3A_818 = tpu.memref_slice %arg8[%add3A_816, %dma_start3A_817] : memref<32x80xi32, #tpu.memory_space<vmem>> -> memref<1x80xi32, #tpu.memory_space<vmem>>
      %dma_start3A_819 = tpu.memref_squeeze %dma_start3A_818 : memref<1x80xi32, #tpu.memory_space<vmem>> -> memref<80xi32, #tpu.memory_space<vmem>>
      %dma_start3A_820 = arith.constant 0 : i32
      %dma_start3A_821 = arith.constant 0 : i32
      %dma_start3A_822 = tpu.memref_slice %arg4[%dma_start3A_820, %dma_start3A_821] : memref<80000x128xf32, #tpu.memory_space<hbm>> -> memref<80000x128xf32, #tpu.memory_space<hbm>>
      tpu.enqueue_indirect_dma source(%dma_start3A_822 : memref<80000x128xf32, #tpu.memory_space<hbm>>) target(%arg10 : memref<80x128xf32, #tpu.memory_space<vmem>>) offsets(%dma_start3A_819 : memref<80xi32, #tpu.memory_space<vmem>>) semaphore(%arg16 : memref<!tpu.dma_semaphore, #tpu.memory_space<semaphore_mem>>)
      %dma_wait3A_823 = arith.constant 0 : i32
      %dma_wait3A_824 = tpu.memref_slice %arg8[%add3A_726, %dma_wait3A_823] : memref<32x80xi32, #tpu.memory_space<vmem>> -> memref<1x80xi32, #tpu.memory_space<vmem>>
      %dma_wait3A_825 = tpu.memref_squeeze %dma_wait3A_824 : memref<1x80xi32, #tpu.memory_space<vmem>> -> memref<80xi32, #tpu.memory_space<vmem>>
      %dma_wait3A_826 = arith.constant 0 : i32
      %dma_wait3A_827 = arith.constant 0 : i32
      %dma_wait3A_828 = tpu.memref_slice %arg4[%dma_wait3A_826, %dma_wait3A_827] : memref<80000x128xf32, #tpu.memory_space<hbm>> -> memref<80000x128xf32, #tpu.memory_space<hbm>>
      tpu.wait_indirect_dma semaphore(%arg17 : memref<!tpu.dma_semaphore, #tpu.memory_space<semaphore_mem>>) src(%dma_wait3A_828 : memref<80000x128xf32, #tpu.memory_space<hbm>>) dst(%arg11 : memref<80x128xf32, #tpu.memory_space<vmem>>)
      %add3A_829 = arith.constant 9 : i32
      %add3A_830 = arith.addi %mul3A_462, %add3A_829 : i32
      %dma_start3A_831 = arith.constant 0 : i32
      %dma_start3A_832 = tpu.memref_slice %arg9[%add3A_830, %dma_start3A_831] : memref<32x80xi32, #tpu.memory_space<vmem>> -> memref<1x80xi32, #tpu.memory_space<vmem>>
      %dma_start3A_833 = tpu.memref_squeeze %dma_start3A_832 : memref<1x80xi32, #tpu.memory_space<vmem>> -> memref<80xi32, #tpu.memory_space<vmem>>
      %dma_start3A_834 = arith.constant 0 : i32
      %dma_start3A_835 = arith.constant 0 : i32
      %dma_start3A_836 = tpu.memref_slice %arg14[%dma_start3A_834, %dma_start3A_835] : memref<10000x128xf32, #tpu.memory_space<vmem_shared>> -> memref<10000x128xf32, #tpu.memory_space<vmem_shared>>
      tpu.enqueue_indirect_dma source(%arg11 : memref<80x128xf32, #tpu.memory_space<vmem>>) target(%dma_start3A_836 : memref<10000x128xf32, #tpu.memory_space<vmem_shared>>) offsets(%dma_start3A_833 : memref<80xi32, #tpu.memory_space<vmem>>) semaphore(%arg21 : memref<!tpu.dma_semaphore, #tpu.memory_space<semaphore_mem>>) {add = true}
      %dma_wait3A_837 = arith.constant 0 : i32
      %dma_wait3A_838 = tpu.memref_slice %arg9[%add3A_830, %dma_wait3A_837] : memref<32x80xi32, #tpu.memory_space<vmem>> -> memref<1x80xi32, #tpu.memory_space<vmem>>
      %dma_wait3A_839 = tpu.memref_squeeze %dma_wait3A_838 : memref<1x80xi32, #tpu.memory_space<vmem>> -> memref<80xi32, #tpu.memory_space<vmem>>
      %dma_wait3A_840 = arith.constant 0 : i32
      %dma_wait3A_841 = arith.constant 0 : i32
      %dma_wait3A_842 = tpu.memref_slice %arg14[%dma_wait3A_840, %dma_wait3A_841] : memref<10000x128xf32, #tpu.memory_space<vmem_shared>> -> memref<10000x128xf32, #tpu.memory_space<vmem_shared>>
      tpu.wait_indirect_dma semaphore(%arg21 : memref<!tpu.dma_semaphore, #tpu.memory_space<semaphore_mem>>) src(%arg11 : memref<80x128xf32, #tpu.memory_space<vmem>>) dst(%dma_wait3A_842 : memref<10000x128xf32, #tpu.memory_space<vmem_shared>>)
      %add3A_843 = arith.constant 9 : i32
      %add3A_844 = arith.addi %mul3A_462, %add3A_843 : i32
      %add3A_845 = arith.constant 4 : i32
      %add3A_846 = arith.addi %add3A_844, %add3A_845 : i32
      %dma_start3A_847 = arith.constant 0 : i32
      %dma_start3A_848 = tpu.memref_slice %arg8[%add3A_846, %dma_start3A_847] : memref<32x80xi32, #tpu.memory_space<vmem>> -> memref<1x80xi32, #tpu.memory_space<vmem>>
      %dma_start3A_849 = tpu.memref_squeeze %dma_start3A_848 : memref<1x80xi32, #tpu.memory_space<vmem>> -> memref<80xi32, #tpu.memory_space<vmem>>
      %dma_start3A_850 = arith.constant 0 : i32
      %dma_start3A_851 = arith.constant 0 : i32
      %dma_start3A_852 = tpu.memref_slice %arg4[%dma_start3A_850, %dma_start3A_851] : memref<80000x128xf32, #tpu.memory_space<hbm>> -> memref<80000x128xf32, #tpu.memory_space<hbm>>
      tpu.enqueue_indirect_dma source(%dma_start3A_852 : memref<80000x128xf32, #tpu.memory_space<hbm>>) target(%arg11 : memref<80x128xf32, #tpu.memory_space<vmem>>) offsets(%dma_start3A_849 : memref<80xi32, #tpu.memory_space<vmem>>) semaphore(%arg17 : memref<!tpu.dma_semaphore, #tpu.memory_space<semaphore_mem>>)
      %dma_wait3A_853 = arith.constant 0 : i32
      %dma_wait3A_854 = tpu.memref_slice %arg8[%add3A_756, %dma_wait3A_853] : memref<32x80xi32, #tpu.memory_space<vmem>> -> memref<1x80xi32, #tpu.memory_space<vmem>>
      %dma_wait3A_855 = tpu.memref_squeeze %dma_wait3A_854 : memref<1x80xi32, #tpu.memory_space<vmem>> -> memref<80xi32, #tpu.memory_space<vmem>>
      %dma_wait3A_856 = arith.constant 0 : i32
      %dma_wait3A_857 = arith.constant 0 : i32
      %dma_wait3A_858 = tpu.memref_slice %arg4[%dma_wait3A_856, %dma_wait3A_857] : memref<80000x128xf32, #tpu.memory_space<hbm>> -> memref<80000x128xf32, #tpu.memory_space<hbm>>
      tpu.wait_indirect_dma semaphore(%arg18 : memref<!tpu.dma_semaphore, #tpu.memory_space<semaphore_mem>>) src(%dma_wait3A_858 : memref<80000x128xf32, #tpu.memory_space<hbm>>) dst(%arg12 : memref<80x128xf32, #tpu.memory_space<vmem>>)
      %add3A_859 = arith.constant 10 : i32
      %add3A_860 = arith.addi %mul3A_462, %add3A_859 : i32
      %dma_start3A_861 = arith.constant 0 : i32
      %dma_start3A_862 = tpu.memref_slice %arg9[%add3A_860, %dma_start3A_861] : memref<32x80xi32, #tpu.memory_space<vmem>> -> memref<1x80xi32, #tpu.memory_space<vmem>>
      %dma_start3A_863 = tpu.memref_squeeze %dma_start3A_862 : memref<1x80xi32, #tpu.memory_space<vmem>> -> memref<80xi32, #tpu.memory_space<vmem>>
      %dma_start3A_864 = arith.constant 0 : i32
      %dma_start3A_865 = arith.constant 0 : i32
      %dma_start3A_866 = tpu.memref_slice %arg14[%dma_start3A_864, %dma_start3A_865] : memref<10000x128xf32, #tpu.memory_space<vmem_shared>> -> memref<10000x128xf32, #tpu.memory_space<vmem_shared>>
      tpu.enqueue_indirect_dma source(%arg12 : memref<80x128xf32, #tpu.memory_space<vmem>>) target(%dma_start3A_866 : memref<10000x128xf32, #tpu.memory_space<vmem_shared>>) offsets(%dma_start3A_863 : memref<80xi32, #tpu.memory_space<vmem>>) semaphore(%arg22 : memref<!tpu.dma_semaphore, #tpu.memory_space<semaphore_mem>>) {add = true}
      %dma_wait3A_867 = arith.constant 0 : i32
      %dma_wait3A_868 = tpu.memref_slice %arg9[%add3A_860, %dma_wait3A_867] : memref<32x80xi32, #tpu.memory_space<vmem>> -> memref<1x80xi32, #tpu.memory_space<vmem>>
      %dma_wait3A_869 = tpu.memref_squeeze %dma_wait3A_868 : memref<1x80xi32, #tpu.memory_space<vmem>> -> memref<80xi32, #tpu.memory_space<vmem>>
      %dma_wait3A_870 = arith.constant 0 : i32
      %dma_wait3A_871 = arith.constant 0 : i32
      %dma_wait3A_872 = tpu.memref_slice %arg14[%dma_wait3A_870, %dma_wait3A_871] : memref<10000x128xf32, #tpu.memory_space<vmem_shared>> -> memref<10000x128xf32, #tpu.memory_space<vmem_shared>>
      tpu.wait_indirect_dma semaphore(%arg22 : memref<!tpu.dma_semaphore, #tpu.memory_space<semaphore_mem>>) src(%arg12 : memref<80x128xf32, #tpu.memory_space<vmem>>) dst(%dma_wait3A_872 : memref<10000x128xf32, #tpu.memory_space<vmem_shared>>)
      %add3A_873 = arith.constant 10 : i32
      %add3A_874 = arith.addi %mul3A_462, %add3A_873 : i32
      %add3A_875 = arith.constant 4 : i32
      %add3A_876 = arith.addi %add3A_874, %add3A_875 : i32
      %dma_start3A_877 = arith.constant 0 : i32
      %dma_start3A_878 = tpu.memref_slice %arg8[%add3A_876, %dma_start3A_877] : memref<32x80xi32, #tpu.memory_space<vmem>> -> memref<1x80xi32, #tpu.memory_space<vmem>>
      %dma_start3A_879 = tpu.memref_squeeze %dma_start3A_878 : memref<1x80xi32, #tpu.memory_space<vmem>> -> memref<80xi32, #tpu.memory_space<vmem>>
      %dma_start3A_880 = arith.constant 0 : i32
      %dma_start3A_881 = arith.constant 0 : i32
      %dma_start3A_882 = tpu.memref_slice %arg4[%dma_start3A_880, %dma_start3A_881] : memref<80000x128xf32, #tpu.memory_space<hbm>> -> memref<80000x128xf32, #tpu.memory_space<hbm>>
      tpu.enqueue_indirect_dma source(%dma_start3A_882 : memref<80000x128xf32, #tpu.memory_space<hbm>>) target(%arg12 : memref<80x128xf32, #tpu.memory_space<vmem>>) offsets(%dma_start3A_879 : memref<80xi32, #tpu.memory_space<vmem>>) semaphore(%arg18 : memref<!tpu.dma_semaphore, #tpu.memory_space<semaphore_mem>>)
      %dma_wait3A_883 = arith.constant 0 : i32
      %dma_wait3A_884 = tpu.memref_slice %arg8[%add3A_786, %dma_wait3A_883] : memref<32x80xi32, #tpu.memory_space<vmem>> -> memref<1x80xi32, #tpu.memory_space<vmem>>
      %dma_wait3A_885 = tpu.memref_squeeze %dma_wait3A_884 : memref<1x80xi32, #tpu.memory_space<vmem>> -> memref<80xi32, #tpu.memory_space<vmem>>
      %dma_wait3A_886 = arith.constant 0 : i32
      %dma_wait3A_887 = arith.constant 0 : i32
      %dma_wait3A_888 = tpu.memref_slice %arg4[%dma_wait3A_886, %dma_wait3A_887] : memref<80000x128xf32, #tpu.memory_space<hbm>> -> memref<80000x128xf32, #tpu.memory_space<hbm>>
      tpu.wait_indirect_dma semaphore(%arg19 : memref<!tpu.dma_semaphore, #tpu.memory_space<semaphore_mem>>) src(%dma_wait3A_888 : memref<80000x128xf32, #tpu.memory_space<hbm>>) dst(%arg13 : memref<80x128xf32, #tpu.memory_space<vmem>>)
      %add3A_889 = arith.constant 11 : i32
      %add3A_890 = arith.addi %mul3A_462, %add3A_889 : i32
      %dma_start3A_891 = arith.constant 0 : i32
      %dma_start3A_892 = tpu.memref_slice %arg9[%add3A_890, %dma_start3A_891] : memref<32x80xi32, #tpu.memory_space<vmem>> -> memref<1x80xi32, #tpu.memory_space<vmem>>
      %dma_start3A_893 = tpu.memref_squeeze %dma_start3A_892 : memref<1x80xi32, #tpu.memory_space<vmem>> -> memref<80xi32, #tpu.memory_space<vmem>>
      %dma_start3A_894 = arith.constant 0 : i32
      %dma_start3A_895 = arith.constant 0 : i32
      %dma_start3A_896 = tpu.memref_slice %arg14[%dma_start3A_894, %dma_start3A_895] : memref<10000x128xf32, #tpu.memory_space<vmem_shared>> -> memref<10000x128xf32, #tpu.memory_space<vmem_shared>>
      tpu.enqueue_indirect_dma source(%arg13 : memref<80x128xf32, #tpu.memory_space<vmem>>) target(%dma_start3A_896 : memref<10000x128xf32, #tpu.memory_space<vmem_shared>>) offsets(%dma_start3A_893 : memref<80xi32, #tpu.memory_space<vmem>>) semaphore(%arg23 : memref<!tpu.dma_semaphore, #tpu.memory_space<semaphore_mem>>) {add = true}
      %dma_wait3A_897 = arith.constant 0 : i32
      %dma_wait3A_898 = tpu.memref_slice %arg9[%add3A_890, %dma_wait3A_897] : memref<32x80xi32, #tpu.memory_space<vmem>> -> memref<1x80xi32, #tpu.memory_space<vmem>>
      %dma_wait3A_899 = tpu.memref_squeeze %dma_wait3A_898 : memref<1x80xi32, #tpu.memory_space<vmem>> -> memref<80xi32, #tpu.memory_space<vmem>>
      %dma_wait3A_900 = arith.constant 0 : i32
      %dma_wait3A_901 = arith.constant 0 : i32
      %dma_wait3A_902 = tpu.memref_slice %arg14[%dma_wait3A_900, %dma_wait3A_901] : memref<10000x128xf32, #tpu.memory_space<vmem_shared>> -> memref<10000x128xf32, #tpu.memory_space<vmem_shared>>
      tpu.wait_indirect_dma semaphore(%arg23 : memref<!tpu.dma_semaphore, #tpu.memory_space<semaphore_mem>>) src(%arg13 : memref<80x128xf32, #tpu.memory_space<vmem>>) dst(%dma_wait3A_902 : memref<10000x128xf32, #tpu.memory_space<vmem_shared>>)
      %add3A_903 = arith.constant 11 : i32
      %add3A_904 = arith.addi %mul3A_462, %add3A_903 : i32
      %add3A_905 = arith.constant 4 : i32
      %add3A_906 = arith.addi %add3A_904, %add3A_905 : i32
      %dma_start3A_907 = arith.constant 0 : i32
      %dma_start3A_908 = tpu.memref_slice %arg8[%add3A_906, %dma_start3A_907] : memref<32x80xi32, #tpu.memory_space<vmem>> -> memref<1x80xi32, #tpu.memory_space<vmem>>
      %dma_start3A_909 = tpu.memref_squeeze %dma_start3A_908 : memref<1x80xi32, #tpu.memory_space<vmem>> -> memref<80xi32, #tpu.memory_space<vmem>>
      %dma_start3A_910 = arith.constant 0 : i32
      %dma_start3A_911 = arith.constant 0 : i32
      %dma_start3A_912 = tpu.memref_slice %arg4[%dma_start3A_910, %dma_start3A_911] : memref<80000x128xf32, #tpu.memory_space<hbm>> -> memref<80000x128xf32, #tpu.memory_space<hbm>>
      tpu.enqueue_indirect_dma source(%dma_start3A_912 : memref<80000x128xf32, #tpu.memory_space<hbm>>) target(%arg13 : memref<80x128xf32, #tpu.memory_space<vmem>>) offsets(%dma_start3A_909 : memref<80xi32, #tpu.memory_space<vmem>>) semaphore(%arg19 : memref<!tpu.dma_semaphore, #tpu.memory_space<semaphore_mem>>)
      %dma_wait3A_913 = arith.constant 0 : i32
      %dma_wait3A_914 = tpu.memref_slice %arg8[%add3A_816, %dma_wait3A_913] : memref<32x80xi32, #tpu.memory_space<vmem>> -> memref<1x80xi32, #tpu.memory_space<vmem>>
      %dma_wait3A_915 = tpu.memref_squeeze %dma_wait3A_914 : memref<1x80xi32, #tpu.memory_space<vmem>> -> memref<80xi32, #tpu.memory_space<vmem>>
      %dma_wait3A_916 = arith.constant 0 : i32
      %dma_wait3A_917 = arith.constant 0 : i32
      %dma_wait3A_918 = tpu.memref_slice %arg4[%dma_wait3A_916, %dma_wait3A_917] : memref<80000x128xf32, #tpu.memory_space<hbm>> -> memref<80000x128xf32, #tpu.memory_space<hbm>>
      tpu.wait_indirect_dma semaphore(%arg16 : memref<!tpu.dma_semaphore, #tpu.memory_space<semaphore_mem>>) src(%dma_wait3A_918 : memref<80000x128xf32, #tpu.memory_space<hbm>>) dst(%arg10 : memref<80x128xf32, #tpu.memory_space<vmem>>)
      %add3A_919 = arith.constant 12 : i32
      %add3A_920 = arith.addi %mul3A_462, %add3A_919 : i32
      %dma_start3A_921 = arith.constant 0 : i32
      %dma_start3A_922 = tpu.memref_slice %arg9[%add3A_920, %dma_start3A_921] : memref<32x80xi32, #tpu.memory_space<vmem>> -> memref<1x80xi32, #tpu.memory_space<vmem>>
      %dma_start3A_923 = tpu.memref_squeeze %dma_start3A_922 : memref<1x80xi32, #tpu.memory_space<vmem>> -> memref<80xi32, #tpu.memory_space<vmem>>
      %dma_start3A_924 = arith.constant 0 : i32
      %dma_start3A_925 = arith.constant 0 : i32
      %dma_start3A_926 = tpu.memref_slice %arg14[%dma_start3A_924, %dma_start3A_925] : memref<10000x128xf32, #tpu.memory_space<vmem_shared>> -> memref<10000x128xf32, #tpu.memory_space<vmem_shared>>
      tpu.enqueue_indirect_dma source(%arg10 : memref<80x128xf32, #tpu.memory_space<vmem>>) target(%dma_start3A_926 : memref<10000x128xf32, #tpu.memory_space<vmem_shared>>) offsets(%dma_start3A_923 : memref<80xi32, #tpu.memory_space<vmem>>) semaphore(%arg20 : memref<!tpu.dma_semaphore, #tpu.memory_space<semaphore_mem>>) {add = true}
      %dma_wait3A_927 = arith.constant 0 : i32
      %dma_wait3A_928 = tpu.memref_slice %arg8[%add3A_846, %dma_wait3A_927] : memref<32x80xi32, #tpu.memory_space<vmem>> -> memref<1x80xi32, #tpu.memory_space<vmem>>
      %dma_wait3A_929 = tpu.memref_squeeze %dma_wait3A_928 : memref<1x80xi32, #tpu.memory_space<vmem>> -> memref<80xi32, #tpu.memory_space<vmem>>
      %dma_wait3A_930 = arith.constant 0 : i32
      %dma_wait3A_931 = arith.constant 0 : i32
      %dma_wait3A_932 = tpu.memref_slice %arg4[%dma_wait3A_930, %dma_wait3A_931] : memref<80000x128xf32, #tpu.memory_space<hbm>> -> memref<80000x128xf32, #tpu.memory_space<hbm>>
      tpu.wait_indirect_dma semaphore(%arg17 : memref<!tpu.dma_semaphore, #tpu.memory_space<semaphore_mem>>) src(%dma_wait3A_932 : memref<80000x128xf32, #tpu.memory_space<hbm>>) dst(%arg11 : memref<80x128xf32, #tpu.memory_space<vmem>>)
      %add3A_933 = arith.constant 13 : i32
      %add3A_934 = arith.addi %mul3A_462, %add3A_933 : i32
      %dma_start3A_935 = arith.constant 0 : i32
      %dma_start3A_936 = tpu.memref_slice %arg9[%add3A_934, %dma_start3A_935] : memref<32x80xi32, #tpu.memory_space<vmem>> -> memref<1x80xi32, #tpu.memory_space<vmem>>
      %dma_start3A_937 = tpu.memref_squeeze %dma_start3A_936 : memref<1x80xi32, #tpu.memory_space<vmem>> -> memref<80xi32, #tpu.memory_space<vmem>>
      %dma_start3A_938 = arith.constant 0 : i32
      %dma_start3A_939 = arith.constant 0 : i32
      %dma_start3A_940 = tpu.memref_slice %arg14[%dma_start3A_938, %dma_start3A_939] : memref<10000x128xf32, #tpu.memory_space<vmem_shared>> -> memref<10000x128xf32, #tpu.memory_space<vmem_shared>>
      tpu.enqueue_indirect_dma source(%arg11 : memref<80x128xf32, #tpu.memory_space<vmem>>) target(%dma_start3A_940 : memref<10000x128xf32, #tpu.memory_space<vmem_shared>>) offsets(%dma_start3A_937 : memref<80xi32, #tpu.memory_space<vmem>>) semaphore(%arg21 : memref<!tpu.dma_semaphore, #tpu.memory_space<semaphore_mem>>) {add = true}
      %dma_wait3A_941 = arith.constant 0 : i32
      %dma_wait3A_942 = tpu.memref_slice %arg8[%add3A_876, %dma_wait3A_941] : memref<32x80xi32, #tpu.memory_space<vmem>> -> memref<1x80xi32, #tpu.memory_space<vmem>>
      %dma_wait3A_943 = tpu.memref_squeeze %dma_wait3A_942 : memref<1x80xi32, #tpu.memory_space<vmem>> -> memref<80xi32, #tpu.memory_space<vmem>>
      %dma_wait3A_944 = arith.constant 0 : i32
      %dma_wait3A_945 = arith.constant 0 : i32
      %dma_wait3A_946 = tpu.memref_slice %arg4[%dma_wait3A_944, %dma_wait3A_945] : memref<80000x128xf32, #tpu.memory_space<hbm>> -> memref<80000x128xf32, #tpu.memory_space<hbm>>
      tpu.wait_indirect_dma semaphore(%arg18 : memref<!tpu.dma_semaphore, #tpu.memory_space<semaphore_mem>>) src(%dma_wait3A_946 : memref<80000x128xf32, #tpu.memory_space<hbm>>) dst(%arg12 : memref<80x128xf32, #tpu.memory_space<vmem>>)
      %add3A_947 = arith.constant 14 : i32
      %add3A_948 = arith.addi %mul3A_462, %add3A_947 : i32
      %dma_start3A_949 = arith.constant 0 : i32
      %dma_start3A_950 = tpu.memref_slice %arg9[%add3A_948, %dma_start3A_949] : memref<32x80xi32, #tpu.memory_space<vmem>> -> memref<1x80xi32, #tpu.memory_space<vmem>>
      %dma_start3A_951 = tpu.memref_squeeze %dma_start3A_950 : memref<1x80xi32, #tpu.memory_space<vmem>> -> memref<80xi32, #tpu.memory_space<vmem>>
      %dma_start3A_952 = arith.constant 0 : i32
      %dma_start3A_953 = arith.constant 0 : i32
      %dma_start3A_954 = tpu.memref_slice %arg14[%dma_start3A_952, %dma_start3A_953] : memref<10000x128xf32, #tpu.memory_space<vmem_shared>> -> memref<10000x128xf32, #tpu.memory_space<vmem_shared>>
      tpu.enqueue_indirect_dma source(%arg12 : memref<80x128xf32, #tpu.memory_space<vmem>>) target(%dma_start3A_954 : memref<10000x128xf32, #tpu.memory_space<vmem_shared>>) offsets(%dma_start3A_951 : memref<80xi32, #tpu.memory_space<vmem>>) semaphore(%arg22 : memref<!tpu.dma_semaphore, #tpu.memory_space<semaphore_mem>>) {add = true}
      %dma_wait3A_955 = arith.constant 0 : i32
      %dma_wait3A_956 = tpu.memref_slice %arg8[%add3A_906, %dma_wait3A_955] : memref<32x80xi32, #tpu.memory_space<vmem>> -> memref<1x80xi32, #tpu.memory_space<vmem>>
      %dma_wait3A_957 = tpu.memref_squeeze %dma_wait3A_956 : memref<1x80xi32, #tpu.memory_space<vmem>> -> memref<80xi32, #tpu.memory_space<vmem>>
      %dma_wait3A_958 = arith.constant 0 : i32
      %dma_wait3A_959 = arith.constant 0 : i32
      %dma_wait3A_960 = tpu.memref_slice %arg4[%dma_wait3A_958, %dma_wait3A_959] : memref<80000x128xf32, #tpu.memory_space<hbm>> -> memref<80000x128xf32, #tpu.memory_space<hbm>>
      tpu.wait_indirect_dma semaphore(%arg19 : memref<!tpu.dma_semaphore, #tpu.memory_space<semaphore_mem>>) src(%dma_wait3A_960 : memref<80000x128xf32, #tpu.memory_space<hbm>>) dst(%arg13 : memref<80x128xf32, #tpu.memory_space<vmem>>)
      %add3A_961 = arith.constant 15 : i32
      %add3A_962 = arith.addi %mul3A_462, %add3A_961 : i32
      %dma_start3A_963 = arith.constant 0 : i32
      %dma_start3A_964 = tpu.memref_slice %arg9[%add3A_962, %dma_start3A_963] : memref<32x80xi32, #tpu.memory_space<vmem>> -> memref<1x80xi32, #tpu.memory_space<vmem>>
      %dma_start3A_965 = tpu.memref_squeeze %dma_start3A_964 : memref<1x80xi32, #tpu.memory_space<vmem>> -> memref<80xi32, #tpu.memory_space<vmem>>
      %dma_start3A_966 = arith.constant 0 : i32
      %dma_start3A_967 = arith.constant 0 : i32
      %dma_start3A_968 = tpu.memref_slice %arg14[%dma_start3A_966, %dma_start3A_967] : memref<10000x128xf32, #tpu.memory_space<vmem_shared>> -> memref<10000x128xf32, #tpu.memory_space<vmem_shared>>
      tpu.enqueue_indirect_dma source(%arg13 : memref<80x128xf32, #tpu.memory_space<vmem>>) target(%dma_start3A_968 : memref<10000x128xf32, #tpu.memory_space<vmem_shared>>) offsets(%dma_start3A_965 : memref<80xi32, #tpu.memory_space<vmem>>) semaphore(%arg23 : memref<!tpu.dma_semaphore, #tpu.memory_space<semaphore_mem>>) {add = true}
      %dma_wait3A_969 = arith.constant 0 : i32
      %dma_wait3A_970 = tpu.memref_slice %arg9[%add3A_920, %dma_wait3A_969] : memref<32x80xi32, #tpu.memory_space<vmem>> -> memref<1x80xi32, #tpu.memory_space<vmem>>
      %dma_wait3A_971 = tpu.memref_squeeze %dma_wait3A_970 : memref<1x80xi32, #tpu.memory_space<vmem>> -> memref<80xi32, #tpu.memory_space<vmem>>
      %dma_wait3A_972 = arith.constant 0 : i32
      %dma_wait3A_973 = arith.constant 0 : i32
      %dma_wait3A_974 = tpu.memref_slice %arg14[%dma_wait3A_972, %dma_wait3A_973] : memref<10000x128xf32, #tpu.memory_space<vmem_shared>> -> memref<10000x128xf32, #tpu.memory_space<vmem_shared>>
      tpu.wait_indirect_dma semaphore(%arg20 : memref<!tpu.dma_semaphore, #tpu.memory_space<semaphore_mem>>) src(%arg10 : memref<80x128xf32, #tpu.memory_space<vmem>>) dst(%dma_wait3A_974 : memref<10000x128xf32, #tpu.memory_space<vmem_shared>>)
      %dma_wait3A_975 = arith.constant 0 : i32
      %dma_wait3A_976 = tpu.memref_slice %arg9[%add3A_934, %dma_wait3A_975] : memref<32x80xi32, #tpu.memory_space<vmem>> -> memref<1x80xi32, #tpu.memory_space<vmem>>
      %dma_wait3A_977 = tpu.memref_squeeze %dma_wait3A_976 : memref<1x80xi32, #tpu.memory_space<vmem>> -> memref<80xi32, #tpu.memory_space<vmem>>
      %dma_wait3A_978 = arith.constant 0 : i32
      %dma_wait3A_979 = arith.constant 0 : i32
      %dma_wait3A_980 = tpu.memref_slice %arg14[%dma_wait3A_978, %dma_wait3A_979] : memref<10000x128xf32, #tpu.memory_space<vmem_shared>> -> memref<10000x128xf32, #tpu.memory_space<vmem_shared>>
      tpu.wait_indirect_dma semaphore(%arg21 : memref<!tpu.dma_semaphore, #tpu.memory_space<semaphore_mem>>) src(%arg11 : memref<80x128xf32, #tpu.memory_space<vmem>>) dst(%dma_wait3A_980 : memref<10000x128xf32, #tpu.memory_space<vmem_shared>>)
      %dma_wait3A_981 = arith.constant 0 : i32
      %dma_wait3A_982 = tpu.memref_slice %arg9[%add3A_948, %dma_wait3A_981] : memref<32x80xi32, #tpu.memory_space<vmem>> -> memref<1x80xi32, #tpu.memory_space<vmem>>
      %dma_wait3A_983 = tpu.memref_squeeze %dma_wait3A_982 : memref<1x80xi32, #tpu.memory_space<vmem>> -> memref<80xi32, #tpu.memory_space<vmem>>
      %dma_wait3A_984 = arith.constant 0 : i32
      %dma_wait3A_985 = arith.constant 0 : i32
      %dma_wait3A_986 = tpu.memref_slice %arg14[%dma_wait3A_984, %dma_wait3A_985] : memref<10000x128xf32, #tpu.memory_space<vmem_shared>> -> memref<10000x128xf32, #tpu.memory_space<vmem_shared>>
      tpu.wait_indirect_dma semaphore(%arg22 : memref<!tpu.dma_semaphore, #tpu.memory_space<semaphore_mem>>) src(%arg12 : memref<80x128xf32, #tpu.memory_space<vmem>>) dst(%dma_wait3A_986 : memref<10000x128xf32, #tpu.memory_space<vmem_shared>>)
      %dma_wait3A_987 = arith.constant 0 : i32
      %dma_wait3A_988 = tpu.memref_slice %arg9[%add3A_962, %dma_wait3A_987] : memref<32x80xi32, #tpu.memory_space<vmem>> -> memref<1x80xi32, #tpu.memory_space<vmem>>
      %dma_wait3A_989 = tpu.memref_squeeze %dma_wait3A_988 : memref<1x80xi32, #tpu.memory_space<vmem>> -> memref<80xi32, #tpu.memory_space<vmem>>
      %dma_wait3A_990 = arith.constant 0 : i32
      %dma_wait3A_991 = arith.constant 0 : i32
      %dma_wait3A_992 = tpu.memref_slice %arg14[%dma_wait3A_990, %dma_wait3A_991] : memref<10000x128xf32, #tpu.memory_space<vmem_shared>> -> memref<10000x128xf32, #tpu.memory_space<vmem_shared>>
      tpu.wait_indirect_dma semaphore(%arg23 : memref<!tpu.dma_semaphore, #tpu.memory_space<semaphore_mem>>) src(%arg13 : memref<80x128xf32, #tpu.memory_space<vmem>>) dst(%dma_wait3A_992 : memref<10000x128xf32, #tpu.memory_space<vmem_shared>>)
    }
    %scan3A_40 = arith.constant 7 : i32
    %dma_wait3A = arith.constant 16 : i32
    %dma_wait3A_41 = arith.constant 0 : i32
    %dma_wait3A_42 = tpu.memref_slice %arg8[%dma_wait3A, %dma_wait3A_41] : memref<32x80xi32, #tpu.memory_space<vmem>> -> memref<13x80xi32, #tpu.memory_space<vmem>>
    %dma_wait3A_43 = arith.constant 112 : i32
    %dma_wait3A_44 = arith.constant 0 : i32
    %dma_wait3A_45 = tpu.memref_slice %arg2[%add3A, %dma_wait3A_43, %dma_wait3A_44] : memref<32x125x80xi32, #tpu.memory_space<hbm>> -> memref<1x13x80xi32, #tpu.memory_space<hbm>>
    %dma_wait3A_46 = tpu.memref_squeeze %dma_wait3A_45 : memref<1x13x80xi32, #tpu.memory_space<hbm>> -> memref<13x80xi32, #tpu.memory_space<hbm>>
    %dma_wait3A_47 = arith.constant 16 : i32
    %dma_wait3A_48 = arith.constant 0 : i32
    %dma_wait3A_49 = tpu.memref_slice %arg8[%dma_wait3A_47, %dma_wait3A_48] : memref<32x80xi32, #tpu.memory_space<vmem>> -> memref<13x80xi32, #tpu.memory_space<vmem>>
    %dma_wait3A_50 = arith.constant 112 : i32
    %dma_wait3A_51 = arith.constant 0 : i32
    %dma_wait3A_52 = tpu.memref_slice %arg2[%add3A, %dma_wait3A_50, %dma_wait3A_51] : memref<32x125x80xi32, #tpu.memory_space<hbm>> -> memref<1x13x80xi32, #tpu.memory_space<hbm>>
    %dma_wait3A_53 = tpu.memref_squeeze %dma_wait3A_52 : memref<1x13x80xi32, #tpu.memory_space<hbm>> -> memref<13x80xi32, #tpu.memory_space<hbm>>
    tpu.wait_dma2 semaphore(%arg15 : memref<!tpu.dma_semaphore, #tpu.memory_space<semaphore_mem>>) src(%dma_wait3A_53 : memref<13x80xi32, #tpu.memory_space<hbm>>) dst(%dma_wait3A_49 : memref<13x80xi32, #tpu.memory_space<vmem>>)
    %dma_wait3A_54 = arith.constant 16 : i32
    %dma_wait3A_55 = arith.constant 0 : i32
    %dma_wait3A_56 = tpu.memref_slice %arg9[%dma_wait3A_54, %dma_wait3A_55] : memref<32x80xi32, #tpu.memory_space<vmem>> -> memref<13x80xi32, #tpu.memory_space<vmem>>
    %dma_wait3A_57 = arith.constant 112 : i32
    %dma_wait3A_58 = arith.constant 0 : i32
    %dma_wait3A_59 = tpu.memref_slice %arg3[%add3A, %dma_wait3A_57, %dma_wait3A_58] : memref<32x125x80xi32, #tpu.memory_space<hbm>> -> memref<1x13x80xi32, #tpu.memory_space<hbm>>
    %dma_wait3A_60 = tpu.memref_squeeze %dma_wait3A_59 : memref<1x13x80xi32, #tpu.memory_space<hbm>> -> memref<13x80xi32, #tpu.memory_space<hbm>>
    %dma_wait3A_61 = arith.constant 16 : i32
    %dma_wait3A_62 = arith.constant 0 : i32
    %dma_wait3A_63 = tpu.memref_slice %arg9[%dma_wait3A_61, %dma_wait3A_62] : memref<32x80xi32, #tpu.memory_space<vmem>> -> memref<13x80xi32, #tpu.memory_space<vmem>>
    %dma_wait3A_64 = arith.constant 112 : i32
    %dma_wait3A_65 = arith.constant 0 : i32
    %dma_wait3A_66 = tpu.memref_slice %arg3[%add3A, %dma_wait3A_64, %dma_wait3A_65] : memref<32x125x80xi32, #tpu.memory_space<hbm>> -> memref<1x13x80xi32, #tpu.memory_space<hbm>>
    %dma_wait3A_67 = tpu.memref_squeeze %dma_wait3A_66 : memref<1x13x80xi32, #tpu.memory_space<hbm>> -> memref<13x80xi32, #tpu.memory_space<hbm>>
    tpu.wait_dma2 semaphore(%arg15 : memref<!tpu.dma_semaphore, #tpu.memory_space<semaphore_mem>>) src(%dma_wait3A_67 : memref<13x80xi32, #tpu.memory_space<hbm>>) dst(%dma_wait3A_63 : memref<13x80xi32, #tpu.memory_space<vmem>>)
    %scan3A_68 = arith.constant 0 : i32
    %scan3A_69 = arith.constant 0 : i32
    %scan3A_70 = arith.constant 13 : i32
    %scan3A_71 = arith.addi %scan3A_69, %scan3A_70 : i32
    %scan3A_72 = arith.constant 1 : i32
    scf.for %scan3A_448 = %scan3A_69 to %scan3A_71 step %scan3A_72  : i32 {
      %add3A_449 = arith.constant 16 : i32
      %add3A_450 = arith.addi %add3A_449, %scan3A_448 : i32
      %get3A = arith.index_cast %add3A_450 : i32 to index
      %get3A_451 = arith.constant 0 : index
      %get3A_452 = tpu.vector_load %arg8[%get3A, %get3A_451] {strides = array<i32>} : memref<32x80xi32, #tpu.memory_space<vmem>>, vector<1x16xi32>,
      %get3A_453 = vector.shape_cast %get3A_452 : vector<1x16xi32> to vector<16xi32>
      %shift_right_logical3A = arith.constant 14 : i32
      %shift_right_logical3A_454 = vector.broadcast %shift_right_logical3A : i32 to vector<16xi32>
      %shift_right_logical3A_455 = arith.shrui %get3A_453, %shift_right_logical3A_454 : vector<16xi32>
      %mul3A_456 = arith.constant 10000 : i32
      %mul3A_457 = vector.broadcast %mul3A_456 : i32 to vector<16xi32>
      %mul3A_458 = arith.muli %shift_right_logical3A_455, %mul3A_457 : vector<16xi32>
      %and3A = arith.constant 16383 : i32
      %and3A_459 = vector.broadcast %and3A : i32 to vector<16xi32>
      %and3A_460 = arith.andi %get3A_453, %and3A_459 : vector<16xi32>
      %add3A_461 = arith.addi %mul3A_458, %and3A_460 : vector<16xi32>
      %add3A_462 = arith.constant 16 : i32
      %add3A_463 = arith.addi %add3A_462, %scan3A_448 : i32
      %swap3A = arith.index_cast %add3A_463 : i32 to index
      %swap3A_464 = arith.constant 0 : index
      %swap3A_465 = tpu.vector_load %arg8[%swap3A, %swap3A_464] {strides = array<i32>} : memref<32x80xi32, #tpu.memory_space<vmem>>, vector<1x16xi32>,
      %swap3A_466 = vector.shape_cast %swap3A_465 : vector<1x16xi32> to vector<16xi32>
      %swap3A_467 = vector.shape_cast %add3A_461 : vector<16xi32> to vector<1x16xi32>
      tpu.vector_store %arg8[%swap3A, %swap3A_464], %swap3A_467 {strides = array<i32>} : memref<32x80xi32, #tpu.memory_space<vmem>>, vector<1x16xi32>,
      %add3A_468 = arith.constant 16 : i32
      %add3A_469 = arith.addi %add3A_468, %scan3A_448 : i32
      %get3A_470 = arith.index_cast %add3A_469 : i32 to index
      %get3A_471 = arith.constant 16 : index
      %get3A_472 = tpu.vector_load %arg8[%get3A_470, %get3A_471] {strides = array<i32>} : memref<32x80xi32, #tpu.memory_space<vmem>>, vector<1x16xi32>,
      %get3A_473 = vector.shape_cast %get3A_472 : vector<1x16xi32> to vector<16xi32>
      %shift_right_logical3A_474 = arith.constant 14 : i32
      %shift_right_logical3A_475 = vector.broadcast %shift_right_logical3A_474 : i32 to vector<16xi32>
      %shift_right_logical3A_476 = arith.shrui %get3A_473, %shift_right_logical3A_475 : vector<16xi32>
      %mul3A_477 = arith.constant 10000 : i32
      %mul3A_478 = vector.broadcast %mul3A_477 : i32 to vector<16xi32>
      %mul3A_479 = arith.muli %shift_right_logical3A_476, %mul3A_478 : vector<16xi32>
      %and3A_480 = arith.constant 16383 : i32
      %and3A_481 = vector.broadcast %and3A_480 : i32 to vector<16xi32>
      %and3A_482 = arith.andi %get3A_473, %and3A_481 : vector<16xi32>
      %add3A_483 = arith.addi %mul3A_479, %and3A_482 : vector<16xi32>
      %add3A_484 = arith.constant 16 : i32
      %add3A_485 = arith.addi %add3A_484, %scan3A_448 : i32
      %swap3A_486 = arith.index_cast %add3A_485 : i32 to index
      %swap3A_487 = arith.constant 16 : index
      %swap3A_488 = tpu.vector_load %arg8[%swap3A_486, %swap3A_487] {strides = array<i32>} : memref<32x80xi32, #tpu.memory_space<vmem>>, vector<1x16xi32>,
      %swap3A_489 = vector.shape_cast %swap3A_488 : vector<1x16xi32> to vector<16xi32>
      %swap3A_490 = vector.shape_cast %add3A_483 : vector<16xi32> to vector<1x16xi32>
      tpu.vector_store %arg8[%swap3A_486, %swap3A_487], %swap3A_490 {strides = array<i32>} : memref<32x80xi32, #tpu.memory_space<vmem>>, vector<1x16xi32>,
      %add3A_491 = arith.constant 16 : i32
      %add3A_492 = arith.addi %add3A_491, %scan3A_448 : i32
      %get3A_493 = arith.index_cast %add3A_492 : i32 to index
      %get3A_494 = arith.constant 32 : index
      %get3A_495 = tpu.vector_load %arg8[%get3A_493, %get3A_494] {strides = array<i32>} : memref<32x80xi32, #tpu.memory_space<vmem>>, vector<1x16xi32>,
      %get3A_496 = vector.shape_cast %get3A_495 : vector<1x16xi32> to vector<16xi32>
      %shift_right_logical3A_497 = arith.constant 14 : i32
      %shift_right_logical3A_498 = vector.broadcast %shift_right_logical3A_497 : i32 to vector<16xi32>
      %shift_right_logical3A_499 = arith.shrui %get3A_496, %shift_right_logical3A_498 : vector<16xi32>
      %mul3A_500 = arith.constant 10000 : i32
      %mul3A_501 = vector.broadcast %mul3A_500 : i32 to vector<16xi32>
      %mul3A_502 = arith.muli %shift_right_logical3A_499, %mul3A_501 : vector<16xi32>
      %and3A_503 = arith.constant 16383 : i32
      %and3A_504 = vector.broadcast %and3A_503 : i32 to vector<16xi32>
      %and3A_505 = arith.andi %get3A_496, %and3A_504 : vector<16xi32>
      %add3A_506 = arith.addi %mul3A_502, %and3A_505 : vector<16xi32>
      %add3A_507 = arith.constant 16 : i32
      %add3A_508 = arith.addi %add3A_507, %scan3A_448 : i32
      %swap3A_509 = arith.index_cast %add3A_508 : i32 to index
      %swap3A_510 = arith.constant 32 : index
      %swap3A_511 = tpu.vector_load %arg8[%swap3A_509, %swap3A_510] {strides = array<i32>} : memref<32x80xi32, #tpu.memory_space<vmem>>, vector<1x16xi32>,
      %swap3A_512 = vector.shape_cast %swap3A_511 : vector<1x16xi32> to vector<16xi32>
      %swap3A_513 = vector.shape_cast %add3A_506 : vector<16xi32> to vector<1x16xi32>
      tpu.vector_store %arg8[%swap3A_509, %swap3A_510], %swap3A_513 {strides = array<i32>} : memref<32x80xi32, #tpu.memory_space<vmem>>, vector<1x16xi32>,
      %add3A_514 = arith.constant 16 : i32
      %add3A_515 = arith.addi %add3A_514, %scan3A_448 : i32
      %get3A_516 = arith.index_cast %add3A_515 : i32 to index
      %get3A_517 = arith.constant 48 : index
      %get3A_518 = tpu.vector_load %arg8[%get3A_516, %get3A_517] {strides = array<i32>} : memref<32x80xi32, #tpu.memory_space<vmem>>, vector<1x16xi32>,
      %get3A_519 = vector.shape_cast %get3A_518 : vector<1x16xi32> to vector<16xi32>
      %shift_right_logical3A_520 = arith.constant 14 : i32
      %shift_right_logical3A_521 = vector.broadcast %shift_right_logical3A_520 : i32 to vector<16xi32>
      %shift_right_logical3A_522 = arith.shrui %get3A_519, %shift_right_logical3A_521 : vector<16xi32>
      %mul3A_523 = arith.constant 10000 : i32
      %mul3A_524 = vector.broadcast %mul3A_523 : i32 to vector<16xi32>
      %mul3A_525 = arith.muli %shift_right_logical3A_522, %mul3A_524 : vector<16xi32>
      %and3A_526 = arith.constant 16383 : i32
      %and3A_527 = vector.broadcast %and3A_526 : i32 to vector<16xi32>
      %and3A_528 = arith.andi %get3A_519, %and3A_527 : vector<16xi32>
      %add3A_529 = arith.addi %mul3A_525, %and3A_528 : vector<16xi32>
      %add3A_530 = arith.constant 16 : i32
      %add3A_531 = arith.addi %add3A_530, %scan3A_448 : i32
      %swap3A_532 = arith.index_cast %add3A_531 : i32 to index
      %swap3A_533 = arith.constant 48 : index
      %swap3A_534 = tpu.vector_load %arg8[%swap3A_532, %swap3A_533] {strides = array<i32>} : memref<32x80xi32, #tpu.memory_space<vmem>>, vector<1x16xi32>,
      %swap3A_535 = vector.shape_cast %swap3A_534 : vector<1x16xi32> to vector<16xi32>
      %swap3A_536 = vector.shape_cast %add3A_529 : vector<16xi32> to vector<1x16xi32>
      tpu.vector_store %arg8[%swap3A_532, %swap3A_533], %swap3A_536 {strides = array<i32>} : memref<32x80xi32, #tpu.memory_space<vmem>>, vector<1x16xi32>,
      %add3A_537 = arith.constant 16 : i32
      %add3A_538 = arith.addi %add3A_537, %scan3A_448 : i32
      %get3A_539 = arith.index_cast %add3A_538 : i32 to index
      %get3A_540 = arith.constant 64 : index
      %get3A_541 = tpu.vector_load %arg8[%get3A_539, %get3A_540] {strides = array<i32>} : memref<32x80xi32, #tpu.memory_space<vmem>>, vector<1x16xi32>,
      %get3A_542 = vector.shape_cast %get3A_541 : vector<1x16xi32> to vector<16xi32>
      %shift_right_logical3A_543 = arith.constant 14 : i32
      %shift_right_logical3A_544 = vector.broadcast %shift_right_logical3A_543 : i32 to vector<16xi32>
      %shift_right_logical3A_545 = arith.shrui %get3A_542, %shift_right_logical3A_544 : vector<16xi32>
      %mul3A_546 = arith.constant 10000 : i32
      %mul3A_547 = vector.broadcast %mul3A_546 : i32 to vector<16xi32>
      %mul3A_548 = arith.muli %shift_right_logical3A_545, %mul3A_547 : vector<16xi32>
      %and3A_549 = arith.constant 16383 : i32
      %and3A_550 = vector.broadcast %and3A_549 : i32 to vector<16xi32>
      %and3A_551 = arith.andi %get3A_542, %and3A_550 : vector<16xi32>
      %add3A_552 = arith.addi %mul3A_548, %and3A_551 : vector<16xi32>
      %add3A_553 = arith.constant 16 : i32
      %add3A_554 = arith.addi %add3A_553, %scan3A_448 : i32
      %swap3A_555 = arith.index_cast %add3A_554 : i32 to index
      %swap3A_556 = arith.constant 64 : index
      %swap3A_557 = tpu.vector_load %arg8[%swap3A_555, %swap3A_556] {strides = array<i32>} : memref<32x80xi32, #tpu.memory_space<vmem>>, vector<1x16xi32>,
      %swap3A_558 = vector.shape_cast %swap3A_557 : vector<1x16xi32> to vector<16xi32>
      %swap3A_559 = vector.shape_cast %add3A_552 : vector<16xi32> to vector<1x16xi32>
      tpu.vector_store %arg8[%swap3A_555, %swap3A_556], %swap3A_559 {strides = array<i32>} : memref<32x80xi32, #tpu.memory_space<vmem>>, vector<1x16xi32>,
    }
    %scan3A_73 = arith.constant 13 : i32
    %dma_start3A_74 = arith.constant 16 : i32
    %dma_start3A_75 = arith.constant 0 : i32
    %dma_start3A_76 = tpu.memref_slice %arg8[%dma_start3A_74, %dma_start3A_75] : memref<32x80xi32, #tpu.memory_space<vmem>> -> memref<1x80xi32, #tpu.memory_space<vmem>>
    %dma_start3A_77 = tpu.memref_squeeze %dma_start3A_76 : memref<1x80xi32, #tpu.memory_space<vmem>> -> memref<80xi32, #tpu.memory_space<vmem>>
    %dma_start3A_78 = arith.constant 0 : i32
    %dma_start3A_79 = arith.constant 0 : i32
    %dma_start3A_80 = tpu.memref_slice %arg4[%dma_start3A_78, %dma_start3A_79] : memref<80000x128xf32, #tpu.memory_space<hbm>> -> memref<80000x128xf32, #tpu.memory_space<hbm>>
    tpu.enqueue_indirect_dma source(%dma_start3A_80 : memref<80000x128xf32, #tpu.memory_space<hbm>>) target(%arg10 : memref<80x128xf32, #tpu.memory_space<vmem>>) offsets(%dma_start3A_77 : memref<80xi32, #tpu.memory_space<vmem>>) semaphore(%arg16 : memref<!tpu.dma_semaphore, #tpu.memory_space<semaphore_mem>>)
    %dma_start3A_81 = arith.constant 17 : i32
    %dma_start3A_82 = arith.constant 0 : i32
    %dma_start3A_83 = tpu.memref_slice %arg8[%dma_start3A_81, %dma_start3A_82] : memref<32x80xi32, #tpu.memory_space<vmem>> -> memref<1x80xi32, #tpu.memory_space<vmem>>
    %dma_start3A_84 = tpu.memref_squeeze %dma_start3A_83 : memref<1x80xi32, #tpu.memory_space<vmem>> -> memref<80xi32, #tpu.memory_space<vmem>>
    %dma_start3A_85 = arith.constant 0 : i32
    %dma_start3A_86 = arith.constant 0 : i32
    %dma_start3A_87 = tpu.memref_slice %arg4[%dma_start3A_85, %dma_start3A_86] : memref<80000x128xf32, #tpu.memory_space<hbm>> -> memref<80000x128xf32, #tpu.memory_space<hbm>>
    tpu.enqueue_indirect_dma source(%dma_start3A_87 : memref<80000x128xf32, #tpu.memory_space<hbm>>) target(%arg11 : memref<80x128xf32, #tpu.memory_space<vmem>>) offsets(%dma_start3A_84 : memref<80xi32, #tpu.memory_space<vmem>>) semaphore(%arg17 : memref<!tpu.dma_semaphore, #tpu.memory_space<semaphore_mem>>)
    %dma_start3A_88 = arith.constant 18 : i32
    %dma_start3A_89 = arith.constant 0 : i32
    %dma_start3A_90 = tpu.memref_slice %arg8[%dma_start3A_88, %dma_start3A_89] : memref<32x80xi32, #tpu.memory_space<vmem>> -> memref<1x80xi32, #tpu.memory_space<vmem>>
    %dma_start3A_91 = tpu.memref_squeeze %dma_start3A_90 : memref<1x80xi32, #tpu.memory_space<vmem>> -> memref<80xi32, #tpu.memory_space<vmem>>
    %dma_start3A_92 = arith.constant 0 : i32
    %dma_start3A_93 = arith.constant 0 : i32
    %dma_start3A_94 = tpu.memref_slice %arg4[%dma_start3A_92, %dma_start3A_93] : memref<80000x128xf32, #tpu.memory_space<hbm>> -> memref<80000x128xf32, #tpu.memory_space<hbm>>
    tpu.enqueue_indirect_dma source(%dma_start3A_94 : memref<80000x128xf32, #tpu.memory_space<hbm>>) target(%arg12 : memref<80x128xf32, #tpu.memory_space<vmem>>) offsets(%dma_start3A_91 : memref<80xi32, #tpu.memory_space<vmem>>) semaphore(%arg18 : memref<!tpu.dma_semaphore, #tpu.memory_space<semaphore_mem>>)
    %dma_start3A_95 = arith.constant 19 : i32
    %dma_start3A_96 = arith.constant 0 : i32
    %dma_start3A_97 = tpu.memref_slice %arg8[%dma_start3A_95, %dma_start3A_96] : memref<32x80xi32, #tpu.memory_space<vmem>> -> memref<1x80xi32, #tpu.memory_space<vmem>>
    %dma_start3A_98 = tpu.memref_squeeze %dma_start3A_97 : memref<1x80xi32, #tpu.memory_space<vmem>> -> memref<80xi32, #tpu.memory_space<vmem>>
    %dma_start3A_99 = arith.constant 0 : i32
    %dma_start3A_100 = arith.constant 0 : i32
    %dma_start3A_101 = tpu.memref_slice %arg4[%dma_start3A_99, %dma_start3A_100] : memref<80000x128xf32, #tpu.memory_space<hbm>> -> memref<80000x128xf32, #tpu.memory_space<hbm>>
    tpu.enqueue_indirect_dma source(%dma_start3A_101 : memref<80000x128xf32, #tpu.memory_space<hbm>>) target(%arg13 : memref<80x128xf32, #tpu.memory_space<vmem>>) offsets(%dma_start3A_98 : memref<80xi32, #tpu.memory_space<vmem>>) semaphore(%arg19 : memref<!tpu.dma_semaphore, #tpu.memory_space<semaphore_mem>>)
    %dma_wait3A_102 = arith.constant 16 : i32
    %dma_wait3A_103 = arith.constant 0 : i32
    %dma_wait3A_104 = tpu.memref_slice %arg8[%dma_wait3A_102, %dma_wait3A_103] : memref<32x80xi32, #tpu.memory_space<vmem>> -> memref<1x80xi32, #tpu.memory_space<vmem>>
    %dma_wait3A_105 = tpu.memref_squeeze %dma_wait3A_104 : memref<1x80xi32, #tpu.memory_space<vmem>> -> memref<80xi32, #tpu.memory_space<vmem>>
    %dma_wait3A_106 = arith.constant 0 : i32
    %dma_wait3A_107 = arith.constant 0 : i32
    %dma_wait3A_108 = tpu.memref_slice %arg4[%dma_wait3A_106, %dma_wait3A_107] : memref<80000x128xf32, #tpu.memory_space<hbm>> -> memref<80000x128xf32, #tpu.memory_space<hbm>>
    tpu.wait_indirect_dma semaphore(%arg16 : memref<!tpu.dma_semaphore, #tpu.memory_space<semaphore_mem>>) src(%dma_wait3A_108 : memref<80000x128xf32, #tpu.memory_space<hbm>>) dst(%arg10 : memref<80x128xf32, #tpu.memory_space<vmem>>)
    %dma_start3A_109 = arith.constant 16 : i32
    %dma_start3A_110 = arith.constant 0 : i32
    %dma_start3A_111 = tpu.memref_slice %arg9[%dma_start3A_109, %dma_start3A_110] : memref<32x80xi32, #tpu.memory_space<vmem>> -> memref<1x80xi32, #tpu.memory_space<vmem>>
    %dma_start3A_112 = tpu.memref_squeeze %dma_start3A_111 : memref<1x80xi32, #tpu.memory_space<vmem>> -> memref<80xi32, #tpu.memory_space<vmem>>
    %dma_start3A_113 = arith.constant 0 : i32
    %dma_start3A_114 = arith.constant 0 : i32
    %dma_start3A_115 = tpu.memref_slice %arg14[%dma_start3A_113, %dma_start3A_114] : memref<10000x128xf32, #tpu.memory_space<vmem_shared>> -> memref<10000x128xf32, #tpu.memory_space<vmem_shared>>
    tpu.enqueue_indirect_dma source(%arg10 : memref<80x128xf32, #tpu.memory_space<vmem>>) target(%dma_start3A_115 : memref<10000x128xf32, #tpu.memory_space<vmem_shared>>) offsets(%dma_start3A_112 : memref<80xi32, #tpu.memory_space<vmem>>) semaphore(%arg20 : memref<!tpu.dma_semaphore, #tpu.memory_space<semaphore_mem>>) {add = true}
    %dma_wait3A_116 = arith.constant 16 : i32
    %dma_wait3A_117 = arith.constant 0 : i32
    %dma_wait3A_118 = tpu.memref_slice %arg9[%dma_wait3A_116, %dma_wait3A_117] : memref<32x80xi32, #tpu.memory_space<vmem>> -> memref<1x80xi32, #tpu.memory_space<vmem>>
    %dma_wait3A_119 = tpu.memref_squeeze %dma_wait3A_118 : memref<1x80xi32, #tpu.memory_space<vmem>> -> memref<80xi32, #tpu.memory_space<vmem>>
    %dma_wait3A_120 = arith.constant 0 : i32
    %dma_wait3A_121 = arith.constant 0 : i32
    %dma_wait3A_122 = tpu.memref_slice %arg14[%dma_wait3A_120, %dma_wait3A_121] : memref<10000x128xf32, #tpu.memory_space<vmem_shared>> -> memref<10000x128xf32, #tpu.memory_space<vmem_shared>>
    tpu.wait_indirect_dma semaphore(%arg20 : memref<!tpu.dma_semaphore, #tpu.memory_space<semaphore_mem>>) src(%arg10 : memref<80x128xf32, #tpu.memory_space<vmem>>) dst(%dma_wait3A_122 : memref<10000x128xf32, #tpu.memory_space<vmem_shared>>)
    %dma_start3A_123 = arith.constant 20 : i32
    %dma_start3A_124 = arith.constant 0 : i32
    %dma_start3A_125 = tpu.memref_slice %arg8[%dma_start3A_123, %dma_start3A_124] : memref<32x80xi32, #tpu.memory_space<vmem>> -> memref<1x80xi32, #tpu.memory_space<vmem>>
    %dma_start3A_126 = tpu.memref_squeeze %dma_start3A_125 : memref<1x80xi32, #tpu.memory_space<vmem>> -> memref<80xi32, #tpu.memory_space<vmem>>
    %dma_start3A_127 = arith.constant 0 : i32
    %dma_start3A_128 = arith.constant 0 : i32
    %dma_start3A_129 = tpu.memref_slice %arg4[%dma_start3A_127, %dma_start3A_128] : memref<80000x128xf32, #tpu.memory_space<hbm>> -> memref<80000x128xf32, #tpu.memory_space<hbm>>
    tpu.enqueue_indirect_dma source(%dma_start3A_129 : memref<80000x128xf32, #tpu.memory_space<hbm>>) target(%arg10 : memref<80x128xf32, #tpu.memory_space<vmem>>) offsets(%dma_start3A_126 : memref<80xi32, #tpu.memory_space<vmem>>) semaphore(%arg16 : memref<!tpu.dma_semaphore, #tpu.memory_space<semaphore_mem>>)
    %dma_wait3A_130 = arith.constant 17 : i32
    %dma_wait3A_131 = arith.constant 0 : i32
    %dma_wait3A_132 = tpu.memref_slice %arg8[%dma_wait3A_130, %dma_wait3A_131] : memref<32x80xi32, #tpu.memory_space<vmem>> -> memref<1x80xi32, #tpu.memory_space<vmem>>
    %dma_wait3A_133 = tpu.memref_squeeze %dma_wait3A_132 : memref<1x80xi32, #tpu.memory_space<vmem>> -> memref<80xi32, #tpu.memory_space<vmem>>
    %dma_wait3A_134 = arith.constant 0 : i32
    %dma_wait3A_135 = arith.constant 0 : i32
    %dma_wait3A_136 = tpu.memref_slice %arg4[%dma_wait3A_134, %dma_wait3A_135] : memref<80000x128xf32, #tpu.memory_space<hbm>> -> memref<80000x128xf32, #tpu.memory_space<hbm>>
    tpu.wait_indirect_dma semaphore(%arg17 : memref<!tpu.dma_semaphore, #tpu.memory_space<semaphore_mem>>) src(%dma_wait3A_136 : memref<80000x128xf32, #tpu.memory_space<hbm>>) dst(%arg11 : memref<80x128xf32, #tpu.memory_space<vmem>>)
    %dma_start3A_137 = arith.constant 17 : i32
    %dma_start3A_138 = arith.constant 0 : i32
    %dma_start3A_139 = tpu.memref_slice %arg9[%dma_start3A_137, %dma_start3A_138] : memref<32x80xi32, #tpu.memory_space<vmem>> -> memref<1x80xi32, #tpu.memory_space<vmem>>
    %dma_start3A_140 = tpu.memref_squeeze %dma_start3A_139 : memref<1x80xi32, #tpu.memory_space<vmem>> -> memref<80xi32, #tpu.memory_space<vmem>>
    %dma_start3A_141 = arith.constant 0 : i32
    %dma_start3A_142 = arith.constant 0 : i32
    %dma_start3A_143 = tpu.memref_slice %arg14[%dma_start3A_141, %dma_start3A_142] : memref<10000x128xf32, #tpu.memory_space<vmem_shared>> -> memref<10000x128xf32, #tpu.memory_space<vmem_shared>>
    tpu.enqueue_indirect_dma source(%arg11 : memref<80x128xf32, #tpu.memory_space<vmem>>) target(%dma_start3A_143 : memref<10000x128xf32, #tpu.memory_space<vmem_shared>>) offsets(%dma_start3A_140 : memref<80xi32, #tpu.memory_space<vmem>>) semaphore(%arg21 : memref<!tpu.dma_semaphore, #tpu.memory_space<semaphore_mem>>) {add = true}
    %dma_wait3A_144 = arith.constant 17 : i32
    %dma_wait3A_145 = arith.constant 0 : i32
    %dma_wait3A_146 = tpu.memref_slice %arg9[%dma_wait3A_144, %dma_wait3A_145] : memref<32x80xi32, #tpu.memory_space<vmem>> -> memref<1x80xi32, #tpu.memory_space<vmem>>
    %dma_wait3A_147 = tpu.memref_squeeze %dma_wait3A_146 : memref<1x80xi32, #tpu.memory_space<vmem>> -> memref<80xi32, #tpu.memory_space<vmem>>
    %dma_wait3A_148 = arith.constant 0 : i32
    %dma_wait3A_149 = arith.constant 0 : i32
    %dma_wait3A_150 = tpu.memref_slice %arg14[%dma_wait3A_148, %dma_wait3A_149] : memref<10000x128xf32, #tpu.memory_space<vmem_shared>> -> memref<10000x128xf32, #tpu.memory_space<vmem_shared>>
    tpu.wait_indirect_dma semaphore(%arg21 : memref<!tpu.dma_semaphore, #tpu.memory_space<semaphore_mem>>) src(%arg11 : memref<80x128xf32, #tpu.memory_space<vmem>>) dst(%dma_wait3A_150 : memref<10000x128xf32, #tpu.memory_space<vmem_shared>>)
    %dma_start3A_151 = arith.constant 21 : i32
    %dma_start3A_152 = arith.constant 0 : i32
    %dma_start3A_153 = tpu.memref_slice %arg8[%dma_start3A_151, %dma_start3A_152] : memref<32x80xi32, #tpu.memory_space<vmem>> -> memref<1x80xi32, #tpu.memory_space<vmem>>
    %dma_start3A_154 = tpu.memref_squeeze %dma_start3A_153 : memref<1x80xi32, #tpu.memory_space<vmem>> -> memref<80xi32, #tpu.memory_space<vmem>>
    %dma_start3A_155 = arith.constant 0 : i32
    %dma_start3A_156 = arith.constant 0 : i32
    %dma_start3A_157 = tpu.memref_slice %arg4[%dma_start3A_155, %dma_start3A_156] : memref<80000x128xf32, #tpu.memory_space<hbm>> -> memref<80000x128xf32, #tpu.memory_space<hbm>>
    tpu.enqueue_indirect_dma source(%dma_start3A_157 : memref<80000x128xf32, #tpu.memory_space<hbm>>) target(%arg11 : memref<80x128xf32, #tpu.memory_space<vmem>>) offsets(%dma_start3A_154 : memref<80xi32, #tpu.memory_space<vmem>>) semaphore(%arg17 : memref<!tpu.dma_semaphore, #tpu.memory_space<semaphore_mem>>)
    %dma_wait3A_158 = arith.constant 18 : i32
    %dma_wait3A_159 = arith.constant 0 : i32
    %dma_wait3A_160 = tpu.memref_slice %arg8[%dma_wait3A_158, %dma_wait3A_159] : memref<32x80xi32, #tpu.memory_space<vmem>> -> memref<1x80xi32, #tpu.memory_space<vmem>>
    %dma_wait3A_161 = tpu.memref_squeeze %dma_wait3A_160 : memref<1x80xi32, #tpu.memory_space<vmem>> -> memref<80xi32, #tpu.memory_space<vmem>>
    %dma_wait3A_162 = arith.constant 0 : i32
    %dma_wait3A_163 = arith.constant 0 : i32
    %dma_wait3A_164 = tpu.memref_slice %arg4[%dma_wait3A_162, %dma_wait3A_163] : memref<80000x128xf32, #tpu.memory_space<hbm>> -> memref<80000x128xf32, #tpu.memory_space<hbm>>
    tpu.wait_indirect_dma semaphore(%arg18 : memref<!tpu.dma_semaphore, #tpu.memory_space<semaphore_mem>>) src(%dma_wait3A_164 : memref<80000x128xf32, #tpu.memory_space<hbm>>) dst(%arg12 : memref<80x128xf32, #tpu.memory_space<vmem>>)
    %dma_start3A_165 = arith.constant 18 : i32
    %dma_start3A_166 = arith.constant 0 : i32
    %dma_start3A_167 = tpu.memref_slice %arg9[%dma_start3A_165, %dma_start3A_166] : memref<32x80xi32, #tpu.memory_space<vmem>> -> memref<1x80xi32, #tpu.memory_space<vmem>>
    %dma_start3A_168 = tpu.memref_squeeze %dma_start3A_167 : memref<1x80xi32, #tpu.memory_space<vmem>> -> memref<80xi32, #tpu.memory_space<vmem>>
    %dma_start3A_169 = arith.constant 0 : i32
    %dma_start3A_170 = arith.constant 0 : i32
    %dma_start3A_171 = tpu.memref_slice %arg14[%dma_start3A_169, %dma_start3A_170] : memref<10000x128xf32, #tpu.memory_space<vmem_shared>> -> memref<10000x128xf32, #tpu.memory_space<vmem_shared>>
    tpu.enqueue_indirect_dma source(%arg12 : memref<80x128xf32, #tpu.memory_space<vmem>>) target(%dma_start3A_171 : memref<10000x128xf32, #tpu.memory_space<vmem_shared>>) offsets(%dma_start3A_168 : memref<80xi32, #tpu.memory_space<vmem>>) semaphore(%arg22 : memref<!tpu.dma_semaphore, #tpu.memory_space<semaphore_mem>>) {add = true}
    %dma_wait3A_172 = arith.constant 18 : i32
    %dma_wait3A_173 = arith.constant 0 : i32
    %dma_wait3A_174 = tpu.memref_slice %arg9[%dma_wait3A_172, %dma_wait3A_173] : memref<32x80xi32, #tpu.memory_space<vmem>> -> memref<1x80xi32, #tpu.memory_space<vmem>>
    %dma_wait3A_175 = tpu.memref_squeeze %dma_wait3A_174 : memref<1x80xi32, #tpu.memory_space<vmem>> -> memref<80xi32, #tpu.memory_space<vmem>>
    %dma_wait3A_176 = arith.constant 0 : i32
    %dma_wait3A_177 = arith.constant 0 : i32
    %dma_wait3A_178 = tpu.memref_slice %arg14[%dma_wait3A_176, %dma_wait3A_177] : memref<10000x128xf32, #tpu.memory_space<vmem_shared>> -> memref<10000x128xf32, #tpu.memory_space<vmem_shared>>
    tpu.wait_indirect_dma semaphore(%arg22 : memref<!tpu.dma_semaphore, #tpu.memory_space<semaphore_mem>>) src(%arg12 : memref<80x128xf32, #tpu.memory_space<vmem>>) dst(%dma_wait3A_178 : memref<10000x128xf32, #tpu.memory_space<vmem_shared>>)
    %dma_start3A_179 = arith.constant 22 : i32
    %dma_start3A_180 = arith.constant 0 : i32
    %dma_start3A_181 = tpu.memref_slice %arg8[%dma_start3A_179, %dma_start3A_180] : memref<32x80xi32, #tpu.memory_space<vmem>> -> memref<1x80xi32, #tpu.memory_space<vmem>>
    %dma_start3A_182 = tpu.memref_squeeze %dma_start3A_181 : memref<1x80xi32, #tpu.memory_space<vmem>> -> memref<80xi32, #tpu.memory_space<vmem>>
    %dma_start3A_183 = arith.constant 0 : i32
    %dma_start3A_184 = arith.constant 0 : i32
    %dma_start3A_185 = tpu.memref_slice %arg4[%dma_start3A_183, %dma_start3A_184] : memref<80000x128xf32, #tpu.memory_space<hbm>> -> memref<80000x128xf32, #tpu.memory_space<hbm>>
    tpu.enqueue_indirect_dma source(%dma_start3A_185 : memref<80000x128xf32, #tpu.memory_space<hbm>>) target(%arg12 : memref<80x128xf32, #tpu.memory_space<vmem>>) offsets(%dma_start3A_182 : memref<80xi32, #tpu.memory_space<vmem>>) semaphore(%arg18 : memref<!tpu.dma_semaphore, #tpu.memory_space<semaphore_mem>>)
    %dma_wait3A_186 = arith.constant 19 : i32
    %dma_wait3A_187 = arith.constant 0 : i32
    %dma_wait3A_188 = tpu.memref_slice %arg8[%dma_wait3A_186, %dma_wait3A_187] : memref<32x80xi32, #tpu.memory_space<vmem>> -> memref<1x80xi32, #tpu.memory_space<vmem>>
    %dma_wait3A_189 = tpu.memref_squeeze %dma_wait3A_188 : memref<1x80xi32, #tpu.memory_space<vmem>> -> memref<80xi32, #tpu.memory_space<vmem>>
    %dma_wait3A_190 = arith.constant 0 : i32
    %dma_wait3A_191 = arith.constant 0 : i32
    %dma_wait3A_192 = tpu.memref_slice %arg4[%dma_wait3A_190, %dma_wait3A_191] : memref<80000x128xf32, #tpu.memory_space<hbm>> -> memref<80000x128xf32, #tpu.memory_space<hbm>>
    tpu.wait_indirect_dma semaphore(%arg19 : memref<!tpu.dma_semaphore, #tpu.memory_space<semaphore_mem>>) src(%dma_wait3A_192 : memref<80000x128xf32, #tpu.memory_space<hbm>>) dst(%arg13 : memref<80x128xf32, #tpu.memory_space<vmem>>)
    %dma_start3A_193 = arith.constant 19 : i32
    %dma_start3A_194 = arith.constant 0 : i32
    %dma_start3A_195 = tpu.memref_slice %arg9[%dma_start3A_193, %dma_start3A_194] : memref<32x80xi32, #tpu.memory_space<vmem>> -> memref<1x80xi32, #tpu.memory_space<vmem>>
    %dma_start3A_196 = tpu.memref_squeeze %dma_start3A_195 : memref<1x80xi32, #tpu.memory_space<vmem>> -> memref<80xi32, #tpu.memory_space<vmem>>
    %dma_start3A_197 = arith.constant 0 : i32
    %dma_start3A_198 = arith.constant 0 : i32
    %dma_start3A_199 = tpu.memref_slice %arg14[%dma_start3A_197, %dma_start3A_198] : memref<10000x128xf32, #tpu.memory_space<vmem_shared>> -> memref<10000x128xf32, #tpu.memory_space<vmem_shared>>
    tpu.enqueue_indirect_dma source(%arg13 : memref<80x128xf32, #tpu.memory_space<vmem>>) target(%dma_start3A_199 : memref<10000x128xf32, #tpu.memory_space<vmem_shared>>) offsets(%dma_start3A_196 : memref<80xi32, #tpu.memory_space<vmem>>) semaphore(%arg23 : memref<!tpu.dma_semaphore, #tpu.memory_space<semaphore_mem>>) {add = true}
    %dma_wait3A_200 = arith.constant 19 : i32
    %dma_wait3A_201 = arith.constant 0 : i32
    %dma_wait3A_202 = tpu.memref_slice %arg9[%dma_wait3A_200, %dma_wait3A_201] : memref<32x80xi32, #tpu.memory_space<vmem>> -> memref<1x80xi32, #tpu.memory_space<vmem>>
    %dma_wait3A_203 = tpu.memref_squeeze %dma_wait3A_202 : memref<1x80xi32, #tpu.memory_space<vmem>> -> memref<80xi32, #tpu.memory_space<vmem>>
    %dma_wait3A_204 = arith.constant 0 : i32
    %dma_wait3A_205 = arith.constant 0 : i32
    %dma_wait3A_206 = tpu.memref_slice %arg14[%dma_wait3A_204, %dma_wait3A_205] : memref<10000x128xf32, #tpu.memory_space<vmem_shared>> -> memref<10000x128xf32, #tpu.memory_space<vmem_shared>>
    tpu.wait_indirect_dma semaphore(%arg23 : memref<!tpu.dma_semaphore, #tpu.memory_space<semaphore_mem>>) src(%arg13 : memref<80x128xf32, #tpu.memory_space<vmem>>) dst(%dma_wait3A_206 : memref<10000x128xf32, #tpu.memory_space<vmem_shared>>)
    %dma_start3A_207 = arith.constant 23 : i32
    %dma_start3A_208 = arith.constant 0 : i32
    %dma_start3A_209 = tpu.memref_slice %arg8[%dma_start3A_207, %dma_start3A_208] : memref<32x80xi32, #tpu.memory_space<vmem>> -> memref<1x80xi32, #tpu.memory_space<vmem>>
    %dma_start3A_210 = tpu.memref_squeeze %dma_start3A_209 : memref<1x80xi32, #tpu.memory_space<vmem>> -> memref<80xi32, #tpu.memory_space<vmem>>
    %dma_start3A_211 = arith.constant 0 : i32
    %dma_start3A_212 = arith.constant 0 : i32
    %dma_start3A_213 = tpu.memref_slice %arg4[%dma_start3A_211, %dma_start3A_212] : memref<80000x128xf32, #tpu.memory_space<hbm>> -> memref<80000x128xf32, #tpu.memory_space<hbm>>
    tpu.enqueue_indirect_dma source(%dma_start3A_213 : memref<80000x128xf32, #tpu.memory_space<hbm>>) target(%arg13 : memref<80x128xf32, #tpu.memory_space<vmem>>) offsets(%dma_start3A_210 : memref<80xi32, #tpu.memory_space<vmem>>) semaphore(%arg19 : memref<!tpu.dma_semaphore, #tpu.memory_space<semaphore_mem>>)
    %dma_wait3A_214 = arith.constant 20 : i32
    %dma_wait3A_215 = arith.constant 0 : i32
    %dma_wait3A_216 = tpu.memref_slice %arg8[%dma_wait3A_214, %dma_wait3A_215] : memref<32x80xi32, #tpu.memory_space<vmem>> -> memref<1x80xi32, #tpu.memory_space<vmem>>
    %dma_wait3A_217 = tpu.memref_squeeze %dma_wait3A_216 : memref<1x80xi32, #tpu.memory_space<vmem>> -> memref<80xi32, #tpu.memory_space<vmem>>
    %dma_wait3A_218 = arith.constant 0 : i32
    %dma_wait3A_219 = arith.constant 0 : i32
    %dma_wait3A_220 = tpu.memref_slice %arg4[%dma_wait3A_218, %dma_wait3A_219] : memref<80000x128xf32, #tpu.memory_space<hbm>> -> memref<80000x128xf32, #tpu.memory_space<hbm>>
    tpu.wait_indirect_dma semaphore(%arg16 : memref<!tpu.dma_semaphore, #tpu.memory_space<semaphore_mem>>) src(%dma_wait3A_220 : memref<80000x128xf32, #tpu.memory_space<hbm>>) dst(%arg10 : memref<80x128xf32, #tpu.memory_space<vmem>>)
    %dma_start3A_221 = arith.constant 20 : i32
    %dma_start3A_222 = arith.constant 0 : i32
    %dma_start3A_223 = tpu.memref_slice %arg9[%dma_start3A_221, %dma_start3A_222] : memref<32x80xi32, #tpu.memory_space<vmem>> -> memref<1x80xi32, #tpu.memory_space<vmem>>
    %dma_start3A_224 = tpu.memref_squeeze %dma_start3A_223 : memref<1x80xi32, #tpu.memory_space<vmem>> -> memref<80xi32, #tpu.memory_space<vmem>>
    %dma_start3A_225 = arith.constant 0 : i32
    %dma_start3A_226 = arith.constant 0 : i32
    %dma_start3A_227 = tpu.memref_slice %arg14[%dma_start3A_225, %dma_start3A_226] : memref<10000x128xf32, #tpu.memory_space<vmem_shared>> -> memref<10000x128xf32, #tpu.memory_space<vmem_shared>>
    tpu.enqueue_indirect_dma source(%arg10 : memref<80x128xf32, #tpu.memory_space<vmem>>) target(%dma_start3A_227 : memref<10000x128xf32, #tpu.memory_space<vmem_shared>>) offsets(%dma_start3A_224 : memref<80xi32, #tpu.memory_space<vmem>>) semaphore(%arg20 : memref<!tpu.dma_semaphore, #tpu.memory_space<semaphore_mem>>) {add = true}
    %dma_wait3A_228 = arith.constant 20 : i32
    %dma_wait3A_229 = arith.constant 0 : i32
    %dma_wait3A_230 = tpu.memref_slice %arg9[%dma_wait3A_228, %dma_wait3A_229] : memref<32x80xi32, #tpu.memory_space<vmem>> -> memref<1x80xi32, #tpu.memory_space<vmem>>
    %dma_wait3A_231 = tpu.memref_squeeze %dma_wait3A_230 : memref<1x80xi32, #tpu.memory_space<vmem>> -> memref<80xi32, #tpu.memory_space<vmem>>
    %dma_wait3A_232 = arith.constant 0 : i32
    %dma_wait3A_233 = arith.constant 0 : i32
    %dma_wait3A_234 = tpu.memref_slice %arg14[%dma_wait3A_232, %dma_wait3A_233] : memref<10000x128xf32, #tpu.memory_space<vmem_shared>> -> memref<10000x128xf32, #tpu.memory_space<vmem_shared>>
    tpu.wait_indirect_dma semaphore(%arg20 : memref<!tpu.dma_semaphore, #tpu.memory_space<semaphore_mem>>) src(%arg10 : memref<80x128xf32, #tpu.memory_space<vmem>>) dst(%dma_wait3A_234 : memref<10000x128xf32, #tpu.memory_space<vmem_shared>>)
    %dma_start3A_235 = arith.constant 24 : i32
    %dma_start3A_236 = arith.constant 0 : i32
    %dma_start3A_237 = tpu.memref_slice %arg8[%dma_start3A_235, %dma_start3A_236] : memref<32x80xi32, #tpu.memory_space<vmem>> -> memref<1x80xi32, #tpu.memory_space<vmem>>
    %dma_start3A_238 = tpu.memref_squeeze %dma_start3A_237 : memref<1x80xi32, #tpu.memory_space<vmem>> -> memref<80xi32, #tpu.memory_space<vmem>>
    %dma_start3A_239 = arith.constant 0 : i32
    %dma_start3A_240 = arith.constant 0 : i32
    %dma_start3A_241 = tpu.memref_slice %arg4[%dma_start3A_239, %dma_start3A_240] : memref<80000x128xf32, #tpu.memory_space<hbm>> -> memref<80000x128xf32, #tpu.memory_space<hbm>>
    tpu.enqueue_indirect_dma source(%dma_start3A_241 : memref<80000x128xf32, #tpu.memory_space<hbm>>) target(%arg10 : memref<80x128xf32, #tpu.memory_space<vmem>>) offsets(%dma_start3A_238 : memref<80xi32, #tpu.memory_space<vmem>>) semaphore(%arg16 : memref<!tpu.dma_semaphore, #tpu.memory_space<semaphore_mem>>)
    %dma_wait3A_242 = arith.constant 21 : i32
    %dma_wait3A_243 = arith.constant 0 : i32
    %dma_wait3A_244 = tpu.memref_slice %arg8[%dma_wait3A_242, %dma_wait3A_243] : memref<32x80xi32, #tpu.memory_space<vmem>> -> memref<1x80xi32, #tpu.memory_space<vmem>>
    %dma_wait3A_245 = tpu.memref_squeeze %dma_wait3A_244 : memref<1x80xi32, #tpu.memory_space<vmem>> -> memref<80xi32, #tpu.memory_space<vmem>>
    %dma_wait3A_246 = arith.constant 0 : i32
    %dma_wait3A_247 = arith.constant 0 : i32
    %dma_wait3A_248 = tpu.memref_slice %arg4[%dma_wait3A_246, %dma_wait3A_247] : memref<80000x128xf32, #tpu.memory_space<hbm>> -> memref<80000x128xf32, #tpu.memory_space<hbm>>
    tpu.wait_indirect_dma semaphore(%arg17 : memref<!tpu.dma_semaphore, #tpu.memory_space<semaphore_mem>>) src(%dma_wait3A_248 : memref<80000x128xf32, #tpu.memory_space<hbm>>) dst(%arg11 : memref<80x128xf32, #tpu.memory_space<vmem>>)
    %dma_start3A_249 = arith.constant 21 : i32
    %dma_start3A_250 = arith.constant 0 : i32
    %dma_start3A_251 = tpu.memref_slice %arg9[%dma_start3A_249, %dma_start3A_250] : memref<32x80xi32, #tpu.memory_space<vmem>> -> memref<1x80xi32, #tpu.memory_space<vmem>>
    %dma_start3A_252 = tpu.memref_squeeze %dma_start3A_251 : memref<1x80xi32, #tpu.memory_space<vmem>> -> memref<80xi32, #tpu.memory_space<vmem>>
    %dma_start3A_253 = arith.constant 0 : i32
    %dma_start3A_254 = arith.constant 0 : i32
    %dma_start3A_255 = tpu.memref_slice %arg14[%dma_start3A_253, %dma_start3A_254] : memref<10000x128xf32, #tpu.memory_space<vmem_shared>> -> memref<10000x128xf32, #tpu.memory_space<vmem_shared>>
    tpu.enqueue_indirect_dma source(%arg11 : memref<80x128xf32, #tpu.memory_space<vmem>>) target(%dma_start3A_255 : memref<10000x128xf32, #tpu.memory_space<vmem_shared>>) offsets(%dma_start3A_252 : memref<80xi32, #tpu.memory_space<vmem>>) semaphore(%arg21 : memref<!tpu.dma_semaphore, #tpu.memory_space<semaphore_mem>>) {add = true}
    %dma_wait3A_256 = arith.constant 21 : i32
    %dma_wait3A_257 = arith.constant 0 : i32
    %dma_wait3A_258 = tpu.memref_slice %arg9[%dma_wait3A_256, %dma_wait3A_257] : memref<32x80xi32, #tpu.memory_space<vmem>> -> memref<1x80xi32, #tpu.memory_space<vmem>>
    %dma_wait3A_259 = tpu.memref_squeeze %dma_wait3A_258 : memref<1x80xi32, #tpu.memory_space<vmem>> -> memref<80xi32, #tpu.memory_space<vmem>>
    %dma_wait3A_260 = arith.constant 0 : i32
    %dma_wait3A_261 = arith.constant 0 : i32
    %dma_wait3A_262 = tpu.memref_slice %arg14[%dma_wait3A_260, %dma_wait3A_261] : memref<10000x128xf32, #tpu.memory_space<vmem_shared>> -> memref<10000x128xf32, #tpu.memory_space<vmem_shared>>
    tpu.wait_indirect_dma semaphore(%arg21 : memref<!tpu.dma_semaphore, #tpu.memory_space<semaphore_mem>>) src(%arg11 : memref<80x128xf32, #tpu.memory_space<vmem>>) dst(%dma_wait3A_262 : memref<10000x128xf32, #tpu.memory_space<vmem_shared>>)
    %dma_start3A_263 = arith.constant 25 : i32
    %dma_start3A_264 = arith.constant 0 : i32
    %dma_start3A_265 = tpu.memref_slice %arg8[%dma_start3A_263, %dma_start3A_264] : memref<32x80xi32, #tpu.memory_space<vmem>> -> memref<1x80xi32, #tpu.memory_space<vmem>>
    %dma_start3A_266 = tpu.memref_squeeze %dma_start3A_265 : memref<1x80xi32, #tpu.memory_space<vmem>> -> memref<80xi32, #tpu.memory_space<vmem>>
    %dma_start3A_267 = arith.constant 0 : i32
    %dma_start3A_268 = arith.constant 0 : i32
    %dma_start3A_269 = tpu.memref_slice %arg4[%dma_start3A_267, %dma_start3A_268] : memref<80000x128xf32, #tpu.memory_space<hbm>> -> memref<80000x128xf32, #tpu.memory_space<hbm>>
    tpu.enqueue_indirect_dma source(%dma_start3A_269 : memref<80000x128xf32, #tpu.memory_space<hbm>>) target(%arg11 : memref<80x128xf32, #tpu.memory_space<vmem>>) offsets(%dma_start3A_266 : memref<80xi32, #tpu.memory_space<vmem>>) semaphore(%arg17 : memref<!tpu.dma_semaphore, #tpu.memory_space<semaphore_mem>>)
    %dma_wait3A_270 = arith.constant 22 : i32
    %dma_wait3A_271 = arith.constant 0 : i32
    %dma_wait3A_272 = tpu.memref_slice %arg8[%dma_wait3A_270, %dma_wait3A_271] : memref<32x80xi32, #tpu.memory_space<vmem>> -> memref<1x80xi32, #tpu.memory_space<vmem>>
    %dma_wait3A_273 = tpu.memref_squeeze %dma_wait3A_272 : memref<1x80xi32, #tpu.memory_space<vmem>> -> memref<80xi32, #tpu.memory_space<vmem>>
    %dma_wait3A_274 = arith.constant 0 : i32
    %dma_wait3A_275 = arith.constant 0 : i32
    %dma_wait3A_276 = tpu.memref_slice %arg4[%dma_wait3A_274, %dma_wait3A_275] : memref<80000x128xf32, #tpu.memory_space<hbm>> -> memref<80000x128xf32, #tpu.memory_space<hbm>>
    tpu.wait_indirect_dma semaphore(%arg18 : memref<!tpu.dma_semaphore, #tpu.memory_space<semaphore_mem>>) src(%dma_wait3A_276 : memref<80000x128xf32, #tpu.memory_space<hbm>>) dst(%arg12 : memref<80x128xf32, #tpu.memory_space<vmem>>)
    %dma_start3A_277 = arith.constant 22 : i32
    %dma_start3A_278 = arith.constant 0 : i32
    %dma_start3A_279 = tpu.memref_slice %arg9[%dma_start3A_277, %dma_start3A_278] : memref<32x80xi32, #tpu.memory_space<vmem>> -> memref<1x80xi32, #tpu.memory_space<vmem>>
    %dma_start3A_280 = tpu.memref_squeeze %dma_start3A_279 : memref<1x80xi32, #tpu.memory_space<vmem>> -> memref<80xi32, #tpu.memory_space<vmem>>
    %dma_start3A_281 = arith.constant 0 : i32
    %dma_start3A_282 = arith.constant 0 : i32
    %dma_start3A_283 = tpu.memref_slice %arg14[%dma_start3A_281, %dma_start3A_282] : memref<10000x128xf32, #tpu.memory_space<vmem_shared>> -> memref<10000x128xf32, #tpu.memory_space<vmem_shared>>
    tpu.enqueue_indirect_dma source(%arg12 : memref<80x128xf32, #tpu.memory_space<vmem>>) target(%dma_start3A_283 : memref<10000x128xf32, #tpu.memory_space<vmem_shared>>) offsets(%dma_start3A_280 : memref<80xi32, #tpu.memory_space<vmem>>) semaphore(%arg22 : memref<!tpu.dma_semaphore, #tpu.memory_space<semaphore_mem>>) {add = true}
    %dma_wait3A_284 = arith.constant 22 : i32
    %dma_wait3A_285 = arith.constant 0 : i32
    %dma_wait3A_286 = tpu.memref_slice %arg9[%dma_wait3A_284, %dma_wait3A_285] : memref<32x80xi32, #tpu.memory_space<vmem>> -> memref<1x80xi32, #tpu.memory_space<vmem>>
    %dma_wait3A_287 = tpu.memref_squeeze %dma_wait3A_286 : memref<1x80xi32, #tpu.memory_space<vmem>> -> memref<80xi32, #tpu.memory_space<vmem>>
    %dma_wait3A_288 = arith.constant 0 : i32
    %dma_wait3A_289 = arith.constant 0 : i32
    %dma_wait3A_290 = tpu.memref_slice %arg14[%dma_wait3A_288, %dma_wait3A_289] : memref<10000x128xf32, #tpu.memory_space<vmem_shared>> -> memref<10000x128xf32, #tpu.memory_space<vmem_shared>>
    tpu.wait_indirect_dma semaphore(%arg22 : memref<!tpu.dma_semaphore, #tpu.memory_space<semaphore_mem>>) src(%arg12 : memref<80x128xf32, #tpu.memory_space<vmem>>) dst(%dma_wait3A_290 : memref<10000x128xf32, #tpu.memory_space<vmem_shared>>)
    %dma_start3A_291 = arith.constant 26 : i32
    %dma_start3A_292 = arith.constant 0 : i32
    %dma_start3A_293 = tpu.memref_slice %arg8[%dma_start3A_291, %dma_start3A_292] : memref<32x80xi32, #tpu.memory_space<vmem>> -> memref<1x80xi32, #tpu.memory_space<vmem>>
    %dma_start3A_294 = tpu.memref_squeeze %dma_start3A_293 : memref<1x80xi32, #tpu.memory_space<vmem>> -> memref<80xi32, #tpu.memory_space<vmem>>
    %dma_start3A_295 = arith.constant 0 : i32
    %dma_start3A_296 = arith.constant 0 : i32
    %dma_start3A_297 = tpu.memref_slice %arg4[%dma_start3A_295, %dma_start3A_296] : memref<80000x128xf32, #tpu.memory_space<hbm>> -> memref<80000x128xf32, #tpu.memory_space<hbm>>
    tpu.enqueue_indirect_dma source(%dma_start3A_297 : memref<80000x128xf32, #tpu.memory_space<hbm>>) target(%arg12 : memref<80x128xf32, #tpu.memory_space<vmem>>) offsets(%dma_start3A_294 : memref<80xi32, #tpu.memory_space<vmem>>) semaphore(%arg18 : memref<!tpu.dma_semaphore, #tpu.memory_space<semaphore_mem>>)
    %dma_wait3A_298 = arith.constant 23 : i32
    %dma_wait3A_299 = arith.constant 0 : i32
    %dma_wait3A_300 = tpu.memref_slice %arg8[%dma_wait3A_298, %dma_wait3A_299] : memref<32x80xi32, #tpu.memory_space<vmem>> -> memref<1x80xi32, #tpu.memory_space<vmem>>
    %dma_wait3A_301 = tpu.memref_squeeze %dma_wait3A_300 : memref<1x80xi32, #tpu.memory_space<vmem>> -> memref<80xi32, #tpu.memory_space<vmem>>
    %dma_wait3A_302 = arith.constant 0 : i32
    %dma_wait3A_303 = arith.constant 0 : i32
    %dma_wait3A_304 = tpu.memref_slice %arg4[%dma_wait3A_302, %dma_wait3A_303] : memref<80000x128xf32, #tpu.memory_space<hbm>> -> memref<80000x128xf32, #tpu.memory_space<hbm>>
    tpu.wait_indirect_dma semaphore(%arg19 : memref<!tpu.dma_semaphore, #tpu.memory_space<semaphore_mem>>) src(%dma_wait3A_304 : memref<80000x128xf32, #tpu.memory_space<hbm>>) dst(%arg13 : memref<80x128xf32, #tpu.memory_space<vmem>>)
    %dma_start3A_305 = arith.constant 23 : i32
    %dma_start3A_306 = arith.constant 0 : i32
    %dma_start3A_307 = tpu.memref_slice %arg9[%dma_start3A_305, %dma_start3A_306] : memref<32x80xi32, #tpu.memory_space<vmem>> -> memref<1x80xi32, #tpu.memory_space<vmem>>
    %dma_start3A_308 = tpu.memref_squeeze %dma_start3A_307 : memref<1x80xi32, #tpu.memory_space<vmem>> -> memref<80xi32, #tpu.memory_space<vmem>>
    %dma_start3A_309 = arith.constant 0 : i32
    %dma_start3A_310 = arith.constant 0 : i32
    %dma_start3A_311 = tpu.memref_slice %arg14[%dma_start3A_309, %dma_start3A_310] : memref<10000x128xf32, #tpu.memory_space<vmem_shared>> -> memref<10000x128xf32, #tpu.memory_space<vmem_shared>>
    tpu.enqueue_indirect_dma source(%arg13 : memref<80x128xf32, #tpu.memory_space<vmem>>) target(%dma_start3A_311 : memref<10000x128xf32, #tpu.memory_space<vmem_shared>>) offsets(%dma_start3A_308 : memref<80xi32, #tpu.memory_space<vmem>>) semaphore(%arg23 : memref<!tpu.dma_semaphore, #tpu.memory_space<semaphore_mem>>) {add = true}
    %dma_wait3A_312 = arith.constant 23 : i32
    %dma_wait3A_313 = arith.constant 0 : i32
    %dma_wait3A_314 = tpu.memref_slice %arg9[%dma_wait3A_312, %dma_wait3A_313] : memref<32x80xi32, #tpu.memory_space<vmem>> -> memref<1x80xi32, #tpu.memory_space<vmem>>
    %dma_wait3A_315 = tpu.memref_squeeze %dma_wait3A_314 : memref<1x80xi32, #tpu.memory_space<vmem>> -> memref<80xi32, #tpu.memory_space<vmem>>
    %dma_wait3A_316 = arith.constant 0 : i32
    %dma_wait3A_317 = arith.constant 0 : i32
    %dma_wait3A_318 = tpu.memref_slice %arg14[%dma_wait3A_316, %dma_wait3A_317] : memref<10000x128xf32, #tpu.memory_space<vmem_shared>> -> memref<10000x128xf32, #tpu.memory_space<vmem_shared>>
    tpu.wait_indirect_dma semaphore(%arg23 : memref<!tpu.dma_semaphore, #tpu.memory_space<semaphore_mem>>) src(%arg13 : memref<80x128xf32, #tpu.memory_space<vmem>>) dst(%dma_wait3A_318 : memref<10000x128xf32, #tpu.memory_space<vmem_shared>>)
    %dma_start3A_319 = arith.constant 27 : i32
    %dma_start3A_320 = arith.constant 0 : i32
    %dma_start3A_321 = tpu.memref_slice %arg8[%dma_start3A_319, %dma_start3A_320] : memref<32x80xi32, #tpu.memory_space<vmem>> -> memref<1x80xi32, #tpu.memory_space<vmem>>
    %dma_start3A_322 = tpu.memref_squeeze %dma_start3A_321 : memref<1x80xi32, #tpu.memory_space<vmem>> -> memref<80xi32, #tpu.memory_space<vmem>>
    %dma_start3A_323 = arith.constant 0 : i32
    %dma_start3A_324 = arith.constant 0 : i32
    %dma_start3A_325 = tpu.memref_slice %arg4[%dma_start3A_323, %dma_start3A_324] : memref<80000x128xf32, #tpu.memory_space<hbm>> -> memref<80000x128xf32, #tpu.memory_space<hbm>>
    tpu.enqueue_indirect_dma source(%dma_start3A_325 : memref<80000x128xf32, #tpu.memory_space<hbm>>) target(%arg13 : memref<80x128xf32, #tpu.memory_space<vmem>>) offsets(%dma_start3A_322 : memref<80xi32, #tpu.memory_space<vmem>>) semaphore(%arg19 : memref<!tpu.dma_semaphore, #tpu.memory_space<semaphore_mem>>)
    %dma_wait3A_326 = arith.constant 24 : i32
    %dma_wait3A_327 = arith.constant 0 : i32
    %dma_wait3A_328 = tpu.memref_slice %arg8[%dma_wait3A_326, %dma_wait3A_327] : memref<32x80xi32, #tpu.memory_space<vmem>> -> memref<1x80xi32, #tpu.memory_space<vmem>>
    %dma_wait3A_329 = tpu.memref_squeeze %dma_wait3A_328 : memref<1x80xi32, #tpu.memory_space<vmem>> -> memref<80xi32, #tpu.memory_space<vmem>>
    %dma_wait3A_330 = arith.constant 0 : i32
    %dma_wait3A_331 = arith.constant 0 : i32
    %dma_wait3A_332 = tpu.memref_slice %arg4[%dma_wait3A_330, %dma_wait3A_331] : memref<80000x128xf32, #tpu.memory_space<hbm>> -> memref<80000x128xf32, #tpu.memory_space<hbm>>
    tpu.wait_indirect_dma semaphore(%arg16 : memref<!tpu.dma_semaphore, #tpu.memory_space<semaphore_mem>>) src(%dma_wait3A_332 : memref<80000x128xf32, #tpu.memory_space<hbm>>) dst(%arg10 : memref<80x128xf32, #tpu.memory_space<vmem>>)
    %dma_start3A_333 = arith.constant 24 : i32
    %dma_start3A_334 = arith.constant 0 : i32
    %dma_start3A_335 = tpu.memref_slice %arg9[%dma_start3A_333, %dma_start3A_334] : memref<32x80xi32, #tpu.memory_space<vmem>> -> memref<1x80xi32, #tpu.memory_space<vmem>>
    %dma_start3A_336 = tpu.memref_squeeze %dma_start3A_335 : memref<1x80xi32, #tpu.memory_space<vmem>> -> memref<80xi32, #tpu.memory_space<vmem>>
    %dma_start3A_337 = arith.constant 0 : i32
    %dma_start3A_338 = arith.constant 0 : i32
    %dma_start3A_339 = tpu.memref_slice %arg14[%dma_start3A_337, %dma_start3A_338] : memref<10000x128xf32, #tpu.memory_space<vmem_shared>> -> memref<10000x128xf32, #tpu.memory_space<vmem_shared>>
    tpu.enqueue_indirect_dma source(%arg10 : memref<80x128xf32, #tpu.memory_space<vmem>>) target(%dma_start3A_339 : memref<10000x128xf32, #tpu.memory_space<vmem_shared>>) offsets(%dma_start3A_336 : memref<80xi32, #tpu.memory_space<vmem>>) semaphore(%arg20 : memref<!tpu.dma_semaphore, #tpu.memory_space<semaphore_mem>>) {add = true}
    %dma_wait3A_340 = arith.constant 24 : i32
    %dma_wait3A_341 = arith.constant 0 : i32
    %dma_wait3A_342 = tpu.memref_slice %arg9[%dma_wait3A_340, %dma_wait3A_341] : memref<32x80xi32, #tpu.memory_space<vmem>> -> memref<1x80xi32, #tpu.memory_space<vmem>>
    %dma_wait3A_343 = tpu.memref_squeeze %dma_wait3A_342 : memref<1x80xi32, #tpu.memory_space<vmem>> -> memref<80xi32, #tpu.memory_space<vmem>>
    %dma_wait3A_344 = arith.constant 0 : i32
    %dma_wait3A_345 = arith.constant 0 : i32
    %dma_wait3A_346 = tpu.memref_slice %arg14[%dma_wait3A_344, %dma_wait3A_345] : memref<10000x128xf32, #tpu.memory_space<vmem_shared>> -> memref<10000x128xf32, #tpu.memory_space<vmem_shared>>
    tpu.wait_indirect_dma semaphore(%arg20 : memref<!tpu.dma_semaphore, #tpu.memory_space<semaphore_mem>>) src(%arg10 : memref<80x128xf32, #tpu.memory_space<vmem>>) dst(%dma_wait3A_346 : memref<10000x128xf32, #tpu.memory_space<vmem_shared>>)
    %dma_start3A_347 = arith.constant 28 : i32
    %dma_start3A_348 = arith.constant 0 : i32
    %dma_start3A_349 = tpu.memref_slice %arg8[%dma_start3A_347, %dma_start3A_348] : memref<32x80xi32, #tpu.memory_space<vmem>> -> memref<1x80xi32, #tpu.memory_space<vmem>>
    %dma_start3A_350 = tpu.memref_squeeze %dma_start3A_349 : memref<1x80xi32, #tpu.memory_space<vmem>> -> memref<80xi32, #tpu.memory_space<vmem>>
    %dma_start3A_351 = arith.constant 0 : i32
    %dma_start3A_352 = arith.constant 0 : i32
    %dma_start3A_353 = tpu.memref_slice %arg4[%dma_start3A_351, %dma_start3A_352] : memref<80000x128xf32, #tpu.memory_space<hbm>> -> memref<80000x128xf32, #tpu.memory_space<hbm>>
    tpu.enqueue_indirect_dma source(%dma_start3A_353 : memref<80000x128xf32, #tpu.memory_space<hbm>>) target(%arg10 : memref<80x128xf32, #tpu.memory_space<vmem>>) offsets(%dma_start3A_350 : memref<80xi32, #tpu.memory_space<vmem>>) semaphore(%arg16 : memref<!tpu.dma_semaphore, #tpu.memory_space<semaphore_mem>>)
    %dma_wait3A_354 = arith.constant 25 : i32
    %dma_wait3A_355 = arith.constant 0 : i32
    %dma_wait3A_356 = tpu.memref_slice %arg8[%dma_wait3A_354, %dma_wait3A_355] : memref<32x80xi32, #tpu.memory_space<vmem>> -> memref<1x80xi32, #tpu.memory_space<vmem>>
    %dma_wait3A_357 = tpu.memref_squeeze %dma_wait3A_356 : memref<1x80xi32, #tpu.memory_space<vmem>> -> memref<80xi32, #tpu.memory_space<vmem>>
    %dma_wait3A_358 = arith.constant 0 : i32
    %dma_wait3A_359 = arith.constant 0 : i32
    %dma_wait3A_360 = tpu.memref_slice %arg4[%dma_wait3A_358, %dma_wait3A_359] : memref<80000x128xf32, #tpu.memory_space<hbm>> -> memref<80000x128xf32, #tpu.memory_space<hbm>>
    tpu.wait_indirect_dma semaphore(%arg17 : memref<!tpu.dma_semaphore, #tpu.memory_space<semaphore_mem>>) src(%dma_wait3A_360 : memref<80000x128xf32, #tpu.memory_space<hbm>>) dst(%arg11 : memref<80x128xf32, #tpu.memory_space<vmem>>)
    %dma_start3A_361 = arith.constant 25 : i32
    %dma_start3A_362 = arith.constant 0 : i32
    %dma_start3A_363 = tpu.memref_slice %arg9[%dma_start3A_361, %dma_start3A_362] : memref<32x80xi32, #tpu.memory_space<vmem>> -> memref<1x80xi32, #tpu.memory_space<vmem>>
    %dma_start3A_364 = tpu.memref_squeeze %dma_start3A_363 : memref<1x80xi32, #tpu.memory_space<vmem>> -> memref<80xi32, #tpu.memory_space<vmem>>
    %dma_start3A_365 = arith.constant 0 : i32
    %dma_start3A_366 = arith.constant 0 : i32
    %dma_start3A_367 = tpu.memref_slice %arg14[%dma_start3A_365, %dma_start3A_366] : memref<10000x128xf32, #tpu.memory_space<vmem_shared>> -> memref<10000x128xf32, #tpu.memory_space<vmem_shared>>
    tpu.enqueue_indirect_dma source(%arg11 : memref<80x128xf32, #tpu.memory_space<vmem>>) target(%dma_start3A_367 : memref<10000x128xf32, #tpu.memory_space<vmem_shared>>) offsets(%dma_start3A_364 : memref<80xi32, #tpu.memory_space<vmem>>) semaphore(%arg21 : memref<!tpu.dma_semaphore, #tpu.memory_space<semaphore_mem>>) {add = true}
    %dma_wait3A_368 = arith.constant 26 : i32
    %dma_wait3A_369 = arith.constant 0 : i32
    %dma_wait3A_370 = tpu.memref_slice %arg8[%dma_wait3A_368, %dma_wait3A_369] : memref<32x80xi32, #tpu.memory_space<vmem>> -> memref<1x80xi32, #tpu.memory_space<vmem>>
    %dma_wait3A_371 = tpu.memref_squeeze %dma_wait3A_370 : memref<1x80xi32, #tpu.memory_space<vmem>> -> memref<80xi32, #tpu.memory_space<vmem>>
    %dma_wait3A_372 = arith.constant 0 : i32
    %dma_wait3A_373 = arith.constant 0 : i32
    %dma_wait3A_374 = tpu.memref_slice %arg4[%dma_wait3A_372, %dma_wait3A_373] : memref<80000x128xf32, #tpu.memory_space<hbm>> -> memref<80000x128xf32, #tpu.memory_space<hbm>>
    tpu.wait_indirect_dma semaphore(%arg18 : memref<!tpu.dma_semaphore, #tpu.memory_space<semaphore_mem>>) src(%dma_wait3A_374 : memref<80000x128xf32, #tpu.memory_space<hbm>>) dst(%arg12 : memref<80x128xf32, #tpu.memory_space<vmem>>)
    %dma_start3A_375 = arith.constant 26 : i32
    %dma_start3A_376 = arith.constant 0 : i32
    %dma_start3A_377 = tpu.memref_slice %arg9[%dma_start3A_375, %dma_start3A_376] : memref<32x80xi32, #tpu.memory_space<vmem>> -> memref<1x80xi32, #tpu.memory_space<vmem>>
    %dma_start3A_378 = tpu.memref_squeeze %dma_start3A_377 : memref<1x80xi32, #tpu.memory_space<vmem>> -> memref<80xi32, #tpu.memory_space<vmem>>
    %dma_start3A_379 = arith.constant 0 : i32
    %dma_start3A_380 = arith.constant 0 : i32
    %dma_start3A_381 = tpu.memref_slice %arg14[%dma_start3A_379, %dma_start3A_380] : memref<10000x128xf32, #tpu.memory_space<vmem_shared>> -> memref<10000x128xf32, #tpu.memory_space<vmem_shared>>
    tpu.enqueue_indirect_dma source(%arg12 : memref<80x128xf32, #tpu.memory_space<vmem>>) target(%dma_start3A_381 : memref<10000x128xf32, #tpu.memory_space<vmem_shared>>) offsets(%dma_start3A_378 : memref<80xi32, #tpu.memory_space<vmem>>) semaphore(%arg22 : memref<!tpu.dma_semaphore, #tpu.memory_space<semaphore_mem>>) {add = true}
    %dma_wait3A_382 = arith.constant 27 : i32
    %dma_wait3A_383 = arith.constant 0 : i32
    %dma_wait3A_384 = tpu.memref_slice %arg8[%dma_wait3A_382, %dma_wait3A_383] : memref<32x80xi32, #tpu.memory_space<vmem>> -> memref<1x80xi32, #tpu.memory_space<vmem>>
    %dma_wait3A_385 = tpu.memref_squeeze %dma_wait3A_384 : memref<1x80xi32, #tpu.memory_space<vmem>> -> memref<80xi32, #tpu.memory_space<vmem>>
    %dma_wait3A_386 = arith.constant 0 : i32
    %dma_wait3A_387 = arith.constant 0 : i32
    %dma_wait3A_388 = tpu.memref_slice %arg4[%dma_wait3A_386, %dma_wait3A_387] : memref<80000x128xf32, #tpu.memory_space<hbm>> -> memref<80000x128xf32, #tpu.memory_space<hbm>>
    tpu.wait_indirect_dma semaphore(%arg19 : memref<!tpu.dma_semaphore, #tpu.memory_space<semaphore_mem>>) src(%dma_wait3A_388 : memref<80000x128xf32, #tpu.memory_space<hbm>>) dst(%arg13 : memref<80x128xf32, #tpu.memory_space<vmem>>)
    %dma_start3A_389 = arith.constant 27 : i32
    %dma_start3A_390 = arith.constant 0 : i32
    %dma_start3A_391 = tpu.memref_slice %arg9[%dma_start3A_389, %dma_start3A_390] : memref<32x80xi32, #tpu.memory_space<vmem>> -> memref<1x80xi32, #tpu.memory_space<vmem>>
    %dma_start3A_392 = tpu.memref_squeeze %dma_start3A_391 : memref<1x80xi32, #tpu.memory_space<vmem>> -> memref<80xi32, #tpu.memory_space<vmem>>
    %dma_start3A_393 = arith.constant 0 : i32
    %dma_start3A_394 = arith.constant 0 : i32
    %dma_start3A_395 = tpu.memref_slice %arg14[%dma_start3A_393, %dma_start3A_394] : memref<10000x128xf32, #tpu.memory_space<vmem_shared>> -> memref<10000x128xf32, #tpu.memory_space<vmem_shared>>
    tpu.enqueue_indirect_dma source(%arg13 : memref<80x128xf32, #tpu.memory_space<vmem>>) target(%dma_start3A_395 : memref<10000x128xf32, #tpu.memory_space<vmem_shared>>) offsets(%dma_start3A_392 : memref<80xi32, #tpu.memory_space<vmem>>) semaphore(%arg23 : memref<!tpu.dma_semaphore, #tpu.memory_space<semaphore_mem>>) {add = true}
    %dma_wait3A_396 = arith.constant 28 : i32
    %dma_wait3A_397 = arith.constant 0 : i32
    %dma_wait3A_398 = tpu.memref_slice %arg8[%dma_wait3A_396, %dma_wait3A_397] : memref<32x80xi32, #tpu.memory_space<vmem>> -> memref<1x80xi32, #tpu.memory_space<vmem>>
    %dma_wait3A_399 = tpu.memref_squeeze %dma_wait3A_398 : memref<1x80xi32, #tpu.memory_space<vmem>> -> memref<80xi32, #tpu.memory_space<vmem>>
    %dma_wait3A_400 = arith.constant 0 : i32
    %dma_wait3A_401 = arith.constant 0 : i32
    %dma_wait3A_402 = tpu.memref_slice %arg4[%dma_wait3A_400, %dma_wait3A_401] : memref<80000x128xf32, #tpu.memory_space<hbm>> -> memref<80000x128xf32, #tpu.memory_space<hbm>>
    tpu.wait_indirect_dma semaphore(%arg16 : memref<!tpu.dma_semaphore, #tpu.memory_space<semaphore_mem>>) src(%dma_wait3A_402 : memref<80000x128xf32, #tpu.memory_space<hbm>>) dst(%arg10 : memref<80x128xf32, #tpu.memory_space<vmem>>)
    %dma_start3A_403 = arith.constant 28 : i32
    %dma_start3A_404 = arith.constant 0 : i32
    %dma_start3A_405 = tpu.memref_slice %arg9[%dma_start3A_403, %dma_start3A_404] : memref<32x80xi32, #tpu.memory_space<vmem>> -> memref<1x80xi32, #tpu.memory_space<vmem>>
    %dma_start3A_406 = tpu.memref_squeeze %dma_start3A_405 : memref<1x80xi32, #tpu.memory_space<vmem>> -> memref<80xi32, #tpu.memory_space<vmem>>
    %dma_start3A_407 = arith.constant 0 : i32
    %dma_start3A_408 = arith.constant 0 : i32
    %dma_start3A_409 = tpu.memref_slice %arg14[%dma_start3A_407, %dma_start3A_408] : memref<10000x128xf32, #tpu.memory_space<vmem_shared>> -> memref<10000x128xf32, #tpu.memory_space<vmem_shared>>
    tpu.enqueue_indirect_dma source(%arg10 : memref<80x128xf32, #tpu.memory_space<vmem>>) target(%dma_start3A_409 : memref<10000x128xf32, #tpu.memory_space<vmem_shared>>) offsets(%dma_start3A_406 : memref<80xi32, #tpu.memory_space<vmem>>) semaphore(%arg20 : memref<!tpu.dma_semaphore, #tpu.memory_space<semaphore_mem>>) {add = true}
    %dma_wait3A_410 = arith.constant 25 : i32
    %dma_wait3A_411 = arith.constant 0 : i32
    %dma_wait3A_412 = tpu.memref_slice %arg9[%dma_wait3A_410, %dma_wait3A_411] : memref<32x80xi32, #tpu.memory_space<vmem>> -> memref<1x80xi32, #tpu.memory_space<vmem>>
    %dma_wait3A_413 = tpu.memref_squeeze %dma_wait3A_412 : memref<1x80xi32, #tpu.memory_space<vmem>> -> memref<80xi32, #tpu.memory_space<vmem>>
    %dma_wait3A_414 = arith.constant 0 : i32
    %dma_wait3A_415 = arith.constant 0 : i32
    %dma_wait3A_416 = tpu.memref_slice %arg14[%dma_wait3A_414, %dma_wait3A_415] : memref<10000x128xf32, #tpu.memory_space<vmem_shared>> -> memref<10000x128xf32, #tpu.memory_space<vmem_shared>>
    tpu.wait_indirect_dma semaphore(%arg21 : memref<!tpu.dma_semaphore, #tpu.memory_space<semaphore_mem>>) src(%arg11 : memref<80x128xf32, #tpu.memory_space<vmem>>) dst(%dma_wait3A_416 : memref<10000x128xf32, #tpu.memory_space<vmem_shared>>)
    %dma_wait3A_417 = arith.constant 26 : i32
    %dma_wait3A_418 = arith.constant 0 : i32
    %dma_wait3A_419 = tpu.memref_slice %arg9[%dma_wait3A_417, %dma_wait3A_418] : memref<32x80xi32, #tpu.memory_space<vmem>> -> memref<1x80xi32, #tpu.memory_space<vmem>>
    %dma_wait3A_420 = tpu.memref_squeeze %dma_wait3A_419 : memref<1x80xi32, #tpu.memory_space<vmem>> -> memref<80xi32, #tpu.memory_space<vmem>>
    %dma_wait3A_421 = arith.constant 0 : i32
    %dma_wait3A_422 = arith.constant 0 : i32
    %dma_wait3A_423 = tpu.memref_slice %arg14[%dma_wait3A_421, %dma_wait3A_422] : memref<10000x128xf32, #tpu.memory_space<vmem_shared>> -> memref<10000x128xf32, #tpu.memory_space<vmem_shared>>
    tpu.wait_indirect_dma semaphore(%arg22 : memref<!tpu.dma_semaphore, #tpu.memory_space<semaphore_mem>>) src(%arg12 : memref<80x128xf32, #tpu.memory_space<vmem>>) dst(%dma_wait3A_423 : memref<10000x128xf32, #tpu.memory_space<vmem_shared>>)
    %dma_wait3A_424 = arith.constant 27 : i32
    %dma_wait3A_425 = arith.constant 0 : i32
    %dma_wait3A_426 = tpu.memref_slice %arg9[%dma_wait3A_424, %dma_wait3A_425] : memref<32x80xi32, #tpu.memory_space<vmem>> -> memref<1x80xi32, #tpu.memory_space<vmem>>
    %dma_wait3A_427 = tpu.memref_squeeze %dma_wait3A_426 : memref<1x80xi32, #tpu.memory_space<vmem>> -> memref<80xi32, #tpu.memory_space<vmem>>
    %dma_wait3A_428 = arith.constant 0 : i32
    %dma_wait3A_429 = arith.constant 0 : i32
    %dma_wait3A_430 = tpu.memref_slice %arg14[%dma_wait3A_428, %dma_wait3A_429] : memref<10000x128xf32, #tpu.memory_space<vmem_shared>> -> memref<10000x128xf32, #tpu.memory_space<vmem_shared>>
    tpu.wait_indirect_dma semaphore(%arg23 : memref<!tpu.dma_semaphore, #tpu.memory_space<semaphore_mem>>) src(%arg13 : memref<80x128xf32, #tpu.memory_space<vmem>>) dst(%dma_wait3A_430 : memref<10000x128xf32, #tpu.memory_space<vmem_shared>>)
    %dma_wait3A_431 = arith.constant 28 : i32
    %dma_wait3A_432 = arith.constant 0 : i32
    %dma_wait3A_433 = tpu.memref_slice %arg9[%dma_wait3A_431, %dma_wait3A_432] : memref<32x80xi32, #tpu.memory_space<vmem>> -> memref<1x80xi32, #tpu.memory_space<vmem>>
    %dma_wait3A_434 = tpu.memref_squeeze %dma_wait3A_433 : memref<1x80xi32, #tpu.memory_space<vmem>> -> memref<80xi32, #tpu.memory_space<vmem>>
    %dma_wait3A_435 = arith.constant 0 : i32
    %dma_wait3A_436 = arith.constant 0 : i32
    %dma_wait3A_437 = tpu.memref_slice %arg14[%dma_wait3A_435, %dma_wait3A_436] : memref<10000x128xf32, #tpu.memory_space<vmem_shared>> -> memref<10000x128xf32, #tpu.memory_space<vmem_shared>>
    tpu.wait_indirect_dma semaphore(%arg20 : memref<!tpu.dma_semaphore, #tpu.memory_space<semaphore_mem>>) src(%arg10 : memref<80x128xf32, #tpu.memory_space<vmem>>) dst(%dma_wait3A_437 : memref<10000x128xf32, #tpu.memory_space<vmem_shared>>)
    %barrier3A_438 = arith.constant 0 : index
    tpu.barrier barrier_id(%barrier3A_438)
    %lt3A = arith.constant 15 : i32
    %lt3A_439 = arith.cmpi slt, %arg1, %lt3A : i32
    %convert_element_type3A_440 = arith.extui %lt3A_439 : i1 to i32
    %cond3A_441 = arith.constant 0 : i32
    %cond3A_442 = arith.cmpi ne, %convert_element_type3A_440, %cond3A_441 : i32
    scf.if %cond3A_442 {
      "tpu.region"() ({
        %run_scoped3A = tpu.sem_alloc : memref<!tpu.dma_semaphore, #tpu.memory_space<semaphore_mem>>
        %dma_start3A_448 = arith.constant 0 : i32
        %dma_start3A_449 = tpu.memref_slice %arg7[%arg0, %mul3A_2, %dma_start3A_448] : memref<2x10000x128xf32, #tpu.memory_space<hbm>> -> memref<1x640x128xf32, #tpu.memory_space<hbm>>
        %dma_start3A_450 = tpu.memref_squeeze %dma_start3A_449 : memref<1x640x128xf32, #tpu.memory_space<hbm>> -> memref<640x128xf32, #tpu.memory_space<hbm>>
        %dma_start3A_451 = arith.constant 0 : i32
        %dma_start3A_452 = tpu.memref_slice %arg14[%mul3A_2, %dma_start3A_451] : memref<10000x128xf32, #tpu.memory_space<vmem_shared>> -> memref<640x128xf32, #tpu.memory_space<vmem_shared>>
        tpu.enqueue_dma source(%dma_start3A_452 : memref<640x128xf32, #tpu.memory_space<vmem_shared>>) target(%dma_start3A_450 : memref<640x128xf32, #tpu.memory_space<hbm>>) target_semaphore(%run_scoped3A : memref<!tpu.dma_semaphore, #tpu.memory_space<semaphore_mem>>)
        %dma_wait3A_453 = arith.constant 0 : i32
        %dma_wait3A_454 = tpu.memref_slice %arg7[%arg0, %mul3A_2, %dma_wait3A_453] : memref<2x10000x128xf32, #tpu.memory_space<hbm>> -> memref<1x640x128xf32, #tpu.memory_space<hbm>>
        %dma_wait3A_455 = tpu.memref_squeeze %dma_wait3A_454 : memref<1x640x128xf32, #tpu.memory_space<hbm>> -> memref<640x128xf32, #tpu.memory_space<hbm>>
        %dma_wait3A_456 = arith.constant 0 : i32
        %dma_wait3A_457 = tpu.memref_slice %arg14[%mul3A_2, %dma_wait3A_456] : memref<10000x128xf32, #tpu.memory_space<vmem_shared>> -> memref<640x128xf32, #tpu.memory_space<vmem_shared>>
        tpu.wait_dma2 semaphore(%run_scoped3A : memref<!tpu.dma_semaphore, #tpu.memory_space<semaphore_mem>>) src(%dma_wait3A_457 : memref<640x128xf32, #tpu.memory_space<vmem_shared>>) dst(%dma_wait3A_455 : memref<640x128xf32, #tpu.memory_space<hbm>>)
        tpu.yield
      }) : () -> ()
    } else {
    }
    %eq3A_443 = arith.constant 15 : i32
    %eq3A_444 = arith.cmpi eq, %arg1, %eq3A_443 : i32
    %convert_element_type3A_445 = arith.extui %eq3A_444 : i1 to i32
    %cond3A_446 = arith.constant 0 : i32
    %cond3A_447 = arith.cmpi ne, %convert_element_type3A_445, %cond3A_446 : i32
    scf.if %cond3A_447 {
      "tpu.region"() ({
        %run_scoped3A = tpu.sem_alloc : memref<!tpu.dma_semaphore, #tpu.memory_space<semaphore_mem>>
        %dma_start3A_448 = arith.constant 9600 : i32
        %dma_start3A_449 = arith.constant 0 : i32
        %dma_start3A_450 = tpu.memref_slice %arg7[%arg0, %dma_start3A_448, %dma_start3A_449] : memref<2x10000x128xf32, #tpu.memory_space<hbm>> -> memref<1x400x128xf32, #tpu.memory_space<hbm>>
        %dma_start3A_451 = tpu.memref_squeeze %dma_start3A_450 : memref<1x400x128xf32, #tpu.memory_space<hbm>> -> memref<400x128xf32, #tpu.memory_space<hbm>>
        %dma_start3A_452 = arith.constant 9600 : i32
        %dma_start3A_453 = arith.constant 0 : i32
        %dma_start3A_454 = tpu.memref_slice %arg14[%dma_start3A_452, %dma_start3A_453] : memref<10000x128xf32, #tpu.memory_space<vmem_shared>> -> memref<400x128xf32, #tpu.memory_space<vmem_shared>>
        tpu.enqueue_dma source(%dma_start3A_454 : memref<400x128xf32, #tpu.memory_space<vmem_shared>>) target(%dma_start3A_451 : memref<400x128xf32, #tpu.memory_space<hbm>>) target_semaphore(%run_scoped3A : memref<!tpu.dma_semaphore, #tpu.memory_space<semaphore_mem>>)
        %dma_wait3A_455 = arith.constant 9600 : i32
        %dma_wait3A_456 = arith.constant 0 : i32
        %dma_wait3A_457 = tpu.memref_slice %arg7[%arg0, %dma_wait3A_455, %dma_wait3A_456] : memref<2x10000x128xf32, #tpu.memory_space<hbm>> -> memref<1x400x128xf32, #tpu.memory_space<hbm>>
        %dma_wait3A_458 = tpu.memref_squeeze %dma_wait3A_457 : memref<1x400x128xf32, #tpu.memory_space<hbm>> -> memref<400x128xf32, #tpu.memory_space<hbm>>
        %dma_wait3A_459 = arith.constant 9600 : i32
        %dma_wait3A_460 = arith.constant 0 : i32
        %dma_wait3A_461 = tpu.memref_slice %arg14[%dma_wait3A_459, %dma_wait3A_460] : memref<10000x128xf32, #tpu.memory_space<vmem_shared>> -> memref<400x128xf32, #tpu.memory_space<vmem_shared>>
        tpu.wait_dma2 semaphore(%run_scoped3A : memref<!tpu.dma_semaphore, #tpu.memory_space<semaphore_mem>>) src(%dma_wait3A_461 : memref<400x128xf32, #tpu.memory_space<vmem_shared>>) dst(%dma_wait3A_458 : memref<400x128xf32, #tpu.memory_space<hbm>>)
        tpu.yield
      }) : () -> ()
    } else {
    }
    return
  }
}

module attributes {stable_mosaic.version = 14 : i64} {
  func.func @body(%arg0: i32, %arg1: memref<400x128xf32, #tpu.memory_space<vmem>>, %arg2: memref<8x128x128xf32, #tpu.memory_space<vmem>>, %arg3: memref<128x128xf32, #tpu.memory_space<vmem>>, %arg4: memref<1x128xf32, #tpu.memory_space<vmem>>, %arg5: memref<8x400x128xf32, #tpu.memory_space<vmem>>, %arg6: memref<400x128xf32, #tpu.memory_space<vmem>>) attributes {dimension_semantics = [#tpu.dimension_semantics<arbitrary>], iteration_bounds = array<i64: 25>, scalar_prefetch = 0 : i64, scratch_operands = 0 : i64, tpu.core_type = #tpu.core_type<tc>, window_params = [{transform_indices = @transform_0, window_bounds = array<i64: 400, 128>}, {pipeline_mode = #tpu.pipeline_mode<synchronous>, transform_indices = @transform_1, window_bounds = array<i64: 8, 128, 128>}, {pipeline_mode = #tpu.pipeline_mode<synchronous>, transform_indices = @transform_2, window_bounds = array<i64: 128, 128>}, {pipeline_mode = #tpu.pipeline_mode<synchronous>, transform_indices = @transform_3, window_bounds = array<i64: 1, 128>}, {transform_indices = @transform_4, window_bounds = array<i64: 8, 400, 128>}, {transform_indices = @transform_5, window_bounds = array<i64: 400, 128>}]} {
    %get3A = arith.constant 0 : index
    %get3A_0 = arith.constant 0 : index
    %get3A_1 = vector.load %arg1[%get3A, %get3A_0] : memref<400x128xf32, #tpu.memory_space<vmem>>, vector<400x128xf32>
    %get3A_2 = arith.constant 0 : index
    %get3A_3 = arith.constant 0 : index
    %get3A_4 = arith.constant 0 : index
    %get3A_5 = vector.load %arg2[%get3A_2, %get3A_3, %get3A_4] : memref<8x128x128xf32, #tpu.memory_space<vmem>>, vector<1x128x128xf32>
    %get3A_6 = vector.shape_cast %get3A_5 : vector<1x128x128xf32> to vector<128x128xf32>
    %dot_general3A = arith.constant dense<0.000000e+00> : vector<400x128xf32>
    %dot_general3A_7 = tpu.matmul %get3A_1, %get3A_6, %dot_general3A {dimension_numbers = #tpu.dot_dimension_numbers<[1], [0], [0], [1], [0, 0, 1, 1], [], []>, transpose_lhs_hint = false} : vector<400x128xf32>, vector<128x128xf32>, vector<400x128xf32> -> vector<400x128xf32>
    %swap3A = arith.constant 0 : index
    %swap3A_8 = arith.constant 0 : index
    %swap3A_9 = arith.constant 0 : index
    %swap3A_10 = vector.load %arg5[%swap3A, %swap3A_8, %swap3A_9] : memref<8x400x128xf32, #tpu.memory_space<vmem>>, vector<1x400x128xf32>
    %swap3A_11 = vector.shape_cast %swap3A_10 : vector<1x400x128xf32> to vector<400x128xf32>
    %swap3A_12 = vector.shape_cast %dot_general3A_7 : vector<400x128xf32> to vector<1x400x128xf32>
    tpu.vector_store %arg5[%swap3A, %swap3A_8, %swap3A_9], %swap3A_12 {strides = array<i32>} : memref<8x400x128xf32, #tpu.memory_space<vmem>>, vector<1x400x128xf32>,
    %get3A_13 = arith.constant 1 : index
    %get3A_14 = arith.constant 0 : index
    %get3A_15 = arith.constant 0 : index
    %get3A_16 = vector.load %arg2[%get3A_13, %get3A_14, %get3A_15] : memref<8x128x128xf32, #tpu.memory_space<vmem>>, vector<1x128x128xf32>
    %get3A_17 = vector.shape_cast %get3A_16 : vector<1x128x128xf32> to vector<128x128xf32>
    %dot_general3A_18 = arith.constant dense<0.000000e+00> : vector<400x128xf32>
    %dot_general3A_19 = tpu.matmul %get3A_1, %get3A_17, %dot_general3A_18 {dimension_numbers = #tpu.dot_dimension_numbers<[1], [0], [0], [1], [0, 0, 1, 1], [], []>, transpose_lhs_hint = false} : vector<400x128xf32>, vector<128x128xf32>, vector<400x128xf32> -> vector<400x128xf32>
    %swap3A_20 = arith.constant 1 : index
    %swap3A_21 = arith.constant 0 : index
    %swap3A_22 = arith.constant 0 : index
    %swap3A_23 = vector.load %arg5[%swap3A_20, %swap3A_21, %swap3A_22] : memref<8x400x128xf32, #tpu.memory_space<vmem>>, vector<1x400x128xf32>
    %swap3A_24 = vector.shape_cast %swap3A_23 : vector<1x400x128xf32> to vector<400x128xf32>
    %swap3A_25 = vector.shape_cast %dot_general3A_19 : vector<400x128xf32> to vector<1x400x128xf32>
    tpu.vector_store %arg5[%swap3A_20, %swap3A_21, %swap3A_22], %swap3A_25 {strides = array<i32>} : memref<8x400x128xf32, #tpu.memory_space<vmem>>, vector<1x400x128xf32>,
    %get3A_26 = arith.constant 2 : index
    %get3A_27 = arith.constant 0 : index
    %get3A_28 = arith.constant 0 : index
    %get3A_29 = vector.load %arg2[%get3A_26, %get3A_27, %get3A_28] : memref<8x128x128xf32, #tpu.memory_space<vmem>>, vector<1x128x128xf32>
    %get3A_30 = vector.shape_cast %get3A_29 : vector<1x128x128xf32> to vector<128x128xf32>
    %dot_general3A_31 = arith.constant dense<0.000000e+00> : vector<400x128xf32>
    %dot_general3A_32 = tpu.matmul %get3A_1, %get3A_30, %dot_general3A_31 {dimension_numbers = #tpu.dot_dimension_numbers<[1], [0], [0], [1], [0, 0, 1, 1], [], []>, transpose_lhs_hint = false} : vector<400x128xf32>, vector<128x128xf32>, vector<400x128xf32> -> vector<400x128xf32>
    %swap3A_33 = arith.constant 2 : index
    %swap3A_34 = arith.constant 0 : index
    %swap3A_35 = arith.constant 0 : index
    %swap3A_36 = vector.load %arg5[%swap3A_33, %swap3A_34, %swap3A_35] : memref<8x400x128xf32, #tpu.memory_space<vmem>>, vector<1x400x128xf32>
    %swap3A_37 = vector.shape_cast %swap3A_36 : vector<1x400x128xf32> to vector<400x128xf32>
    %swap3A_38 = vector.shape_cast %dot_general3A_32 : vector<400x128xf32> to vector<1x400x128xf32>
    tpu.vector_store %arg5[%swap3A_33, %swap3A_34, %swap3A_35], %swap3A_38 {strides = array<i32>} : memref<8x400x128xf32, #tpu.memory_space<vmem>>, vector<1x400x128xf32>,
    %get3A_39 = arith.constant 3 : index
    %get3A_40 = arith.constant 0 : index
    %get3A_41 = arith.constant 0 : index
    %get3A_42 = vector.load %arg2[%get3A_39, %get3A_40, %get3A_41] : memref<8x128x128xf32, #tpu.memory_space<vmem>>, vector<1x128x128xf32>
    %get3A_43 = vector.shape_cast %get3A_42 : vector<1x128x128xf32> to vector<128x128xf32>
    %dot_general3A_44 = arith.constant dense<0.000000e+00> : vector<400x128xf32>
    %dot_general3A_45 = tpu.matmul %get3A_1, %get3A_43, %dot_general3A_44 {dimension_numbers = #tpu.dot_dimension_numbers<[1], [0], [0], [1], [0, 0, 1, 1], [], []>, transpose_lhs_hint = false} : vector<400x128xf32>, vector<128x128xf32>, vector<400x128xf32> -> vector<400x128xf32>
    %swap3A_46 = arith.constant 3 : index
    %swap3A_47 = arith.constant 0 : index
    %swap3A_48 = arith.constant 0 : index
    %swap3A_49 = vector.load %arg5[%swap3A_46, %swap3A_47, %swap3A_48] : memref<8x400x128xf32, #tpu.memory_space<vmem>>, vector<1x400x128xf32>
    %swap3A_50 = vector.shape_cast %swap3A_49 : vector<1x400x128xf32> to vector<400x128xf32>
    %swap3A_51 = vector.shape_cast %dot_general3A_45 : vector<400x128xf32> to vector<1x400x128xf32>
    tpu.vector_store %arg5[%swap3A_46, %swap3A_47, %swap3A_48], %swap3A_51 {strides = array<i32>} : memref<8x400x128xf32, #tpu.memory_space<vmem>>, vector<1x400x128xf32>,
    %get3A_52 = arith.constant 4 : index
    %get3A_53 = arith.constant 0 : index
    %get3A_54 = arith.constant 0 : index
    %get3A_55 = vector.load %arg2[%get3A_52, %get3A_53, %get3A_54] : memref<8x128x128xf32, #tpu.memory_space<vmem>>, vector<1x128x128xf32>
    %get3A_56 = vector.shape_cast %get3A_55 : vector<1x128x128xf32> to vector<128x128xf32>
    %dot_general3A_57 = arith.constant dense<0.000000e+00> : vector<400x128xf32>
    %dot_general3A_58 = tpu.matmul %get3A_1, %get3A_56, %dot_general3A_57 {dimension_numbers = #tpu.dot_dimension_numbers<[1], [0], [0], [1], [0, 0, 1, 1], [], []>, transpose_lhs_hint = false} : vector<400x128xf32>, vector<128x128xf32>, vector<400x128xf32> -> vector<400x128xf32>
    %swap3A_59 = arith.constant 4 : index
    %swap3A_60 = arith.constant 0 : index
    %swap3A_61 = arith.constant 0 : index
    %swap3A_62 = vector.load %arg5[%swap3A_59, %swap3A_60, %swap3A_61] : memref<8x400x128xf32, #tpu.memory_space<vmem>>, vector<1x400x128xf32>
    %swap3A_63 = vector.shape_cast %swap3A_62 : vector<1x400x128xf32> to vector<400x128xf32>
    %swap3A_64 = vector.shape_cast %dot_general3A_58 : vector<400x128xf32> to vector<1x400x128xf32>
    tpu.vector_store %arg5[%swap3A_59, %swap3A_60, %swap3A_61], %swap3A_64 {strides = array<i32>} : memref<8x400x128xf32, #tpu.memory_space<vmem>>, vector<1x400x128xf32>,
    %get3A_65 = arith.constant 5 : index
    %get3A_66 = arith.constant 0 : index
    %get3A_67 = arith.constant 0 : index
    %get3A_68 = vector.load %arg2[%get3A_65, %get3A_66, %get3A_67] : memref<8x128x128xf32, #tpu.memory_space<vmem>>, vector<1x128x128xf32>
    %get3A_69 = vector.shape_cast %get3A_68 : vector<1x128x128xf32> to vector<128x128xf32>
    %dot_general3A_70 = arith.constant dense<0.000000e+00> : vector<400x128xf32>
    %dot_general3A_71 = tpu.matmul %get3A_1, %get3A_69, %dot_general3A_70 {dimension_numbers = #tpu.dot_dimension_numbers<[1], [0], [0], [1], [0, 0, 1, 1], [], []>, transpose_lhs_hint = false} : vector<400x128xf32>, vector<128x128xf32>, vector<400x128xf32> -> vector<400x128xf32>
    %swap3A_72 = arith.constant 5 : index
    %swap3A_73 = arith.constant 0 : index
    %swap3A_74 = arith.constant 0 : index
    %swap3A_75 = vector.load %arg5[%swap3A_72, %swap3A_73, %swap3A_74] : memref<8x400x128xf32, #tpu.memory_space<vmem>>, vector<1x400x128xf32>
    %swap3A_76 = vector.shape_cast %swap3A_75 : vector<1x400x128xf32> to vector<400x128xf32>
    %swap3A_77 = vector.shape_cast %dot_general3A_71 : vector<400x128xf32> to vector<1x400x128xf32>
    tpu.vector_store %arg5[%swap3A_72, %swap3A_73, %swap3A_74], %swap3A_77 {strides = array<i32>} : memref<8x400x128xf32, #tpu.memory_space<vmem>>, vector<1x400x128xf32>,
    %get3A_78 = arith.constant 6 : index
    %get3A_79 = arith.constant 0 : index
    %get3A_80 = arith.constant 0 : index
    %get3A_81 = vector.load %arg2[%get3A_78, %get3A_79, %get3A_80] : memref<8x128x128xf32, #tpu.memory_space<vmem>>, vector<1x128x128xf32>
    %get3A_82 = vector.shape_cast %get3A_81 : vector<1x128x128xf32> to vector<128x128xf32>
    %dot_general3A_83 = arith.constant dense<0.000000e+00> : vector<400x128xf32>
    %dot_general3A_84 = tpu.matmul %get3A_1, %get3A_82, %dot_general3A_83 {dimension_numbers = #tpu.dot_dimension_numbers<[1], [0], [0], [1], [0, 0, 1, 1], [], []>, transpose_lhs_hint = false} : vector<400x128xf32>, vector<128x128xf32>, vector<400x128xf32> -> vector<400x128xf32>
    %swap3A_85 = arith.constant 6 : index
    %swap3A_86 = arith.constant 0 : index
    %swap3A_87 = arith.constant 0 : index
    %swap3A_88 = vector.load %arg5[%swap3A_85, %swap3A_86, %swap3A_87] : memref<8x400x128xf32, #tpu.memory_space<vmem>>, vector<1x400x128xf32>
    %swap3A_89 = vector.shape_cast %swap3A_88 : vector<1x400x128xf32> to vector<400x128xf32>
    %swap3A_90 = vector.shape_cast %dot_general3A_84 : vector<400x128xf32> to vector<1x400x128xf32>
    tpu.vector_store %arg5[%swap3A_85, %swap3A_86, %swap3A_87], %swap3A_90 {strides = array<i32>} : memref<8x400x128xf32, #tpu.memory_space<vmem>>, vector<1x400x128xf32>,
    %get3A_91 = arith.constant 7 : index
    %get3A_92 = arith.constant 0 : index
    %get3A_93 = arith.constant 0 : index
    %get3A_94 = vector.load %arg2[%get3A_91, %get3A_92, %get3A_93] : memref<8x128x128xf32, #tpu.memory_space<vmem>>, vector<1x128x128xf32>
    %get3A_95 = vector.shape_cast %get3A_94 : vector<1x128x128xf32> to vector<128x128xf32>
    %dot_general3A_96 = arith.constant dense<0.000000e+00> : vector<400x128xf32>
    %dot_general3A_97 = tpu.matmul %get3A_1, %get3A_95, %dot_general3A_96 {dimension_numbers = #tpu.dot_dimension_numbers<[1], [0], [0], [1], [0, 0, 1, 1], [], []>, transpose_lhs_hint = false} : vector<400x128xf32>, vector<128x128xf32>, vector<400x128xf32> -> vector<400x128xf32>
    %swap3A_98 = arith.constant 7 : index
    %swap3A_99 = arith.constant 0 : index
    %swap3A_100 = arith.constant 0 : index
    %swap3A_101 = vector.load %arg5[%swap3A_98, %swap3A_99, %swap3A_100] : memref<8x400x128xf32, #tpu.memory_space<vmem>>, vector<1x400x128xf32>
    %swap3A_102 = vector.shape_cast %swap3A_101 : vector<1x400x128xf32> to vector<400x128xf32>
    %swap3A_103 = vector.shape_cast %dot_general3A_97 : vector<400x128xf32> to vector<1x400x128xf32>
    tpu.vector_store %arg5[%swap3A_98, %swap3A_99, %swap3A_100], %swap3A_103 {strides = array<i32>} : memref<8x400x128xf32, #tpu.memory_space<vmem>>, vector<1x400x128xf32>,
    %get3A_104 = arith.constant 0 : index
    %get3A_105 = arith.constant 0 : index
    %get3A_106 = vector.load %arg3[%get3A_104, %get3A_105] : memref<128x128xf32, #tpu.memory_space<vmem>>, vector<128x128xf32>
    %dot_general3A_107 = arith.constant dense<0.000000e+00> : vector<400x128xf32>
    %dot_general3A_108 = tpu.matmul %get3A_1, %get3A_106, %dot_general3A_107 {dimension_numbers = #tpu.dot_dimension_numbers<[1], [0], [0], [1], [0, 0, 1, 1], [], []>, transpose_lhs_hint = false} : vector<400x128xf32>, vector<128x128xf32>, vector<400x128xf32> -> vector<400x128xf32>
    %get3A_109 = arith.constant 0 : index
    %get3A_110 = arith.constant 0 : index
    %get3A_111 = vector.load %arg4[%get3A_109, %get3A_110] : memref<1x128xf32, #tpu.memory_space<vmem>>, vector<1x128xf32>
    %add3A = vector.broadcast %get3A_111 : vector<1x128xf32> to vector<400x128xf32>
    %add3A_112 = arith.addf %dot_general3A_108, %add3A : vector<400x128xf32>
    %swap3A_113 = arith.constant 0 : index
    %swap3A_114 = arith.constant 0 : index
    %swap3A_115 = vector.load %arg6[%swap3A_113, %swap3A_114] : memref<400x128xf32, #tpu.memory_space<vmem>>, vector<400x128xf32>
    tpu.vector_store %arg6[%swap3A_113, %swap3A_114], %add3A_112 {strides = array<i32>} : memref<400x128xf32, #tpu.memory_space<vmem>>, vector<400x128xf32>,
    return
  }
  func.func @transform_0(%arg0: i32) -> (i32, i32) {
    %c0_i32 = arith.constant 0 : i32
    %c0_i32_0 = arith.constant 0 : i32
    return %arg0, %c0_i32 : i32, i32
  }
  func.func @transform_1(%arg0: i32) -> (i32, i32, i32) {
    %c0_i32 = arith.constant 0 : i32
    %c0_i32_0 = arith.constant 0 : i32
    %c0_i32_1 = arith.constant 0 : i32
    %c0_i32_2 = arith.constant 0 : i32
    return %c0_i32, %c0_i32_0, %c0_i32_1 : i32, i32, i32
  }
  func.func @transform_2(%arg0: i32) -> (i32, i32) {
    %c0_i32 = arith.constant 0 : i32
    %c0_i32_0 = arith.constant 0 : i32
    %c0_i32_1 = arith.constant 0 : i32
    return %c0_i32, %c0_i32_0 : i32, i32
  }
  func.func @transform_3(%arg0: i32) -> (i32, i32) {
    %c0_i32 = arith.constant 0 : i32
    %c0_i32_0 = arith.constant 0 : i32
    %c0_i32_1 = arith.constant 0 : i32
    return %c0_i32, %c0_i32_0 : i32, i32
  }
  func.func @transform_4(%arg0: i32) -> (i32, i32, i32) {
    %c0_i32 = arith.constant 0 : i32
    %c0_i32_0 = arith.constant 0 : i32
    %c0_i32_1 = arith.constant 0 : i32
    return %c0_i32, %arg0, %c0_i32_0 : i32, i32, i32
  }
  func.func @transform_5(%arg0: i32) -> (i32, i32) {
    %c0_i32 = arith.constant 0 : i32
    %c0_i32_0 = arith.constant 0 : i32
    return %arg0, %c0_i32 : i32, i32
  }
}

module attributes {stable_mosaic.version = 14 : i64} {
  func.func @body(%arg0: i32, %arg1: memref<2x400x128xf32, #tpu.memory_space<vmem>>, %arg2: memref<8x128x128xf32, #tpu.memory_space<vmem>>, %arg3: memref<128x128xf32, #tpu.memory_space<vmem>>, %arg4: memref<1x128xf32, #tpu.memory_space<vmem>>, %arg5: memref<8x400x128xf32, #tpu.memory_space<vmem>>, %arg6: memref<400x128xf32, #tpu.memory_space<vmem>>) attributes {dimension_semantics = [#tpu.dimension_semantics<arbitrary>], iteration_bounds = array<i64: 25>, scalar_prefetch = 0 : i64, scratch_operands = 0 : i64, tpu.core_type = #tpu.core_type<tc>, window_params = [{transform_indices = @transform_0, window_bounds = array<i64: 2, 400, 128>}, {pipeline_mode = #tpu.pipeline_mode<synchronous>, transform_indices = @transform_1, window_bounds = array<i64: 8, 128, 128>}, {pipeline_mode = #tpu.pipeline_mode<synchronous>, transform_indices = @transform_2, window_bounds = array<i64: 128, 128>}, {pipeline_mode = #tpu.pipeline_mode<synchronous>, transform_indices = @transform_3, window_bounds = array<i64: 1, 128>}, {transform_indices = @transform_4, window_bounds = array<i64: 8, 400, 128>}, {transform_indices = @transform_5, window_bounds = array<i64: 400, 128>}]} {
    %get3A = arith.constant 0 : index
    %get3A_0 = arith.constant 0 : index
    %get3A_1 = arith.constant 0 : index
    %get3A_2 = vector.load %arg1[%get3A, %get3A_0, %get3A_1] : memref<2x400x128xf32, #tpu.memory_space<vmem>>, vector<1x400x128xf32>
    %get3A_3 = vector.shape_cast %get3A_2 : vector<1x400x128xf32> to vector<400x128xf32>
    %get3A_4 = arith.constant 1 : index
    %get3A_5 = arith.constant 0 : index
    %get3A_6 = arith.constant 0 : index
    %get3A_7 = vector.load %arg1[%get3A_4, %get3A_5, %get3A_6] : memref<2x400x128xf32, #tpu.memory_space<vmem>>, vector<1x400x128xf32>
    %get3A_8 = vector.shape_cast %get3A_7 : vector<1x400x128xf32> to vector<400x128xf32>
    %add3A = arith.addf %get3A_3, %get3A_8 : vector<400x128xf32>
    %max3A = arith.constant 0.000000e+00 : f32
    %max3A_9 = vector.broadcast %max3A : f32 to vector<400x128xf32>
    %max3A_10 = arith.maximumf %add3A, %max3A_9 : vector<400x128xf32>
    %get3A_11 = arith.constant 0 : index
    %get3A_12 = arith.constant 0 : index
    %get3A_13 = arith.constant 0 : index
    %get3A_14 = vector.load %arg2[%get3A_11, %get3A_12, %get3A_13] : memref<8x128x128xf32, #tpu.memory_space<vmem>>, vector<1x128x128xf32>
    %get3A_15 = vector.shape_cast %get3A_14 : vector<1x128x128xf32> to vector<128x128xf32>
    %dot_general3A = arith.constant dense<0.000000e+00> : vector<400x128xf32>
    %dot_general3A_16 = tpu.matmul %max3A_10, %get3A_15, %dot_general3A {dimension_numbers = #tpu.dot_dimension_numbers<[1], [0], [0], [1], [0, 0, 1, 1], [], []>, transpose_lhs_hint = false} : vector<400x128xf32>, vector<128x128xf32>, vector<400x128xf32> -> vector<400x128xf32>
    %swap3A = arith.constant 0 : index
    %swap3A_17 = arith.constant 0 : index
    %swap3A_18 = arith.constant 0 : index
    %swap3A_19 = vector.load %arg5[%swap3A, %swap3A_17, %swap3A_18] : memref<8x400x128xf32, #tpu.memory_space<vmem>>, vector<1x400x128xf32>
    %swap3A_20 = vector.shape_cast %swap3A_19 : vector<1x400x128xf32> to vector<400x128xf32>
    %swap3A_21 = vector.shape_cast %dot_general3A_16 : vector<400x128xf32> to vector<1x400x128xf32>
    tpu.vector_store %arg5[%swap3A, %swap3A_17, %swap3A_18], %swap3A_21 {strides = array<i32>} : memref<8x400x128xf32, #tpu.memory_space<vmem>>, vector<1x400x128xf32>,
    %get3A_22 = arith.constant 1 : index
    %get3A_23 = arith.constant 0 : index
    %get3A_24 = arith.constant 0 : index
    %get3A_25 = vector.load %arg2[%get3A_22, %get3A_23, %get3A_24] : memref<8x128x128xf32, #tpu.memory_space<vmem>>, vector<1x128x128xf32>
    %get3A_26 = vector.shape_cast %get3A_25 : vector<1x128x128xf32> to vector<128x128xf32>
    %dot_general3A_27 = arith.constant dense<0.000000e+00> : vector<400x128xf32>
    %dot_general3A_28 = tpu.matmul %max3A_10, %get3A_26, %dot_general3A_27 {dimension_numbers = #tpu.dot_dimension_numbers<[1], [0], [0], [1], [0, 0, 1, 1], [], []>, transpose_lhs_hint = false} : vector<400x128xf32>, vector<128x128xf32>, vector<400x128xf32> -> vector<400x128xf32>
    %swap3A_29 = arith.constant 1 : index
    %swap3A_30 = arith.constant 0 : index
    %swap3A_31 = arith.constant 0 : index
    %swap3A_32 = vector.load %arg5[%swap3A_29, %swap3A_30, %swap3A_31] : memref<8x400x128xf32, #tpu.memory_space<vmem>>, vector<1x400x128xf32>
    %swap3A_33 = vector.shape_cast %swap3A_32 : vector<1x400x128xf32> to vector<400x128xf32>
    %swap3A_34 = vector.shape_cast %dot_general3A_28 : vector<400x128xf32> to vector<1x400x128xf32>
    tpu.vector_store %arg5[%swap3A_29, %swap3A_30, %swap3A_31], %swap3A_34 {strides = array<i32>} : memref<8x400x128xf32, #tpu.memory_space<vmem>>, vector<1x400x128xf32>,
    %get3A_35 = arith.constant 2 : index
    %get3A_36 = arith.constant 0 : index
    %get3A_37 = arith.constant 0 : index
    %get3A_38 = vector.load %arg2[%get3A_35, %get3A_36, %get3A_37] : memref<8x128x128xf32, #tpu.memory_space<vmem>>, vector<1x128x128xf32>
    %get3A_39 = vector.shape_cast %get3A_38 : vector<1x128x128xf32> to vector<128x128xf32>
    %dot_general3A_40 = arith.constant dense<0.000000e+00> : vector<400x128xf32>
    %dot_general3A_41 = tpu.matmul %max3A_10, %get3A_39, %dot_general3A_40 {dimension_numbers = #tpu.dot_dimension_numbers<[1], [0], [0], [1], [0, 0, 1, 1], [], []>, transpose_lhs_hint = false} : vector<400x128xf32>, vector<128x128xf32>, vector<400x128xf32> -> vector<400x128xf32>
    %swap3A_42 = arith.constant 2 : index
    %swap3A_43 = arith.constant 0 : index
    %swap3A_44 = arith.constant 0 : index
    %swap3A_45 = vector.load %arg5[%swap3A_42, %swap3A_43, %swap3A_44] : memref<8x400x128xf32, #tpu.memory_space<vmem>>, vector<1x400x128xf32>
    %swap3A_46 = vector.shape_cast %swap3A_45 : vector<1x400x128xf32> to vector<400x128xf32>
    %swap3A_47 = vector.shape_cast %dot_general3A_41 : vector<400x128xf32> to vector<1x400x128xf32>
    tpu.vector_store %arg5[%swap3A_42, %swap3A_43, %swap3A_44], %swap3A_47 {strides = array<i32>} : memref<8x400x128xf32, #tpu.memory_space<vmem>>, vector<1x400x128xf32>,
    %get3A_48 = arith.constant 3 : index
    %get3A_49 = arith.constant 0 : index
    %get3A_50 = arith.constant 0 : index
    %get3A_51 = vector.load %arg2[%get3A_48, %get3A_49, %get3A_50] : memref<8x128x128xf32, #tpu.memory_space<vmem>>, vector<1x128x128xf32>
    %get3A_52 = vector.shape_cast %get3A_51 : vector<1x128x128xf32> to vector<128x128xf32>
    %dot_general3A_53 = arith.constant dense<0.000000e+00> : vector<400x128xf32>
    %dot_general3A_54 = tpu.matmul %max3A_10, %get3A_52, %dot_general3A_53 {dimension_numbers = #tpu.dot_dimension_numbers<[1], [0], [0], [1], [0, 0, 1, 1], [], []>, transpose_lhs_hint = false} : vector<400x128xf32>, vector<128x128xf32>, vector<400x128xf32> -> vector<400x128xf32>
    %swap3A_55 = arith.constant 3 : index
    %swap3A_56 = arith.constant 0 : index
    %swap3A_57 = arith.constant 0 : index
    %swap3A_58 = vector.load %arg5[%swap3A_55, %swap3A_56, %swap3A_57] : memref<8x400x128xf32, #tpu.memory_space<vmem>>, vector<1x400x128xf32>
    %swap3A_59 = vector.shape_cast %swap3A_58 : vector<1x400x128xf32> to vector<400x128xf32>
    %swap3A_60 = vector.shape_cast %dot_general3A_54 : vector<400x128xf32> to vector<1x400x128xf32>
    tpu.vector_store %arg5[%swap3A_55, %swap3A_56, %swap3A_57], %swap3A_60 {strides = array<i32>} : memref<8x400x128xf32, #tpu.memory_space<vmem>>, vector<1x400x128xf32>,
    %get3A_61 = arith.constant 4 : index
    %get3A_62 = arith.constant 0 : index
    %get3A_63 = arith.constant 0 : index
    %get3A_64 = vector.load %arg2[%get3A_61, %get3A_62, %get3A_63] : memref<8x128x128xf32, #tpu.memory_space<vmem>>, vector<1x128x128xf32>
    %get3A_65 = vector.shape_cast %get3A_64 : vector<1x128x128xf32> to vector<128x128xf32>
    %dot_general3A_66 = arith.constant dense<0.000000e+00> : vector<400x128xf32>
    %dot_general3A_67 = tpu.matmul %max3A_10, %get3A_65, %dot_general3A_66 {dimension_numbers = #tpu.dot_dimension_numbers<[1], [0], [0], [1], [0, 0, 1, 1], [], []>, transpose_lhs_hint = false} : vector<400x128xf32>, vector<128x128xf32>, vector<400x128xf32> -> vector<400x128xf32>
    %swap3A_68 = arith.constant 4 : index
    %swap3A_69 = arith.constant 0 : index
    %swap3A_70 = arith.constant 0 : index
    %swap3A_71 = vector.load %arg5[%swap3A_68, %swap3A_69, %swap3A_70] : memref<8x400x128xf32, #tpu.memory_space<vmem>>, vector<1x400x128xf32>
    %swap3A_72 = vector.shape_cast %swap3A_71 : vector<1x400x128xf32> to vector<400x128xf32>
    %swap3A_73 = vector.shape_cast %dot_general3A_67 : vector<400x128xf32> to vector<1x400x128xf32>
    tpu.vector_store %arg5[%swap3A_68, %swap3A_69, %swap3A_70], %swap3A_73 {strides = array<i32>} : memref<8x400x128xf32, #tpu.memory_space<vmem>>, vector<1x400x128xf32>,
    %get3A_74 = arith.constant 5 : index
    %get3A_75 = arith.constant 0 : index
    %get3A_76 = arith.constant 0 : index
    %get3A_77 = vector.load %arg2[%get3A_74, %get3A_75, %get3A_76] : memref<8x128x128xf32, #tpu.memory_space<vmem>>, vector<1x128x128xf32>
    %get3A_78 = vector.shape_cast %get3A_77 : vector<1x128x128xf32> to vector<128x128xf32>
    %dot_general3A_79 = arith.constant dense<0.000000e+00> : vector<400x128xf32>
    %dot_general3A_80 = tpu.matmul %max3A_10, %get3A_78, %dot_general3A_79 {dimension_numbers = #tpu.dot_dimension_numbers<[1], [0], [0], [1], [0, 0, 1, 1], [], []>, transpose_lhs_hint = false} : vector<400x128xf32>, vector<128x128xf32>, vector<400x128xf32> -> vector<400x128xf32>
    %swap3A_81 = arith.constant 5 : index
    %swap3A_82 = arith.constant 0 : index
    %swap3A_83 = arith.constant 0 : index
    %swap3A_84 = vector.load %arg5[%swap3A_81, %swap3A_82, %swap3A_83] : memref<8x400x128xf32, #tpu.memory_space<vmem>>, vector<1x400x128xf32>
    %swap3A_85 = vector.shape_cast %swap3A_84 : vector<1x400x128xf32> to vector<400x128xf32>
    %swap3A_86 = vector.shape_cast %dot_general3A_80 : vector<400x128xf32> to vector<1x400x128xf32>
    tpu.vector_store %arg5[%swap3A_81, %swap3A_82, %swap3A_83], %swap3A_86 {strides = array<i32>} : memref<8x400x128xf32, #tpu.memory_space<vmem>>, vector<1x400x128xf32>,
    %get3A_87 = arith.constant 6 : index
    %get3A_88 = arith.constant 0 : index
    %get3A_89 = arith.constant 0 : index
    %get3A_90 = vector.load %arg2[%get3A_87, %get3A_88, %get3A_89] : memref<8x128x128xf32, #tpu.memory_space<vmem>>, vector<1x128x128xf32>
    %get3A_91 = vector.shape_cast %get3A_90 : vector<1x128x128xf32> to vector<128x128xf32>
    %dot_general3A_92 = arith.constant dense<0.000000e+00> : vector<400x128xf32>
    %dot_general3A_93 = tpu.matmul %max3A_10, %get3A_91, %dot_general3A_92 {dimension_numbers = #tpu.dot_dimension_numbers<[1], [0], [0], [1], [0, 0, 1, 1], [], []>, transpose_lhs_hint = false} : vector<400x128xf32>, vector<128x128xf32>, vector<400x128xf32> -> vector<400x128xf32>
    %swap3A_94 = arith.constant 6 : index
    %swap3A_95 = arith.constant 0 : index
    %swap3A_96 = arith.constant 0 : index
    %swap3A_97 = vector.load %arg5[%swap3A_94, %swap3A_95, %swap3A_96] : memref<8x400x128xf32, #tpu.memory_space<vmem>>, vector<1x400x128xf32>
    %swap3A_98 = vector.shape_cast %swap3A_97 : vector<1x400x128xf32> to vector<400x128xf32>
    %swap3A_99 = vector.shape_cast %dot_general3A_93 : vector<400x128xf32> to vector<1x400x128xf32>
    tpu.vector_store %arg5[%swap3A_94, %swap3A_95, %swap3A_96], %swap3A_99 {strides = array<i32>} : memref<8x400x128xf32, #tpu.memory_space<vmem>>, vector<1x400x128xf32>,
    %get3A_100 = arith.constant 7 : index
    %get3A_101 = arith.constant 0 : index
    %get3A_102 = arith.constant 0 : index
    %get3A_103 = vector.load %arg2[%get3A_100, %get3A_101, %get3A_102] : memref<8x128x128xf32, #tpu.memory_space<vmem>>, vector<1x128x128xf32>
    %get3A_104 = vector.shape_cast %get3A_103 : vector<1x128x128xf32> to vector<128x128xf32>
    %dot_general3A_105 = arith.constant dense<0.000000e+00> : vector<400x128xf32>
    %dot_general3A_106 = tpu.matmul %max3A_10, %get3A_104, %dot_general3A_105 {dimension_numbers = #tpu.dot_dimension_numbers<[1], [0], [0], [1], [0, 0, 1, 1], [], []>, transpose_lhs_hint = false} : vector<400x128xf32>, vector<128x128xf32>, vector<400x128xf32> -> vector<400x128xf32>
    %swap3A_107 = arith.constant 7 : index
    %swap3A_108 = arith.constant 0 : index
    %swap3A_109 = arith.constant 0 : index
    %swap3A_110 = vector.load %arg5[%swap3A_107, %swap3A_108, %swap3A_109] : memref<8x400x128xf32, #tpu.memory_space<vmem>>, vector<1x400x128xf32>
    %swap3A_111 = vector.shape_cast %swap3A_110 : vector<1x400x128xf32> to vector<400x128xf32>
    %swap3A_112 = vector.shape_cast %dot_general3A_106 : vector<400x128xf32> to vector<1x400x128xf32>
    tpu.vector_store %arg5[%swap3A_107, %swap3A_108, %swap3A_109], %swap3A_112 {strides = array<i32>} : memref<8x400x128xf32, #tpu.memory_space<vmem>>, vector<1x400x128xf32>,
    %get3A_113 = arith.constant 0 : index
    %get3A_114 = arith.constant 0 : index
    %get3A_115 = vector.load %arg3[%get3A_113, %get3A_114] : memref<128x128xf32, #tpu.memory_space<vmem>>, vector<128x128xf32>
    %dot_general3A_116 = arith.constant dense<0.000000e+00> : vector<400x128xf32>
    %dot_general3A_117 = tpu.matmul %max3A_10, %get3A_115, %dot_general3A_116 {dimension_numbers = #tpu.dot_dimension_numbers<[1], [0], [0], [1], [0, 0, 1, 1], [], []>, transpose_lhs_hint = false} : vector<400x128xf32>, vector<128x128xf32>, vector<400x128xf32> -> vector<400x128xf32>
    %get3A_118 = arith.constant 0 : index
    %get3A_119 = arith.constant 0 : index
    %get3A_120 = vector.load %arg4[%get3A_118, %get3A_119] : memref<1x128xf32, #tpu.memory_space<vmem>>, vector<1x128xf32>
    %add3A_121 = vector.broadcast %get3A_120 : vector<1x128xf32> to vector<400x128xf32>
    %add3A_122 = arith.addf %dot_general3A_117, %add3A_121 : vector<400x128xf32>
    %swap3A_123 = arith.constant 0 : index
    %swap3A_124 = arith.constant 0 : index
    %swap3A_125 = vector.load %arg6[%swap3A_123, %swap3A_124] : memref<400x128xf32, #tpu.memory_space<vmem>>, vector<400x128xf32>
    tpu.vector_store %arg6[%swap3A_123, %swap3A_124], %add3A_122 {strides = array<i32>} : memref<400x128xf32, #tpu.memory_space<vmem>>, vector<400x128xf32>,
    return
  }
  func.func @transform_0(%arg0: i32) -> (i32, i32, i32) {
    %c0_i32 = arith.constant 0 : i32
    %c0_i32_0 = arith.constant 0 : i32
    %c0_i32_1 = arith.constant 0 : i32
    return %c0_i32, %arg0, %c0_i32_0 : i32, i32, i32
  }
  func.func @transform_1(%arg0: i32) -> (i32, i32, i32) {
    %c0_i32 = arith.constant 0 : i32
    %c0_i32_0 = arith.constant 0 : i32
    %c0_i32_1 = arith.constant 0 : i32
    %c0_i32_2 = arith.constant 0 : i32
    return %c0_i32, %c0_i32_0, %c0_i32_1 : i32, i32, i32
  }
  func.func @transform_2(%arg0: i32) -> (i32, i32) {
    %c0_i32 = arith.constant 0 : i32
    %c0_i32_0 = arith.constant 0 : i32
    %c0_i32_1 = arith.constant 0 : i32
    return %c0_i32, %c0_i32_0 : i32, i32
  }
  func.func @transform_3(%arg0: i32) -> (i32, i32) {
    %c0_i32 = arith.constant 0 : i32
    %c0_i32_0 = arith.constant 0 : i32
    %c0_i32_1 = arith.constant 0 : i32
    return %c0_i32, %c0_i32_0 : i32, i32
  }
  func.func @transform_4(%arg0: i32) -> (i32, i32, i32) {
    %c0_i32 = arith.constant 0 : i32
    %c0_i32_0 = arith.constant 0 : i32
    %c0_i32_1 = arith.constant 0 : i32
    return %c0_i32, %arg0, %c0_i32_0 : i32, i32, i32
  }
  func.func @transform_5(%arg0: i32) -> (i32, i32) {
    %c0_i32 = arith.constant 0 : i32
    %c0_i32_0 = arith.constant 0 : i32
    return %arg0, %c0_i32 : i32, i32
  }
}

module attributes {stable_mosaic.version = 14 : i64} {
  func.func @body(%arg0: i32, %arg1: memref<2x400x128xf32, #tpu.memory_space<vmem>>, %arg2: memref<400x128xf32, #tpu.memory_space<vmem>>) attributes {dimension_semantics = [#tpu.dimension_semantics<arbitrary>], iteration_bounds = array<i64: 25>, scalar_prefetch = 0 : i64, scratch_operands = 0 : i64, tpu.core_type = #tpu.core_type<tc>, window_params = [{transform_indices = @transform_0, window_bounds = array<i64: 2, 400, 128>}, {transform_indices = @transform_1, window_bounds = array<i64: 400, 128>}]} {
    %get3A = arith.constant 0 : index
    %get3A_0 = arith.constant 0 : index
    %get3A_1 = arith.constant 0 : index
    %get3A_2 = vector.load %arg1[%get3A, %get3A_0, %get3A_1] : memref<2x400x128xf32, #tpu.memory_space<vmem>>, vector<1x400x128xf32>
    %get3A_3 = vector.shape_cast %get3A_2 : vector<1x400x128xf32> to vector<400x128xf32>
    %get3A_4 = arith.constant 1 : index
    %get3A_5 = arith.constant 0 : index
    %get3A_6 = arith.constant 0 : index
    %get3A_7 = vector.load %arg1[%get3A_4, %get3A_5, %get3A_6] : memref<2x400x128xf32, #tpu.memory_space<vmem>>, vector<1x400x128xf32>
    %get3A_8 = vector.shape_cast %get3A_7 : vector<1x400x128xf32> to vector<400x128xf32>
    %add3A = arith.addf %get3A_3, %get3A_8 : vector<400x128xf32>
    %swap3A = arith.constant 0 : index
    %swap3A_9 = arith.constant 0 : index
    %swap3A_10 = vector.load %arg2[%swap3A, %swap3A_9] : memref<400x128xf32, #tpu.memory_space<vmem>>, vector<400x128xf32>
    tpu.vector_store %arg2[%swap3A, %swap3A_9], %add3A {strides = array<i32>} : memref<400x128xf32, #tpu.memory_space<vmem>>, vector<400x128xf32>,
    return
  }
  func.func @transform_0(%arg0: i32) -> (i32, i32, i32) {
    %c0_i32 = arith.constant 0 : i32
    %c0_i32_0 = arith.constant 0 : i32
    %c0_i32_1 = arith.constant 0 : i32
    return %c0_i32, %arg0, %c0_i32_0 : i32, i32, i32
  }
  func.func @transform_1(%arg0: i32) -> (i32, i32) {
    %c0_i32 = arith.constant 0 : i32
    %c0_i32_0 = arith.constant 0 : i32
    return %arg0, %c0_i32 : i32, i32
  }
}

</mosaic_0001>

<sc_bundles>
// kernel: kernel.10.cloned.1.call-start
scs
__scs_entry_jumppad:
0x0: {  	(pc) =	sbr.rel $0x88, $3  }
0x1: {  	(tag) =	ssettag $0x0;
	lr =	simm.s32 $0x1  }
0x2: {  	[smem:$0x3F98] =	sst lr;
	_ =	strace $0xD0000000  }
0x3: {  	_ = 	snop  }
0x4: {  	_ = 	snop  }
0x5: {  	_ = 	snop  }
0x6: {  	_ = 	snop  }
0x7: {  	_ = 	snop  }
__scs_overlays_trampoline_lowered:
0x8: {  	[smem:$0x3FA7] =	sst s0  }
0x9: {  	[smem:$0x3FA8] =	sst s1  }
0xa: {  	[smem:$0x3FA9] =	sst s2  }
0xb: {  	[smem:$0x3FAA] =	sst s3  }
0xc: {  	[smem:$0x3FAB] =	sst s4  }
0xd: {  	[smem:$0x3FAC] =	sst s5  }
0xe: {  	[smem:$0x3FAD] =	sst s6  }
0xf: {  	[smem:$0x3FAE] =	sst s7  }
0x10: {  	[smem:$0x3FAF] =	sst s8  }
0x11: {  	[smem:$0x3FB0] =	sst s9;
	s0 =	simm.s32 @!p0 $0x0  }
0x12: {  	s1 =	sld [smem:$0x3F96];
	s0 =	simm.s32 @p0 $0x1  }
0x13: {  	[smem:$0x3FB1] =	sst s0;
	s0 =	simm.s32 @!p1 $0x0  }
0x14: {  	s2 =	sld [smem:$0x3F95];
	s0 =	simm.s32 @p1 $0x1  }
0x15: {  	[smem:$0x3FB2] =	sst s0;
	s0 =	simm.s32 @!p2 $0x0  }
0x16: {  	s3 =	sld [smem:$0x3FDB];
	s0 =	simm.s32 @p2 $0x1  }
0x17: {  	s4 =	simm.s32 $0x1BF5;
	[smem:$0x3FB4] =	sst s0  }
0x18: {  	s0 =	sld [smem:$0x3F97];
	_ =	swait.ge [sflag:s4], $0x0  }
0x19: {  	s7 =	sld [smem:$0x3F98]  }
0x1a: {  	s8 =	sadd.s32 $0xFFFFE003, lr  }
0x1b: {  	s9 =	sadd.s32 $0xFFFFFEF7, lr;
	s5 =	simm.s32 $0xFFFFFFFF;
	p2 =	slt.u32 s8, $0xFFFFF086  }
0x1c: {  	p1 =	slt.u32 s9, $0xF7A;
	s5 =	simm.s32 @!p2 $0x0  }
0x1d: {  	s5 =	simm.s32 @p1 $0x1;
	p0 =	seq.s32 s7, s2  }
0x1e: {  	s7 =	smul.u32 @!p0 $0xF7A, s2;
	p2 =	seq.s32 @!p0 s5, $0x0  }
0x1f: {  	s9 =	smul.u32 $0xF7A, s1;
	s8 =	simm.s32 @!p0 $0x1BF5;
	p2 =	por !p2, p0  }
0x20: {  	[sflag:s8] =	ssyncset.s32 @!p0 $0xFFFFF086;
	s6 =	sadd.s32 @!p0 s3, s7;
	s7 =	simm.s32 @!p0 $0x108  }
0x21: {  	s3 =	sadd.s32 s3, s9;
	s6 =	sadd.s32 @!p0 $0x88, s6;
	s7 =	simm.s32 @p2 $0x1082  }
0x22: {  	[simem:s7], [sflag:s8] =	dma.local @!p0 [hbm:s6], $0xF7A  }
0x23: {  	s9 =	sor.u32 $0xD0000000, s2;
	s6 =	simm.s32 $0x108;
	_ =	swait.ge @!p0 [sflag:s8], $0x0  }
0x24: {  	s3 =	sadd.s32 $0x88, s3;
	s6 =	simm.s32 @!p1 $0x1082;
	[sflag:s4] =	ssyncset.s32 $0xFFFFF086  }
0x25: {  	[simem:s6], [sflag:s4] =	dma.local [hbm:s3], $0xF7A  }
0x26: {  	[smem:$0x3F98] =	sst s1;
	(tag) =	ssettag s2;
	_ =	strace s9  }
0x27: {  	s1 =	sld [smem:$0x3FA8]  }
0x28: {  	s2 =	sld [smem:$0x3FA9]  }
0x29: {  	s4 =	sld [smem:$0x3FAB]  }
0x2a: {  	p0 =	seq.s32 s5, $0x0;
	s5 =	sld [smem:$0x3FAC]  }
0x2b: {  	s6 =	sld [smem:$0x3FAD]  }
0x2c: {  	s7 =	sld [smem:$0x3FAE]  }
0x2d: {  	s3 =	simm.s32 $0x108;
	s8 =	sld [smem:$0x3FAF]  }
0x2e: {  	s3 =	simm.s32 @!p0 $0x1082;
	s9 =	sld [smem:$0x3FB0]  }
0x2f: {  	lr =	sadd.s32 s0, s3;
	s0 =	sld [smem:$0x3FA7]  }
0x30: {  	s3 =	sld [smem:$0x3FAA]  }
0x31: {  	[smem:$0x3FB3] =	sst s10  }
0x32: {  	s10 =	sld [smem:$0x3FB1];
	_ =	sdelay $0x3  }
0x33: {  	p0 =	seq.s32 s10, $0x1;
	s10 =	sld [smem:$0x3FB3];
	_ =	sdelay $0x3  }
0x34: {  	[smem:$0x3FB3] =	sst s10  }
0x35: {  	s10 =	sld [smem:$0x3FB2];
	_ =	sdelay $0x3  }
0x36: {  	p1 =	seq.s32 s10, $0x1;
	s10 =	sld [smem:$0x3FB3];
	_ =	sdelay $0x3  }
0x37: {  	[smem:$0x3FB3] =	sst s10  }
0x38: {  	s10 =	sld [smem:$0x3FB4]  }
0x39: {  	_ = 	snop;
	(pc) =	sbr.ind lr, $3  }
0x3a: {  	_ = 	snop  }
0x3b: {  	_ = 	snop  }
0x3c: {  	p2 =	seq.s32 s10, $0x1;
	s10 =	sld [smem:$0x3FB3]  }
0x3d: {  	_ =	shalt  }
0x3e: {  	_ =	shalt  }
0x3f: {  	_ =	shalt  }
0x40: {  	_ =	shalt  }
0x41: {  	_ =	shalt  }
0x42: {  	_ =	shalt  }
0x43: {  	_ =	shalt  }
0x44: {  	_ =	shalt  }
0x45: {  	_ =	shalt  }
0x46: {  	_ =	shalt  }
0x47: {  	_ =	shalt  }
0x48: {  	_ =	shalt  }
0x49: {  	_ =	shalt  }
0x4a: {  	_ =	shalt  }
0x4b: {  	_ =	shalt  }
0x4c: {  	_ =	shalt  }
0x4d: {  	_ =	shalt  }
0x4e: {  	_ =	shalt  }
0x4f: {  	_ =	shalt  }
0x50: {  	_ =	shalt  }
0x51: {  	_ =	shalt  }
0x52: {  	_ =	shalt  }
0x53: {  	_ =	shalt  }
0x54: {  	_ =	shalt  }
0x55: {  	_ =	shalt  }
0x56: {  	_ =	shalt  }
0x57: {  	_ =	shalt  }
0x58: {  	_ =	shalt  }
0x59: {  	_ =	shalt  }
0x5a: {  	_ =	shalt  }
0x5b: {  	_ =	shalt  }
0x5c: {  	_ =	shalt  }
0x5d: {  	_ =	shalt  }
0x5e: {  	_ =	shalt  }
0x5f: {  	_ =	shalt  }
0x60: {  	_ =	shalt  }
0x61: {  	_ =	shalt  }
0x62: {  	_ =	shalt  }
0x63: {  	_ =	shalt  }
0x64: {  	_ =	shalt  }
0x65: {  	_ =	shalt  }
0x66: {  	_ =	shalt  }
0x67: {  	_ =	shalt  }
0x68: {  	_ =	shalt  }
0x69: {  	_ =	shalt  }
0x6a: {  	_ =	shalt  }
0x6b: {  	_ =	shalt  }
0x6c: {  	_ =	shalt  }
0x6d: {  	_ =	shalt  }
0x6e: {  	_ =	shalt  }
0x6f: {  	_ =	shalt  }
0x70: {  	_ =	shalt  }
0x71: {  	_ =	shalt  }
0x72: {  	_ =	shalt  }
0x73: {  	_ =	shalt  }
0x74: {  	_ =	shalt  }
0x75: {  	_ =	shalt  }
0x76: {  	_ =	shalt  }
0x77: {  	_ =	shalt  }
0x78: {  	_ =	shalt  }
0x79: {  	_ =	shalt  }
0x7a: {  	_ =	shalt  }
0x7b: {  	_ =	shalt  }
0x7c: {  	_ =	shalt  }
0x7d: {  	_ =	shalt  }
0x7e: {  	_ =	shalt  }
0x7f: {  	_ =	shalt  }
0x80: {  	_ =	shalt  }
0x81: {  	_ =	shalt  }
0x82: {  	_ =	shalt  }
0x83: {  	_ =	shalt  }
0x84: {  	_ =	shalt  }
0x85: {  	_ =	shalt  }
0x86: {  	_ =	shalt  }
0x87: {  	_ =	shalt  }
.Lfunc_end0:
.L_simem_size_0:
called_computation.1_lowered:
.L_overlay_start_0:
0x88: {  	s2 =	sld [smem:$0x3FD9]  }
0x89: {  	s3 =	sld [smem:$0x3FFE];
	_ =	sdelay $0x1  }
0x8a: {  	s1 =	srdreg.scid  }
0x8b: {  	s0 =	sand.u32 $0x1, s1  }
0x8c: {  	s17 =	sshll.u32 s0, $0xA;
	s2 =	sadd.s32 s3, s2  }
0x8d: {  	s2 =	sadd.s32 s2, s17  }
0x8e: {  	[smem:$0x3FBF] =	sst s2  }
0x8f: {  	_ = 	snop  }
0x90: {  	s2 =	sld [smem:$0x3FD0];
	(tm) =	ssettm $0x1  }
0x91: {  	s18 =	sld [smem:$0x3FFB];
	_ =	sdelay $0x3  }
0x92: {  	_ =	strace s18  }
0x93: {  	s3 =	sld [smem:$0x3FFC];
	_ =	sdelay $0x3  }
0x94: {  	_ =	strace s3  }
0x95: {  	s3 =	sld [smem:$0x3FFD];
	_ =	sdelay $0x3  }
0x96: {  	_ =	strace s3  }
0x97: {  	_ =	strace $0x8FFFFFFF  }
0x98: {  	s19 =	sld [smem:$0x3FDB];
	_ =	sdelay $0x1  }
0x99: {  	s4 =	simm.s32 $_scs_section_size  }
0x9a: {  	s5 =	simm.s32 $_size__tile_overlayer_lowered;
	s6 =	simm.s32 $_tile_overlayer_lowered  }
0x9b: {  	s22 =	simm.s32 $0x1BFF;
	s21 =	sshll.u32 s6, $0x1;
	s3 =	sadd.s32 s4, s19  }
0x9c: {  	s7 =	simm.s32 $0x0;
	s20 =	sshll.u32 s5, $0x1;
	s5 =	sadd.s32 s21, s3  }
0x9d: {  	[timem:s7], [sflag:s22] =	dma.local [hbm:s5], s20  }
0x9e: {  	_ =	swait.ge [sflag:s22], s20  }
0x9f: {  	s4 =	ssub.s32 $0x0, s20;
	[sflag:s22] =	ssyncset.done $0x0  }
0xa0: {  	[sflag:s22] =	ssyncadd.s32 s4;
	_ =	sdelay $0x1  }
0xa1: {  	s23 =	simm.s32 $0x1B8B  }
0xa2: {  	_ =	swait.ge [sflag:s23], $0x1  }
0xa3: {  	[sflag:s23] =	ssyncset.done $0x0  }
0xa4: {  	s25 =	simm.s32 $0x1B8E;
	s24 =	sld [smem:$0x3FFE];
	[sflag:s23] =	ssyncadd.s32 $0xFFFFFFFF  }
0xa5: {  	s26 =	simm.s32 $execute0_lowered;
	[smem:$0x3FD2] =	sst s25  }
0xa6: {  	s5 =	sshll.u32 s26, $0x1;
	_ =	strace $0x80000049;
	[dreg:$0x1] =	wrdreg $0xFFFFFFFF  }
0xa7: {  	s28 =	simm.s32 $_size_execute0_lowered;
	s3 =	sadd.s32 s3, s5;
	[dreg:$0x0] =	wrdreg $0x0  }
0xa8: {  	s5 =	sshll.u32 s28, $0x1;
	[dreg:$0x2] =	wrdreg s3  }
0xa9: {  	[dreg:$0x3] =	wrdreg s5  }
0xaa: {  	[dreg:$0x4] =	wrdreg $0xC0  }
0xab: {  	_ =	task [dreg:s7], $0x5FFFF  }
0xac: {  	[dreg:$0x1] =	wrdreg $0xFFFFFFFF  }
0xad: {  	[dreg:$0x0] =	wrdreg $0x60  }
0xae: {  	[dreg:$0x2] =	wrdreg s24  }
0xaf: {  	[dreg:$0x3] =	wrdreg s2  }
0xb0: {  	[dreg:$0x4] =	wrdreg $0xC0000  }
0xb1: {  	[dreg:$0x5] =	wrdreg $0x9  }
0xb2: {  	_ =	task.clear_ibuf [dreg:s7], $0x6FFFF;
	_ =	strace $0x90000049  }
0xb3: {  	s29 =	simm.s32 $0x9;
	_ =	strace $0x8000004B  }
0xb4: {  	_ =	swait.ge [sflag:s29], $0x1  }
0xb5: {  	[sflag:s29] =	ssyncadd.s32 $0xFFFFFFFF  }
0xb6: {  	_ =	strace $0x9000004B  }
0xb7: {  	_ =	sfence  }
0xb8: {  	s30 =	sld [smem:$0x0];
	_ =	sdelay $0x2  }
0xb9: {  	s31 =	sshll.u32 s1, $0xD;
	s1 =	sshrl.u32 s1, $0x2  }
0xba: {  	s3 =	sand.u32 $0x4000, s31;
	s1 =	sadd.s32 s1, s30  }
0xbb: {  	s0 =	sor.u32 s3, s0;
	s1 =	sshll.u32 s1, $0x11  }
0xbc: {  	s0 =	sor.u32 s1, s0  }
0xbd: {  	s0 =	sadd.s32 $0x8F2B, s0  }
0xbe: {  	[sflag:s0] =	ssyncadd.remote.s32 $0x1  }
0xbf: {  	_ =	sfence.sel $0xFFFF  }
0xc0: {  	[dreg:$0x0] =	wrdreg $0xFFFFFFFF;
	(pc) =	sbr.abs _section_cstart, $3  }
0xc1: {  	[dreg:$0x1] =	wrdreg $0xFFFFFFFF  }
0xc2: {  	_ =	task.clear_ibuf [dreg:s7], $0x2FFFF;
	_ =	strace $0x9FFFFFFF  }
0xc3: {  	(tm) =	ssettm $0x7FFFFFFF  }
tec
execute0_lowered:
.L_overlay_start_1:
0x0: {  	(tag) =	ssettag $0x1  }
0x1: {  	s0 =	rddreg [dreg:$0x0]  }
0x2: {  	s3 =	rddreg [dreg:$0x1]  }
0x3: {  	s1 =	rddreg [dreg:$0x2];
	s2 =	simm.s32 $0x0  }
0x4: {  	s7 =	srdreg.scid;
	s28 =	simm.s32 $0x9800;
	s29 =	simm.s32 $0x2  }
0x5: {  	s30 =	simm.s32 $0x6;
	s31 =	simm.s32 $0x3;
	[smem:$0x7FF] =	sst s2  }
0x6: {  	s2 =	stileid.u32;
	s4 =	sadd.s32 $0x12200, s0;
	s5 =	sadd.s32 $0x2200, s0  }
0x7: {  	s6 =	sadd.s32 $0x22200, s0;
	s9 =	sand.u32 $0x1, s7;
	s13 =	sadd.s32 $0x181C00, s0  }
0x8: {  	_ =	strace $0x8000004A;
	s8 =	smul.u32 $0x2800, s2;
	s7 =	sshll.u32 s9, $0x12  }
0x9: {  	s10 =	sshll.u32 s2, $0xE;
	s12 =	ssub.s32 $0x2, s9;
	s16 =	smul.u32 $0x50000, s2  }
0xa: {  	s19 =	smul.u32 $0x14000, s2;
	p3 =	sne.s32 s9, $0x0;
	s7 =	sor.u32 s10, s7  }
0xb: {  	s14 =	sshrl.u32 s12, $0x1;
	p1 =	seq.s32 @p3 s2, $0xF;
	p4 =	seq.s32 @!p3 s2, $0xF  }
0xc: {  	s11 =	sadd.s32 s8, s0;
	s15 =	sshrl.u32 s7, $0x3;
	s14 =	ssub.s32 s12, s14  }
0xd: {  	s10 =	sshrl.u32 s16, $0x2;
	s12 =	sadd.s32 $0x12C000, s1;
	s0 =	sadd.s32 $0x180200, s0  }
0xe: {  	s20 =	sadd.s32 s3, s8;
	s3 =	sadd.s32 $0x25800, s3;
	p0 =	por !p1, !p3  }
0xf: {  	p1 =	por p1, !p3;
	p2 =	por !p4, p3;
	p3 =	por p4, p3  }
0x10: {  	p4 =	seq.s32 s2, $0xF;
	s8 =	simm.s32 $0x5;
	[dreg:$0x7] =	wrdreg s0  }
0x11: {  	s17 =	sadd.s32 s4, s15;
	s18 =	sadd.s32 s5, s15;
	[dreg:$0x8] =	wrdreg s20  }
0x12: {  	s10 =	sadd.s32 s10, s1;
	s11 =	sadd.s32 $0x15AA00, s11;
	[dreg:$0x9] =	wrdreg s3  }
0x13: {  	s21 =	sor.u32 $0x700, s15;
	s26 =	smax.u32 s14, $0x1;
	[dreg:$0x4] =	wrdreg s17  }
0x14: {  	s3 =	simm.s32 $0x8;
	[dreg:$0x5] =	wrdreg s18;
	s18 =	smul.u32 $0x138800, s9  }
0x15: {  	[dreg:$0x6] =	wrdreg s11;
	s16 =	sadd.s32 s4, s21;
	s17 =	sadd.s32 s5, s21  }
0x16: {  	[dreg:$0xc] =	wrdreg s26;
	s26 =	simm.s32 $0x7000;
	s21 =	simm.s32 $0x4  }
0x17: {  	s9 =	simm.s32 $0x9;
	s22 =	sadd.s32 s19, s18;
	s24 =	sshrl.u32 s18, $0x3  }
0x18: {  	s11 =	simm.s32 $0x0;
	s23 =	sshrl.u32 s22, $0x3;
	s25 =	sadd.s32 s13, s24  }
0x19: {  	s22 =	simm.s32 $0x1;
	s24 =	simm.s32 $0x2000;
	s0 =	sadd.s32 s13, s23  }
0x1a: {  	s23 =	simm.s32 $0x50;
	[dreg:$0xa] =	wrdreg s0;
	s0 =	sadd.s32 $0x25800, s25  }
0x1b: {  	s25 =	simm.s32 $0x4800;
	[dreg:$0xb] =	wrdreg s0;
	s0 =	simm.s32 $0x7  }
.LBB2_1:
0x1c: {  	s13 =	simm.s32 $0x0;
	s14 =	rddreg [dreg:$0x4]  }
0x1d: {  	[tilespmem:s13], [sflag:$0x1] =	stream.linear.gather [hbm4b:s14+s13], $0x800, $0x38;
	[tilespmem:$0x1F880] =	vst v63  }
0x1e: {  	s20 =	rddreg [dreg:$0x5];
	s15 =	simm.s32 $0x1000  }
0x1f: {  	[tilespmem:s15], [sflag:$0x1] =	stream.linear.gather [hbm4b:s20+s13], $0x800, $0x38;
	[tilespmem:$0x1F880] =	vst v63  }
0x20: {  	s14 =	simm.s32 @!p0 $0x1FCA;
	s13 =	sshrl.u32 @!p0 s12, $0x3;
	s15 =	rddreg [dreg:$0x7]  }
0x21: {  	[spmem:s13], [sflag:s14] =	dma.local @!p0 [hbm:s15], $0x1900  }
0x22: {  	s13 =	simm.s32 @!p0 $0xA  }
0x23: {  	_ =	swait.ge @!p0 [sflag:s13], $0x1900  }
0x24: {  	s14 =	sshll.u32 @!p1 s2, $0x6;
	[sflag:s13] =	ssyncset.done @!p0 $0x0;
	s15 =	rddreg [dreg:$0x6]  }
0x25: {  	[sflag:s13] =	ssyncadd.s32 @!p0 $0xFFFFE700;
	s13 =	sor.u32 @!p1 $0x1C0A, s14;
	s14 =	sshrl.u32 @!p1 s10, $0x3  }
0x26: {  	[spmem:s14], [sflag:s13] =	dma.local @!p1 [hbm:s15], $0x2800  }
0x27: {  	s13 =	simm.s32 @!p1 $0xA  }
0x28: {  	_ =	swait.ge @!p1 [sflag:s13], $0x2800  }
0x29: {  	s14 =	simm.s32 @!p2 $0x1FCA;
	[sflag:s13] =	ssyncset.done @!p1 $0x0  }
0x2a: {  	s15 =	rddreg [dreg:$0x9];
	[sflag:s13] =	ssyncadd.s32 @!p1 $0xFFFFD800;
	s13 =	sshrl.u32 @!p2 s12, $0x3  }
0x2b: {  	[spmem:s13], [sflag:s14] =	dma.local @!p2 [hbm:s15], $0x1900  }
0x2c: {  	s13 =	simm.s32 @!p2 $0xA  }
0x2d: {  	_ =	swait.ge @!p2 [sflag:s13], $0x1900  }
0x2e: {  	s14 =	sshll.u32 @!p3 s2, $0x6;
	[sflag:s13] =	ssyncset.done @!p2 $0x0;
	s15 =	rddreg [dreg:$0x8]  }
0x2f: {  	[sflag:s13] =	ssyncadd.s32 @!p2 $0xFFFFE700;
	s13 =	sor.u32 @!p3 $0x1C0A, s14;
	s14 =	sshrl.u32 @!p3 s10, $0x3  }
0x30: {  	[spmem:s14], [sflag:s13] =	dma.local @!p3 [hbm:s15], $0x2800  }
0x31: {  	s13 =	simm.s32 @!p3 $0xA  }
0x32: {  	_ =	swait.ge @!p3 [sflag:s13], $0x2800  }
0x33: {  	[sflag:s13] =	ssyncset.done @!p3 $0x0  }
0x34: {  	[sflag:s13] =	ssyncadd.s32 @!p3 $0xFFFFD800  }
0x35: {  	p5 =	por $0x0, $0x0;
	s13 =	simm.s32 $0x0;
	[bflag:$0x0] =	sbarrier.arrive $0xFFFF  }
.LBB2_2:
0x36: {  	s14 =	simm.s32 $0x1  }
0x37: {  	s14 =	simm.s32 @!p5 $0x0  }
0x38: {  	s14 =	sshll.u32 s14, $0xB  }
0x39: {  	_ =	swait.ge [sflag:s22], $0x800;
	s14 =	sor.u32 $0x20, s14  }
0x3a: {  	[sflag:s22] =	ssyncset.done $0x0;
	v0 =	vmov s14  }
0x3b: {  	[sflag:s22] =	ssyncadd.s32 $0xFFFFF800  }
0x3c: {  	_ =	swait.ge [sflag:s22], $0x800  }
0x3d: {  	[sflag:s22] =	ssyncset.done $0x0  }
0x3e: {  	s15 =	simm.s32 $0x0;
	[sflag:s22] =	ssyncadd.s32 $0xFFFFF800  }
0x3f: {  	v1 =	vld.idx.msk [tilespmem:v0+s15+$0xFFFFFFE0 ss:$0x1], $0xffff;
	_ =	sdelay $0x4  }
0x40: {  	v2 =	vshrl.u32 v1, $0xE  }
0x41: {  	v2 =	vmul.u32 $0x2710, v2  }
0x42: {  	v1 =	vand.u32 $0x3FFF, v1  }
0x43: {  	v1 =	vadd.s32 v1, v2  }
0x44: {  	[tilespmem:v0+s15+$0xFFFFFFE0 ss:$0x1] =	vst.idx.msk $0xffff, v1  }
0x45: {  	v1 =	vld.idx.msk [tilespmem:v0+s15+$0xFFFFFFF0 ss:$0x1], $0xffff;
	_ =	sdelay $0x4  }
0x46: {  	v2 =	vshrl.u32 v1, $0xE  }
0x47: {  	v2 =	vmul.u32 $0x2710, v2  }
0x48: {  	v1 =	vand.u32 $0x3FFF, v1  }
0x49: {  	v1 =	vadd.s32 v1, v2  }
0x4a: {  	[tilespmem:v0+s15+$0xFFFFFFF0 ss:$0x1] =	vst.idx.msk $0xffff, v1  }
0x4b: {  	v1 =	vld.idx.msk [tilespmem:v0+s15+$0x0 ss:$0x1], $0xffff;
	_ =	sdelay $0x4  }
0x4c: {  	v2 =	vshrl.u32 v1, $0xE  }
0x4d: {  	v2 =	vmul.u32 $0x2710, v2  }
0x4e: {  	v1 =	vand.u32 $0x3FFF, v1  }
0x4f: {  	v1 =	vadd.s32 v1, v2  }
0x50: {  	[tilespmem:v0+s15+$0x0 ss:$0x1] =	vst.idx.msk $0xffff, v1  }
0x51: {  	v1 =	vld.idx.msk [tilespmem:v0+s15+$0x10 ss:$0x1], $0xffff;
	_ =	sdelay $0x4  }
0x52: {  	v2 =	vshrl.u32 v1, $0xE  }
0x53: {  	v2 =	vmul.u32 $0x2710, v2  }
0x54: {  	v1 =	vand.u32 $0x3FFF, v1  }
0x55: {  	v1 =	vadd.s32 v1, v2  }
0x56: {  	[tilespmem:v0+s15+$0x10 ss:$0x1] =	vst.idx.msk $0xffff, v1  }
0x57: {  	s19 =	simm.s32 $0x80;
	v1 =	vld.idx.msk [tilespmem:v0+s15+$0x20 ss:$0x1], $0xffff  }
0x58: {  	v2 =	vld.idx.msk [tilespmem:v0+s19+$0xFFFFFFE0 ss:$0x1], $0xffff;
	_ =	sdelay $0x3  }
0x59: {  	v3 =	vshrl.u32 v1, $0xE  }
0x5a: {  	v4 =	vshrl.u32 v2, $0xE;
	v3 =	vmul.u32 $0x2710, v3  }
0x5b: {  	s20 =	sshll.u32 s13, $0x4;
	v5 =	vand.u32 $0x3FFF, v1;
	v1 =	vmul.u32 $0x2710, v4  }
0x5c: {  	s18 =	simm.s32 $0x400;
	s14 =	sand.u32 $0x10, s20;
	v2 =	vand.u32 $0x3FFF, v2;
	v3 =	vadd.s32 v5, v3  }
.LBB2_3:
0x5d: {  	p6 =	sne.s32 s18, $0x1E00;
	v1 =	vadd.s32 v2, v1;
	[tilespmem:v0+s15+$0x20 ss:$0x1] =	vst.idx.msk $0xffff, v3;
	s20 =	smov.u32 s18;
	s18 =	sadd.s32 $0x200, s18  }
0x5e: {  	s15 =	smov.u32 s19;
	[tilespmem:v0+s19+$0xFFFFFFE0 ss:$0x1] =	vst.idx.msk $0xffff, v1  }
0x5f: {  	v1 =	vld.idx.msk [tilespmem:v0+s15+$0xFFFFFFF0 ss:$0x1], $0xffff;
	_ =	sdelay $0x5  }
0x60: {  	v2 =	vshrl.u32 v1, $0xE  }
0x61: {  	v2 =	vmul.u32 $0x2710, v2  }
0x62: {  	v1 =	vand.u32 $0x3FFF, v1  }
0x63: {  	v1 =	vadd.s32 v1, v2  }
0x64: {  	[tilespmem:v0+s15+$0xFFFFFFF0 ss:$0x1] =	vst.idx.msk $0xffff, v1  }
0x65: {  	v1 =	vld.idx.msk [tilespmem:v0+s15+$0x0 ss:$0x1], $0xffff;
	_ =	sdelay $0x5  }
0x66: {  	v2 =	vshrl.u32 v1, $0xE  }
0x67: {  	v2 =	vmul.u32 $0x2710, v2  }
0x68: {  	v1 =	vand.u32 $0x3FFF, v1  }
0x69: {  	v1 =	vadd.s32 v1, v2  }
0x6a: {  	[tilespmem:v0+s15+$0x0 ss:$0x1] =	vst.idx.msk $0xffff, v1  }
0x6b: {  	v1 =	vld.idx.msk [tilespmem:v0+s15+$0x10 ss:$0x1], $0xffff;
	_ =	sdelay $0x5  }
0x6c: {  	v2 =	vshrl.u32 v1, $0xE  }
0x6d: {  	v2 =	vmul.u32 $0x2710, v2  }
0x6e: {  	v1 =	vand.u32 $0x3FFF, v1  }
0x6f: {  	v1 =	vadd.s32 v1, v2  }
0x70: {  	[tilespmem:v0+s15+$0x10 ss:$0x1] =	vst.idx.msk $0xffff, v1  }
0x71: {  	s19 =	sshra.s32 s20, $0x2;
	v2 =	vld.idx.msk [tilespmem:v0+s15+$0x20 ss:$0x1], $0xffff  }
0x72: {  	v3 =	vld.idx.msk [tilespmem:v0+s19+$0xFFFFFFE0 ss:$0x1], $0xffff;
	_ =	sdelay $0x3  }
.Ltmp0:
0x73: {  	(pc) =	sbr.rel @p6 .LBB2_3-.Ltmp0, $4  }
0x74: {  	v1 =	vshrl.u32 v2, $0xE  }
0x75: {  	v4 =	vshrl.u32 v3, $0xE;
	v5 =	vmul.u32 $0x2710, v1  }
0x76: {  	v1 =	vmul.u32 $0x2710, v4;
	v4 =	vand.u32 $0x3FFF, v2  }
0x77: {  	v2 =	vand.u32 $0x3FFF, v3;
	v3 =	vadd.s32 v4, v5  }
0x78: {  	_ =	sdelay $0x3  }
0x79: {  	v1 =	vadd.s32 v2, v1;
	[tilespmem:v0+s15+$0x20 ss:$0x1] =	vst.idx.msk $0xffff, v3  }
0x7a: {  	[tilespmem:v0+s19+$0xFFFFFFE0 ss:$0x1] =	vst.idx.msk $0xffff, v1  }
0x7b: {  	v1 =	vld.idx.msk [tilespmem:v0+s19+$0xFFFFFFF0 ss:$0x1], $0xffff;
	_ =	sdelay $0x4  }
0x7c: {  	v60 =	vshrl.u32 v1, $0xE  }
0x7d: {  	v2 =	vmul.u32 $0x2710, v60  }
0x7e: {  	v1 =	vand.u32 $0x3FFF, v1  }
0x7f: {  	v1 =	vadd.s32 v1, v2  }
0x80: {  	[tilespmem:v0+s19+$0xFFFFFFF0 ss:$0x1] =	vst.idx.msk $0xffff, v1  }
0x81: {  	v1 =	vld.idx.msk [tilespmem:v0+s19+$0x0 ss:$0x1], $0xffff;
	_ =	sdelay $0x4  }
0x82: {  	v61 =	vshrl.u32 v1, $0xE  }
0x83: {  	v2 =	vmul.u32 $0x2710, v61  }
0x84: {  	v1 =	vand.u32 $0x3FFF, v1  }
0x85: {  	v1 =	vadd.s32 v1, v2  }
0x86: {  	[tilespmem:v0+s19+$0x0 ss:$0x1] =	vst.idx.msk $0xffff, v1  }
0x87: {  	v1 =	vld.idx.msk [tilespmem:v0+s19+$0x10 ss:$0x1], $0xffff;
	_ =	sdelay $0x4  }
0x88: {  	v62 =	vshrl.u32 v1, $0xE  }
0x89: {  	v2 =	vmul.u32 $0x2710, v62  }
0x8a: {  	v1 =	vand.u32 $0x3FFF, v1  }
0x8b: {  	v1 =	vadd.s32 v1, v2  }
0x8c: {  	[tilespmem:v0+s19+$0x10 ss:$0x1] =	vst.idx.msk $0xffff, v1  }
0x8d: {  	v1 =	vld.idx.msk [tilespmem:v0+s19+$0x20 ss:$0x1], $0xffff;
	_ =	sdelay $0x4  }
0x8e: {  	v63 =	vshrl.u32 v1, $0xE  }
0x8f: {  	v2 =	vmul.u32 $0x2710, v63  }
0x90: {  	v1 =	vand.u32 $0x3FFF, v1  }
0x91: {  	p6 =	seq.s32 s13, $0x6;
	v1 =	vadd.s32 v1, v2  }
0x92: {  	s15 =	simm.s32 @p6 $0x0;
	s18 =	simm.s32 @p6 $0x800;
	[tilespmem:v0+s19+$0x20 ss:$0x1] =	vst.idx.msk $0xffff, v1  }
0x93: {  	[tilespmem:s18], [sflag:$0x1] =	stream.linear.gather @p6 [hbm4b:s16+s15], $0x680, $0x38;
	[tilespmem:$0x1F880] =	vst v63  }
0x94: {  	s18 =	simm.s32 @p6 $0x1800  }
0x95: {  	[tilespmem:s18], [sflag:$0x1] =	stream.linear.gather @p6 [hbm4b:s17+s15], $0x680, $0x38;
	[tilespmem:$0x1F880] =	vst v63  }
0x96: {  	s15 =	sshll.u32 @!p6 s13, $0xB  }
0x97: {  	s15 =	sadd.s32 @!p6 $0x800, s15  }
0x98: {  	s18 =	sadd.s32 @!p6 s7, s15  }
0x99: {  	s18 =	sshrl.u32 @!p6 s18, $0x3  }
0x9a: {  	s20 =	simm.s32 @!p6 $0x0;
	s15 =	sand.u32 @!p6 $0x800, s15;
	s19 =	sadd.s32 @!p6 s4, s18  }
0x9b: {  	[tilespmem:s15], [sflag:$0x1] =	stream.linear.gather @!p6 [hbm4b:s19+s20], $0x800, $0x38;
	[tilespmem:$0x1F880] =	vst v63  }
0x9c: {  	s18 =	sadd.s32 @!p6 s5, s18;
	s15 =	sor.u32 @!p6 $0x1000, s15  }
0x9d: {  	[tilespmem:s15], [sflag:$0x1] =	stream.linear.gather @!p6 [hbm4b:s18+s20], $0x800, $0x38;
	[tilespmem:$0x1F880] =	vst v63  }
0x9e: {  	s14 =	sshll.u32 s14, $0x7  }
0x9f: {  	[tilespmem:s24], [sflag:$0x2] =	stream.indirect.gather [hbm4b:s6+s23], $0x80, s14, s23, $0xb8;
	[tilespmem:$0x1F880] =	vst v63  }
0xa0: {  	s18 =	sor.u32 $0x80, s14  }
0xa1: {  	[tilespmem:s25], [sflag:$0x3] =	stream.indirect.gather [hbm4b:s6+s23], $0x80, s18, s23, $0xb8;
	[tilespmem:$0x1F880] =	vst v63  }
0xa2: {  	s19 =	sor.u32 $0x100, s14  }
0xa3: {  	[tilespmem:s26], [sflag:$0x4] =	stream.indirect.gather [hbm4b:s6+s23], $0x80, s19, s23, $0xb8;
	[tilespmem:$0x1F880] =	vst v63  }
0xa4: {  	s20 =	sor.u32 $0x180, s14  }
0xa5: {  	[tilespmem:s28], [sflag:$0x5] =	stream.indirect.gather [hbm4b:s6+s23], $0x80, s20, s23, $0xb8;
	[tilespmem:$0x1F880] =	vst v63  }
0xa6: {  	_ =	swait.ge [sflag:s29], $0x2800  }
0xa7: {  	[sflag:s29] =	ssyncset.done $0x0  }
0xa8: {  	s18 =	sor.u32 $0x1000, s14;
	[sflag:s29] =	ssyncadd.s32 $0xFFFFD800  }
0xa9: {  	[spmem:s1] =	stream.indirect.scatter.add.f32 [tilespmem:s24], [sflag:$0x6], $0x80, s18, s23, $0xb8;
	[tilespmem:$0x1F880] =	vst v63  }
0xaa: {  	_ =	swait.ge [sflag:s30], $0x2800  }
0xab: {  	[sflag:s30] =	ssyncset.done $0x0  }
0xac: {  	s19 =	sor.u32 $0x200, s14;
	[sflag:s30] =	ssyncadd.s32 $0xFFFFD800  }
0xad: {  	[tilespmem:s24], [sflag:$0x2] =	stream.indirect.gather [hbm4b:s6+s23], $0x80, s19, s23, $0xb8;
	[tilespmem:$0x1F880] =	vst v63  }
0xae: {  	_ =	swait.ge [sflag:s31], $0x2800  }
0xaf: {  	[sflag:s31] =	ssyncset.done $0x0  }
0xb0: {  	s20 =	sor.u32 $0x1080, s14;
	[sflag:s31] =	ssyncadd.s32 $0xFFFFD800  }
0xb1: {  	[spmem:s1] =	stream.indirect.scatter.add.f32 [tilespmem:s25], [sflag:$0x7], $0x80, s20, s23, $0xb8;
	[tilespmem:$0x1F880] =	vst v63  }
0xb2: {  	_ =	swait.ge [sflag:s0], $0x2800  }
0xb3: {  	[sflag:s0] =	ssyncset.done $0x0  }
0xb4: {  	s18 =	sor.u32 $0x280, s14;
	[sflag:s0] =	ssyncadd.s32 $0xFFFFD800  }
0xb5: {  	[tilespmem:s25], [sflag:$0x3] =	stream.indirect.gather [hbm4b:s6+s23], $0x80, s18, s23, $0xb8;
	[tilespmem:$0x1F880] =	vst v63  }
0xb6: {  	_ =	swait.ge [sflag:s21], $0x2800  }
0xb7: {  	[sflag:s21] =	ssyncset.done $0x0  }
0xb8: {  	s19 =	sor.u32 $0x1100, s14;
	[sflag:s21] =	ssyncadd.s32 $0xFFFFD800  }
0xb9: {  	[spmem:s1] =	stream.indirect.scatter.add.f32 [tilespmem:s26], [sflag:$0x8], $0x80, s19, s23, $0xb8;
	[tilespmem:$0x1F880] =	vst v63  }
0xba: {  	_ =	swait.ge [sflag:s3], $0x2800  }
0xbb: {  	[sflag:s3] =	ssyncset.done $0x0  }
0xbc: {  	s20 =	sor.u32 $0x300, s14;
	[sflag:s3] =	ssyncadd.s32 $0xFFFFD800  }
0xbd: {  	[tilespmem:s26], [sflag:$0x4] =	stream.indirect.gather [hbm4b:s6+s23], $0x80, s20, s23, $0xb8;
	[tilespmem:$0x1F880] =	vst v63  }
0xbe: {  	_ =	swait.ge [sflag:s8], $0x2800  }
0xbf: {  	[sflag:s8] =	ssyncset.done $0x0  }
0xc0: {  	s18 =	sor.u32 $0x1180, s14;
	[sflag:s8] =	ssyncadd.s32 $0xFFFFD800  }
0xc1: {  	[spmem:s1] =	stream.indirect.scatter.add.f32 [tilespmem:s28], [sflag:$0x9], $0x80, s18, s23, $0xb8;
	[tilespmem:$0x1F880] =	vst v63  }
0xc2: {  	_ =	swait.ge [sflag:s9], $0x2800  }
0xc3: {  	[sflag:s9] =	ssyncset.done $0x0  }
0xc4: {  	s19 =	sor.u32 $0x380, s14;
	[sflag:s9] =	ssyncadd.s32 $0xFFFFD800  }
0xc5: {  	[tilespmem:s28], [sflag:$0x5] =	stream.indirect.gather [hbm4b:s6+s23], $0x80, s19, s23, $0xb8;
	[tilespmem:$0x1F880] =	vst v63  }
0xc6: {  	_ =	swait.ge [sflag:s29], $0x2800  }
0xc7: {  	[sflag:s29] =	ssyncset.done $0x0  }
0xc8: {  	s20 =	sor.u32 $0x1200, s14;
	[sflag:s29] =	ssyncadd.s32 $0xFFFFD800  }
0xc9: {  	[spmem:s1] =	stream.indirect.scatter.add.f32 [tilespmem:s24], [sflag:$0x6], $0x80, s20, s23, $0xb8;
	[tilespmem:$0x1F880] =	vst v63  }
0xca: {  	_ =	swait.ge [sflag:s30], $0x2800  }
0xcb: {  	[sflag:s30] =	ssyncset.done $0x0  }
0xcc: {  	s18 =	sor.u32 $0x400, s14;
	[sflag:s30] =	ssyncadd.s32 $0xFFFFD800  }
0xcd: {  	[tilespmem:s24], [sflag:$0x2] =	stream.indirect.gather [hbm4b:s6+s23], $0x80, s18, s23, $0xb8;
	[tilespmem:$0x1F880] =	vst v63  }
0xce: {  	_ =	swait.ge [sflag:s31], $0x2800  }
0xcf: {  	[sflag:s31] =	ssyncset.done $0x0  }
0xd0: {  	s19 =	sor.u32 $0x1280, s14;
	[sflag:s31] =	ssyncadd.s32 $0xFFFFD800  }
0xd1: {  	[spmem:s1] =	stream.indirect.scatter.add.f32 [tilespmem:s25], [sflag:$0x7], $0x80, s19, s23, $0xb8;
	[tilespmem:$0x1F880] =	vst v63  }
0xd2: {  	_ =	swait.ge [sflag:s0], $0x2800  }
0xd3: {  	[sflag:s0] =	ssyncset.done $0x0  }
0xd4: {  	s20 =	sor.u32 $0x480, s14;
	[sflag:s0] =	ssyncadd.s32 $0xFFFFD800  }
0xd5: {  	[tilespmem:s25], [sflag:$0x3] =	stream.indirect.gather [hbm4b:s6+s23], $0x80, s20, s23, $0xb8;
	[tilespmem:$0x1F880] =	vst v63  }
0xd6: {  	_ =	swait.ge [sflag:s21], $0x2800  }
0xd7: {  	[sflag:s21] =	ssyncset.done $0x0  }
0xd8: {  	s18 =	sor.u32 $0x1300, s14;
	[sflag:s21] =	ssyncadd.s32 $0xFFFFD800  }
0xd9: {  	[spmem:s1] =	stream.indirect.scatter.add.f32 [tilespmem:s26], [sflag:$0x8], $0x80, s18, s23, $0xb8;
	[tilespmem:$0x1F880] =	vst v63  }
0xda: {  	_ =	swait.ge [sflag:s3], $0x2800  }
0xdb: {  	[sflag:s3] =	ssyncset.done $0x0  }
0xdc: {  	s19 =	sor.u32 $0x500, s14;
	[sflag:s3] =	ssyncadd.s32 $0xFFFFD800  }
0xdd: {  	[tilespmem:s26], [sflag:$0x4] =	stream.indirect.gather [hbm4b:s6+s23], $0x80, s19, s23, $0xb8;
	[tilespmem:$0x1F880] =	vst v63  }
0xde: {  	_ =	swait.ge [sflag:s8], $0x2800  }
0xdf: {  	[sflag:s8] =	ssyncset.done $0x0  }
0xe0: {  	s20 =	sor.u32 $0x1380, s14;
	[sflag:s8] =	ssyncadd.s32 $0xFFFFD800  }
0xe1: {  	[spmem:s1] =	stream.indirect.scatter.add.f32 [tilespmem:s28], [sflag:$0x9], $0x80, s20, s23, $0xb8;
	[tilespmem:$0x1F880] =	vst v63  }
0xe2: {  	_ =	swait.ge [sflag:s9], $0x2800  }
0xe3: {  	[sflag:s9] =	ssyncset.done $0x0  }
0xe4: {  	s18 =	sor.u32 $0x580, s14;
	[sflag:s9] =	ssyncadd.s32 $0xFFFFD800  }
0xe5: {  	[tilespmem:s28], [sflag:$0x5] =	stream.indirect.gather [hbm4b:s6+s23], $0x80, s18, s23, $0xb8;
	[tilespmem:$0x1F880] =	vst v63  }
0xe6: {  	_ =	swait.ge [sflag:s29], $0x2800  }
0xe7: {  	[sflag:s29] =	ssyncset.done $0x0  }
0xe8: {  	s19 =	sor.u32 $0x1400, s14;
	[sflag:s29] =	ssyncadd.s32 $0xFFFFD800  }
0xe9: {  	[spmem:s1] =	stream.indirect.scatter.add.f32 [tilespmem:s24], [sflag:$0x6], $0x80, s19, s23, $0xb8;
	[tilespmem:$0x1F880] =	vst v63  }
0xea: {  	_ =	swait.ge [sflag:s30], $0x2800  }
0xeb: {  	[sflag:s30] =	ssyncset.done $0x0  }
0xec: {  	s20 =	sor.u32 $0x600, s14;
	[sflag:s30] =	ssyncadd.s32 $0xFFFFD800  }
0xed: {  	[tilespmem:s24], [sflag:$0x2] =	stream.indirect.gather [hbm4b:s6+s23], $0x80, s20, s23, $0xb8;
	[tilespmem:$0x1F880] =	vst v63  }
0xee: {  	_ =	swait.ge [sflag:s31], $0x2800  }
0xef: {  	[sflag:s31] =	ssyncset.done $0x0  }
0xf0: {  	s18 =	sor.u32 $0x1480, s14;
	[sflag:s31] =	ssyncadd.s32 $0xFFFFD800  }
0xf1: {  	[spmem:s1] =	stream.indirect.scatter.add.f32 [tilespmem:s25], [sflag:$0x7], $0x80, s18, s23, $0xb8;
	[tilespmem:$0x1F880] =	vst v63  }
0xf2: {  	_ =	swait.ge [sflag:s0], $0x2800  }
0xf3: {  	[sflag:s0] =	ssyncset.done $0x0  }
0xf4: {  	s19 =	sor.u32 $0x680, s14;
	[sflag:s0] =	ssyncadd.s32 $0xFFFFD800  }
0xf5: {  	[tilespmem:s25], [sflag:$0x3] =	stream.indirect.gather [hbm4b:s6+s23], $0x80, s19, s23, $0xb8;
	[tilespmem:$0x1F880] =	vst v63  }
0xf6: {  	_ =	swait.ge [sflag:s21], $0x2800  }
0xf7: {  	[sflag:s21] =	ssyncset.done $0x0  }
0xf8: {  	s20 =	sor.u32 $0x1500, s14;
	[sflag:s21] =	ssyncadd.s32 $0xFFFFD800  }
0xf9: {  	[spmem:s1] =	stream.indirect.scatter.add.f32 [tilespmem:s26], [sflag:$0x8], $0x80, s20, s23, $0xb8;
	[tilespmem:$0x1F880] =	vst v63  }
0xfa: {  	_ =	swait.ge [sflag:s3], $0x2800  }
0xfb: {  	[sflag:s3] =	ssyncset.done $0x0  }
0xfc: {  	s18 =	sor.u32 $0x700, s14;
	[sflag:s3] =	ssyncadd.s32 $0xFFFFD800  }
0xfd: {  	[tilespmem:s26], [sflag:$0x4] =	stream.indirect.gather [hbm4b:s6+s23], $0x80, s18, s23, $0xb8;
	[tilespmem:$0x1F880] =	vst v63  }
0xfe: {  	_ =	swait.ge [sflag:s8], $0x2800  }
0xff: {  	[sflag:s8] =	ssyncset.done $0x0  }
0x100: {  	s19 =	sor.u32 $0x1580, s14;
	[sflag:s8] =	ssyncadd.s32 $0xFFFFD800  }
0x101: {  	[spmem:s1] =	stream.indirect.scatter.add.f32 [tilespmem:s28], [sflag:$0x9], $0x80, s19, s23, $0xb8;
	[tilespmem:$0x1F880] =	vst v63  }
0x102: {  	_ =	swait.ge [sflag:s9], $0x2800  }
0x103: {  	[sflag:s9] =	ssyncset.done $0x0  }
0x104: {  	s20 =	sor.u32 $0x780, s14;
	[sflag:s9] =	ssyncadd.s32 $0xFFFFD800  }
0x105: {  	[tilespmem:s28], [sflag:$0x5] =	stream.indirect.gather [hbm4b:s6+s23], $0x80, s20, s23, $0xb8;
	[tilespmem:$0x1F880] =	vst v63  }
0x106: {  	_ =	swait.ge [sflag:s29], $0x2800  }
0x107: {  	[sflag:s29] =	ssyncset.done $0x0  }
0x108: {  	s18 =	sor.u32 $0x1600, s14;
	[sflag:s29] =	ssyncadd.s32 $0xFFFFD800  }
0x109: {  	[spmem:s1] =	stream.indirect.scatter.add.f32 [tilespmem:s24], [sflag:$0x6], $0x80, s18, s23, $0xb8;
	[tilespmem:$0x1F880] =	vst v63  }
0x10a: {  	_ =	swait.ge [sflag:s31], $0x2800  }
0x10b: {  	[sflag:s31] =	ssyncset.done $0x0  }
0x10c: {  	s19 =	sor.u32 $0x1680, s14;
	[sflag:s31] =	ssyncadd.s32 $0xFFFFD800  }
0x10d: {  	[spmem:s1] =	stream.indirect.scatter.add.f32 [tilespmem:s25], [sflag:$0x7], $0x80, s19, s23, $0xb8;
	[tilespmem:$0x1F880] =	vst v63  }
0x10e: {  	_ =	swait.ge [sflag:s21], $0x2800  }
0x10f: {  	[sflag:s21] =	ssyncset.done $0x0  }
0x110: {  	s20 =	sor.u32 $0x1700, s14;
	[sflag:s21] =	ssyncadd.s32 $0xFFFFD800  }
0x111: {  	[spmem:s1] =	stream.indirect.scatter.add.f32 [tilespmem:s26], [sflag:$0x8], $0x80, s20, s23, $0xb8;
	[tilespmem:$0x1F880] =	vst v63  }
0x112: {  	_ =	swait.ge [sflag:s8], $0x2800  }
0x113: {  	[sflag:s8] =	ssyncset.done $0x0  }
0x114: {  	s14 =	sor.u32 $0x1780, s14;
	[sflag:s8] =	ssyncadd.s32 $0xFFFFD800  }
0x115: {  	[spmem:s1] =	stream.indirect.scatter.add.f32 [tilespmem:s28], [sflag:$0x9], $0x80, s14, s23, $0xb8;
	[tilespmem:$0x1F880] =	vst v63  }
0x116: {  	_ =	swait.ge [sflag:s30], $0x2800  }
0x117: {  	[sflag:s30] =	ssyncset.done $0x0  }
0x118: {  	[sflag:s30] =	ssyncadd.s32 $0xFFFFD800  }
0x119: {  	_ =	swait.ge [sflag:s0], $0x2800  }
0x11a: {  	[sflag:s0] =	ssyncset.done $0x0  }
0x11b: {  	s13 =	sadd.s32 $0x1, s13;
	[sflag:s0] =	ssyncadd.s32 $0xFFFFD800  }
0x11c: {  	p6 =	sne.s32 s13, $0x7;
	_ =	swait.ge [sflag:s3], $0x2800  }
.Ltmp1:
0x11d: {  	[sflag:s3] =	ssyncset.done $0x0;
	(pc) =	sbr.rel @p6 .LBB2_2-.Ltmp1, $4  }
0x11e: {  	[sflag:s3] =	ssyncadd.s32 $0xFFFFD800  }
0x11f: {  	_ =	swait.ge [sflag:s9], $0x2800  }
0x120: {  	[sflag:s9] =	ssyncset.done $0x0  }
0x121: {  	p5 =	por !p5, !p5;
	[sflag:s9] =	ssyncadd.s32 $0xFFFFD800  }
0x122: {  	_ =	swait.ge [sflag:s22], $0x680  }
0x123: {  	[sflag:s22] =	ssyncset.done $0x0  }
0x124: {  	[sflag:s22] =	ssyncadd.s32 $0xFFFFF980  }
0x125: {  	_ =	swait.ge [sflag:s22], $0x680  }
0x126: {  	[sflag:s22] =	ssyncset.done $0x0  }
0x127: {  	s13 =	simm.s32 $0x0;
	[sflag:s22] =	ssyncadd.s32 $0xFFFFF980  }
0x128: {  	v1 =	vld [tilespmem:s13+$0x840]  }
0x129: {  	v2 =	vld [tilespmem:s13+$0x830];
	_ =	sdelay $0x2  }
0x12a: {  	v4 =	vld [tilespmem:s13+$0x810]  }
0x12b: {  	v0 =	vld [tilespmem:s13+$0x800]  }
0x12c: {  	v5 =	vshrl.u32 v1, $0xE;
	v7 =	vand.u32 $0x3FFF, v1;
	v1 =	vshrl.u32 v2, $0xE  }
0x12d: {  	v8 =	vmul.u32 $0x2710, v5;
	v5 =	vmul.u32 $0x2710, v1;
	v1 =	vld [tilespmem:s13+$0x820];
	_ =	sdelay $0x1  }
0x12e: {  	v3 =	vand.u32 $0x3FFF, v2;
	v9 =	vshrl.u32 v4, $0xE;
	v2 =	vand.u32 $0x3FFF, v4  }
0x12f: {  	s15 =	simm.s32 $0x200;
	s14 =	simm.s32 $0x400;
	v6 =	vshrl.u32 v0, $0xE;
	v4 =	vmul.u32 $0x2710, v9;
	v7 =	vadd.s32 v7, v8  }
.LBB2_6:
0x130: {  	p5 =	sne.s32 s14, $0x1800  }
0x131: {  	s18 =	sshra.s32 s15, $0x2;
	v6 =	vmul.u32 $0x2710, v6;
	v8 =	vshrl.u32 v1, $0xE;
	v3 =	vadd.s32 v3, v5;
	[tilespmem:s13+$0x840] =	vst v7;
	s15 =	smov.u32 s14;
	s14 =	sadd.s32 $0x200, s14  }
0x132: {  	v0 =	vand.u32 $0x3FFF, v0;
	v5 =	vld [tilespmem:s18+$0x840];
	v2 =	vadd.s32 v2, v4;
	v4 =	vmul.u32 $0x2710, v8;
	[tilespmem:s13+$0x830] =	vst v3  }
0x133: {  	v1 =	vand.u32 $0x3FFF, v1;
	v3 =	vld [tilespmem:s18+$0x830];
	v0 =	vadd.s32 v0, v6;
	[tilespmem:s13+$0x810] =	vst v2  }
0x134: {  	v2 =	vld [tilespmem:s18+$0x810];
	[tilespmem:s13+$0x800] =	vst v0;
	v1 =	vadd.s32 v1, v4  }
0x135: {  	v0 =	vld [tilespmem:s18+$0x800];
	[tilespmem:s13+$0x820] =	vst v1;
	s13 =	smov.u32 s18  }
.Ltmp2:
0x136: {  	v1 =	vld [tilespmem:s13+$0x820];
	(pc) =	sbr.rel @p5 .LBB2_6-.Ltmp2, $4  }
0x137: {  	v4 =	vshrl.u32 v5, $0xE;
	v7 =	vand.u32 $0x3FFF, v5  }
0x138: {  	v5 =	vshrl.u32 v3, $0xE;
	v3 =	vand.u32 $0x3FFF, v3;
	v8 =	vmul.u32 $0x2710, v4  }
0x139: {  	v4 =	vshrl.u32 v2, $0xE;
	v2 =	vand.u32 $0x3FFF, v2;
	v5 =	vmul.u32 $0x2710, v5  }
0x13a: {  	v6 =	vshrl.u32 v0, $0xE;
	v4 =	vmul.u32 $0x2710, v4;
	v7 =	vadd.s32 v7, v8  }
0x13b: {  	s14 =	sshra.s32 s15, $0x2;
	[tilespmem:s13+$0x840] =	vst v7;
	v3 =	vadd.s32 v3, v5;
	v49 =	vmul.u32 $0x2710, v6;
	v51 =	vshrl.u32 v1, $0xE  }
0x13c: {  	v0 =	vand.u32 $0x3FFF, v0;
	v48 =	vld [tilespmem:s14+$0x840];
	[tilespmem:s13+$0x830] =	vst v3;
	v2 =	vadd.s32 v2, v4;
	v52 =	vmul.u32 $0x2710, v51  }
0x13d: {  	v54 =	vand.u32 $0x3FFF, v1;
	v50 =	vld [tilespmem:s14+$0x830];
	[tilespmem:s13+$0x810] =	vst v2;
	v0 =	vadd.s32 v0, v49  }
0x13e: {  	v53 =	vld [tilespmem:s14+$0x810];
	[tilespmem:s13+$0x800] =	vst v0;
	v55 =	vadd.s32 v54, v52  }
0x13f: {  	v56 =	vld [tilespmem:s14+$0x800];
	[tilespmem:s13+$0x820] =	vst v55  }
0x140: {  	v0 =	vld [tilespmem:s14+$0x820]  }
0x141: {  	v57 =	vshrl.u32 v48, $0xE;
	v5 =	vand.u32 $0x3FFF, v48  }
0x142: {  	v58 =	vshrl.u32 v50, $0xE;
	v4 =	vand.u32 $0x3FFF, v50;
	v2 =	vmul.u32 $0x2710, v57  }
0x143: {  	v59 =	vshrl.u32 v53, $0xE;
	v3 =	vand.u32 $0x3FFF, v53;
	v6 =	vmul.u32 $0x2710, v58  }
0x144: {  	v8 =	vshrl.u32 v56, $0xE;
	v7 =	vmul.u32 $0x2710, v59;
	v2 =	vadd.s32 v5, v2  }
0x145: {  	v60 =	vmul.u32 $0x2710, v8;
	v61 =	vshrl.u32 v0, $0xE;
	v4 =	vadd.s32 v4, v6;
	[tilespmem:s14+$0x840] =	vst v2  }
0x146: {  	v1 =	vand.u32 $0x3FFF, v56;
	v62 =	vadd.s32 v3, v7;
	v63 =	vmul.u32 $0x2710, v61;
	[tilespmem:s14+$0x830] =	vst v4  }
0x147: {  	v0 =	vand.u32 $0x3FFF, v0;
	v1 =	vadd.s32 v1, v60;
	[tilespmem:s14+$0x810] =	vst v62  }
0x148: {  	[tilespmem:s14+$0x800] =	vst v1;
	v0 =	vadd.s32 v0, v63  }
0x149: {  	s19 =	simm.s32 $0x800;
	[tilespmem:s14+$0x820] =	vst v0  }
0x14a: {  	[tilespmem:s24], [sflag:$0x2] =	stream.indirect.gather [hbm4b:s6+s23], $0x80, s19, s23, $0xb8;
	[tilespmem:$0x1F880] =	vst v63  }
0x14b: {  	s20 =	simm.s32 $0x880  }
0x14c: {  	[tilespmem:s25], [sflag:$0x3] =	stream.indirect.gather [hbm4b:s6+s23], $0x80, s20, s23, $0xb8;
	[tilespmem:$0x1F880] =	vst v63  }
0x14d: {  	s14 =	simm.s32 $0x900  }
0x14e: {  	[tilespmem:s26], [sflag:$0x4] =	stream.indirect.gather [hbm4b:s6+s23], $0x80, s14, s23, $0xb8;
	[tilespmem:$0x1F880] =	vst v63  }
0x14f: {  	s15 =	simm.s32 $0x980  }
0x150: {  	[tilespmem:s28], [sflag:$0x5] =	stream.indirect.gather [hbm4b:s6+s23], $0x80, s15, s23, $0xb8;
	[tilespmem:$0x1F880] =	vst v63  }
0x151: {  	_ =	swait.ge [sflag:s29], $0x2800  }
0x152: {  	[sflag:s29] =	ssyncset.done $0x0  }
0x153: {  	s18 =	simm.s32 $0x1800;
	[sflag:s29] =	ssyncadd.s32 $0xFFFFD800  }
0x154: {  	[spmem:s1] =	stream.indirect.scatter.add.f32 [tilespmem:s24], [sflag:$0x6], $0x80, s18, s23, $0xb8;
	[tilespmem:$0x1F880] =	vst v63  }
0x155: {  	_ =	swait.ge [sflag:s30], $0x2800  }
0x156: {  	[sflag:s30] =	ssyncset.done $0x0  }
0x157: {  	s19 =	simm.s32 $0xA00;
	[sflag:s30] =	ssyncadd.s32 $0xFFFFD800  }
0x158: {  	[tilespmem:s24], [sflag:$0x2] =	stream.indirect.gather [hbm4b:s6+s23], $0x80, s19, s23, $0xb8;
	[tilespmem:$0x1F880] =	vst v63  }
0x159: {  	_ =	swait.ge [sflag:s31], $0x2800  }
0x15a: {  	[sflag:s31] =	ssyncset.done $0x0  }
0x15b: {  	s20 =	simm.s32 $0x1880;
	[sflag:s31] =	ssyncadd.s32 $0xFFFFD800  }
0x15c: {  	[spmem:s1] =	stream.indirect.scatter.add.f32 [tilespmem:s25], [sflag:$0x7], $0x80, s20, s23, $0xb8;
	[tilespmem:$0x1F880] =	vst v63  }
0x15d: {  	_ =	swait.ge [sflag:s0], $0x2800  }
0x15e: {  	[sflag:s0] =	ssyncset.done $0x0  }
0x15f: {  	s14 =	simm.s32 $0xA80;
	[sflag:s0] =	ssyncadd.s32 $0xFFFFD800  }
0x160: {  	[tilespmem:s25], [sflag:$0x3] =	stream.indirect.gather [hbm4b:s6+s23], $0x80, s14, s23, $0xb8;
	[tilespmem:$0x1F880] =	vst v63  }
0x161: {  	_ =	swait.ge [sflag:s21], $0x2800  }
0x162: {  	[sflag:s21] =	ssyncset.done $0x0  }
0x163: {  	s15 =	simm.s32 $0x1900;
	[sflag:s21] =	ssyncadd.s32 $0xFFFFD800  }
0x164: {  	[spmem:s1] =	stream.indirect.scatter.add.f32 [tilespmem:s26], [sflag:$0x8], $0x80, s15, s23, $0xb8;
	[tilespmem:$0x1F880] =	vst v63  }
0x165: {  	_ =	swait.ge [sflag:s3], $0x2800  }
0x166: {  	[sflag:s3] =	ssyncset.done $0x0  }
0x167: {  	s18 =	simm.s32 $0xB00;
	[sflag:s3] =	ssyncadd.s32 $0xFFFFD800  }
0x168: {  	[tilespmem:s26], [sflag:$0x4] =	stream.indirect.gather [hbm4b:s6+s23], $0x80, s18, s23, $0xb8;
	[tilespmem:$0x1F880] =	vst v63  }
0x169: {  	_ =	swait.ge [sflag:s8], $0x2800  }
0x16a: {  	[sflag:s8] =	ssyncset.done $0x0  }
0x16b: {  	s19 =	simm.s32 $0x1980;
	[sflag:s8] =	ssyncadd.s32 $0xFFFFD800  }
0x16c: {  	[spmem:s1] =	stream.indirect.scatter.add.f32 [tilespmem:s28], [sflag:$0x9], $0x80, s19, s23, $0xb8;
	[tilespmem:$0x1F880] =	vst v63  }
0x16d: {  	_ =	swait.ge [sflag:s9], $0x2800  }
0x16e: {  	[sflag:s9] =	ssyncset.done $0x0  }
0x16f: {  	s20 =	simm.s32 $0xB80;
	[sflag:s9] =	ssyncadd.s32 $0xFFFFD800  }
0x170: {  	[tilespmem:s28], [sflag:$0x5] =	stream.indirect.gather [hbm4b:s6+s23], $0x80, s20, s23, $0xb8;
	[tilespmem:$0x1F880] =	vst v63  }
0x171: {  	_ =	swait.ge [sflag:s29], $0x2800  }
0x172: {  	[sflag:s29] =	ssyncset.done $0x0  }
0x173: {  	s14 =	simm.s32 $0x1A00;
	[sflag:s29] =	ssyncadd.s32 $0xFFFFD800  }
0x174: {  	[spmem:s1] =	stream.indirect.scatter.add.f32 [tilespmem:s24], [sflag:$0x6], $0x80, s14, s23, $0xb8;
	[tilespmem:$0x1F880] =	vst v63  }
0x175: {  	_ =	swait.ge [sflag:s30], $0x2800  }
0x176: {  	[sflag:s30] =	ssyncset.done $0x0  }
0x177: {  	s15 =	simm.s32 $0xC00;
	[sflag:s30] =	ssyncadd.s32 $0xFFFFD800  }
0x178: {  	[tilespmem:s24], [sflag:$0x2] =	stream.indirect.gather [hbm4b:s6+s23], $0x80, s15, s23, $0xb8;
	[tilespmem:$0x1F880] =	vst v63  }
0x179: {  	_ =	swait.ge [sflag:s31], $0x2800  }
0x17a: {  	[sflag:s31] =	ssyncset.done $0x0  }
0x17b: {  	s18 =	simm.s32 $0x1A80;
	[sflag:s31] =	ssyncadd.s32 $0xFFFFD800  }
0x17c: {  	[spmem:s1] =	stream.indirect.scatter.add.f32 [tilespmem:s25], [sflag:$0x7], $0x80, s18, s23, $0xb8;
	[tilespmem:$0x1F880] =	vst v63  }
0x17d: {  	_ =	swait.ge [sflag:s0], $0x2800  }
0x17e: {  	[sflag:s0] =	ssyncset.done $0x0  }
0x17f: {  	s19 =	simm.s32 $0xC80;
	[sflag:s0] =	ssyncadd.s32 $0xFFFFD800  }
0x180: {  	[tilespmem:s25], [sflag:$0x3] =	stream.indirect.gather [hbm4b:s6+s23], $0x80, s19, s23, $0xb8;
	[tilespmem:$0x1F880] =	vst v63  }
0x181: {  	_ =	swait.ge [sflag:s21], $0x2800  }
0x182: {  	[sflag:s21] =	ssyncset.done $0x0  }
0x183: {  	s20 =	simm.s32 $0x1B00;
	[sflag:s21] =	ssyncadd.s32 $0xFFFFD800  }
0x184: {  	[spmem:s1] =	stream.indirect.scatter.add.f32 [tilespmem:s26], [sflag:$0x8], $0x80, s20, s23, $0xb8;
	[tilespmem:$0x1F880] =	vst v63  }
0x185: {  	_ =	swait.ge [sflag:s3], $0x2800  }
0x186: {  	[sflag:s3] =	ssyncset.done $0x0  }
0x187: {  	s14 =	simm.s32 $0xD00;
	[sflag:s3] =	ssyncadd.s32 $0xFFFFD800  }
0x188: {  	[tilespmem:s26], [sflag:$0x4] =	stream.indirect.gather [hbm4b:s6+s23], $0x80, s14, s23, $0xb8;
	[tilespmem:$0x1F880] =	vst v63  }
0x189: {  	_ =	swait.ge [sflag:s8], $0x2800  }
0x18a: {  	[sflag:s8] =	ssyncset.done $0x0  }
0x18b: {  	s15 =	simm.s32 $0x1B80;
	[sflag:s8] =	ssyncadd.s32 $0xFFFFD800  }
0x18c: {  	[spmem:s1] =	stream.indirect.scatter.add.f32 [tilespmem:s28], [sflag:$0x9], $0x80, s15, s23, $0xb8;
	[tilespmem:$0x1F880] =	vst v63  }
0x18d: {  	_ =	swait.ge [sflag:s9], $0x2800  }
0x18e: {  	[sflag:s9] =	ssyncset.done $0x0  }
0x18f: {  	s18 =	simm.s32 $0xD80;
	[sflag:s9] =	ssyncadd.s32 $0xFFFFD800  }
0x190: {  	[tilespmem:s28], [sflag:$0x5] =	stream.indirect.gather [hbm4b:s6+s23], $0x80, s18, s23, $0xb8;
	[tilespmem:$0x1F880] =	vst v63  }
0x191: {  	_ =	swait.ge [sflag:s29], $0x2800  }
0x192: {  	[sflag:s29] =	ssyncset.done $0x0  }
0x193: {  	s19 =	simm.s32 $0x1C00;
	[sflag:s29] =	ssyncadd.s32 $0xFFFFD800  }
0x194: {  	[spmem:s1] =	stream.indirect.scatter.add.f32 [tilespmem:s24], [sflag:$0x6], $0x80, s19, s23, $0xb8;
	[tilespmem:$0x1F880] =	vst v63  }
0x195: {  	_ =	swait.ge [sflag:s30], $0x2800  }
0x196: {  	[sflag:s30] =	ssyncset.done $0x0  }
0x197: {  	s20 =	simm.s32 $0xE00;
	[sflag:s30] =	ssyncadd.s32 $0xFFFFD800  }
0x198: {  	[tilespmem:s24], [sflag:$0x2] =	stream.indirect.gather [hbm4b:s6+s23], $0x80, s20, s23, $0xb8;
	[tilespmem:$0x1F880] =	vst v63  }
0x199: {  	_ =	swait.ge [sflag:s31], $0x2800  }
0x19a: {  	[sflag:s31] =	ssyncset.done $0x0  }
0x19b: {  	s14 =	simm.s32 $0x1C80;
	[sflag:s31] =	ssyncadd.s32 $0xFFFFD800  }
0x19c: {  	[spmem:s1] =	stream.indirect.scatter.add.f32 [tilespmem:s25], [sflag:$0x7], $0x80, s14, s23, $0xb8;
	[tilespmem:$0x1F880] =	vst v63  }
0x19d: {  	_ =	swait.ge [sflag:s21], $0x2800  }
0x19e: {  	[sflag:s21] =	ssyncset.done $0x0  }
0x19f: {  	s15 =	simm.s32 $0x1D00;
	[sflag:s21] =	ssyncadd.s32 $0xFFFFD800  }
0x1a0: {  	[spmem:s1] =	stream.indirect.scatter.add.f32 [tilespmem:s26], [sflag:$0x8], $0x80, s15, s23, $0xb8;
	[tilespmem:$0x1F880] =	vst v63  }
0x1a1: {  	_ =	swait.ge [sflag:s8], $0x2800  }
0x1a2: {  	[sflag:s8] =	ssyncset.done $0x0  }
0x1a3: {  	s18 =	simm.s32 $0x1D80;
	[sflag:s8] =	ssyncadd.s32 $0xFFFFD800  }
0x1a4: {  	[spmem:s1] =	stream.indirect.scatter.add.f32 [tilespmem:s28], [sflag:$0x9], $0x80, s18, s23, $0xb8;
	[tilespmem:$0x1F880] =	vst v63  }
0x1a5: {  	_ =	swait.ge [sflag:s29], $0x2800  }
0x1a6: {  	[sflag:s29] =	ssyncset.done $0x0  }
0x1a7: {  	s19 =	simm.s32 $0x1E00;
	[sflag:s29] =	ssyncadd.s32 $0xFFFFD800  }
0x1a8: {  	[spmem:s1] =	stream.indirect.scatter.add.f32 [tilespmem:s24], [sflag:$0x6], $0x80, s19, s23, $0xb8;
	[tilespmem:$0x1F880] =	vst v63  }
0x1a9: {  	_ =	swait.ge [sflag:s0], $0x2800  }
0x1aa: {  	[sflag:s0] =	ssyncset.done $0x0  }
0x1ab: {  	[sflag:s0] =	ssyncadd.s32 $0xFFFFD800  }
0x1ac: {  	_ =	swait.ge [sflag:s3], $0x2800  }
0x1ad: {  	[sflag:s3] =	ssyncset.done $0x0  }
0x1ae: {  	[sflag:s3] =	ssyncadd.s32 $0xFFFFD800  }
0x1af: {  	_ =	swait.ge [sflag:s9], $0x2800  }
0x1b0: {  	[sflag:s9] =	ssyncset.done $0x0  }
0x1b1: {  	[sflag:s9] =	ssyncadd.s32 $0xFFFFD800  }
0x1b2: {  	_ =	swait.ge [sflag:s30], $0x2800  }
0x1b3: {  	[sflag:s30] =	ssyncset.done $0x0  }
0x1b4: {  	[sflag:s30] =	ssyncadd.s32 $0xFFFFD800  }
0x1b5: {  	[bflag:$0x0] =	sbarrier.arrive $0xFFFF  }
0x1b6: {  	s13 =	sshrl.u32 @p4 s12, $0x3;
	s14 =	simm.s32 @p4 $0x1FCA;
	s15 =	rddreg [dreg:$0xb]  }
0x1b7: {  	[hbm:s15], [sflag:s14] =	dma.local @p4 [spmem:s13], $0x1900  }
0x1b8: {  	s13 =	simm.s32 @p4 $0xA  }
0x1b9: {  	_ =	swait.ge @p4 [sflag:s13], $0x1900  }
0x1ba: {  	s14 =	sshll.u32 @!p4 s2, $0x6;
	[sflag:s13] =	ssyncset.done @p4 $0x0;
	s15 =	rddreg [dreg:$0xa]  }
0x1bb: {  	[sflag:s13] =	ssyncadd.s32 @p4 $0xFFFFE700;
	s13 =	sor.u32 @!p4 $0x1C0A, s14;
	s14 =	sshrl.u32 @!p4 s10, $0x3  }
0x1bc: {  	[hbm:s15], [sflag:s13] =	dma.local @!p4 [spmem:s14], $0x2800  }
0x1bd: {  	s13 =	simm.s32 @!p4 $0xA  }
0x1be: {  	_ =	swait.ge @!p4 [sflag:s13], $0x2800  }
0x1bf: {  	s11 =	sadd.s32 $0x1, s11;
	s20 =	rddreg [dreg:$0xc]  }
0x1c0: {  	p5 =	sne.s32 s11, s20  }
.Ltmp3:
0x1c1: {  	_ = 	snop;
	(pc) =	sbr.rel @p5 .LBB2_1-.Ltmp3, $3  }
0x1c2: {  	_ =	sdelay $0x1  }
0x1c3: {  	[sflag:s13] =	ssyncset.done @!p4 $0x0  }
0x1c4: {  	[sflag:s13] =	ssyncadd.s32 @!p4 $0xFFFFD800  }
0x1c5: {  	_ =	sfence.sel $0x180000  }
0x1c6: {  	[bflag:$0x0] =	sbarrier.arrive $0xFFFF  }
0x1c7: {  	_ =	strace $0x9000004A  }
0x1c8: {  	[bflag:$0x2] =	sbarrier.arrive $0xFFFF  }
0x1c9: {  	p0 =	sne.s32 s2, $0x0;
	s0 =	rddreg [dreg:$0x3]  }
0x1ca: {  	s0 =	sadd.s32 @!p0 $0x100000, s0  }
0x1cb: {  	[sflag:s0] =	ssyncadd.tile.s32 @!p0 $0x1;
	_ =	shalt  }
.Lfunc_end2:
_tile_overlayer_lowered:
.L_overlay_start_2:
0x1cc: {  	(tag) =	ssettag $0x2  }
0x1cd: {  	s0 =	rddreg [dreg:$0x0];
	s2 =	stileid.u32  }
0x1ce: {  	s1 =	rddreg [dreg:$0x1];
	p0 =	sne.s32 s2, $0x0  }
0x1cf: {  	s3 =	rddreg [dreg:$0x2];
	[bflag:$0x3] =	sbarrier.arrive $0xFFFF;
	s2 =	simm.s32 @!p0 $0x1C0A  }
0x1d0: {  	[timem:s3], [sflag:s2] =	dma.local @!p0 [hbm:s0], s1  }
0x1d1: {  	s0 =	simm.s32 @!p0 $0xA  }
0x1d2: {  	_ =	swait.ge @!p0 [sflag:s0], s1  }
0x1d3: {  	s1 =	ssub.s32 @!p0 $0x0, s1;
	[sflag:s0] =	ssyncset.done @!p0 $0x0  }
0x1d4: {  	[sflag:s0] =	ssyncadd.s32 @!p0 s1  }
0x1d5: {  	[bflag:$0x3] =	sbarrier.arrive $0xFFFF  }
0x1d6: {  	_ =	shalt  }

// kernel: kernel.7.cloned.1.call-start
scs
__scs_entry_jumppad:
0x0: {  	(pc) =	sbr.rel $0x88, $3  }
0x1: {  	(tag) =	ssettag $0x0;
	lr =	simm.s32 $0x1  }
0x2: {  	[smem:$0x3F98] =	sst lr;
	_ =	strace $0xD0000000  }
0x3: {  	_ = 	snop  }
0x4: {  	_ = 	snop  }
0x5: {  	_ = 	snop  }
0x6: {  	_ = 	snop  }
0x7: {  	_ = 	snop  }
__scs_overlays_trampoline_lowered:
0x8: {  	[smem:$0x3FA7] =	sst s0  }
0x9: {  	[smem:$0x3FA8] =	sst s1  }
0xa: {  	[smem:$0x3FA9] =	sst s2  }
0xb: {  	[smem:$0x3FAA] =	sst s3  }
0xc: {  	[smem:$0x3FAB] =	sst s4  }
0xd: {  	[smem:$0x3FAC] =	sst s5  }
0xe: {  	[smem:$0x3FAD] =	sst s6  }
0xf: {  	[smem:$0x3FAE] =	sst s7  }
0x10: {  	[smem:$0x3FAF] =	sst s8  }
0x11: {  	[smem:$0x3FB0] =	sst s9;
	s0 =	simm.s32 @!p0 $0x0  }
0x12: {  	s1 =	sld [smem:$0x3F96];
	s0 =	simm.s32 @p0 $0x1  }
0x13: {  	[smem:$0x3FB1] =	sst s0;
	s0 =	simm.s32 @!p1 $0x0  }
0x14: {  	s2 =	sld [smem:$0x3F95];
	s0 =	simm.s32 @p1 $0x1  }
0x15: {  	[smem:$0x3FB2] =	sst s0;
	s0 =	simm.s32 @!p2 $0x0  }
0x16: {  	s3 =	sld [smem:$0x3FDB];
	s0 =	simm.s32 @p2 $0x1  }
0x17: {  	s4 =	simm.s32 $0x1BF5;
	[smem:$0x3FB4] =	sst s0  }
0x18: {  	s0 =	sld [smem:$0x3F97];
	_ =	swait.ge [sflag:s4], $0x0  }
0x19: {  	s7 =	sld [smem:$0x3F98]  }
0x1a: {  	s8 =	sadd.s32 $0xFFFFE003, lr  }
0x1b: {  	s9 =	sadd.s32 $0xFFFFFEF7, lr;
	s5 =	simm.s32 $0xFFFFFFFF;
	p2 =	slt.u32 s8, $0xFFFFF086  }
0x1c: {  	p1 =	slt.u32 s9, $0xF7A;
	s5 =	simm.s32 @!p2 $0x0  }
0x1d: {  	s5 =	simm.s32 @p1 $0x1;
	p0 =	seq.s32 s7, s2  }
0x1e: {  	s7 =	smul.u32 @!p0 $0xF7A, s2;
	p2 =	seq.s32 @!p0 s5, $0x0  }
0x1f: {  	s9 =	smul.u32 $0xF7A, s1;
	s8 =	simm.s32 @!p0 $0x1BF5;
	p2 =	por !p2, p0  }
0x20: {  	[sflag:s8] =	ssyncset.s32 @!p0 $0xFFFFF086;
	s6 =	sadd.s32 @!p0 s3, s7;
	s7 =	simm.s32 @!p0 $0x108  }
0x21: {  	s3 =	sadd.s32 s3, s9;
	s6 =	sadd.s32 @!p0 $0x88, s6;
	s7 =	simm.s32 @p2 $0x1082  }
0x22: {  	[simem:s7], [sflag:s8] =	dma.local @!p0 [hbm:s6], $0xF7A  }
0x23: {  	s9 =	sor.u32 $0xD0000000, s2;
	s6 =	simm.s32 $0x108;
	_ =	swait.ge @!p0 [sflag:s8], $0x0  }
0x24: {  	s3 =	sadd.s32 $0x88, s3;
	s6 =	simm.s32 @!p1 $0x1082;
	[sflag:s4] =	ssyncset.s32 $0xFFFFF086  }
0x25: {  	[simem:s6], [sflag:s4] =	dma.local [hbm:s3], $0xF7A  }
0x26: {  	[smem:$0x3F98] =	sst s1;
	(tag) =	ssettag s2;
	_ =	strace s9  }
0x27: {  	s1 =	sld [smem:$0x3FA8]  }
0x28: {  	s2 =	sld [smem:$0x3FA9]  }
0x29: {  	s4 =	sld [smem:$0x3FAB]  }
0x2a: {  	p0 =	seq.s32 s5, $0x0;
	s5 =	sld [smem:$0x3FAC]  }
0x2b: {  	s6 =	sld [smem:$0x3FAD]  }
0x2c: {  	s7 =	sld [smem:$0x3FAE]  }
0x2d: {  	s3 =	simm.s32 $0x108;
	s8 =	sld [smem:$0x3FAF]  }
0x2e: {  	s3 =	simm.s32 @!p0 $0x1082;
	s9 =	sld [smem:$0x3FB0]  }
0x2f: {  	lr =	sadd.s32 s0, s3;
	s0 =	sld [smem:$0x3FA7]  }
0x30: {  	s3 =	sld [smem:$0x3FAA]  }
0x31: {  	[smem:$0x3FB3] =	sst s10  }
0x32: {  	s10 =	sld [smem:$0x3FB1];
	_ =	sdelay $0x3  }
0x33: {  	p0 =	seq.s32 s10, $0x1;
	s10 =	sld [smem:$0x3FB3];
	_ =	sdelay $0x3  }
0x34: {  	[smem:$0x3FB3] =	sst s10  }
0x35: {  	s10 =	sld [smem:$0x3FB2];
	_ =	sdelay $0x3  }
0x36: {  	p1 =	seq.s32 s10, $0x1;
	s10 =	sld [smem:$0x3FB3];
	_ =	sdelay $0x3  }
0x37: {  	[smem:$0x3FB3] =	sst s10  }
0x38: {  	s10 =	sld [smem:$0x3FB4]  }
0x39: {  	_ = 	snop;
	(pc) =	sbr.ind lr, $3  }
0x3a: {  	_ = 	snop  }
0x3b: {  	_ = 	snop  }
0x3c: {  	p2 =	seq.s32 s10, $0x1;
	s10 =	sld [smem:$0x3FB3]  }
0x3d: {  	_ =	shalt  }
0x3e: {  	_ =	shalt  }
0x3f: {  	_ =	shalt  }
0x40: {  	_ =	shalt  }
0x41: {  	_ =	shalt  }
0x42: {  	_ =	shalt  }
0x43: {  	_ =	shalt  }
0x44: {  	_ =	shalt  }
0x45: {  	_ =	shalt  }
0x46: {  	_ =	shalt  }
0x47: {  	_ =	shalt  }
0x48: {  	_ =	shalt  }
0x49: {  	_ =	shalt  }
0x4a: {  	_ =	shalt  }
0x4b: {  	_ =	shalt  }
0x4c: {  	_ =	shalt  }
0x4d: {  	_ =	shalt  }
0x4e: {  	_ =	shalt  }
0x4f: {  	_ =	shalt  }
0x50: {  	_ =	shalt  }
0x51: {  	_ =	shalt  }
0x52: {  	_ =	shalt  }
0x53: {  	_ =	shalt  }
0x54: {  	_ =	shalt  }
0x55: {  	_ =	shalt  }
0x56: {  	_ =	shalt  }
0x57: {  	_ =	shalt  }
0x58: {  	_ =	shalt  }
0x59: {  	_ =	shalt  }
0x5a: {  	_ =	shalt  }
0x5b: {  	_ =	shalt  }
0x5c: {  	_ =	shalt  }
0x5d: {  	_ =	shalt  }
0x5e: {  	_ =	shalt  }
0x5f: {  	_ =	shalt  }
0x60: {  	_ =	shalt  }
0x61: {  	_ =	shalt  }
0x62: {  	_ =	shalt  }
0x63: {  	_ =	shalt  }
0x64: {  	_ =	shalt  }
0x65: {  	_ =	shalt  }
0x66: {  	_ =	shalt  }
0x67: {  	_ =	shalt  }
0x68: {  	_ =	shalt  }
0x69: {  	_ =	shalt  }
0x6a: {  	_ =	shalt  }
0x6b: {  	_ =	shalt  }
0x6c: {  	_ =	shalt  }
0x6d: {  	_ =	shalt  }
0x6e: {  	_ =	shalt  }
0x6f: {  	_ =	shalt  }
0x70: {  	_ =	shalt  }
0x71: {  	_ =	shalt  }
0x72: {  	_ =	shalt  }
0x73: {  	_ =	shalt  }
0x74: {  	_ =	shalt  }
0x75: {  	_ =	shalt  }
0x76: {  	_ =	shalt  }
0x77: {  	_ =	shalt  }
0x78: {  	_ =	shalt  }
0x79: {  	_ =	shalt  }
0x7a: {  	_ =	shalt  }
0x7b: {  	_ =	shalt  }
0x7c: {  	_ =	shalt  }
0x7d: {  	_ =	shalt  }
0x7e: {  	_ =	shalt  }
0x7f: {  	_ =	shalt  }
0x80: {  	_ =	shalt  }
0x81: {  	_ =	shalt  }
0x82: {  	_ =	shalt  }
0x83: {  	_ =	shalt  }
0x84: {  	_ =	shalt  }
0x85: {  	_ =	shalt  }
0x86: {  	_ =	shalt  }
0x87: {  	_ =	shalt  }
.Lfunc_end0:
.L_simem_size_0:
called_computation_lowered:
.L_overlay_start_0:
0x88: {  	s2 =	sld [smem:$0x3FD9]  }
0x89: {  	s3 =	sld [smem:$0x3FFE];
	_ =	sdelay $0x1  }
0x8a: {  	s1 =	srdreg.scid  }
0x8b: {  	s0 =	sand.u32 $0x1, s1  }
0x8c: {  	s17 =	sshll.u32 s0, $0xA;
	s2 =	sadd.s32 s3, s2  }
0x8d: {  	s2 =	sadd.s32 s2, s17  }
0x8e: {  	[smem:$0x3FBF] =	sst s2  }
0x8f: {  	_ = 	snop  }
0x90: {  	s2 =	sld [smem:$0x3FD0];
	(tm) =	ssettm $0x1  }
0x91: {  	s18 =	sld [smem:$0x3FFB];
	_ =	sdelay $0x3  }
0x92: {  	_ =	strace s18  }
0x93: {  	s3 =	sld [smem:$0x3FFC];
	_ =	sdelay $0x3  }
0x94: {  	_ =	strace s3  }
0x95: {  	s3 =	sld [smem:$0x3FFD];
	_ =	sdelay $0x3  }
0x96: {  	_ =	strace s3  }
0x97: {  	_ =	strace $0x8FFFFFFF  }
0x98: {  	s19 =	sld [smem:$0x3FDB];
	_ =	sdelay $0x1  }
0x99: {  	s4 =	simm.s32 $_scs_section_size  }
0x9a: {  	s5 =	simm.s32 $_size__tile_overlayer_lowered;
	s6 =	simm.s32 $_tile_overlayer_lowered  }
0x9b: {  	s22 =	simm.s32 $0x1BFF;
	s21 =	sshll.u32 s6, $0x1;
	s3 =	sadd.s32 s4, s19  }
0x9c: {  	s7 =	simm.s32 $0x0;
	s20 =	sshll.u32 s5, $0x1;
	s5 =	sadd.s32 s21, s3  }
0x9d: {  	[timem:s7], [sflag:s22] =	dma.local [hbm:s5], s20  }
0x9e: {  	_ =	swait.ge [sflag:s22], s20  }
0x9f: {  	s4 =	ssub.s32 $0x0, s20;
	[sflag:s22] =	ssyncset.done $0x0  }
0xa0: {  	[sflag:s22] =	ssyncadd.s32 s4;
	_ =	sdelay $0x1  }
0xa1: {  	s23 =	simm.s32 $0x1B8B  }
0xa2: {  	_ =	swait.ge [sflag:s23], $0x1  }
0xa3: {  	[sflag:s23] =	ssyncset.done $0x0  }
0xa4: {  	s25 =	simm.s32 $0x1B8E;
	s24 =	sld [smem:$0x3FFE];
	[sflag:s23] =	ssyncadd.s32 $0xFFFFFFFF  }
0xa5: {  	s26 =	simm.s32 $execute0_lowered;
	[smem:$0x3FD2] =	sst s25  }
0xa6: {  	s5 =	sshll.u32 s26, $0x1;
	_ =	strace $0x80000046;
	[dreg:$0x1] =	wrdreg $0xFFFFFFFF  }
0xa7: {  	s28 =	simm.s32 $_size_execute0_lowered;
	s3 =	sadd.s32 s3, s5;
	[dreg:$0x0] =	wrdreg $0x0  }
0xa8: {  	s5 =	sshll.u32 s28, $0x1;
	[dreg:$0x2] =	wrdreg s3  }
0xa9: {  	[dreg:$0x3] =	wrdreg s5  }
0xaa: {  	[dreg:$0x4] =	wrdreg $0xC0  }
0xab: {  	_ =	task [dreg:s7], $0x5FFFF  }
0xac: {  	[dreg:$0x1] =	wrdreg $0xFFFFFFFF  }
0xad: {  	[dreg:$0x0] =	wrdreg $0x60  }
0xae: {  	[dreg:$0x2] =	wrdreg s24  }
0xaf: {  	[dreg:$0x3] =	wrdreg s2  }
0xb0: {  	[dreg:$0x4] =	wrdreg $0xC0000  }
0xb1: {  	[dreg:$0x5] =	wrdreg $0x9  }
0xb2: {  	_ =	task.clear_ibuf [dreg:s7], $0x6FFFF;
	_ =	strace $0x90000046  }
0xb3: {  	s29 =	simm.s32 $0x9;
	_ =	strace $0x80000048  }
0xb4: {  	_ =	swait.ge [sflag:s29], $0x1  }
0xb5: {  	[sflag:s29] =	ssyncadd.s32 $0xFFFFFFFF  }
0xb6: {  	_ =	strace $0x90000048  }
0xb7: {  	_ =	sfence  }
0xb8: {  	s30 =	sld [smem:$0x0];
	_ =	sdelay $0x2  }
0xb9: {  	s31 =	sshll.u32 s1, $0xD;
	s1 =	sshrl.u32 s1, $0x2  }
0xba: {  	s3 =	sand.u32 $0x4000, s31;
	s1 =	sadd.s32 s1, s30  }
0xbb: {  	s0 =	sor.u32 s3, s0;
	s1 =	sshll.u32 s1, $0x11  }
0xbc: {  	s0 =	sor.u32 s1, s0  }
0xbd: {  	s0 =	sadd.s32 $0x8F2B, s0  }
0xbe: {  	[sflag:s0] =	ssyncadd.remote.s32 $0x1  }
0xbf: {  	_ =	sfence.sel $0xFFFF  }
0xc0: {  	[dreg:$0x0] =	wrdreg $0xFFFFFFFF;
	(pc) =	sbr.abs _section_cstart, $3  }
0xc1: {  	[dreg:$0x1] =	wrdreg $0xFFFFFFFF  }
0xc2: {  	_ =	task.clear_ibuf [dreg:s7], $0x2FFFF;
	_ =	strace $0x9FFFFFFF  }
0xc3: {  	(tm) =	ssettm $0x7FFFFFFF  }
tec
execute0_lowered:
.L_overlay_start_1:
0x0: {  	(tag) =	ssettag $0x1  }
0x1: {  	s0 =	rddreg [dreg:$0x0]  }
0x2: {  	s3 =	rddreg [dreg:$0x1]  }
0x3: {  	s1 =	rddreg [dreg:$0x2];
	s2 =	simm.s32 $0x0  }
0x4: {  	s7 =	srdreg.scid;
	s28 =	simm.s32 $0x9800;
	s29 =	simm.s32 $0x2  }
0x5: {  	s30 =	simm.s32 $0x6;
	s31 =	simm.s32 $0x3;
	[smem:$0x7FF] =	sst s2  }
0x6: {  	s2 =	stileid.u32;
	s4 =	sadd.s32 $0x12200, s0;
	s5 =	sadd.s32 $0x2200, s0  }
0x7: {  	s6 =	sadd.s32 $0x22200, s0;
	s9 =	sand.u32 $0x1, s7;
	s13 =	sadd.s32 $0x181C00, s0  }
0x8: {  	_ =	strace $0x80000047;
	s8 =	smul.u32 $0x2800, s2;
	s7 =	sshll.u32 s9, $0x12  }
0x9: {  	s10 =	sshll.u32 s2, $0xE;
	s12 =	ssub.s32 $0x2, s9;
	s16 =	smul.u32 $0x50000, s2  }
0xa: {  	s19 =	smul.u32 $0x14000, s2;
	p3 =	sne.s32 s9, $0x0;
	s7 =	sor.u32 s10, s7  }
0xb: {  	s14 =	sshrl.u32 s12, $0x1;
	p1 =	seq.s32 @p3 s2, $0xF;
	p4 =	seq.s32 @!p3 s2, $0xF  }
0xc: {  	s11 =	sadd.s32 s8, s0;
	s15 =	sshrl.u32 s7, $0x3;
	s14 =	ssub.s32 s12, s14  }
0xd: {  	s10 =	sshrl.u32 s16, $0x2;
	s12 =	sadd.s32 $0x12C000, s1;
	s0 =	sadd.s32 $0x180200, s0  }
0xe: {  	s20 =	sadd.s32 s3, s8;
	s3 =	sadd.s32 $0x25800, s3;
	p0 =	por !p1, !p3  }
0xf: {  	p1 =	por p1, !p3;
	p2 =	por !p4, p3;
	p3 =	por p4, p3  }
0x10: {  	p4 =	seq.s32 s2, $0xF;
	s8 =	simm.s32 $0x5;
	[dreg:$0x7] =	wrdreg s0  }
0x11: {  	s17 =	sadd.s32 s4, s15;
	s18 =	sadd.s32 s5, s15;
	[dreg:$0x8] =	wrdreg s20  }
0x12: {  	s10 =	sadd.s32 s10, s1;
	s11 =	sadd.s32 $0x15AA00, s11;
	[dreg:$0x9] =	wrdreg s3  }
0x13: {  	s21 =	sor.u32 $0x700, s15;
	s26 =	smax.u32 s14, $0x1;
	[dreg:$0x4] =	wrdreg s17  }
0x14: {  	s3 =	simm.s32 $0x8;
	[dreg:$0x5] =	wrdreg s18;
	s18 =	smul.u32 $0x138800, s9  }
0x15: {  	[dreg:$0x6] =	wrdreg s11;
	s16 =	sadd.s32 s4, s21;
	s17 =	sadd.s32 s5, s21  }
0x16: {  	[dreg:$0xc] =	wrdreg s26;
	s26 =	simm.s32 $0x7000;
	s21 =	simm.s32 $0x4  }
0x17: {  	s9 =	simm.s32 $0x9;
	s22 =	sadd.s32 s19, s18;
	s24 =	sshrl.u32 s18, $0x3  }
0x18: {  	s11 =	simm.s32 $0x0;
	s23 =	sshrl.u32 s22, $0x3;
	s25 =	sadd.s32 s13, s24  }
0x19: {  	s22 =	simm.s32 $0x1;
	s24 =	simm.s32 $0x2000;
	s0 =	sadd.s32 s13, s23  }
0x1a: {  	s23 =	simm.s32 $0x50;
	[dreg:$0xa] =	wrdreg s0;
	s0 =	sadd.s32 $0x25800, s25  }
0x1b: {  	s25 =	simm.s32 $0x4800;
	[dreg:$0xb] =	wrdreg s0;
	s0 =	simm.s32 $0x7  }
.LBB2_1:
0x1c: {  	s13 =	simm.s32 $0x0;
	s14 =	rddreg [dreg:$0x4]  }
0x1d: {  	[tilespmem:s13], [sflag:$0x1] =	stream.linear.gather [hbm4b:s14+s13], $0x800, $0x38;
	[tilespmem:$0x1F880] =	vst v63  }
0x1e: {  	s20 =	rddreg [dreg:$0x5];
	s15 =	simm.s32 $0x1000  }
0x1f: {  	[tilespmem:s15], [sflag:$0x1] =	stream.linear.gather [hbm4b:s20+s13], $0x800, $0x38;
	[tilespmem:$0x1F880] =	vst v63  }
0x20: {  	s14 =	simm.s32 @!p0 $0x1FCA;
	s13 =	sshrl.u32 @!p0 s12, $0x3;
	s15 =	rddreg [dreg:$0x7]  }
0x21: {  	[spmem:s13], [sflag:s14] =	dma.local @!p0 [hbm:s15], $0x1900  }
0x22: {  	s13 =	simm.s32 @!p0 $0xA  }
0x23: {  	_ =	swait.ge @!p0 [sflag:s13], $0x1900  }
0x24: {  	s14 =	sshll.u32 @!p1 s2, $0x6;
	[sflag:s13] =	ssyncset.done @!p0 $0x0;
	s15 =	rddreg [dreg:$0x6]  }
0x25: {  	[sflag:s13] =	ssyncadd.s32 @!p0 $0xFFFFE700;
	s13 =	sor.u32 @!p1 $0x1C0A, s14;
	s14 =	sshrl.u32 @!p1 s10, $0x3  }
0x26: {  	[spmem:s14], [sflag:s13] =	dma.local @!p1 [hbm:s15], $0x2800  }
0x27: {  	s13 =	simm.s32 @!p1 $0xA  }
0x28: {  	_ =	swait.ge @!p1 [sflag:s13], $0x2800  }
0x29: {  	s14 =	simm.s32 @!p2 $0x1FCA;
	[sflag:s13] =	ssyncset.done @!p1 $0x0  }
0x2a: {  	s15 =	rddreg [dreg:$0x9];
	[sflag:s13] =	ssyncadd.s32 @!p1 $0xFFFFD800;
	s13 =	sshrl.u32 @!p2 s12, $0x3  }
0x2b: {  	[spmem:s13], [sflag:s14] =	dma.local @!p2 [hbm:s15], $0x1900  }
0x2c: {  	s13 =	simm.s32 @!p2 $0xA  }
0x2d: {  	_ =	swait.ge @!p2 [sflag:s13], $0x1900  }
0x2e: {  	s14 =	sshll.u32 @!p3 s2, $0x6;
	[sflag:s13] =	ssyncset.done @!p2 $0x0;
	s15 =	rddreg [dreg:$0x8]  }
0x2f: {  	[sflag:s13] =	ssyncadd.s32 @!p2 $0xFFFFE700;
	s13 =	sor.u32 @!p3 $0x1C0A, s14;
	s14 =	sshrl.u32 @!p3 s10, $0x3  }
0x30: {  	[spmem:s14], [sflag:s13] =	dma.local @!p3 [hbm:s15], $0x2800  }
0x31: {  	s13 =	simm.s32 @!p3 $0xA  }
0x32: {  	_ =	swait.ge @!p3 [sflag:s13], $0x2800  }
0x33: {  	[sflag:s13] =	ssyncset.done @!p3 $0x0  }
0x34: {  	[sflag:s13] =	ssyncadd.s32 @!p3 $0xFFFFD800  }
0x35: {  	p5 =	por $0x0, $0x0;
	s13 =	simm.s32 $0x0;
	[bflag:$0x0] =	sbarrier.arrive $0xFFFF  }
.LBB2_2:
0x36: {  	s14 =	simm.s32 $0x1  }
0x37: {  	s14 =	simm.s32 @!p5 $0x0  }
0x38: {  	s14 =	sshll.u32 s14, $0xB  }
0x39: {  	_ =	swait.ge [sflag:s22], $0x800;
	s14 =	sor.u32 $0x20, s14  }
0x3a: {  	[sflag:s22] =	ssyncset.done $0x0;
	v0 =	vmov s14  }
0x3b: {  	[sflag:s22] =	ssyncadd.s32 $0xFFFFF800  }
0x3c: {  	_ =	swait.ge [sflag:s22], $0x800  }
0x3d: {  	[sflag:s22] =	ssyncset.done $0x0  }
0x3e: {  	s15 =	simm.s32 $0x0;
	[sflag:s22] =	ssyncadd.s32 $0xFFFFF800  }
0x3f: {  	v1 =	vld.idx.msk [tilespmem:v0+s15+$0xFFFFFFE0 ss:$0x1], $0xffff;
	_ =	sdelay $0x4  }
0x40: {  	v2 =	vshrl.u32 v1, $0xE  }
0x41: {  	v2 =	vmul.u32 $0x2710, v2  }
0x42: {  	v1 =	vand.u32 $0x3FFF, v1  }
0x43: {  	v1 =	vadd.s32 v1, v2  }
0x44: {  	[tilespmem:v0+s15+$0xFFFFFFE0 ss:$0x1] =	vst.idx.msk $0xffff, v1  }
0x45: {  	v1 =	vld.idx.msk [tilespmem:v0+s15+$0xFFFFFFF0 ss:$0x1], $0xffff;
	_ =	sdelay $0x4  }
0x46: {  	v2 =	vshrl.u32 v1, $0xE  }
0x47: {  	v2 =	vmul.u32 $0x2710, v2  }
0x48: {  	v1 =	vand.u32 $0x3FFF, v1  }
0x49: {  	v1 =	vadd.s32 v1, v2  }
0x4a: {  	[tilespmem:v0+s15+$0xFFFFFFF0 ss:$0x1] =	vst.idx.msk $0xffff, v1  }
0x4b: {  	v1 =	vld.idx.msk [tilespmem:v0+s15+$0x0 ss:$0x1], $0xffff;
	_ =	sdelay $0x4  }
0x4c: {  	v2 =	vshrl.u32 v1, $0xE  }
0x4d: {  	v2 =	vmul.u32 $0x2710, v2  }
0x4e: {  	v1 =	vand.u32 $0x3FFF, v1  }
0x4f: {  	v1 =	vadd.s32 v1, v2  }
0x50: {  	[tilespmem:v0+s15+$0x0 ss:$0x1] =	vst.idx.msk $0xffff, v1  }
0x51: {  	v1 =	vld.idx.msk [tilespmem:v0+s15+$0x10 ss:$0x1], $0xffff;
	_ =	sdelay $0x4  }
0x52: {  	v2 =	vshrl.u32 v1, $0xE  }
0x53: {  	v2 =	vmul.u32 $0x2710, v2  }
0x54: {  	v1 =	vand.u32 $0x3FFF, v1  }
0x55: {  	v1 =	vadd.s32 v1, v2  }
0x56: {  	[tilespmem:v0+s15+$0x10 ss:$0x1] =	vst.idx.msk $0xffff, v1  }
0x57: {  	s19 =	simm.s32 $0x80;
	v1 =	vld.idx.msk [tilespmem:v0+s15+$0x20 ss:$0x1], $0xffff  }
0x58: {  	v2 =	vld.idx.msk [tilespmem:v0+s19+$0xFFFFFFE0 ss:$0x1], $0xffff;
	_ =	sdelay $0x3  }
0x59: {  	v3 =	vshrl.u32 v1, $0xE  }
0x5a: {  	v4 =	vshrl.u32 v2, $0xE;
	v3 =	vmul.u32 $0x2710, v3  }
0x5b: {  	s20 =	sshll.u32 s13, $0x4;
	v5 =	vand.u32 $0x3FFF, v1;
	v1 =	vmul.u32 $0x2710, v4  }
0x5c: {  	s18 =	simm.s32 $0x400;
	s14 =	sand.u32 $0x10, s20;
	v2 =	vand.u32 $0x3FFF, v2;
	v3 =	vadd.s32 v5, v3  }
.LBB2_3:
0x5d: {  	p6 =	sne.s32 s18, $0x1E00;
	v1 =	vadd.s32 v2, v1;
	[tilespmem:v0+s15+$0x20 ss:$0x1] =	vst.idx.msk $0xffff, v3;
	s20 =	smov.u32 s18;
	s18 =	sadd.s32 $0x200, s18  }
0x5e: {  	s15 =	smov.u32 s19;
	[tilespmem:v0+s19+$0xFFFFFFE0 ss:$0x1] =	vst.idx.msk $0xffff, v1  }
0x5f: {  	v1 =	vld.idx.msk [tilespmem:v0+s15+$0xFFFFFFF0 ss:$0x1], $0xffff;
	_ =	sdelay $0x5  }
0x60: {  	v2 =	vshrl.u32 v1, $0xE  }
0x61: {  	v2 =	vmul.u32 $0x2710, v2  }
0x62: {  	v1 =	vand.u32 $0x3FFF, v1  }
0x63: {  	v1 =	vadd.s32 v1, v2  }
0x64: {  	[tilespmem:v0+s15+$0xFFFFFFF0 ss:$0x1] =	vst.idx.msk $0xffff, v1  }
0x65: {  	v1 =	vld.idx.msk [tilespmem:v0+s15+$0x0 ss:$0x1], $0xffff;
	_ =	sdelay $0x5  }
0x66: {  	v2 =	vshrl.u32 v1, $0xE  }
0x67: {  	v2 =	vmul.u32 $0x2710, v2  }
0x68: {  	v1 =	vand.u32 $0x3FFF, v1  }
0x69: {  	v1 =	vadd.s32 v1, v2  }
0x6a: {  	[tilespmem:v0+s15+$0x0 ss:$0x1] =	vst.idx.msk $0xffff, v1  }
0x6b: {  	v1 =	vld.idx.msk [tilespmem:v0+s15+$0x10 ss:$0x1], $0xffff;
	_ =	sdelay $0x5  }
0x6c: {  	v2 =	vshrl.u32 v1, $0xE  }
0x6d: {  	v2 =	vmul.u32 $0x2710, v2  }
0x6e: {  	v1 =	vand.u32 $0x3FFF, v1  }
0x6f: {  	v1 =	vadd.s32 v1, v2  }
0x70: {  	[tilespmem:v0+s15+$0x10 ss:$0x1] =	vst.idx.msk $0xffff, v1  }
0x71: {  	s19 =	sshra.s32 s20, $0x2;
	v2 =	vld.idx.msk [tilespmem:v0+s15+$0x20 ss:$0x1], $0xffff  }
0x72: {  	v3 =	vld.idx.msk [tilespmem:v0+s19+$0xFFFFFFE0 ss:$0x1], $0xffff;
	_ =	sdelay $0x3  }
.Ltmp0:
0x73: {  	(pc) =	sbr.rel @p6 .LBB2_3-.Ltmp0, $4  }
0x74: {  	v1 =	vshrl.u32 v2, $0xE  }
0x75: {  	v4 =	vshrl.u32 v3, $0xE;
	v5 =	vmul.u32 $0x2710, v1  }
0x76: {  	v1 =	vmul.u32 $0x2710, v4;
	v4 =	vand.u32 $0x3FFF, v2  }
0x77: {  	v2 =	vand.u32 $0x3FFF, v3;
	v3 =	vadd.s32 v4, v5  }
0x78: {  	_ =	sdelay $0x3  }
0x79: {  	v1 =	vadd.s32 v2, v1;
	[tilespmem:v0+s15+$0x20 ss:$0x1] =	vst.idx.msk $0xffff, v3  }
0x7a: {  	[tilespmem:v0+s19+$0xFFFFFFE0 ss:$0x1] =	vst.idx.msk $0xffff, v1  }
0x7b: {  	v1 =	vld.idx.msk [tilespmem:v0+s19+$0xFFFFFFF0 ss:$0x1], $0xffff;
	_ =	sdelay $0x4  }
0x7c: {  	v60 =	vshrl.u32 v1, $0xE  }
0x7d: {  	v2 =	vmul.u32 $0x2710, v60  }
0x7e: {  	v1 =	vand.u32 $0x3FFF, v1  }
0x7f: {  	v1 =	vadd.s32 v1, v2  }
0x80: {  	[tilespmem:v0+s19+$0xFFFFFFF0 ss:$0x1] =	vst.idx.msk $0xffff, v1  }
0x81: {  	v1 =	vld.idx.msk [tilespmem:v0+s19+$0x0 ss:$0x1], $0xffff;
	_ =	sdelay $0x4  }
0x82: {  	v61 =	vshrl.u32 v1, $0xE  }
0x83: {  	v2 =	vmul.u32 $0x2710, v61  }
0x84: {  	v1 =	vand.u32 $0x3FFF, v1  }
0x85: {  	v1 =	vadd.s32 v1, v2  }
0x86: {  	[tilespmem:v0+s19+$0x0 ss:$0x1] =	vst.idx.msk $0xffff, v1  }
0x87: {  	v1 =	vld.idx.msk [tilespmem:v0+s19+$0x10 ss:$0x1], $0xffff;
	_ =	sdelay $0x4  }
0x88: {  	v62 =	vshrl.u32 v1, $0xE  }
0x89: {  	v2 =	vmul.u32 $0x2710, v62  }
0x8a: {  	v1 =	vand.u32 $0x3FFF, v1  }
0x8b: {  	v1 =	vadd.s32 v1, v2  }
0x8c: {  	[tilespmem:v0+s19+$0x10 ss:$0x1] =	vst.idx.msk $0xffff, v1  }
0x8d: {  	v1 =	vld.idx.msk [tilespmem:v0+s19+$0x20 ss:$0x1], $0xffff;
	_ =	sdelay $0x4  }
0x8e: {  	v63 =	vshrl.u32 v1, $0xE  }
0x8f: {  	v2 =	vmul.u32 $0x2710, v63  }
0x90: {  	v1 =	vand.u32 $0x3FFF, v1  }
0x91: {  	p6 =	seq.s32 s13, $0x6;
	v1 =	vadd.s32 v1, v2  }
0x92: {  	s15 =	simm.s32 @p6 $0x0;
	s18 =	simm.s32 @p6 $0x800;
	[tilespmem:v0+s19+$0x20 ss:$0x1] =	vst.idx.msk $0xffff, v1  }
0x93: {  	[tilespmem:s18], [sflag:$0x1] =	stream.linear.gather @p6 [hbm4b:s16+s15], $0x680, $0x38;
	[tilespmem:$0x1F880] =	vst v63  }
0x94: {  	s18 =	simm.s32 @p6 $0x1800  }
0x95: {  	[tilespmem:s18], [sflag:$0x1] =	stream.linear.gather @p6 [hbm4b:s17+s15], $0x680, $0x38;
	[tilespmem:$0x1F880] =	vst v63  }
0x96: {  	s15 =	sshll.u32 @!p6 s13, $0xB  }
0x97: {  	s15 =	sadd.s32 @!p6 $0x800, s15  }
0x98: {  	s18 =	sadd.s32 @!p6 s7, s15  }
0x99: {  	s18 =	sshrl.u32 @!p6 s18, $0x3  }
0x9a: {  	s20 =	simm.s32 @!p6 $0x0;
	s15 =	sand.u32 @!p6 $0x800, s15;
	s19 =	sadd.s32 @!p6 s4, s18  }
0x9b: {  	[tilespmem:s15], [sflag:$0x1] =	stream.linear.gather @!p6 [hbm4b:s19+s20], $0x800, $0x38;
	[tilespmem:$0x1F880] =	vst v63  }
0x9c: {  	s18 =	sadd.s32 @!p6 s5, s18;
	s15 =	sor.u32 @!p6 $0x1000, s15  }
0x9d: {  	[tilespmem:s15], [sflag:$0x1] =	stream.linear.gather @!p6 [hbm4b:s18+s20], $0x800, $0x38;
	[tilespmem:$0x1F880] =	vst v63  }
0x9e: {  	s14 =	sshll.u32 s14, $0x7  }
0x9f: {  	[tilespmem:s24], [sflag:$0x2] =	stream.indirect.gather [hbm4b:s6+s23], $0x80, s14, s23, $0xb8;
	[tilespmem:$0x1F880] =	vst v63  }
0xa0: {  	s18 =	sor.u32 $0x80, s14  }
0xa1: {  	[tilespmem:s25], [sflag:$0x3] =	stream.indirect.gather [hbm4b:s6+s23], $0x80, s18, s23, $0xb8;
	[tilespmem:$0x1F880] =	vst v63  }
0xa2: {  	s19 =	sor.u32 $0x100, s14  }
0xa3: {  	[tilespmem:s26], [sflag:$0x4] =	stream.indirect.gather [hbm4b:s6+s23], $0x80, s19, s23, $0xb8;
	[tilespmem:$0x1F880] =	vst v63  }
0xa4: {  	s20 =	sor.u32 $0x180, s14  }
0xa5: {  	[tilespmem:s28], [sflag:$0x5] =	stream.indirect.gather [hbm4b:s6+s23], $0x80, s20, s23, $0xb8;
	[tilespmem:$0x1F880] =	vst v63  }
0xa6: {  	_ =	swait.ge [sflag:s29], $0x2800  }
0xa7: {  	[sflag:s29] =	ssyncset.done $0x0  }
0xa8: {  	s18 =	sor.u32 $0x1000, s14;
	[sflag:s29] =	ssyncadd.s32 $0xFFFFD800  }
0xa9: {  	[spmem:s1] =	stream.indirect.scatter.add.f32 [tilespmem:s24], [sflag:$0x6], $0x80, s18, s23, $0xb8;
	[tilespmem:$0x1F880] =	vst v63  }
0xaa: {  	_ =	swait.ge [sflag:s30], $0x2800  }
0xab: {  	[sflag:s30] =	ssyncset.done $0x0  }
0xac: {  	s19 =	sor.u32 $0x200, s14;
	[sflag:s30] =	ssyncadd.s32 $0xFFFFD800  }
0xad: {  	[tilespmem:s24], [sflag:$0x2] =	stream.indirect.gather [hbm4b:s6+s23], $0x80, s19, s23, $0xb8;
	[tilespmem:$0x1F880] =	vst v63  }
0xae: {  	_ =	swait.ge [sflag:s31], $0x2800  }
0xaf: {  	[sflag:s31] =	ssyncset.done $0x0  }
0xb0: {  	s20 =	sor.u32 $0x1080, s14;
	[sflag:s31] =	ssyncadd.s32 $0xFFFFD800  }
0xb1: {  	[spmem:s1] =	stream.indirect.scatter.add.f32 [tilespmem:s25], [sflag:$0x7], $0x80, s20, s23, $0xb8;
	[tilespmem:$0x1F880] =	vst v63  }
0xb2: {  	_ =	swait.ge [sflag:s0], $0x2800  }
0xb3: {  	[sflag:s0] =	ssyncset.done $0x0  }
0xb4: {  	s18 =	sor.u32 $0x280, s14;
	[sflag:s0] =	ssyncadd.s32 $0xFFFFD800  }
0xb5: {  	[tilespmem:s25], [sflag:$0x3] =	stream.indirect.gather [hbm4b:s6+s23], $0x80, s18, s23, $0xb8;
	[tilespmem:$0x1F880] =	vst v63  }
0xb6: {  	_ =	swait.ge [sflag:s21], $0x2800  }
0xb7: {  	[sflag:s21] =	ssyncset.done $0x0  }
0xb8: {  	s19 =	sor.u32 $0x1100, s14;
	[sflag:s21] =	ssyncadd.s32 $0xFFFFD800  }
0xb9: {  	[spmem:s1] =	stream.indirect.scatter.add.f32 [tilespmem:s26], [sflag:$0x8], $0x80, s19, s23, $0xb8;
	[tilespmem:$0x1F880] =	vst v63  }
0xba: {  	_ =	swait.ge [sflag:s3], $0x2800  }
0xbb: {  	[sflag:s3] =	ssyncset.done $0x0  }
0xbc: {  	s20 =	sor.u32 $0x300, s14;
	[sflag:s3] =	ssyncadd.s32 $0xFFFFD800  }
0xbd: {  	[tilespmem:s26], [sflag:$0x4] =	stream.indirect.gather [hbm4b:s6+s23], $0x80, s20, s23, $0xb8;
	[tilespmem:$0x1F880] =	vst v63  }
0xbe: {  	_ =	swait.ge [sflag:s8], $0x2800  }
0xbf: {  	[sflag:s8] =	ssyncset.done $0x0  }
0xc0: {  	s18 =	sor.u32 $0x1180, s14;
	[sflag:s8] =	ssyncadd.s32 $0xFFFFD800  }
0xc1: {  	[spmem:s1] =	stream.indirect.scatter.add.f32 [tilespmem:s28], [sflag:$0x9], $0x80, s18, s23, $0xb8;
	[tilespmem:$0x1F880] =	vst v63  }
0xc2: {  	_ =	swait.ge [sflag:s9], $0x2800  }
0xc3: {  	[sflag:s9] =	ssyncset.done $0x0  }
0xc4: {  	s19 =	sor.u32 $0x380, s14;
	[sflag:s9] =	ssyncadd.s32 $0xFFFFD800  }
0xc5: {  	[tilespmem:s28], [sflag:$0x5] =	stream.indirect.gather [hbm4b:s6+s23], $0x80, s19, s23, $0xb8;
	[tilespmem:$0x1F880] =	vst v63  }
0xc6: {  	_ =	swait.ge [sflag:s29], $0x2800  }
0xc7: {  	[sflag:s29] =	ssyncset.done $0x0  }
0xc8: {  	s20 =	sor.u32 $0x1200, s14;
	[sflag:s29] =	ssyncadd.s32 $0xFFFFD800  }
0xc9: {  	[spmem:s1] =	stream.indirect.scatter.add.f32 [tilespmem:s24], [sflag:$0x6], $0x80, s20, s23, $0xb8;
	[tilespmem:$0x1F880] =	vst v63  }
0xca: {  	_ =	swait.ge [sflag:s30], $0x2800  }
0xcb: {  	[sflag:s30] =	ssyncset.done $0x0  }
0xcc: {  	s18 =	sor.u32 $0x400, s14;
	[sflag:s30] =	ssyncadd.s32 $0xFFFFD800  }
0xcd: {  	[tilespmem:s24], [sflag:$0x2] =	stream.indirect.gather [hbm4b:s6+s23], $0x80, s18, s23, $0xb8;
	[tilespmem:$0x1F880] =	vst v63  }
0xce: {  	_ =	swait.ge [sflag:s31], $0x2800  }
0xcf: {  	[sflag:s31] =	ssyncset.done $0x0  }
0xd0: {  	s19 =	sor.u32 $0x1280, s14;
	[sflag:s31] =	ssyncadd.s32 $0xFFFFD800  }
0xd1: {  	[spmem:s1] =	stream.indirect.scatter.add.f32 [tilespmem:s25], [sflag:$0x7], $0x80, s19, s23, $0xb8;
	[tilespmem:$0x1F880] =	vst v63  }
0xd2: {  	_ =	swait.ge [sflag:s0], $0x2800  }
0xd3: {  	[sflag:s0] =	ssyncset.done $0x0  }
0xd4: {  	s20 =	sor.u32 $0x480, s14;
	[sflag:s0] =	ssyncadd.s32 $0xFFFFD800  }
0xd5: {  	[tilespmem:s25], [sflag:$0x3] =	stream.indirect.gather [hbm4b:s6+s23], $0x80, s20, s23, $0xb8;
	[tilespmem:$0x1F880] =	vst v63  }
0xd6: {  	_ =	swait.ge [sflag:s21], $0x2800  }
0xd7: {  	[sflag:s21] =	ssyncset.done $0x0  }
0xd8: {  	s18 =	sor.u32 $0x1300, s14;
	[sflag:s21] =	ssyncadd.s32 $0xFFFFD800  }
0xd9: {  	[spmem:s1] =	stream.indirect.scatter.add.f32 [tilespmem:s26], [sflag:$0x8], $0x80, s18, s23, $0xb8;
	[tilespmem:$0x1F880] =	vst v63  }
0xda: {  	_ =	swait.ge [sflag:s3], $0x2800  }
0xdb: {  	[sflag:s3] =	ssyncset.done $0x0  }
0xdc: {  	s19 =	sor.u32 $0x500, s14;
	[sflag:s3] =	ssyncadd.s32 $0xFFFFD800  }
0xdd: {  	[tilespmem:s26], [sflag:$0x4] =	stream.indirect.gather [hbm4b:s6+s23], $0x80, s19, s23, $0xb8;
	[tilespmem:$0x1F880] =	vst v63  }
0xde: {  	_ =	swait.ge [sflag:s8], $0x2800  }
0xdf: {  	[sflag:s8] =	ssyncset.done $0x0  }
0xe0: {  	s20 =	sor.u32 $0x1380, s14;
	[sflag:s8] =	ssyncadd.s32 $0xFFFFD800  }
0xe1: {  	[spmem:s1] =	stream.indirect.scatter.add.f32 [tilespmem:s28], [sflag:$0x9], $0x80, s20, s23, $0xb8;
	[tilespmem:$0x1F880] =	vst v63  }
0xe2: {  	_ =	swait.ge [sflag:s9], $0x2800  }
0xe3: {  	[sflag:s9] =	ssyncset.done $0x0  }
0xe4: {  	s18 =	sor.u32 $0x580, s14;
	[sflag:s9] =	ssyncadd.s32 $0xFFFFD800  }
0xe5: {  	[tilespmem:s28], [sflag:$0x5] =	stream.indirect.gather [hbm4b:s6+s23], $0x80, s18, s23, $0xb8;
	[tilespmem:$0x1F880] =	vst v63  }
0xe6: {  	_ =	swait.ge [sflag:s29], $0x2800  }
0xe7: {  	[sflag:s29] =	ssyncset.done $0x0  }
0xe8: {  	s19 =	sor.u32 $0x1400, s14;
	[sflag:s29] =	ssyncadd.s32 $0xFFFFD800  }
0xe9: {  	[spmem:s1] =	stream.indirect.scatter.add.f32 [tilespmem:s24], [sflag:$0x6], $0x80, s19, s23, $0xb8;
	[tilespmem:$0x1F880] =	vst v63  }
0xea: {  	_ =	swait.ge [sflag:s30], $0x2800  }
0xeb: {  	[sflag:s30] =	ssyncset.done $0x0  }
0xec: {  	s20 =	sor.u32 $0x600, s14;
	[sflag:s30] =	ssyncadd.s32 $0xFFFFD800  }
0xed: {  	[tilespmem:s24], [sflag:$0x2] =	stream.indirect.gather [hbm4b:s6+s23], $0x80, s20, s23, $0xb8;
	[tilespmem:$0x1F880] =	vst v63  }
0xee: {  	_ =	swait.ge [sflag:s31], $0x2800  }
0xef: {  	[sflag:s31] =	ssyncset.done $0x0  }
0xf0: {  	s18 =	sor.u32 $0x1480, s14;
	[sflag:s31] =	ssyncadd.s32 $0xFFFFD800  }
0xf1: {  	[spmem:s1] =	stream.indirect.scatter.add.f32 [tilespmem:s25], [sflag:$0x7], $0x80, s18, s23, $0xb8;
	[tilespmem:$0x1F880] =	vst v63  }
0xf2: {  	_ =	swait.ge [sflag:s0], $0x2800  }
0xf3: {  	[sflag:s0] =	ssyncset.done $0x0  }
0xf4: {  	s19 =	sor.u32 $0x680, s14;
	[sflag:s0] =	ssyncadd.s32 $0xFFFFD800  }
0xf5: {  	[tilespmem:s25], [sflag:$0x3] =	stream.indirect.gather [hbm4b:s6+s23], $0x80, s19, s23, $0xb8;
	[tilespmem:$0x1F880] =	vst v63  }
0xf6: {  	_ =	swait.ge [sflag:s21], $0x2800  }
0xf7: {  	[sflag:s21] =	ssyncset.done $0x0  }
0xf8: {  	s20 =	sor.u32 $0x1500, s14;
	[sflag:s21] =	ssyncadd.s32 $0xFFFFD800  }
0xf9: {  	[spmem:s1] =	stream.indirect.scatter.add.f32 [tilespmem:s26], [sflag:$0x8], $0x80, s20, s23, $0xb8;
	[tilespmem:$0x1F880] =	vst v63  }
0xfa: {  	_ =	swait.ge [sflag:s3], $0x2800  }
0xfb: {  	[sflag:s3] =	ssyncset.done $0x0  }
0xfc: {  	s18 =	sor.u32 $0x700, s14;
	[sflag:s3] =	ssyncadd.s32 $0xFFFFD800  }
0xfd: {  	[tilespmem:s26], [sflag:$0x4] =	stream.indirect.gather [hbm4b:s6+s23], $0x80, s18, s23, $0xb8;
	[tilespmem:$0x1F880] =	vst v63  }
0xfe: {  	_ =	swait.ge [sflag:s8], $0x2800  }
0xff: {  	[sflag:s8] =	ssyncset.done $0x0  }
0x100: {  	s19 =	sor.u32 $0x1580, s14;
	[sflag:s8] =	ssyncadd.s32 $0xFFFFD800  }
0x101: {  	[spmem:s1] =	stream.indirect.scatter.add.f32 [tilespmem:s28], [sflag:$0x9], $0x80, s19, s23, $0xb8;
	[tilespmem:$0x1F880] =	vst v63  }
0x102: {  	_ =	swait.ge [sflag:s9], $0x2800  }
0x103: {  	[sflag:s9] =	ssyncset.done $0x0  }
0x104: {  	s20 =	sor.u32 $0x780, s14;
	[sflag:s9] =	ssyncadd.s32 $0xFFFFD800  }
0x105: {  	[tilespmem:s28], [sflag:$0x5] =	stream.indirect.gather [hbm4b:s6+s23], $0x80, s20, s23, $0xb8;
	[tilespmem:$0x1F880] =	vst v63  }
0x106: {  	_ =	swait.ge [sflag:s29], $0x2800  }
0x107: {  	[sflag:s29] =	ssyncset.done $0x0  }
0x108: {  	s18 =	sor.u32 $0x1600, s14;
	[sflag:s29] =	ssyncadd.s32 $0xFFFFD800  }
0x109: {  	[spmem:s1] =	stream.indirect.scatter.add.f32 [tilespmem:s24], [sflag:$0x6], $0x80, s18, s23, $0xb8;
	[tilespmem:$0x1F880] =	vst v63  }
0x10a: {  	_ =	swait.ge [sflag:s31], $0x2800  }
0x10b: {  	[sflag:s31] =	ssyncset.done $0x0  }
0x10c: {  	s19 =	sor.u32 $0x1680, s14;
	[sflag:s31] =	ssyncadd.s32 $0xFFFFD800  }
0x10d: {  	[spmem:s1] =	stream.indirect.scatter.add.f32 [tilespmem:s25], [sflag:$0x7], $0x80, s19, s23, $0xb8;
	[tilespmem:$0x1F880] =	vst v63  }
0x10e: {  	_ =	swait.ge [sflag:s21], $0x2800  }
0x10f: {  	[sflag:s21] =	ssyncset.done $0x0  }
0x110: {  	s20 =	sor.u32 $0x1700, s14;
	[sflag:s21] =	ssyncadd.s32 $0xFFFFD800  }
0x111: {  	[spmem:s1] =	stream.indirect.scatter.add.f32 [tilespmem:s26], [sflag:$0x8], $0x80, s20, s23, $0xb8;
	[tilespmem:$0x1F880] =	vst v63  }
0x112: {  	_ =	swait.ge [sflag:s8], $0x2800  }
0x113: {  	[sflag:s8] =	ssyncset.done $0x0  }
0x114: {  	s14 =	sor.u32 $0x1780, s14;
	[sflag:s8] =	ssyncadd.s32 $0xFFFFD800  }
0x115: {  	[spmem:s1] =	stream.indirect.scatter.add.f32 [tilespmem:s28], [sflag:$0x9], $0x80, s14, s23, $0xb8;
	[tilespmem:$0x1F880] =	vst v63  }
0x116: {  	_ =	swait.ge [sflag:s30], $0x2800  }
0x117: {  	[sflag:s30] =	ssyncset.done $0x0  }
0x118: {  	[sflag:s30] =	ssyncadd.s32 $0xFFFFD800  }
0x119: {  	_ =	swait.ge [sflag:s0], $0x2800  }
0x11a: {  	[sflag:s0] =	ssyncset.done $0x0  }
0x11b: {  	s13 =	sadd.s32 $0x1, s13;
	[sflag:s0] =	ssyncadd.s32 $0xFFFFD800  }
0x11c: {  	p6 =	sne.s32 s13, $0x7;
	_ =	swait.ge [sflag:s3], $0x2800  }
.Ltmp1:
0x11d: {  	[sflag:s3] =	ssyncset.done $0x0;
	(pc) =	sbr.rel @p6 .LBB2_2-.Ltmp1, $4  }
0x11e: {  	[sflag:s3] =	ssyncadd.s32 $0xFFFFD800  }
0x11f: {  	_ =	swait.ge [sflag:s9], $0x2800  }
0x120: {  	[sflag:s9] =	ssyncset.done $0x0  }
0x121: {  	p5 =	por !p5, !p5;
	[sflag:s9] =	ssyncadd.s32 $0xFFFFD800  }
0x122: {  	_ =	swait.ge [sflag:s22], $0x680  }
0x123: {  	[sflag:s22] =	ssyncset.done $0x0  }
0x124: {  	[sflag:s22] =	ssyncadd.s32 $0xFFFFF980  }
0x125: {  	_ =	swait.ge [sflag:s22], $0x680  }
0x126: {  	[sflag:s22] =	ssyncset.done $0x0  }
0x127: {  	s13 =	simm.s32 $0x0;
	[sflag:s22] =	ssyncadd.s32 $0xFFFFF980  }
0x128: {  	v1 =	vld [tilespmem:s13+$0x840]  }
0x129: {  	v2 =	vld [tilespmem:s13+$0x830];
	_ =	sdelay $0x2  }
0x12a: {  	v4 =	vld [tilespmem:s13+$0x810]  }
0x12b: {  	v0 =	vld [tilespmem:s13+$0x800]  }
0x12c: {  	v5 =	vshrl.u32 v1, $0xE;
	v7 =	vand.u32 $0x3FFF, v1;
	v1 =	vshrl.u32 v2, $0xE  }
0x12d: {  	v8 =	vmul.u32 $0x2710, v5;
	v5 =	vmul.u32 $0x2710, v1;
	v1 =	vld [tilespmem:s13+$0x820];
	_ =	sdelay $0x1  }
0x12e: {  	v3 =	vand.u32 $0x3FFF, v2;
	v9 =	vshrl.u32 v4, $0xE;
	v2 =	vand.u32 $0x3FFF, v4  }
0x12f: {  	s15 =	simm.s32 $0x200;
	s14 =	simm.s32 $0x400;
	v6 =	vshrl.u32 v0, $0xE;
	v4 =	vmul.u32 $0x2710, v9;
	v7 =	vadd.s32 v7, v8  }
.LBB2_6:
0x130: {  	p5 =	sne.s32 s14, $0x1800  }
0x131: {  	s18 =	sshra.s32 s15, $0x2;
	v6 =	vmul.u32 $0x2710, v6;
	v8 =	vshrl.u32 v1, $0xE;
	v3 =	vadd.s32 v3, v5;
	[tilespmem:s13+$0x840] =	vst v7;
	s15 =	smov.u32 s14;
	s14 =	sadd.s32 $0x200, s14  }
0x132: {  	v0 =	vand.u32 $0x3FFF, v0;
	v5 =	vld [tilespmem:s18+$0x840];
	v2 =	vadd.s32 v2, v4;
	v4 =	vmul.u32 $0x2710, v8;
	[tilespmem:s13+$0x830] =	vst v3  }
0x133: {  	v1 =	vand.u32 $0x3FFF, v1;
	v3 =	vld [tilespmem:s18+$0x830];
	v0 =	vadd.s32 v0, v6;
	[tilespmem:s13+$0x810] =	vst v2  }
0x134: {  	v2 =	vld [tilespmem:s18+$0x810];
	[tilespmem:s13+$0x800] =	vst v0;
	v1 =	vadd.s32 v1, v4  }
0x135: {  	v0 =	vld [tilespmem:s18+$0x800];
	[tilespmem:s13+$0x820] =	vst v1;
	s13 =	smov.u32 s18  }
.Ltmp2:
0x136: {  	v1 =	vld [tilespmem:s13+$0x820];
	(pc) =	sbr.rel @p5 .LBB2_6-.Ltmp2, $4  }
0x137: {  	v4 =	vshrl.u32 v5, $0xE;
	v7 =	vand.u32 $0x3FFF, v5  }
0x138: {  	v5 =	vshrl.u32 v3, $0xE;
	v3 =	vand.u32 $0x3FFF, v3;
	v8 =	vmul.u32 $0x2710, v4  }
0x139: {  	v4 =	vshrl.u32 v2, $0xE;
	v2 =	vand.u32 $0x3FFF, v2;
	v5 =	vmul.u32 $0x2710, v5  }
0x13a: {  	v6 =	vshrl.u32 v0, $0xE;
	v4 =	vmul.u32 $0x2710, v4;
	v7 =	vadd.s32 v7, v8  }
0x13b: {  	s14 =	sshra.s32 s15, $0x2;
	[tilespmem:s13+$0x840] =	vst v7;
	v3 =	vadd.s32 v3, v5;
	v49 =	vmul.u32 $0x2710, v6;
	v51 =	vshrl.u32 v1, $0xE  }
0x13c: {  	v0 =	vand.u32 $0x3FFF, v0;
	v48 =	vld [tilespmem:s14+$0x840];
	[tilespmem:s13+$0x830] =	vst v3;
	v2 =	vadd.s32 v2, v4;
	v52 =	vmul.u32 $0x2710, v51  }
0x13d: {  	v54 =	vand.u32 $0x3FFF, v1;
	v50 =	vld [tilespmem:s14+$0x830];
	[tilespmem:s13+$0x810] =	vst v2;
	v0 =	vadd.s32 v0, v49  }
0x13e: {  	v53 =	vld [tilespmem:s14+$0x810];
	[tilespmem:s13+$0x800] =	vst v0;
	v55 =	vadd.s32 v54, v52  }
0x13f: {  	v56 =	vld [tilespmem:s14+$0x800];
	[tilespmem:s13+$0x820] =	vst v55  }
0x140: {  	v0 =	vld [tilespmem:s14+$0x820]  }
0x141: {  	v57 =	vshrl.u32 v48, $0xE;
	v5 =	vand.u32 $0x3FFF, v48  }
0x142: {  	v58 =	vshrl.u32 v50, $0xE;
	v4 =	vand.u32 $0x3FFF, v50;
	v2 =	vmul.u32 $0x2710, v57  }
0x143: {  	v59 =	vshrl.u32 v53, $0xE;
	v3 =	vand.u32 $0x3FFF, v53;
	v6 =	vmul.u32 $0x2710, v58  }
0x144: {  	v8 =	vshrl.u32 v56, $0xE;
	v7 =	vmul.u32 $0x2710, v59;
	v2 =	vadd.s32 v5, v2  }
0x145: {  	v60 =	vmul.u32 $0x2710, v8;
	v61 =	vshrl.u32 v0, $0xE;
	v4 =	vadd.s32 v4, v6;
	[tilespmem:s14+$0x840] =	vst v2  }
0x146: {  	v1 =	vand.u32 $0x3FFF, v56;
	v62 =	vadd.s32 v3, v7;
	v63 =	vmul.u32 $0x2710, v61;
	[tilespmem:s14+$0x830] =	vst v4  }
0x147: {  	v0 =	vand.u32 $0x3FFF, v0;
	v1 =	vadd.s32 v1, v60;
	[tilespmem:s14+$0x810] =	vst v62  }
0x148: {  	[tilespmem:s14+$0x800] =	vst v1;
	v0 =	vadd.s32 v0, v63  }
0x149: {  	s19 =	simm.s32 $0x800;
	[tilespmem:s14+$0x820] =	vst v0  }
0x14a: {  	[tilespmem:s24], [sflag:$0x2] =	stream.indirect.gather [hbm4b:s6+s23], $0x80, s19, s23, $0xb8;
	[tilespmem:$0x1F880] =	vst v63  }
0x14b: {  	s20 =	simm.s32 $0x880  }
0x14c: {  	[tilespmem:s25], [sflag:$0x3] =	stream.indirect.gather [hbm4b:s6+s23], $0x80, s20, s23, $0xb8;
	[tilespmem:$0x1F880] =	vst v63  }
0x14d: {  	s14 =	simm.s32 $0x900  }
0x14e: {  	[tilespmem:s26], [sflag:$0x4] =	stream.indirect.gather [hbm4b:s6+s23], $0x80, s14, s23, $0xb8;
	[tilespmem:$0x1F880] =	vst v63  }
0x14f: {  	s15 =	simm.s32 $0x980  }
0x150: {  	[tilespmem:s28], [sflag:$0x5] =	stream.indirect.gather [hbm4b:s6+s23], $0x80, s15, s23, $0xb8;
	[tilespmem:$0x1F880] =	vst v63  }
0x151: {  	_ =	swait.ge [sflag:s29], $0x2800  }
0x152: {  	[sflag:s29] =	ssyncset.done $0x0  }
0x153: {  	s18 =	simm.s32 $0x1800;
	[sflag:s29] =	ssyncadd.s32 $0xFFFFD800  }
0x154: {  	[spmem:s1] =	stream.indirect.scatter.add.f32 [tilespmem:s24], [sflag:$0x6], $0x80, s18, s23, $0xb8;
	[tilespmem:$0x1F880] =	vst v63  }
0x155: {  	_ =	swait.ge [sflag:s30], $0x2800  }
0x156: {  	[sflag:s30] =	ssyncset.done $0x0  }
0x157: {  	s19 =	simm.s32 $0xA00;
	[sflag:s30] =	ssyncadd.s32 $0xFFFFD800  }
0x158: {  	[tilespmem:s24], [sflag:$0x2] =	stream.indirect.gather [hbm4b:s6+s23], $0x80, s19, s23, $0xb8;
	[tilespmem:$0x1F880] =	vst v63  }
0x159: {  	_ =	swait.ge [sflag:s31], $0x2800  }
0x15a: {  	[sflag:s31] =	ssyncset.done $0x0  }
0x15b: {  	s20 =	simm.s32 $0x1880;
	[sflag:s31] =	ssyncadd.s32 $0xFFFFD800  }
0x15c: {  	[spmem:s1] =	stream.indirect.scatter.add.f32 [tilespmem:s25], [sflag:$0x7], $0x80, s20, s23, $0xb8;
	[tilespmem:$0x1F880] =	vst v63  }
0x15d: {  	_ =	swait.ge [sflag:s0], $0x2800  }
0x15e: {  	[sflag:s0] =	ssyncset.done $0x0  }
0x15f: {  	s14 =	simm.s32 $0xA80;
	[sflag:s0] =	ssyncadd.s32 $0xFFFFD800  }
0x160: {  	[tilespmem:s25], [sflag:$0x3] =	stream.indirect.gather [hbm4b:s6+s23], $0x80, s14, s23, $0xb8;
	[tilespmem:$0x1F880] =	vst v63  }
0x161: {  	_ =	swait.ge [sflag:s21], $0x2800  }
0x162: {  	[sflag:s21] =	ssyncset.done $0x0  }
0x163: {  	s15 =	simm.s32 $0x1900;
	[sflag:s21] =	ssyncadd.s32 $0xFFFFD800  }
0x164: {  	[spmem:s1] =	stream.indirect.scatter.add.f32 [tilespmem:s26], [sflag:$0x8], $0x80, s15, s23, $0xb8;
	[tilespmem:$0x1F880] =	vst v63  }
0x165: {  	_ =	swait.ge [sflag:s3], $0x2800  }
0x166: {  	[sflag:s3] =	ssyncset.done $0x0  }
0x167: {  	s18 =	simm.s32 $0xB00;
	[sflag:s3] =	ssyncadd.s32 $0xFFFFD800  }
0x168: {  	[tilespmem:s26], [sflag:$0x4] =	stream.indirect.gather [hbm4b:s6+s23], $0x80, s18, s23, $0xb8;
	[tilespmem:$0x1F880] =	vst v63  }
0x169: {  	_ =	swait.ge [sflag:s8], $0x2800  }
0x16a: {  	[sflag:s8] =	ssyncset.done $0x0  }
0x16b: {  	s19 =	simm.s32 $0x1980;
	[sflag:s8] =	ssyncadd.s32 $0xFFFFD800  }
0x16c: {  	[spmem:s1] =	stream.indirect.scatter.add.f32 [tilespmem:s28], [sflag:$0x9], $0x80, s19, s23, $0xb8;
	[tilespmem:$0x1F880] =	vst v63  }
0x16d: {  	_ =	swait.ge [sflag:s9], $0x2800  }
0x16e: {  	[sflag:s9] =	ssyncset.done $0x0  }
0x16f: {  	s20 =	simm.s32 $0xB80;
	[sflag:s9] =	ssyncadd.s32 $0xFFFFD800  }
0x170: {  	[tilespmem:s28], [sflag:$0x5] =	stream.indirect.gather [hbm4b:s6+s23], $0x80, s20, s23, $0xb8;
	[tilespmem:$0x1F880] =	vst v63  }
0x171: {  	_ =	swait.ge [sflag:s29], $0x2800  }
0x172: {  	[sflag:s29] =	ssyncset.done $0x0  }
0x173: {  	s14 =	simm.s32 $0x1A00;
	[sflag:s29] =	ssyncadd.s32 $0xFFFFD800  }
0x174: {  	[spmem:s1] =	stream.indirect.scatter.add.f32 [tilespmem:s24], [sflag:$0x6], $0x80, s14, s23, $0xb8;
	[tilespmem:$0x1F880] =	vst v63  }
0x175: {  	_ =	swait.ge [sflag:s30], $0x2800  }
0x176: {  	[sflag:s30] =	ssyncset.done $0x0  }
0x177: {  	s15 =	simm.s32 $0xC00;
	[sflag:s30] =	ssyncadd.s32 $0xFFFFD800  }
0x178: {  	[tilespmem:s24], [sflag:$0x2] =	stream.indirect.gather [hbm4b:s6+s23], $0x80, s15, s23, $0xb8;
	[tilespmem:$0x1F880] =	vst v63  }
0x179: {  	_ =	swait.ge [sflag:s31], $0x2800  }
0x17a: {  	[sflag:s31] =	ssyncset.done $0x0  }
0x17b: {  	s18 =	simm.s32 $0x1A80;
	[sflag:s31] =	ssyncadd.s32 $0xFFFFD800  }
0x17c: {  	[spmem:s1] =	stream.indirect.scatter.add.f32 [tilespmem:s25], [sflag:$0x7], $0x80, s18, s23, $0xb8;
	[tilespmem:$0x1F880] =	vst v63  }
0x17d: {  	_ =	swait.ge [sflag:s0], $0x2800  }
0x17e: {  	[sflag:s0] =	ssyncset.done $0x0  }
0x17f: {  	s19 =	simm.s32 $0xC80;
	[sflag:s0] =	ssyncadd.s32 $0xFFFFD800  }
0x180: {  	[tilespmem:s25], [sflag:$0x3] =	stream.indirect.gather [hbm4b:s6+s23], $0x80, s19, s23, $0xb8;
	[tilespmem:$0x1F880] =	vst v63  }
0x181: {  	_ =	swait.ge [sflag:s21], $0x2800  }
0x182: {  	[sflag:s21] =	ssyncset.done $0x0  }
0x183: {  	s20 =	simm.s32 $0x1B00;
	[sflag:s21] =	ssyncadd.s32 $0xFFFFD800  }
0x184: {  	[spmem:s1] =	stream.indirect.scatter.add.f32 [tilespmem:s26], [sflag:$0x8], $0x80, s20, s23, $0xb8;
	[tilespmem:$0x1F880] =	vst v63  }
0x185: {  	_ =	swait.ge [sflag:s3], $0x2800  }
0x186: {  	[sflag:s3] =	ssyncset.done $0x0  }
0x187: {  	s14 =	simm.s32 $0xD00;
	[sflag:s3] =	ssyncadd.s32 $0xFFFFD800  }
0x188: {  	[tilespmem:s26], [sflag:$0x4] =	stream.indirect.gather [hbm4b:s6+s23], $0x80, s14, s23, $0xb8;
	[tilespmem:$0x1F880] =	vst v63  }
0x189: {  	_ =	swait.ge [sflag:s8], $0x2800  }
0x18a: {  	[sflag:s8] =	ssyncset.done $0x0  }
0x18b: {  	s15 =	simm.s32 $0x1B80;
	[sflag:s8] =	ssyncadd.s32 $0xFFFFD800  }
0x18c: {  	[spmem:s1] =	stream.indirect.scatter.add.f32 [tilespmem:s28], [sflag:$0x9], $0x80, s15, s23, $0xb8;
	[tilespmem:$0x1F880] =	vst v63  }
0x18d: {  	_ =	swait.ge [sflag:s9], $0x2800  }
0x18e: {  	[sflag:s9] =	ssyncset.done $0x0  }
0x18f: {  	s18 =	simm.s32 $0xD80;
	[sflag:s9] =	ssyncadd.s32 $0xFFFFD800  }
0x190: {  	[tilespmem:s28], [sflag:$0x5] =	stream.indirect.gather [hbm4b:s6+s23], $0x80, s18, s23, $0xb8;
	[tilespmem:$0x1F880] =	vst v63  }
0x191: {  	_ =	swait.ge [sflag:s29], $0x2800  }
0x192: {  	[sflag:s29] =	ssyncset.done $0x0  }
0x193: {  	s19 =	simm.s32 $0x1C00;
	[sflag:s29] =	ssyncadd.s32 $0xFFFFD800  }
0x194: {  	[spmem:s1] =	stream.indirect.scatter.add.f32 [tilespmem:s24], [sflag:$0x6], $0x80, s19, s23, $0xb8;
	[tilespmem:$0x1F880] =	vst v63  }
0x195: {  	_ =	swait.ge [sflag:s30], $0x2800  }
0x196: {  	[sflag:s30] =	ssyncset.done $0x0  }
0x197: {  	s20 =	simm.s32 $0xE00;
	[sflag:s30] =	ssyncadd.s32 $0xFFFFD800  }
0x198: {  	[tilespmem:s24], [sflag:$0x2] =	stream.indirect.gather [hbm4b:s6+s23], $0x80, s20, s23, $0xb8;
	[tilespmem:$0x1F880] =	vst v63  }
0x199: {  	_ =	swait.ge [sflag:s31], $0x2800  }
0x19a: {  	[sflag:s31] =	ssyncset.done $0x0  }
0x19b: {  	s14 =	simm.s32 $0x1C80;
	[sflag:s31] =	ssyncadd.s32 $0xFFFFD800  }
0x19c: {  	[spmem:s1] =	stream.indirect.scatter.add.f32 [tilespmem:s25], [sflag:$0x7], $0x80, s14, s23, $0xb8;
	[tilespmem:$0x1F880] =	vst v63  }
0x19d: {  	_ =	swait.ge [sflag:s21], $0x2800  }
0x19e: {  	[sflag:s21] =	ssyncset.done $0x0  }
0x19f: {  	s15 =	simm.s32 $0x1D00;
	[sflag:s21] =	ssyncadd.s32 $0xFFFFD800  }
0x1a0: {  	[spmem:s1] =	stream.indirect.scatter.add.f32 [tilespmem:s26], [sflag:$0x8], $0x80, s15, s23, $0xb8;
	[tilespmem:$0x1F880] =	vst v63  }
0x1a1: {  	_ =	swait.ge [sflag:s8], $0x2800  }
0x1a2: {  	[sflag:s8] =	ssyncset.done $0x0  }
0x1a3: {  	s18 =	simm.s32 $0x1D80;
	[sflag:s8] =	ssyncadd.s32 $0xFFFFD800  }
0x1a4: {  	[spmem:s1] =	stream.indirect.scatter.add.f32 [tilespmem:s28], [sflag:$0x9], $0x80, s18, s23, $0xb8;
	[tilespmem:$0x1F880] =	vst v63  }
0x1a5: {  	_ =	swait.ge [sflag:s29], $0x2800  }
0x1a6: {  	[sflag:s29] =	ssyncset.done $0x0  }
0x1a7: {  	s19 =	simm.s32 $0x1E00;
	[sflag:s29] =	ssyncadd.s32 $0xFFFFD800  }
0x1a8: {  	[spmem:s1] =	stream.indirect.scatter.add.f32 [tilespmem:s24], [sflag:$0x6], $0x80, s19, s23, $0xb8;
	[tilespmem:$0x1F880] =	vst v63  }
0x1a9: {  	_ =	swait.ge [sflag:s0], $0x2800  }
0x1aa: {  	[sflag:s0] =	ssyncset.done $0x0  }
0x1ab: {  	[sflag:s0] =	ssyncadd.s32 $0xFFFFD800  }
0x1ac: {  	_ =	swait.ge [sflag:s3], $0x2800  }
0x1ad: {  	[sflag:s3] =	ssyncset.done $0x0  }
0x1ae: {  	[sflag:s3] =	ssyncadd.s32 $0xFFFFD800  }
0x1af: {  	_ =	swait.ge [sflag:s9], $0x2800  }
0x1b0: {  	[sflag:s9] =	ssyncset.done $0x0  }
0x1b1: {  	[sflag:s9] =	ssyncadd.s32 $0xFFFFD800  }
0x1b2: {  	_ =	swait.ge [sflag:s30], $0x2800  }
0x1b3: {  	[sflag:s30] =	ssyncset.done $0x0  }
0x1b4: {  	[sflag:s30] =	ssyncadd.s32 $0xFFFFD800  }
0x1b5: {  	[bflag:$0x0] =	sbarrier.arrive $0xFFFF  }
0x1b6: {  	s13 =	sshrl.u32 @p4 s12, $0x3;
	s14 =	simm.s32 @p4 $0x1FCA;
	s15 =	rddreg [dreg:$0xb]  }
0x1b7: {  	[hbm:s15], [sflag:s14] =	dma.local @p4 [spmem:s13], $0x1900  }
0x1b8: {  	s13 =	simm.s32 @p4 $0xA  }
0x1b9: {  	_ =	swait.ge @p4 [sflag:s13], $0x1900  }
0x1ba: {  	s14 =	sshll.u32 @!p4 s2, $0x6;
	[sflag:s13] =	ssyncset.done @p4 $0x0;
	s15 =	rddreg [dreg:$0xa]  }
0x1bb: {  	[sflag:s13] =	ssyncadd.s32 @p4 $0xFFFFE700;
	s13 =	sor.u32 @!p4 $0x1C0A, s14;
	s14 =	sshrl.u32 @!p4 s10, $0x3  }
0x1bc: {  	[hbm:s15], [sflag:s13] =	dma.local @!p4 [spmem:s14], $0x2800  }
0x1bd: {  	s13 =	simm.s32 @!p4 $0xA  }
0x1be: {  	_ =	swait.ge @!p4 [sflag:s13], $0x2800  }
0x1bf: {  	s11 =	sadd.s32 $0x1, s11;
	s20 =	rddreg [dreg:$0xc]  }
0x1c0: {  	p5 =	sne.s32 s11, s20  }
.Ltmp3:
0x1c1: {  	_ = 	snop;
	(pc) =	sbr.rel @p5 .LBB2_1-.Ltmp3, $3  }
0x1c2: {  	_ =	sdelay $0x1  }
0x1c3: {  	[sflag:s13] =	ssyncset.done @!p4 $0x0  }
0x1c4: {  	[sflag:s13] =	ssyncadd.s32 @!p4 $0xFFFFD800  }
0x1c5: {  	_ =	sfence.sel $0x180000  }
0x1c6: {  	[bflag:$0x0] =	sbarrier.arrive $0xFFFF  }
0x1c7: {  	_ =	strace $0x90000047  }
0x1c8: {  	[bflag:$0x2] =	sbarrier.arrive $0xFFFF  }
0x1c9: {  	p0 =	sne.s32 s2, $0x0;
	s0 =	rddreg [dreg:$0x3]  }
0x1ca: {  	s0 =	sadd.s32 @!p0 $0x100000, s0  }
0x1cb: {  	[sflag:s0] =	ssyncadd.tile.s32 @!p0 $0x1;
	_ =	shalt  }
.Lfunc_end2:
_tile_overlayer_lowered:
.L_overlay_start_2:
0x1cc: {  	(tag) =	ssettag $0x2  }
0x1cd: {  	s0 =	rddreg [dreg:$0x0];
	s2 =	stileid.u32  }
0x1ce: {  	s1 =	rddreg [dreg:$0x1];
	p0 =	sne.s32 s2, $0x0  }
0x1cf: {  	s3 =	rddreg [dreg:$0x2];
	[bflag:$0x3] =	sbarrier.arrive $0xFFFF;
	s2 =	simm.s32 @!p0 $0x1C0A  }
0x1d0: {  	[timem:s3], [sflag:s2] =	dma.local @!p0 [hbm:s0], s1  }
0x1d1: {  	s0 =	simm.s32 @!p0 $0xA  }
0x1d2: {  	_ =	swait.ge @!p0 [sflag:s0], s1  }
0x1d3: {  	s1 =	ssub.s32 @!p0 $0x0, s1;
	[sflag:s0] =	ssyncset.done @!p0 $0x0  }
0x1d4: {  	[sflag:s0] =	ssyncadd.s32 @!p0 s1  }
0x1d5: {  	[bflag:$0x3] =	sbarrier.arrive $0xFFFF  }
0x1d6: {  	_ =	shalt  }

</sc_bundles>
